<compile_context>
chip_gen: v7x
topology: tpu7x:2x2x1
jax: 0.10.2.dev20260603
libtpu: 0.0.44.dev20260713+nightly
codegen_flags: <defaults>
</compile_context>

<pallas_src>
import jax
import jax.numpy as jnp
from jax import lax
from jax.experimental import pallas as pl
from jax.experimental.pallas import tpu as pltpu
from jax.experimental.pallas import tpu_sc as plsc

VOCAB = 100000
NUM_FRAME = 16384
TVS_DIM = 64
LANES = 16

NC, NS = 2, 16
NW = NC * NS
FPW = TVS_DIM // NW
CH = 4096
NCHUNK = NUM_FRAME // CH
CHN = 2048


def _sc_body(z_hbm, means_t, stds_t, noise_hbm, out_hbm,
             row_v, colm_v, zc_v, nzc_v, sem, sem_n):
    wid = lax.axis_index("s") * NC + lax.axis_index("c")

    pending = []
    for k in range(FPW):
        f = wid * FPW + k

        pltpu.sync_copy(means_t.at[f], row_v)
        for h in pending:
            h.wait()
        pending = []

        for ch in range(NCHUNK):
            if ch % 2 == 0:
                pltpu.sync_copy(z_hbm.at[pl.ds(ch * CH, 2 * CH)], zc_v)

            @plsc.parallel_loop(0, CH // LANES, unroll=8)
            def ga(g, ch=ch):
                z16 = zc_v[pl.ds((ch % 2) * CH + g * LANES, LANES)]
                colm_v[pl.ds(ch * CH + g * LANES, LANES)] = (
                    plsc.load_gather(row_v, [z16]))

        pltpu.sync_copy(stds_t.at[f], row_v)

        hn = pltpu.async_copy(
            noise_hbm.at[pl.ds(0, CHN)], nzc_v.at[0], sem_n)
        for sub in range(NUM_FRAME // CHN):
            hn.wait()
            if sub + 1 < NUM_FRAME // CHN:
                hn = pltpu.async_copy(
                    noise_hbm.at[pl.ds((sub + 1) * CHN, CHN)],
                    nzc_v.at[(sub + 1) % 2], sem_n)
            ch = (sub * CHN) // CH
            if sub * CHN % (2 * CH) == 0:
                pltpu.sync_copy(z_hbm.at[pl.ds(ch * CH, 2 * CH)], zc_v)

            @plsc.parallel_loop(0, CHN // LANES, unroll=8)
            def gb(g, sub=sub):
                pos = pl.ds(sub * CHN + g * LANES, LANES)
                zoff = (sub * CHN) % (2 * CH)
                z16 = zc_v[pl.ds(zoff + g * LANES, LANES)]
                s16 = plsc.load_gather(row_v, [z16])
                m16 = colm_v[pos]
                n16 = nzc_v[sub % 2, pl.ds(g * LANES, LANES)]
                colm_v[pos] = jnp.clip(m16 + n16 * s16, -1.0, 1.0)
        pending.append(pltpu.async_copy(colm_v, out_hbm.at[f], sem))

    for h in pending:
        h.wait()


@jax.jit
def kernel(z, target_means, target_stds, noise):
    z1 = z.astype(jnp.int32)
    noise1 = noise.reshape(NUM_FRAME)
    means_t = target_means.T
    stds_t = target_stds.T

    mesh = plsc.VectorSubcoreMesh(
        core_axis_name="c", subcore_axis_name="s",
        num_cores=NC, num_subcores=NS)
    run = pl.kernel(
        _sc_body,
        mesh=mesh,
        out_type=jax.ShapeDtypeStruct((TVS_DIM, NUM_FRAME), jnp.float32),
        scratch_types=[
            pltpu.VMEM((VOCAB,), jnp.float32),
            pltpu.VMEM((NUM_FRAME,), jnp.float32),
            pltpu.VMEM((2 * CH,), jnp.int32),
            pltpu.VMEM((2, CHN), jnp.float32),
            pltpu.SemaphoreType.DMA,
            pltpu.SemaphoreType.DMA,
        ],
        compiler_params=pltpu.CompilerParams(needs_layout_passes=False),
    )
    return run(z1, means_t, stds_t, noise1).T

# --- scband reference (transcript-rebuilt; emitter-appended) ---
"""Pipeline reference for scband-grad-compute-model-85057532330135 (READ-ONLY COPY).

The authoritative reference and input builder live on the scoring server;
editing this copy changes nothing except your own understanding.
"""

import jax, jax.numpy as jnp
import numpy as np

VOCAB = 100000
TVS_DIM = 64
NUM_FRAME = 16384

def setup_inputs(seed: int = 0) -> dict:
    key = jax.random.key(seed)
    k1, k2, k3, k4 = jax.random.split(key, 4)
    # z: phoneme/target indices per frame. minval=1 so every frame is nonzero,
    # which takes the fast path (len(target_idxs) == num_frame) in the original
    # torch forward and skips the undefined TPchip/Tinterp1d interpolation branch.
    z = jax.random.randint(k1, (NUM_FRAME,), 1, VOCAB, dtype=jnp.int64 if jax.config.jax_enable_x64 else jnp.int32)
    target_means = jax.random.normal(k2, (VOCAB, TVS_DIM), dtype=jnp.float32)
    target_stds = jnp.abs(jax.random.normal(k3, (VOCAB, TVS_DIM), dtype=jnp.float32)) * 0.1
    # torch.randn(1) inside the loop -> one scalar noise sample per frame,
    # broadcast over tvs_dim. Materialize as [NUM_FRAME, 1].
    noise = jax.random.normal(k4, (NUM_FRAME, 1), dtype=jnp.float32)
    return {"z": z, "target_means": target_means, "target_stds": target_stds, "noise": noise}

def reference(z, target_means, target_stds, noise):
    # Vectorized form of: res[i] = (target_means[z[i]] + randn()*target_stds[z[i]]).clamp(-1, 1)
    means = jnp.take(target_means, z, axis=0)   # [NUM_FRAME, TVS_DIM] gather
    stds = jnp.take(target_stds, z, axis=0)     # [NUM_FRAME, TVS_DIM] gather
    res = jnp.clip(means + noise * stds, -1.0, 1.0)
    return res

if __name__ == "__main__":
    import jax
    _d = setup_inputs()
    print(jax.jit(kernel)(*tuple(_d.values())))

</pallas_src>

<mosaic_0001>
#map = affine_map<(d0, d1) -> (0)>
#map1 = affine_map<(d0, d1) -> (0, 0)>
module attributes {stable_mosaic.version = 14 : i64} {
  func.func @_sc_body(%arg0: i32, %arg1: i32, %arg2: memref<16384xi32, #tpu.memory_space<hbm>>, %arg3: memref<64x100000xf32, #tpu.memory_space<hbm>>, %arg4: memref<64x100000xf32, #tpu.memory_space<hbm>>, %arg5: memref<16384xf32, #tpu.memory_space<hbm>>, %arg6: memref<64x16384xf32, #tpu.memory_space<hbm>>, %arg7: memref<100000xf32, #tpu.memory_space<vmem>>, %arg8: memref<16384xf32, #tpu.memory_space<vmem>>, %arg9: memref<8192xi32, #tpu.memory_space<vmem>>, %arg10: memref<2x2048xf32, #tpu.memory_space<vmem>>, %arg11: memref<!tpu.dma_semaphore, #tpu.memory_space<semaphore_mem>>, %arg12: memref<!tpu.dma_semaphore, #tpu.memory_space<semaphore_mem>>) attributes {dimension_semantics = [#tpu.dimension_semantics<core_parallel>, #tpu.dimension_semantics<subcore_parallel>], iteration_bounds = array<i64: 2, 16>, scalar_prefetch = 0 : i64, scratch_operands = 6 : i64, tpu.core_type = #tpu.core_type<sc_vector_subcore>, window_params = [{transform_indices = #map}, {transform_indices = #map1}, {transform_indices = #map1}, {transform_indices = #map}, {transform_indices = #map1}]} {
    %mul3A = arith.constant 2 : i32
    %mul3A_0 = arith.muli %arg1, %mul3A : i32
    %add3A = arith.addi %mul3A_0, %arg0 : i32
    %mul3A_1 = arith.constant 2 : i32
    %mul3A_2 = arith.muli %add3A, %mul3A_1 : i32
    %add3A_3 = arith.constant 0 : i32
    %add3A_4 = arith.addi %mul3A_2, %add3A_3 : i32
    "tpu.region"() ({
      %run_scoped3A = tpu.sem_alloc : memref<!tpu.dma_semaphore, #tpu.memory_space<semaphore_mem>>
      %dma_start3A_454 = arith.constant 0 : i32
      %dma_start3A_455 = tpu.memref_slice %arg3[%add3A_4, %dma_start3A_454] : memref<64x100000xf32, #tpu.memory_space<hbm>> -> memref<1x100000xf32, #tpu.memory_space<hbm>>
      %dma_start3A_456 = tpu.memref_squeeze %dma_start3A_455 : memref<1x100000xf32, #tpu.memory_space<hbm>> -> memref<100000xf32, #tpu.memory_space<hbm>>
      %dma_start3A_457 = arith.constant 0 : i32
      %dma_start3A_458 = tpu.memref_slice %arg3[%add3A_4, %dma_start3A_457] : memref<64x100000xf32, #tpu.memory_space<hbm>> -> memref<1x100000xf32, #tpu.memory_space<hbm>>
      %dma_start3A_459 = tpu.memref_squeeze %dma_start3A_458 : memref<1x100000xf32, #tpu.memory_space<hbm>> -> memref<100000xf32, #tpu.memory_space<hbm>>
      tpu.enqueue_dma source(%dma_start3A_459 : memref<100000xf32, #tpu.memory_space<hbm>>) target(%arg7 : memref<100000xf32, #tpu.memory_space<vmem>>) target_semaphore(%run_scoped3A : memref<!tpu.dma_semaphore, #tpu.memory_space<semaphore_mem>>)
      %dma_wait3A_460 = arith.constant 0 : i32
      %dma_wait3A_461 = tpu.memref_slice %arg3[%add3A_4, %dma_wait3A_460] : memref<64x100000xf32, #tpu.memory_space<hbm>> -> memref<1x100000xf32, #tpu.memory_space<hbm>>
      %dma_wait3A_462 = tpu.memref_squeeze %dma_wait3A_461 : memref<1x100000xf32, #tpu.memory_space<hbm>> -> memref<100000xf32, #tpu.memory_space<hbm>>
      %dma_wait3A_463 = arith.constant 0 : i32
      %dma_wait3A_464 = tpu.memref_slice %arg3[%add3A_4, %dma_wait3A_463] : memref<64x100000xf32, #tpu.memory_space<hbm>> -> memref<1x100000xf32, #tpu.memory_space<hbm>>
      %dma_wait3A_465 = tpu.memref_squeeze %dma_wait3A_464 : memref<1x100000xf32, #tpu.memory_space<hbm>> -> memref<100000xf32, #tpu.memory_space<hbm>>
      tpu.wait_dma2 semaphore(%run_scoped3A : memref<!tpu.dma_semaphore, #tpu.memory_space<semaphore_mem>>) src(%dma_wait3A_465 : memref<100000xf32, #tpu.memory_space<hbm>>) dst(%arg7 : memref<100000xf32, #tpu.memory_space<vmem>>)
      tpu.yield
    }) : () -> ()
    "tpu.region"() ({
      %run_scoped3A = tpu.sem_alloc : memref<!tpu.dma_semaphore, #tpu.memory_space<semaphore_mem>>
      %dma_start3A_454 = arith.constant 0 : i32
      %dma_start3A_455 = tpu.memref_slice %arg2[%dma_start3A_454] : memref<16384xi32, #tpu.memory_space<hbm>> -> memref<8192xi32, #tpu.memory_space<hbm>>
      %dma_start3A_456 = arith.constant 0 : i32
      %dma_start3A_457 = tpu.memref_slice %arg2[%dma_start3A_456] : memref<16384xi32, #tpu.memory_space<hbm>> -> memref<8192xi32, #tpu.memory_space<hbm>>
      tpu.enqueue_dma source(%dma_start3A_457 : memref<8192xi32, #tpu.memory_space<hbm>>) target(%arg9 : memref<8192xi32, #tpu.memory_space<vmem>>) target_semaphore(%run_scoped3A : memref<!tpu.dma_semaphore, #tpu.memory_space<semaphore_mem>>)
      %dma_wait3A_458 = arith.constant 0 : i32
      %dma_wait3A_459 = tpu.memref_slice %arg2[%dma_wait3A_458] : memref<16384xi32, #tpu.memory_space<hbm>> -> memref<8192xi32, #tpu.memory_space<hbm>>
      %dma_wait3A_460 = arith.constant 0 : i32
      %dma_wait3A_461 = tpu.memref_slice %arg2[%dma_wait3A_460] : memref<16384xi32, #tpu.memory_space<hbm>> -> memref<8192xi32, #tpu.memory_space<hbm>>
      tpu.wait_dma2 semaphore(%run_scoped3A : memref<!tpu.dma_semaphore, #tpu.memory_space<semaphore_mem>>) src(%dma_wait3A_461 : memref<8192xi32, #tpu.memory_space<hbm>>) dst(%arg9 : memref<8192xi32, #tpu.memory_space<vmem>>)
      tpu.yield
    }) : () -> ()
    %parallel_loop3A = arith.constant 0 : i32
    %parallel_loop3A_5 = arith.constant 256 : i32
    %parallel_loop3A_6 = arith.constant 1 : i32
    scf.for %parallel_loop3A_454 = %parallel_loop3A to %parallel_loop3A_5 step %parallel_loop3A_6  : i32 {
      %parallel_loop3A_455 = arith.constant 16 : i32
      %parallel_loop3A_456 = arith.muli %parallel_loop3A_454, %parallel_loop3A_455 : i32
      %parallel_loop3A_457 = arith.constant 0 : i32
      %parallel_loop3A_458 = arith.addi %parallel_loop3A_457, %parallel_loop3A_456 : i32
      %parallel_loop3A_459 = arith.index_cast %parallel_loop3A_458 : i32 to index
      %parallel_loop3A_460 = tpu.vector_load %arg9[%parallel_loop3A_459] {strides = array<i32>} : memref<8192xi32, #tpu.memory_space<vmem>>, vector<16xi32>,
      %parallel_loop3A_461 = tpu.vector_load_idx %arg7[%parallel_loop3A_460] : memref<100000xf32, #tpu.memory_space<vmem>>[vector<16xi32>], vector<16xf32>,
      %parallel_loop3A_462 = arith.constant 16 : i32
      %parallel_loop3A_463 = arith.muli %parallel_loop3A_454, %parallel_loop3A_462 : i32
      %parallel_loop3A_464 = arith.constant 0 : i32
      %parallel_loop3A_465 = arith.addi %parallel_loop3A_464, %parallel_loop3A_463 : i32
      %parallel_loop3A_466 = arith.index_cast %parallel_loop3A_465 : i32 to index
      %parallel_loop3A_467 = tpu.vector_load %arg8[%parallel_loop3A_466] {strides = array<i32>} : memref<16384xf32, #tpu.memory_space<vmem>>, vector<16xf32>,
      tpu.vector_store %arg8[%parallel_loop3A_466], %parallel_loop3A_461 {strides = array<i32>} : memref<16384xf32, #tpu.memory_space<vmem>>, vector<16xf32>,
    } {sc.loop_unroll_factor = 8 : i64, sc.parallel_access}
    %parallel_loop3A_7 = arith.constant 0 : i32
    %parallel_loop3A_8 = arith.constant 256 : i32
    %parallel_loop3A_9 = arith.constant 1 : i32
    scf.for %parallel_loop3A_454 = %parallel_loop3A_7 to %parallel_loop3A_8 step %parallel_loop3A_9  : i32 {
      %parallel_loop3A_455 = arith.constant 16 : i32
      %parallel_loop3A_456 = arith.muli %parallel_loop3A_454, %parallel_loop3A_455 : i32
      %parallel_loop3A_457 = arith.constant 4096 : i32
      %parallel_loop3A_458 = arith.addi %parallel_loop3A_457, %parallel_loop3A_456 : i32
      %parallel_loop3A_459 = arith.index_cast %parallel_loop3A_458 : i32 to index
      %parallel_loop3A_460 = tpu.vector_load %arg9[%parallel_loop3A_459] {strides = array<i32>} : memref<8192xi32, #tpu.memory_space<vmem>>, vector<16xi32>,
      %parallel_loop3A_461 = tpu.vector_load_idx %arg7[%parallel_loop3A_460] : memref<100000xf32, #tpu.memory_space<vmem>>[vector<16xi32>], vector<16xf32>,
      %parallel_loop3A_462 = arith.constant 16 : i32
      %parallel_loop3A_463 = arith.muli %parallel_loop3A_454, %parallel_loop3A_462 : i32
      %parallel_loop3A_464 = arith.constant 4096 : i32
      %parallel_loop3A_465 = arith.addi %parallel_loop3A_464, %parallel_loop3A_463 : i32
      %parallel_loop3A_466 = arith.index_cast %parallel_loop3A_465 : i32 to index
      %parallel_loop3A_467 = tpu.vector_load %arg8[%parallel_loop3A_466] {strides = array<i32>} : memref<16384xf32, #tpu.memory_space<vmem>>, vector<16xf32>,
      tpu.vector_store %arg8[%parallel_loop3A_466], %parallel_loop3A_461 {strides = array<i32>} : memref<16384xf32, #tpu.memory_space<vmem>>, vector<16xf32>,
    } {sc.loop_unroll_factor = 8 : i64, sc.parallel_access}
    "tpu.region"() ({
      %run_scoped3A = tpu.sem_alloc : memref<!tpu.dma_semaphore, #tpu.memory_space<semaphore_mem>>
      %dma_start3A_454 = arith.constant 8192 : i32
      %dma_start3A_455 = tpu.memref_slice %arg2[%dma_start3A_454] : memref<16384xi32, #tpu.memory_space<hbm>> -> memref<8192xi32, #tpu.memory_space<hbm>>
      %dma_start3A_456 = arith.constant 8192 : i32
      %dma_start3A_457 = tpu.memref_slice %arg2[%dma_start3A_456] : memref<16384xi32, #tpu.memory_space<hbm>> -> memref<8192xi32, #tpu.memory_space<hbm>>
      tpu.enqueue_dma source(%dma_start3A_457 : memref<8192xi32, #tpu.memory_space<hbm>>) target(%arg9 : memref<8192xi32, #tpu.memory_space<vmem>>) target_semaphore(%run_scoped3A : memref<!tpu.dma_semaphore, #tpu.memory_space<semaphore_mem>>)
      %dma_wait3A_458 = arith.constant 8192 : i32
      %dma_wait3A_459 = tpu.memref_slice %arg2[%dma_wait3A_458] : memref<16384xi32, #tpu.memory_space<hbm>> -> memref<8192xi32, #tpu.memory_space<hbm>>
      %dma_wait3A_460 = arith.constant 8192 : i32
      %dma_wait3A_461 = tpu.memref_slice %arg2[%dma_wait3A_460] : memref<16384xi32, #tpu.memory_space<hbm>> -> memref<8192xi32, #tpu.memory_space<hbm>>
      tpu.wait_dma2 semaphore(%run_scoped3A : memref<!tpu.dma_semaphore, #tpu.memory_space<semaphore_mem>>) src(%dma_wait3A_461 : memref<8192xi32, #tpu.memory_space<hbm>>) dst(%arg9 : memref<8192xi32, #tpu.memory_space<vmem>>)
      tpu.yield
    }) : () -> ()
    %parallel_loop3A_10 = arith.constant 0 : i32
    %parallel_loop3A_11 = arith.constant 256 : i32
    %parallel_loop3A_12 = arith.constant 1 : i32
    scf.for %parallel_loop3A_454 = %parallel_loop3A_10 to %parallel_loop3A_11 step %parallel_loop3A_12  : i32 {
      %parallel_loop3A_455 = arith.constant 16 : i32
      %parallel_loop3A_456 = arith.muli %parallel_loop3A_454, %parallel_loop3A_455 : i32
      %parallel_loop3A_457 = arith.constant 0 : i32
      %parallel_loop3A_458 = arith.addi %parallel_loop3A_457, %parallel_loop3A_456 : i32
      %parallel_loop3A_459 = arith.index_cast %parallel_loop3A_458 : i32 to index
      %parallel_loop3A_460 = tpu.vector_load %arg9[%parallel_loop3A_459] {strides = array<i32>} : memref<8192xi32, #tpu.memory_space<vmem>>, vector<16xi32>,
      %parallel_loop3A_461 = tpu.vector_load_idx %arg7[%parallel_loop3A_460] : memref<100000xf32, #tpu.memory_space<vmem>>[vector<16xi32>], vector<16xf32>,
      %parallel_loop3A_462 = arith.constant 16 : i32
      %parallel_loop3A_463 = arith.muli %parallel_loop3A_454, %parallel_loop3A_462 : i32
      %parallel_loop3A_464 = arith.constant 8192 : i32
      %parallel_loop3A_465 = arith.addi %parallel_loop3A_464, %parallel_loop3A_463 : i32
      %parallel_loop3A_466 = arith.index_cast %parallel_loop3A_465 : i32 to index
      %parallel_loop3A_467 = tpu.vector_load %arg8[%parallel_loop3A_466] {strides = array<i32>} : memref<16384xf32, #tpu.memory_space<vmem>>, vector<16xf32>,
      tpu.vector_store %arg8[%parallel_loop3A_466], %parallel_loop3A_461 {strides = array<i32>} : memref<16384xf32, #tpu.memory_space<vmem>>, vector<16xf32>,
    } {sc.loop_unroll_factor = 8 : i64, sc.parallel_access}
    %parallel_loop3A_13 = arith.constant 0 : i32
    %parallel_loop3A_14 = arith.constant 256 : i32
    %parallel_loop3A_15 = arith.constant 1 : i32
    scf.for %parallel_loop3A_454 = %parallel_loop3A_13 to %parallel_loop3A_14 step %parallel_loop3A_15  : i32 {
      %parallel_loop3A_455 = arith.constant 16 : i32
      %parallel_loop3A_456 = arith.muli %parallel_loop3A_454, %parallel_loop3A_455 : i32
      %parallel_loop3A_457 = arith.constant 4096 : i32
      %parallel_loop3A_458 = arith.addi %parallel_loop3A_457, %parallel_loop3A_456 : i32
      %parallel_loop3A_459 = arith.index_cast %parallel_loop3A_458 : i32 to index
      %parallel_loop3A_460 = tpu.vector_load %arg9[%parallel_loop3A_459] {strides = array<i32>} : memref<8192xi32, #tpu.memory_space<vmem>>, vector<16xi32>,
      %parallel_loop3A_461 = tpu.vector_load_idx %arg7[%parallel_loop3A_460] : memref<100000xf32, #tpu.memory_space<vmem>>[vector<16xi32>], vector<16xf32>,
      %parallel_loop3A_462 = arith.constant 16 : i32
      %parallel_loop3A_463 = arith.muli %parallel_loop3A_454, %parallel_loop3A_462 : i32
      %parallel_loop3A_464 = arith.constant 12288 : i32
      %parallel_loop3A_465 = arith.addi %parallel_loop3A_464, %parallel_loop3A_463 : i32
      %parallel_loop3A_466 = arith.index_cast %parallel_loop3A_465 : i32 to index
      %parallel_loop3A_467 = tpu.vector_load %arg8[%parallel_loop3A_466] {strides = array<i32>} : memref<16384xf32, #tpu.memory_space<vmem>>, vector<16xf32>,
      tpu.vector_store %arg8[%parallel_loop3A_466], %parallel_loop3A_461 {strides = array<i32>} : memref<16384xf32, #tpu.memory_space<vmem>>, vector<16xf32>,
    } {sc.loop_unroll_factor = 8 : i64, sc.parallel_access}
    "tpu.region"() ({
      %run_scoped3A = tpu.sem_alloc : memref<!tpu.dma_semaphore, #tpu.memory_space<semaphore_mem>>
      %dma_start3A_454 = arith.constant 0 : i32
      %dma_start3A_455 = tpu.memref_slice %arg4[%add3A_4, %dma_start3A_454] : memref<64x100000xf32, #tpu.memory_space<hbm>> -> memref<1x100000xf32, #tpu.memory_space<hbm>>
      %dma_start3A_456 = tpu.memref_squeeze %dma_start3A_455 : memref<1x100000xf32, #tpu.memory_space<hbm>> -> memref<100000xf32, #tpu.memory_space<hbm>>
      %dma_start3A_457 = arith.constant 0 : i32
      %dma_start3A_458 = tpu.memref_slice %arg4[%add3A_4, %dma_start3A_457] : memref<64x100000xf32, #tpu.memory_space<hbm>> -> memref<1x100000xf32, #tpu.memory_space<hbm>>
      %dma_start3A_459 = tpu.memref_squeeze %dma_start3A_458 : memref<1x100000xf32, #tpu.memory_space<hbm>> -> memref<100000xf32, #tpu.memory_space<hbm>>
      tpu.enqueue_dma source(%dma_start3A_459 : memref<100000xf32, #tpu.memory_space<hbm>>) target(%arg7 : memref<100000xf32, #tpu.memory_space<vmem>>) target_semaphore(%run_scoped3A : memref<!tpu.dma_semaphore, #tpu.memory_space<semaphore_mem>>)
      %dma_wait3A_460 = arith.constant 0 : i32
      %dma_wait3A_461 = tpu.memref_slice %arg4[%add3A_4, %dma_wait3A_460] : memref<64x100000xf32, #tpu.memory_space<hbm>> -> memref<1x100000xf32, #tpu.memory_space<hbm>>
      %dma_wait3A_462 = tpu.memref_squeeze %dma_wait3A_461 : memref<1x100000xf32, #tpu.memory_space<hbm>> -> memref<100000xf32, #tpu.memory_space<hbm>>
      %dma_wait3A_463 = arith.constant 0 : i32
      %dma_wait3A_464 = tpu.memref_slice %arg4[%add3A_4, %dma_wait3A_463] : memref<64x100000xf32, #tpu.memory_space<hbm>> -> memref<1x100000xf32, #tpu.memory_space<hbm>>
      %dma_wait3A_465 = tpu.memref_squeeze %dma_wait3A_464 : memref<1x100000xf32, #tpu.memory_space<hbm>> -> memref<100000xf32, #tpu.memory_space<hbm>>
      tpu.wait_dma2 semaphore(%run_scoped3A : memref<!tpu.dma_semaphore, #tpu.memory_space<semaphore_mem>>) src(%dma_wait3A_465 : memref<100000xf32, #tpu.memory_space<hbm>>) dst(%arg7 : memref<100000xf32, #tpu.memory_space<vmem>>)
      tpu.yield
    }) : () -> ()
    %dma_start3A = arith.constant 0 : i32
    %dma_start3A_16 = arith.constant 0 : i32
    %dma_start3A_17 = tpu.memref_slice %arg10[%dma_start3A, %dma_start3A_16] : memref<2x2048xf32, #tpu.memory_space<vmem>> -> memref<1x2048xf32, #tpu.memory_space<vmem>>
    %dma_start3A_18 = tpu.memref_squeeze %dma_start3A_17 : memref<1x2048xf32, #tpu.memory_space<vmem>> -> memref<2048xf32, #tpu.memory_space<vmem>>
    %dma_start3A_19 = arith.constant 0 : i32
    %dma_start3A_20 = tpu.memref_slice %arg5[%dma_start3A_19] : memref<16384xf32, #tpu.memory_space<hbm>> -> memref<2048xf32, #tpu.memory_space<hbm>>
    %dma_start3A_21 = arith.constant 0 : i32
    %dma_start3A_22 = tpu.memref_slice %arg10[%dma_start3A, %dma_start3A_21] : memref<2x2048xf32, #tpu.memory_space<vmem>> -> memref<1x2048xf32, #tpu.memory_space<vmem>>
    %dma_start3A_23 = tpu.memref_squeeze %dma_start3A_22 : memref<1x2048xf32, #tpu.memory_space<vmem>> -> memref<2048xf32, #tpu.memory_space<vmem>>
    %dma_start3A_24 = arith.constant 0 : i32
    %dma_start3A_25 = tpu.memref_slice %arg5[%dma_start3A_24] : memref<16384xf32, #tpu.memory_space<hbm>> -> memref<2048xf32, #tpu.memory_space<hbm>>
    tpu.enqueue_dma source(%dma_start3A_25 : memref<2048xf32, #tpu.memory_space<hbm>>) target(%dma_start3A_23 : memref<2048xf32, #tpu.memory_space<vmem>>) target_semaphore(%arg12 : memref<!tpu.dma_semaphore, #tpu.memory_space<semaphore_mem>>)
    %dma_wait3A = arith.constant 0 : i32
    %dma_wait3A_26 = arith.constant 0 : i32
    %dma_wait3A_27 = tpu.memref_slice %arg10[%dma_wait3A, %dma_wait3A_26] : memref<2x2048xf32, #tpu.memory_space<vmem>> -> memref<1x2048xf32, #tpu.memory_space<vmem>>
    %dma_wait3A_28 = tpu.memref_squeeze %dma_wait3A_27 : memref<1x2048xf32, #tpu.memory_space<vmem>> -> memref<2048xf32, #tpu.memory_space<vmem>>
    %dma_wait3A_29 = arith.constant 0 : i32
    %dma_wait3A_30 = tpu.memref_slice %arg5[%dma_wait3A_29] : memref<16384xf32, #tpu.memory_space<hbm>> -> memref<2048xf32, #tpu.memory_space<hbm>>
    %dma_wait3A_31 = arith.constant 0 : i32
    %dma_wait3A_32 = tpu.memref_slice %arg10[%dma_wait3A, %dma_wait3A_31] : memref<2x2048xf32, #tpu.memory_space<vmem>> -> memref<1x2048xf32, #tpu.memory_space<vmem>>
    %dma_wait3A_33 = tpu.memref_squeeze %dma_wait3A_32 : memref<1x2048xf32, #tpu.memory_space<vmem>> -> memref<2048xf32, #tpu.memory_space<vmem>>
    %dma_wait3A_34 = arith.constant 0 : i32
    %dma_wait3A_35 = tpu.memref_slice %arg5[%dma_wait3A_34] : memref<16384xf32, #tpu.memory_space<hbm>> -> memref<2048xf32, #tpu.memory_space<hbm>>
    tpu.wait_dma2 semaphore(%arg12 : memref<!tpu.dma_semaphore, #tpu.memory_space<semaphore_mem>>) src(%dma_wait3A_35 : memref<2048xf32, #tpu.memory_space<hbm>>) dst(%dma_wait3A_33 : memref<2048xf32, #tpu.memory_space<vmem>>)
    %dma_start3A_36 = arith.constant 1 : i32
    %dma_start3A_37 = arith.constant 0 : i32
    %dma_start3A_38 = tpu.memref_slice %arg10[%dma_start3A_36, %dma_start3A_37] : memref<2x2048xf32, #tpu.memory_space<vmem>> -> memref<1x2048xf32, #tpu.memory_space<vmem>>
    %dma_start3A_39 = tpu.memref_squeeze %dma_start3A_38 : memref<1x2048xf32, #tpu.memory_space<vmem>> -> memref<2048xf32, #tpu.memory_space<vmem>>
    %dma_start3A_40 = arith.constant 2048 : i32
    %dma_start3A_41 = tpu.memref_slice %arg5[%dma_start3A_40] : memref<16384xf32, #tpu.memory_space<hbm>> -> memref<2048xf32, #tpu.memory_space<hbm>>
    %dma_start3A_42 = arith.constant 0 : i32
    %dma_start3A_43 = tpu.memref_slice %arg10[%dma_start3A_36, %dma_start3A_42] : memref<2x2048xf32, #tpu.memory_space<vmem>> -> memref<1x2048xf32, #tpu.memory_space<vmem>>
    %dma_start3A_44 = tpu.memref_squeeze %dma_start3A_43 : memref<1x2048xf32, #tpu.memory_space<vmem>> -> memref<2048xf32, #tpu.memory_space<vmem>>
    %dma_start3A_45 = arith.constant 2048 : i32
    %dma_start3A_46 = tpu.memref_slice %arg5[%dma_start3A_45] : memref<16384xf32, #tpu.memory_space<hbm>> -> memref<2048xf32, #tpu.memory_space<hbm>>
    tpu.enqueue_dma source(%dma_start3A_46 : memref<2048xf32, #tpu.memory_space<hbm>>) target(%dma_start3A_44 : memref<2048xf32, #tpu.memory_space<vmem>>) target_semaphore(%arg12 : memref<!tpu.dma_semaphore, #tpu.memory_space<semaphore_mem>>)
    "tpu.region"() ({
      %run_scoped3A = tpu.sem_alloc : memref<!tpu.dma_semaphore, #tpu.memory_space<semaphore_mem>>
      %dma_start3A_454 = arith.constant 0 : i32
      %dma_start3A_455 = tpu.memref_slice %arg2[%dma_start3A_454] : memref<16384xi32, #tpu.memory_space<hbm>> -> memref<8192xi32, #tpu.memory_space<hbm>>
      %dma_start3A_456 = arith.constant 0 : i32
      %dma_start3A_457 = tpu.memref_slice %arg2[%dma_start3A_456] : memref<16384xi32, #tpu.memory_space<hbm>> -> memref<8192xi32, #tpu.memory_space<hbm>>
      tpu.enqueue_dma source(%dma_start3A_457 : memref<8192xi32, #tpu.memory_space<hbm>>) target(%arg9 : memref<8192xi32, #tpu.memory_space<vmem>>) target_semaphore(%run_scoped3A : memref<!tpu.dma_semaphore, #tpu.memory_space<semaphore_mem>>)
      %dma_wait3A_458 = arith.constant 0 : i32
      %dma_wait3A_459 = tpu.memref_slice %arg2[%dma_wait3A_458] : memref<16384xi32, #tpu.memory_space<hbm>> -> memref<8192xi32, #tpu.memory_space<hbm>>
      %dma_wait3A_460 = arith.constant 0 : i32
      %dma_wait3A_461 = tpu.memref_slice %arg2[%dma_wait3A_460] : memref<16384xi32, #tpu.memory_space<hbm>> -> memref<8192xi32, #tpu.memory_space<hbm>>
      tpu.wait_dma2 semaphore(%run_scoped3A : memref<!tpu.dma_semaphore, #tpu.memory_space<semaphore_mem>>) src(%dma_wait3A_461 : memref<8192xi32, #tpu.memory_space<hbm>>) dst(%arg9 : memref<8192xi32, #tpu.memory_space<vmem>>)
      tpu.yield
    }) : () -> ()
    %parallel_loop3A_47 = arith.constant 0 : i32
    %parallel_loop3A_48 = arith.constant 128 : i32
    %parallel_loop3A_49 = arith.constant 1 : i32
    scf.for %parallel_loop3A_454 = %parallel_loop3A_47 to %parallel_loop3A_48 step %parallel_loop3A_49  : i32 {
      %parallel_loop3A_455 = arith.constant 16 : i32
      %parallel_loop3A_456 = arith.muli %parallel_loop3A_454, %parallel_loop3A_455 : i32
      %parallel_loop3A_457 = arith.constant 0 : i32
      %parallel_loop3A_458 = arith.addi %parallel_loop3A_457, %parallel_loop3A_456 : i32
      %parallel_loop3A_459 = arith.constant 16 : i32
      %parallel_loop3A_460 = arith.muli %parallel_loop3A_454, %parallel_loop3A_459 : i32
      %parallel_loop3A_461 = arith.constant 0 : i32
      %parallel_loop3A_462 = arith.addi %parallel_loop3A_461, %parallel_loop3A_460 : i32
      %parallel_loop3A_463 = arith.index_cast %parallel_loop3A_462 : i32 to index
      %parallel_loop3A_464 = tpu.vector_load %arg9[%parallel_loop3A_463] {strides = array<i32>} : memref<8192xi32, #tpu.memory_space<vmem>>, vector<16xi32>,
      %parallel_loop3A_465 = tpu.vector_load_idx %arg7[%parallel_loop3A_464] : memref<100000xf32, #tpu.memory_space<vmem>>[vector<16xi32>], vector<16xf32>,
      %parallel_loop3A_466 = arith.index_cast %parallel_loop3A_458 : i32 to index
      %parallel_loop3A_467 = tpu.vector_load %arg8[%parallel_loop3A_466] {strides = array<i32>} : memref<16384xf32, #tpu.memory_space<vmem>>, vector<16xf32>,
      %parallel_loop3A_468 = arith.constant 16 : i32
      %parallel_loop3A_469 = arith.muli %parallel_loop3A_454, %parallel_loop3A_468 : i32
      %parallel_loop3A_470 = arith.constant 0 : i32
      %parallel_loop3A_471 = arith.index_cast %parallel_loop3A_470 : i32 to index
      %parallel_loop3A_472 = arith.index_cast %parallel_loop3A_469 : i32 to index
      %parallel_loop3A_473 = tpu.vector_load %arg10[%parallel_loop3A_471, %parallel_loop3A_472] {strides = array<i32>} : memref<2x2048xf32, #tpu.memory_space<vmem>>, vector<16xf32>,
      %parallel_loop3A_474 = arith.mulf %parallel_loop3A_473, %parallel_loop3A_465 : vector<16xf32>
      %parallel_loop3A_475 = arith.addf %parallel_loop3A_467, %parallel_loop3A_474 : vector<16xf32>
      %parallel_loop3A_476 = arith.constant -1.000000e+00 : f32
      %parallel_loop3A_477 = arith.constant 1.000000e+00 : f32
      %parallel_loop3A_478 = vector.broadcast %parallel_loop3A_476 : f32 to vector<16xf32>
      %parallel_loop3A_479 = arith.maximumf %parallel_loop3A_478, %parallel_loop3A_475 : vector<16xf32>
      %parallel_loop3A_480 = vector.broadcast %parallel_loop3A_477 : f32 to vector<16xf32>
      %parallel_loop3A_481 = arith.minimumf %parallel_loop3A_480, %parallel_loop3A_479 : vector<16xf32>
      %parallel_loop3A_482 = arith.index_cast %parallel_loop3A_458 : i32 to index
      %parallel_loop3A_483 = tpu.vector_load %arg8[%parallel_loop3A_482] {strides = array<i32>} : memref<16384xf32, #tpu.memory_space<vmem>>, vector<16xf32>,
      tpu.vector_store %arg8[%parallel_loop3A_482], %parallel_loop3A_481 {strides = array<i32>} : memref<16384xf32, #tpu.memory_space<vmem>>, vector<16xf32>,
    } {sc.loop_unroll_factor = 8 : i64, sc.parallel_access}
    %dma_wait3A_50 = arith.constant 1 : i32
    %dma_wait3A_51 = arith.constant 0 : i32
    %dma_wait3A_52 = tpu.memref_slice %arg10[%dma_wait3A_50, %dma_wait3A_51] : memref<2x2048xf32, #tpu.memory_space<vmem>> -> memref<1x2048xf32, #tpu.memory_space<vmem>>
    %dma_wait3A_53 = tpu.memref_squeeze %dma_wait3A_52 : memref<1x2048xf32, #tpu.memory_space<vmem>> -> memref<2048xf32, #tpu.memory_space<vmem>>
    %dma_wait3A_54 = arith.constant 2048 : i32
    %dma_wait3A_55 = tpu.memref_slice %arg5[%dma_wait3A_54] : memref<16384xf32, #tpu.memory_space<hbm>> -> memref<2048xf32, #tpu.memory_space<hbm>>
    %dma_wait3A_56 = arith.constant 0 : i32
    %dma_wait3A_57 = tpu.memref_slice %arg10[%dma_wait3A_50, %dma_wait3A_56] : memref<2x2048xf32, #tpu.memory_space<vmem>> -> memref<1x2048xf32, #tpu.memory_space<vmem>>
    %dma_wait3A_58 = tpu.memref_squeeze %dma_wait3A_57 : memref<1x2048xf32, #tpu.memory_space<vmem>> -> memref<2048xf32, #tpu.memory_space<vmem>>
    %dma_wait3A_59 = arith.constant 2048 : i32
    %dma_wait3A_60 = tpu.memref_slice %arg5[%dma_wait3A_59] : memref<16384xf32, #tpu.memory_space<hbm>> -> memref<2048xf32, #tpu.memory_space<hbm>>
    tpu.wait_dma2 semaphore(%arg12 : memref<!tpu.dma_semaphore, #tpu.memory_space<semaphore_mem>>) src(%dma_wait3A_60 : memref<2048xf32, #tpu.memory_space<hbm>>) dst(%dma_wait3A_58 : memref<2048xf32, #tpu.memory_space<vmem>>)
    %dma_start3A_61 = arith.constant 0 : i32
    %dma_start3A_62 = arith.constant 0 : i32
    %dma_start3A_63 = tpu.memref_slice %arg10[%dma_start3A_61, %dma_start3A_62] : memref<2x2048xf32, #tpu.memory_space<vmem>> -> memref<1x2048xf32, #tpu.memory_space<vmem>>
    %dma_start3A_64 = tpu.memref_squeeze %dma_start3A_63 : memref<1x2048xf32, #tpu.memory_space<vmem>> -> memref<2048xf32, #tpu.memory_space<vmem>>
    %dma_start3A_65 = arith.constant 4096 : i32
    %dma_start3A_66 = tpu.memref_slice %arg5[%dma_start3A_65] : memref<16384xf32, #tpu.memory_space<hbm>> -> memref<2048xf32, #tpu.memory_space<hbm>>
    %dma_start3A_67 = arith.constant 0 : i32
    %dma_start3A_68 = tpu.memref_slice %arg10[%dma_start3A_61, %dma_start3A_67] : memref<2x2048xf32, #tpu.memory_space<vmem>> -> memref<1x2048xf32, #tpu.memory_space<vmem>>
    %dma_start3A_69 = tpu.memref_squeeze %dma_start3A_68 : memref<1x2048xf32, #tpu.memory_space<vmem>> -> memref<2048xf32, #tpu.memory_space<vmem>>
    %dma_start3A_70 = arith.constant 4096 : i32
    %dma_start3A_71 = tpu.memref_slice %arg5[%dma_start3A_70] : memref<16384xf32, #tpu.memory_space<hbm>> -> memref<2048xf32, #tpu.memory_space<hbm>>
    tpu.enqueue_dma source(%dma_start3A_71 : memref<2048xf32, #tpu.memory_space<hbm>>) target(%dma_start3A_69 : memref<2048xf32, #tpu.memory_space<vmem>>) target_semaphore(%arg12 : memref<!tpu.dma_semaphore, #tpu.memory_space<semaphore_mem>>)
    %parallel_loop3A_72 = arith.constant 0 : i32
    %parallel_loop3A_73 = arith.constant 128 : i32
    %parallel_loop3A_74 = arith.constant 1 : i32
    scf.for %parallel_loop3A_454 = %parallel_loop3A_72 to %parallel_loop3A_73 step %parallel_loop3A_74  : i32 {
      %parallel_loop3A_455 = arith.constant 16 : i32
      %parallel_loop3A_456 = arith.muli %parallel_loop3A_454, %parallel_loop3A_455 : i32
      %parallel_loop3A_457 = arith.constant 2048 : i32
      %parallel_loop3A_458 = arith.addi %parallel_loop3A_457, %parallel_loop3A_456 : i32
      %parallel_loop3A_459 = arith.constant 16 : i32
      %parallel_loop3A_460 = arith.muli %parallel_loop3A_454, %parallel_loop3A_459 : i32
      %parallel_loop3A_461 = arith.constant 2048 : i32
      %parallel_loop3A_462 = arith.addi %parallel_loop3A_461, %parallel_loop3A_460 : i32
      %parallel_loop3A_463 = arith.index_cast %parallel_loop3A_462 : i32 to index
      %parallel_loop3A_464 = tpu.vector_load %arg9[%parallel_loop3A_463] {strides = array<i32>} : memref<8192xi32, #tpu.memory_space<vmem>>, vector<16xi32>,
      %parallel_loop3A_465 = tpu.vector_load_idx %arg7[%parallel_loop3A_464] : memref<100000xf32, #tpu.memory_space<vmem>>[vector<16xi32>], vector<16xf32>,
      %parallel_loop3A_466 = arith.index_cast %parallel_loop3A_458 : i32 to index
      %parallel_loop3A_467 = tpu.vector_load %arg8[%parallel_loop3A_466] {strides = array<i32>} : memref<16384xf32, #tpu.memory_space<vmem>>, vector<16xf32>,
      %parallel_loop3A_468 = arith.constant 16 : i32
      %parallel_loop3A_469 = arith.muli %parallel_loop3A_454, %parallel_loop3A_468 : i32
      %parallel_loop3A_470 = arith.constant 1 : i32
      %parallel_loop3A_471 = arith.index_cast %parallel_loop3A_470 : i32 to index
      %parallel_loop3A_472 = arith.index_cast %parallel_loop3A_469 : i32 to index
      %parallel_loop3A_473 = tpu.vector_load %arg10[%parallel_loop3A_471, %parallel_loop3A_472] {strides = array<i32>} : memref<2x2048xf32, #tpu.memory_space<vmem>>, vector<16xf32>,
      %parallel_loop3A_474 = arith.mulf %parallel_loop3A_473, %parallel_loop3A_465 : vector<16xf32>
      %parallel_loop3A_475 = arith.addf %parallel_loop3A_467, %parallel_loop3A_474 : vector<16xf32>
      %parallel_loop3A_476 = arith.constant -1.000000e+00 : f32
      %parallel_loop3A_477 = arith.constant 1.000000e+00 : f32
      %parallel_loop3A_478 = vector.broadcast %parallel_loop3A_476 : f32 to vector<16xf32>
      %parallel_loop3A_479 = arith.maximumf %parallel_loop3A_478, %parallel_loop3A_475 : vector<16xf32>
      %parallel_loop3A_480 = vector.broadcast %parallel_loop3A_477 : f32 to vector<16xf32>
      %parallel_loop3A_481 = arith.minimumf %parallel_loop3A_480, %parallel_loop3A_479 : vector<16xf32>
      %parallel_loop3A_482 = arith.index_cast %parallel_loop3A_458 : i32 to index
      %parallel_loop3A_483 = tpu.vector_load %arg8[%parallel_loop3A_482] {strides = array<i32>} : memref<16384xf32, #tpu.memory_space<vmem>>, vector<16xf32>,
      tpu.vector_store %arg8[%parallel_loop3A_482], %parallel_loop3A_481 {strides = array<i32>} : memref<16384xf32, #tpu.memory_space<vmem>>, vector<16xf32>,
    } {sc.loop_unroll_factor = 8 : i64, sc.parallel_access}
    %dma_wait3A_75 = arith.constant 0 : i32
    %dma_wait3A_76 = arith.constant 0 : i32
    %dma_wait3A_77 = tpu.memref_slice %arg10[%dma_wait3A_75, %dma_wait3A_76] : memref<2x2048xf32, #tpu.memory_space<vmem>> -> memref<1x2048xf32, #tpu.memory_space<vmem>>
    %dma_wait3A_78 = tpu.memref_squeeze %dma_wait3A_77 : memref<1x2048xf32, #tpu.memory_space<vmem>> -> memref<2048xf32, #tpu.memory_space<vmem>>
    %dma_wait3A_79 = arith.constant 4096 : i32
    %dma_wait3A_80 = tpu.memref_slice %arg5[%dma_wait3A_79] : memref<16384xf32, #tpu.memory_space<hbm>> -> memref<2048xf32, #tpu.memory_space<hbm>>
    %dma_wait3A_81 = arith.constant 0 : i32
    %dma_wait3A_82 = tpu.memref_slice %arg10[%dma_wait3A_75, %dma_wait3A_81] : memref<2x2048xf32, #tpu.memory_space<vmem>> -> memref<1x2048xf32, #tpu.memory_space<vmem>>
    %dma_wait3A_83 = tpu.memref_squeeze %dma_wait3A_82 : memref<1x2048xf32, #tpu.memory_space<vmem>> -> memref<2048xf32, #tpu.memory_space<vmem>>
    %dma_wait3A_84 = arith.constant 4096 : i32
    %dma_wait3A_85 = tpu.memref_slice %arg5[%dma_wait3A_84] : memref<16384xf32, #tpu.memory_space<hbm>> -> memref<2048xf32, #tpu.memory_space<hbm>>
    tpu.wait_dma2 semaphore(%arg12 : memref<!tpu.dma_semaphore, #tpu.memory_space<semaphore_mem>>) src(%dma_wait3A_85 : memref<2048xf32, #tpu.memory_space<hbm>>) dst(%dma_wait3A_83 : memref<2048xf32, #tpu.memory_space<vmem>>)
    %dma_start3A_86 = arith.constant 1 : i32
    %dma_start3A_87 = arith.constant 0 : i32
    %dma_start3A_88 = tpu.memref_slice %arg10[%dma_start3A_86, %dma_start3A_87] : memref<2x2048xf32, #tpu.memory_space<vmem>> -> memref<1x2048xf32, #tpu.memory_space<vmem>>
    %dma_start3A_89 = tpu.memref_squeeze %dma_start3A_88 : memref<1x2048xf32, #tpu.memory_space<vmem>> -> memref<2048xf32, #tpu.memory_space<vmem>>
    %dma_start3A_90 = arith.constant 6144 : i32
    %dma_start3A_91 = tpu.memref_slice %arg5[%dma_start3A_90] : memref<16384xf32, #tpu.memory_space<hbm>> -> memref<2048xf32, #tpu.memory_space<hbm>>
    %dma_start3A_92 = arith.constant 0 : i32
    %dma_start3A_93 = tpu.memref_slice %arg10[%dma_start3A_86, %dma_start3A_92] : memref<2x2048xf32, #tpu.memory_space<vmem>> -> memref<1x2048xf32, #tpu.memory_space<vmem>>
    %dma_start3A_94 = tpu.memref_squeeze %dma_start3A_93 : memref<1x2048xf32, #tpu.memory_space<vmem>> -> memref<2048xf32, #tpu.memory_space<vmem>>
    %dma_start3A_95 = arith.constant 6144 : i32
    %dma_start3A_96 = tpu.memref_slice %arg5[%dma_start3A_95] : memref<16384xf32, #tpu.memory_space<hbm>> -> memref<2048xf32, #tpu.memory_space<hbm>>
    tpu.enqueue_dma source(%dma_start3A_96 : memref<2048xf32, #tpu.memory_space<hbm>>) target(%dma_start3A_94 : memref<2048xf32, #tpu.memory_space<vmem>>) target_semaphore(%arg12 : memref<!tpu.dma_semaphore, #tpu.memory_space<semaphore_mem>>)
    %parallel_loop3A_97 = arith.constant 0 : i32
    %parallel_loop3A_98 = arith.constant 128 : i32
    %parallel_loop3A_99 = arith.constant 1 : i32
    scf.for %parallel_loop3A_454 = %parallel_loop3A_97 to %parallel_loop3A_98 step %parallel_loop3A_99  : i32 {
      %parallel_loop3A_455 = arith.constant 16 : i32
      %parallel_loop3A_456 = arith.muli %parallel_loop3A_454, %parallel_loop3A_455 : i32
      %parallel_loop3A_457 = arith.constant 4096 : i32
      %parallel_loop3A_458 = arith.addi %parallel_loop3A_457, %parallel_loop3A_456 : i32
      %parallel_loop3A_459 = arith.constant 16 : i32
      %parallel_loop3A_460 = arith.muli %parallel_loop3A_454, %parallel_loop3A_459 : i32
      %parallel_loop3A_461 = arith.constant 4096 : i32
      %parallel_loop3A_462 = arith.addi %parallel_loop3A_461, %parallel_loop3A_460 : i32
      %parallel_loop3A_463 = arith.index_cast %parallel_loop3A_462 : i32 to index
      %parallel_loop3A_464 = tpu.vector_load %arg9[%parallel_loop3A_463] {strides = array<i32>} : memref<8192xi32, #tpu.memory_space<vmem>>, vector<16xi32>,
      %parallel_loop3A_465 = tpu.vector_load_idx %arg7[%parallel_loop3A_464] : memref<100000xf32, #tpu.memory_space<vmem>>[vector<16xi32>], vector<16xf32>,
      %parallel_loop3A_466 = arith.index_cast %parallel_loop3A_458 : i32 to index
      %parallel_loop3A_467 = tpu.vector_load %arg8[%parallel_loop3A_466] {strides = array<i32>} : memref<16384xf32, #tpu.memory_space<vmem>>, vector<16xf32>,
      %parallel_loop3A_468 = arith.constant 16 : i32
      %parallel_loop3A_469 = arith.muli %parallel_loop3A_454, %parallel_loop3A_468 : i32
      %parallel_loop3A_470 = arith.constant 0 : i32
      %parallel_loop3A_471 = arith.index_cast %parallel_loop3A_470 : i32 to index
      %parallel_loop3A_472 = arith.index_cast %parallel_loop3A_469 : i32 to index
      %parallel_loop3A_473 = tpu.vector_load %arg10[%parallel_loop3A_471, %parallel_loop3A_472] {strides = array<i32>} : memref<2x2048xf32, #tpu.memory_space<vmem>>, vector<16xf32>,
      %parallel_loop3A_474 = arith.mulf %parallel_loop3A_473, %parallel_loop3A_465 : vector<16xf32>
      %parallel_loop3A_475 = arith.addf %parallel_loop3A_467, %parallel_loop3A_474 : vector<16xf32>
      %parallel_loop3A_476 = arith.constant -1.000000e+00 : f32
      %parallel_loop3A_477 = arith.constant 1.000000e+00 : f32
      %parallel_loop3A_478 = vector.broadcast %parallel_loop3A_476 : f32 to vector<16xf32>
      %parallel_loop3A_479 = arith.maximumf %parallel_loop3A_478, %parallel_loop3A_475 : vector<16xf32>
      %parallel_loop3A_480 = vector.broadcast %parallel_loop3A_477 : f32 to vector<16xf32>
      %parallel_loop3A_481 = arith.minimumf %parallel_loop3A_480, %parallel_loop3A_479 : vector<16xf32>
      %parallel_loop3A_482 = arith.index_cast %parallel_loop3A_458 : i32 to index
      %parallel_loop3A_483 = tpu.vector_load %arg8[%parallel_loop3A_482] {strides = array<i32>} : memref<16384xf32, #tpu.memory_space<vmem>>, vector<16xf32>,
      tpu.vector_store %arg8[%parallel_loop3A_482], %parallel_loop3A_481 {strides = array<i32>} : memref<16384xf32, #tpu.memory_space<vmem>>, vector<16xf32>,
    } {sc.loop_unroll_factor = 8 : i64, sc.parallel_access}
    %dma_wait3A_100 = arith.constant 1 : i32
    %dma_wait3A_101 = arith.constant 0 : i32
    %dma_wait3A_102 = tpu.memref_slice %arg10[%dma_wait3A_100, %dma_wait3A_101] : memref<2x2048xf32, #tpu.memory_space<vmem>> -> memref<1x2048xf32, #tpu.memory_space<vmem>>
    %dma_wait3A_103 = tpu.memref_squeeze %dma_wait3A_102 : memref<1x2048xf32, #tpu.memory_space<vmem>> -> memref<2048xf32, #tpu.memory_space<vmem>>
    %dma_wait3A_104 = arith.constant 6144 : i32
    %dma_wait3A_105 = tpu.memref_slice %arg5[%dma_wait3A_104] : memref<16384xf32, #tpu.memory_space<hbm>> -> memref<2048xf32, #tpu.memory_space<hbm>>
    %dma_wait3A_106 = arith.constant 0 : i32
    %dma_wait3A_107 = tpu.memref_slice %arg10[%dma_wait3A_100, %dma_wait3A_106] : memref<2x2048xf32, #tpu.memory_space<vmem>> -> memref<1x2048xf32, #tpu.memory_space<vmem>>
    %dma_wait3A_108 = tpu.memref_squeeze %dma_wait3A_107 : memref<1x2048xf32, #tpu.memory_space<vmem>> -> memref<2048xf32, #tpu.memory_space<vmem>>
    %dma_wait3A_109 = arith.constant 6144 : i32
    %dma_wait3A_110 = tpu.memref_slice %arg5[%dma_wait3A_109] : memref<16384xf32, #tpu.memory_space<hbm>> -> memref<2048xf32, #tpu.memory_space<hbm>>
    tpu.wait_dma2 semaphore(%arg12 : memref<!tpu.dma_semaphore, #tpu.memory_space<semaphore_mem>>) src(%dma_wait3A_110 : memref<2048xf32, #tpu.memory_space<hbm>>) dst(%dma_wait3A_108 : memref<2048xf32, #tpu.memory_space<vmem>>)
    %dma_start3A_111 = arith.constant 0 : i32
    %dma_start3A_112 = arith.constant 0 : i32
    %dma_start3A_113 = tpu.memref_slice %arg10[%dma_start3A_111, %dma_start3A_112] : memref<2x2048xf32, #tpu.memory_space<vmem>> -> memref<1x2048xf32, #tpu.memory_space<vmem>>
    %dma_start3A_114 = tpu.memref_squeeze %dma_start3A_113 : memref<1x2048xf32, #tpu.memory_space<vmem>> -> memref<2048xf32, #tpu.memory_space<vmem>>
    %dma_start3A_115 = arith.constant 8192 : i32
    %dma_start3A_116 = tpu.memref_slice %arg5[%dma_start3A_115] : memref<16384xf32, #tpu.memory_space<hbm>> -> memref<2048xf32, #tpu.memory_space<hbm>>
    %dma_start3A_117 = arith.constant 0 : i32
    %dma_start3A_118 = tpu.memref_slice %arg10[%dma_start3A_111, %dma_start3A_117] : memref<2x2048xf32, #tpu.memory_space<vmem>> -> memref<1x2048xf32, #tpu.memory_space<vmem>>
    %dma_start3A_119 = tpu.memref_squeeze %dma_start3A_118 : memref<1x2048xf32, #tpu.memory_space<vmem>> -> memref<2048xf32, #tpu.memory_space<vmem>>
    %dma_start3A_120 = arith.constant 8192 : i32
    %dma_start3A_121 = tpu.memref_slice %arg5[%dma_start3A_120] : memref<16384xf32, #tpu.memory_space<hbm>> -> memref<2048xf32, #tpu.memory_space<hbm>>
    tpu.enqueue_dma source(%dma_start3A_121 : memref<2048xf32, #tpu.memory_space<hbm>>) target(%dma_start3A_119 : memref<2048xf32, #tpu.memory_space<vmem>>) target_semaphore(%arg12 : memref<!tpu.dma_semaphore, #tpu.memory_space<semaphore_mem>>)
    %parallel_loop3A_122 = arith.constant 0 : i32
    %parallel_loop3A_123 = arith.constant 128 : i32
    %parallel_loop3A_124 = arith.constant 1 : i32
    scf.for %parallel_loop3A_454 = %parallel_loop3A_122 to %parallel_loop3A_123 step %parallel_loop3A_124  : i32 {
      %parallel_loop3A_455 = arith.constant 16 : i32
      %parallel_loop3A_456 = arith.muli %parallel_loop3A_454, %parallel_loop3A_455 : i32
      %parallel_loop3A_457 = arith.constant 6144 : i32
      %parallel_loop3A_458 = arith.addi %parallel_loop3A_457, %parallel_loop3A_456 : i32
      %parallel_loop3A_459 = arith.constant 16 : i32
      %parallel_loop3A_460 = arith.muli %parallel_loop3A_454, %parallel_loop3A_459 : i32
      %parallel_loop3A_461 = arith.constant 6144 : i32
      %parallel_loop3A_462 = arith.addi %parallel_loop3A_461, %parallel_loop3A_460 : i32
      %parallel_loop3A_463 = arith.index_cast %parallel_loop3A_462 : i32 to index
      %parallel_loop3A_464 = tpu.vector_load %arg9[%parallel_loop3A_463] {strides = array<i32>} : memref<8192xi32, #tpu.memory_space<vmem>>, vector<16xi32>,
      %parallel_loop3A_465 = tpu.vector_load_idx %arg7[%parallel_loop3A_464] : memref<100000xf32, #tpu.memory_space<vmem>>[vector<16xi32>], vector<16xf32>,
      %parallel_loop3A_466 = arith.index_cast %parallel_loop3A_458 : i32 to index
      %parallel_loop3A_467 = tpu.vector_load %arg8[%parallel_loop3A_466] {strides = array<i32>} : memref<16384xf32, #tpu.memory_space<vmem>>, vector<16xf32>,
      %parallel_loop3A_468 = arith.constant 16 : i32
      %parallel_loop3A_469 = arith.muli %parallel_loop3A_454, %parallel_loop3A_468 : i32
      %parallel_loop3A_470 = arith.constant 1 : i32
      %parallel_loop3A_471 = arith.index_cast %parallel_loop3A_470 : i32 to index
      %parallel_loop3A_472 = arith.index_cast %parallel_loop3A_469 : i32 to index
      %parallel_loop3A_473 = tpu.vector_load %arg10[%parallel_loop3A_471, %parallel_loop3A_472] {strides = array<i32>} : memref<2x2048xf32, #tpu.memory_space<vmem>>, vector<16xf32>,
      %parallel_loop3A_474 = arith.mulf %parallel_loop3A_473, %parallel_loop3A_465 : vector<16xf32>
      %parallel_loop3A_475 = arith.addf %parallel_loop3A_467, %parallel_loop3A_474 : vector<16xf32>
      %parallel_loop3A_476 = arith.constant -1.000000e+00 : f32
      %parallel_loop3A_477 = arith.constant 1.000000e+00 : f32
      %parallel_loop3A_478 = vector.broadcast %parallel_loop3A_476 : f32 to vector<16xf32>
      %parallel_loop3A_479 = arith.maximumf %parallel_loop3A_478, %parallel_loop3A_475 : vector<16xf32>
      %parallel_loop3A_480 = vector.broadcast %parallel_loop3A_477 : f32 to vector<16xf32>
      %parallel_loop3A_481 = arith.minimumf %parallel_loop3A_480, %parallel_loop3A_479 : vector<16xf32>
      %parallel_loop3A_482 = arith.index_cast %parallel_loop3A_458 : i32 to index
      %parallel_loop3A_483 = tpu.vector_load %arg8[%parallel_loop3A_482] {strides = array<i32>} : memref<16384xf32, #tpu.memory_space<vmem>>, vector<16xf32>,
      tpu.vector_store %arg8[%parallel_loop3A_482], %parallel_loop3A_481 {strides = array<i32>} : memref<16384xf32, #tpu.memory_space<vmem>>, vector<16xf32>,
    } {sc.loop_unroll_factor = 8 : i64, sc.parallel_access}
    %dma_wait3A_125 = arith.constant 0 : i32
    %dma_wait3A_126 = arith.constant 0 : i32
    %dma_wait3A_127 = tpu.memref_slice %arg10[%dma_wait3A_125, %dma_wait3A_126] : memref<2x2048xf32, #tpu.memory_space<vmem>> -> memref<1x2048xf32, #tpu.memory_space<vmem>>
    %dma_wait3A_128 = tpu.memref_squeeze %dma_wait3A_127 : memref<1x2048xf32, #tpu.memory_space<vmem>> -> memref<2048xf32, #tpu.memory_space<vmem>>
    %dma_wait3A_129 = arith.constant 8192 : i32
    %dma_wait3A_130 = tpu.memref_slice %arg5[%dma_wait3A_129] : memref<16384xf32, #tpu.memory_space<hbm>> -> memref<2048xf32, #tpu.memory_space<hbm>>
    %dma_wait3A_131 = arith.constant 0 : i32
    %dma_wait3A_132 = tpu.memref_slice %arg10[%dma_wait3A_125, %dma_wait3A_131] : memref<2x2048xf32, #tpu.memory_space<vmem>> -> memref<1x2048xf32, #tpu.memory_space<vmem>>
    %dma_wait3A_133 = tpu.memref_squeeze %dma_wait3A_132 : memref<1x2048xf32, #tpu.memory_space<vmem>> -> memref<2048xf32, #tpu.memory_space<vmem>>
    %dma_wait3A_134 = arith.constant 8192 : i32
    %dma_wait3A_135 = tpu.memref_slice %arg5[%dma_wait3A_134] : memref<16384xf32, #tpu.memory_space<hbm>> -> memref<2048xf32, #tpu.memory_space<hbm>>
    tpu.wait_dma2 semaphore(%arg12 : memref<!tpu.dma_semaphore, #tpu.memory_space<semaphore_mem>>) src(%dma_wait3A_135 : memref<2048xf32, #tpu.memory_space<hbm>>) dst(%dma_wait3A_133 : memref<2048xf32, #tpu.memory_space<vmem>>)
    %dma_start3A_136 = arith.constant 1 : i32
    %dma_start3A_137 = arith.constant 0 : i32
    %dma_start3A_138 = tpu.memref_slice %arg10[%dma_start3A_136, %dma_start3A_137] : memref<2x2048xf32, #tpu.memory_space<vmem>> -> memref<1x2048xf32, #tpu.memory_space<vmem>>
    %dma_start3A_139 = tpu.memref_squeeze %dma_start3A_138 : memref<1x2048xf32, #tpu.memory_space<vmem>> -> memref<2048xf32, #tpu.memory_space<vmem>>
    %dma_start3A_140 = arith.constant 10240 : i32
    %dma_start3A_141 = tpu.memref_slice %arg5[%dma_start3A_140] : memref<16384xf32, #tpu.memory_space<hbm>> -> memref<2048xf32, #tpu.memory_space<hbm>>
    %dma_start3A_142 = arith.constant 0 : i32
    %dma_start3A_143 = tpu.memref_slice %arg10[%dma_start3A_136, %dma_start3A_142] : memref<2x2048xf32, #tpu.memory_space<vmem>> -> memref<1x2048xf32, #tpu.memory_space<vmem>>
    %dma_start3A_144 = tpu.memref_squeeze %dma_start3A_143 : memref<1x2048xf32, #tpu.memory_space<vmem>> -> memref<2048xf32, #tpu.memory_space<vmem>>
    %dma_start3A_145 = arith.constant 10240 : i32
    %dma_start3A_146 = tpu.memref_slice %arg5[%dma_start3A_145] : memref<16384xf32, #tpu.memory_space<hbm>> -> memref<2048xf32, #tpu.memory_space<hbm>>
    tpu.enqueue_dma source(%dma_start3A_146 : memref<2048xf32, #tpu.memory_space<hbm>>) target(%dma_start3A_144 : memref<2048xf32, #tpu.memory_space<vmem>>) target_semaphore(%arg12 : memref<!tpu.dma_semaphore, #tpu.memory_space<semaphore_mem>>)
    "tpu.region"() ({
      %run_scoped3A = tpu.sem_alloc : memref<!tpu.dma_semaphore, #tpu.memory_space<semaphore_mem>>
      %dma_start3A_454 = arith.constant 8192 : i32
      %dma_start3A_455 = tpu.memref_slice %arg2[%dma_start3A_454] : memref<16384xi32, #tpu.memory_space<hbm>> -> memref<8192xi32, #tpu.memory_space<hbm>>
      %dma_start3A_456 = arith.constant 8192 : i32
      %dma_start3A_457 = tpu.memref_slice %arg2[%dma_start3A_456] : memref<16384xi32, #tpu.memory_space<hbm>> -> memref<8192xi32, #tpu.memory_space<hbm>>
      tpu.enqueue_dma source(%dma_start3A_457 : memref<8192xi32, #tpu.memory_space<hbm>>) target(%arg9 : memref<8192xi32, #tpu.memory_space<vmem>>) target_semaphore(%run_scoped3A : memref<!tpu.dma_semaphore, #tpu.memory_space<semaphore_mem>>)
      %dma_wait3A_458 = arith.constant 8192 : i32
      %dma_wait3A_459 = tpu.memref_slice %arg2[%dma_wait3A_458] : memref<16384xi32, #tpu.memory_space<hbm>> -> memref<8192xi32, #tpu.memory_space<hbm>>
      %dma_wait3A_460 = arith.constant 8192 : i32
      %dma_wait3A_461 = tpu.memref_slice %arg2[%dma_wait3A_460] : memref<16384xi32, #tpu.memory_space<hbm>> -> memref<8192xi32, #tpu.memory_space<hbm>>
      tpu.wait_dma2 semaphore(%run_scoped3A : memref<!tpu.dma_semaphore, #tpu.memory_space<semaphore_mem>>) src(%dma_wait3A_461 : memref<8192xi32, #tpu.memory_space<hbm>>) dst(%arg9 : memref<8192xi32, #tpu.memory_space<vmem>>)
      tpu.yield
    }) : () -> ()
    %parallel_loop3A_147 = arith.constant 0 : i32
    %parallel_loop3A_148 = arith.constant 128 : i32
    %parallel_loop3A_149 = arith.constant 1 : i32
    scf.for %parallel_loop3A_454 = %parallel_loop3A_147 to %parallel_loop3A_148 step %parallel_loop3A_149  : i32 {
      %parallel_loop3A_455 = arith.constant 16 : i32
      %parallel_loop3A_456 = arith.muli %parallel_loop3A_454, %parallel_loop3A_455 : i32
      %parallel_loop3A_457 = arith.constant 8192 : i32
      %parallel_loop3A_458 = arith.addi %parallel_loop3A_457, %parallel_loop3A_456 : i32
      %parallel_loop3A_459 = arith.constant 16 : i32
      %parallel_loop3A_460 = arith.muli %parallel_loop3A_454, %parallel_loop3A_459 : i32
      %parallel_loop3A_461 = arith.constant 0 : i32
      %parallel_loop3A_462 = arith.addi %parallel_loop3A_461, %parallel_loop3A_460 : i32
      %parallel_loop3A_463 = arith.index_cast %parallel_loop3A_462 : i32 to index
      %parallel_loop3A_464 = tpu.vector_load %arg9[%parallel_loop3A_463] {strides = array<i32>} : memref<8192xi32, #tpu.memory_space<vmem>>, vector<16xi32>,
      %parallel_loop3A_465 = tpu.vector_load_idx %arg7[%parallel_loop3A_464] : memref<100000xf32, #tpu.memory_space<vmem>>[vector<16xi32>], vector<16xf32>,
      %parallel_loop3A_466 = arith.index_cast %parallel_loop3A_458 : i32 to index
      %parallel_loop3A_467 = tpu.vector_load %arg8[%parallel_loop3A_466] {strides = array<i32>} : memref<16384xf32, #tpu.memory_space<vmem>>, vector<16xf32>,
      %parallel_loop3A_468 = arith.constant 16 : i32
      %parallel_loop3A_469 = arith.muli %parallel_loop3A_454, %parallel_loop3A_468 : i32
      %parallel_loop3A_470 = arith.constant 0 : i32
      %parallel_loop3A_471 = arith.index_cast %parallel_loop3A_470 : i32 to index
      %parallel_loop3A_472 = arith.index_cast %parallel_loop3A_469 : i32 to index
      %parallel_loop3A_473 = tpu.vector_load %arg10[%parallel_loop3A_471, %parallel_loop3A_472] {strides = array<i32>} : memref<2x2048xf32, #tpu.memory_space<vmem>>, vector<16xf32>,
      %parallel_loop3A_474 = arith.mulf %parallel_loop3A_473, %parallel_loop3A_465 : vector<16xf32>
      %parallel_loop3A_475 = arith.addf %parallel_loop3A_467, %parallel_loop3A_474 : vector<16xf32>
      %parallel_loop3A_476 = arith.constant -1.000000e+00 : f32
      %parallel_loop3A_477 = arith.constant 1.000000e+00 : f32
      %parallel_loop3A_478 = vector.broadcast %parallel_loop3A_476 : f32 to vector<16xf32>
      %parallel_loop3A_479 = arith.maximumf %parallel_loop3A_478, %parallel_loop3A_475 : vector<16xf32>
      %parallel_loop3A_480 = vector.broadcast %parallel_loop3A_477 : f32 to vector<16xf32>
      %parallel_loop3A_481 = arith.minimumf %parallel_loop3A_480, %parallel_loop3A_479 : vector<16xf32>
      %parallel_loop3A_482 = arith.index_cast %parallel_loop3A_458 : i32 to index
      %parallel_loop3A_483 = tpu.vector_load %arg8[%parallel_loop3A_482] {strides = array<i32>} : memref<16384xf32, #tpu.memory_space<vmem>>, vector<16xf32>,
      tpu.vector_store %arg8[%parallel_loop3A_482], %parallel_loop3A_481 {strides = array<i32>} : memref<16384xf32, #tpu.memory_space<vmem>>, vector<16xf32>,
    } {sc.loop_unroll_factor = 8 : i64, sc.parallel_access}
    %dma_wait3A_150 = arith.constant 1 : i32
    %dma_wait3A_151 = arith.constant 0 : i32
    %dma_wait3A_152 = tpu.memref_slice %arg10[%dma_wait3A_150, %dma_wait3A_151] : memref<2x2048xf32, #tpu.memory_space<vmem>> -> memref<1x2048xf32, #tpu.memory_space<vmem>>
    %dma_wait3A_153 = tpu.memref_squeeze %dma_wait3A_152 : memref<1x2048xf32, #tpu.memory_space<vmem>> -> memref<2048xf32, #tpu.memory_space<vmem>>
    %dma_wait3A_154 = arith.constant 10240 : i32
    %dma_wait3A_155 = tpu.memref_slice %arg5[%dma_wait3A_154] : memref<16384xf32, #tpu.memory_space<hbm>> -> memref<2048xf32, #tpu.memory_space<hbm>>
    %dma_wait3A_156 = arith.constant 0 : i32
    %dma_wait3A_157 = tpu.memref_slice %arg10[%dma_wait3A_150, %dma_wait3A_156] : memref<2x2048xf32, #tpu.memory_space<vmem>> -> memref<1x2048xf32, #tpu.memory_space<vmem>>
    %dma_wait3A_158 = tpu.memref_squeeze %dma_wait3A_157 : memref<1x2048xf32, #tpu.memory_space<vmem>> -> memref<2048xf32, #tpu.memory_space<vmem>>
    %dma_wait3A_159 = arith.constant 10240 : i32
    %dma_wait3A_160 = tpu.memref_slice %arg5[%dma_wait3A_159] : memref<16384xf32, #tpu.memory_space<hbm>> -> memref<2048xf32, #tpu.memory_space<hbm>>
    tpu.wait_dma2 semaphore(%arg12 : memref<!tpu.dma_semaphore, #tpu.memory_space<semaphore_mem>>) src(%dma_wait3A_160 : memref<2048xf32, #tpu.memory_space<hbm>>) dst(%dma_wait3A_158 : memref<2048xf32, #tpu.memory_space<vmem>>)
    %dma_start3A_161 = arith.constant 0 : i32
    %dma_start3A_162 = arith.constant 0 : i32
    %dma_start3A_163 = tpu.memref_slice %arg10[%dma_start3A_161, %dma_start3A_162] : memref<2x2048xf32, #tpu.memory_space<vmem>> -> memref<1x2048xf32, #tpu.memory_space<vmem>>
    %dma_start3A_164 = tpu.memref_squeeze %dma_start3A_163 : memref<1x2048xf32, #tpu.memory_space<vmem>> -> memref<2048xf32, #tpu.memory_space<vmem>>
    %dma_start3A_165 = arith.constant 12288 : i32
    %dma_start3A_166 = tpu.memref_slice %arg5[%dma_start3A_165] : memref<16384xf32, #tpu.memory_space<hbm>> -> memref<2048xf32, #tpu.memory_space<hbm>>
    %dma_start3A_167 = arith.constant 0 : i32
    %dma_start3A_168 = tpu.memref_slice %arg10[%dma_start3A_161, %dma_start3A_167] : memref<2x2048xf32, #tpu.memory_space<vmem>> -> memref<1x2048xf32, #tpu.memory_space<vmem>>
    %dma_start3A_169 = tpu.memref_squeeze %dma_start3A_168 : memref<1x2048xf32, #tpu.memory_space<vmem>> -> memref<2048xf32, #tpu.memory_space<vmem>>
    %dma_start3A_170 = arith.constant 12288 : i32
    %dma_start3A_171 = tpu.memref_slice %arg5[%dma_start3A_170] : memref<16384xf32, #tpu.memory_space<hbm>> -> memref<2048xf32, #tpu.memory_space<hbm>>
    tpu.enqueue_dma source(%dma_start3A_171 : memref<2048xf32, #tpu.memory_space<hbm>>) target(%dma_start3A_169 : memref<2048xf32, #tpu.memory_space<vmem>>) target_semaphore(%arg12 : memref<!tpu.dma_semaphore, #tpu.memory_space<semaphore_mem>>)
    %parallel_loop3A_172 = arith.constant 0 : i32
    %parallel_loop3A_173 = arith.constant 128 : i32
    %parallel_loop3A_174 = arith.constant 1 : i32
    scf.for %parallel_loop3A_454 = %parallel_loop3A_172 to %parallel_loop3A_173 step %parallel_loop3A_174  : i32 {
      %parallel_loop3A_455 = arith.constant 16 : i32
      %parallel_loop3A_456 = arith.muli %parallel_loop3A_454, %parallel_loop3A_455 : i32
      %parallel_loop3A_457 = arith.constant 10240 : i32
      %parallel_loop3A_458 = arith.addi %parallel_loop3A_457, %parallel_loop3A_456 : i32
      %parallel_loop3A_459 = arith.constant 16 : i32
      %parallel_loop3A_460 = arith.muli %parallel_loop3A_454, %parallel_loop3A_459 : i32
      %parallel_loop3A_461 = arith.constant 2048 : i32
      %parallel_loop3A_462 = arith.addi %parallel_loop3A_461, %parallel_loop3A_460 : i32
      %parallel_loop3A_463 = arith.index_cast %parallel_loop3A_462 : i32 to index
      %parallel_loop3A_464 = tpu.vector_load %arg9[%parallel_loop3A_463] {strides = array<i32>} : memref<8192xi32, #tpu.memory_space<vmem>>, vector<16xi32>,
      %parallel_loop3A_465 = tpu.vector_load_idx %arg7[%parallel_loop3A_464] : memref<100000xf32, #tpu.memory_space<vmem>>[vector<16xi32>], vector<16xf32>,
      %parallel_loop3A_466 = arith.index_cast %parallel_loop3A_458 : i32 to index
      %parallel_loop3A_467 = tpu.vector_load %arg8[%parallel_loop3A_466] {strides = array<i32>} : memref<16384xf32, #tpu.memory_space<vmem>>, vector<16xf32>,
      %parallel_loop3A_468 = arith.constant 16 : i32
      %parallel_loop3A_469 = arith.muli %parallel_loop3A_454, %parallel_loop3A_468 : i32
      %parallel_loop3A_470 = arith.constant 1 : i32
      %parallel_loop3A_471 = arith.index_cast %parallel_loop3A_470 : i32 to index
      %parallel_loop3A_472 = arith.index_cast %parallel_loop3A_469 : i32 to index
      %parallel_loop3A_473 = tpu.vector_load %arg10[%parallel_loop3A_471, %parallel_loop3A_472] {strides = array<i32>} : memref<2x2048xf32, #tpu.memory_space<vmem>>, vector<16xf32>,
      %parallel_loop3A_474 = arith.mulf %parallel_loop3A_473, %parallel_loop3A_465 : vector<16xf32>
      %parallel_loop3A_475 = arith.addf %parallel_loop3A_467, %parallel_loop3A_474 : vector<16xf32>
      %parallel_loop3A_476 = arith.constant -1.000000e+00 : f32
      %parallel_loop3A_477 = arith.constant 1.000000e+00 : f32
      %parallel_loop3A_478 = vector.broadcast %parallel_loop3A_476 : f32 to vector<16xf32>
      %parallel_loop3A_479 = arith.maximumf %parallel_loop3A_478, %parallel_loop3A_475 : vector<16xf32>
      %parallel_loop3A_480 = vector.broadcast %parallel_loop3A_477 : f32 to vector<16xf32>
      %parallel_loop3A_481 = arith.minimumf %parallel_loop3A_480, %parallel_loop3A_479 : vector<16xf32>
      %parallel_loop3A_482 = arith.index_cast %parallel_loop3A_458 : i32 to index
      %parallel_loop3A_483 = tpu.vector_load %arg8[%parallel_loop3A_482] {strides = array<i32>} : memref<16384xf32, #tpu.memory_space<vmem>>, vector<16xf32>,
      tpu.vector_store %arg8[%parallel_loop3A_482], %parallel_loop3A_481 {strides = array<i32>} : memref<16384xf32, #tpu.memory_space<vmem>>, vector<16xf32>,
    } {sc.loop_unroll_factor = 8 : i64, sc.parallel_access}
    %dma_wait3A_175 = arith.constant 0 : i32
    %dma_wait3A_176 = arith.constant 0 : i32
    %dma_wait3A_177 = tpu.memref_slice %arg10[%dma_wait3A_175, %dma_wait3A_176] : memref<2x2048xf32, #tpu.memory_space<vmem>> -> memref<1x2048xf32, #tpu.memory_space<vmem>>
    %dma_wait3A_178 = tpu.memref_squeeze %dma_wait3A_177 : memref<1x2048xf32, #tpu.memory_space<vmem>> -> memref<2048xf32, #tpu.memory_space<vmem>>
    %dma_wait3A_179 = arith.constant 12288 : i32
    %dma_wait3A_180 = tpu.memref_slice %arg5[%dma_wait3A_179] : memref<16384xf32, #tpu.memory_space<hbm>> -> memref<2048xf32, #tpu.memory_space<hbm>>
    %dma_wait3A_181 = arith.constant 0 : i32
    %dma_wait3A_182 = tpu.memref_slice %arg10[%dma_wait3A_175, %dma_wait3A_181] : memref<2x2048xf32, #tpu.memory_space<vmem>> -> memref<1x2048xf32, #tpu.memory_space<vmem>>
    %dma_wait3A_183 = tpu.memref_squeeze %dma_wait3A_182 : memref<1x2048xf32, #tpu.memory_space<vmem>> -> memref<2048xf32, #tpu.memory_space<vmem>>
    %dma_wait3A_184 = arith.constant 12288 : i32
    %dma_wait3A_185 = tpu.memref_slice %arg5[%dma_wait3A_184] : memref<16384xf32, #tpu.memory_space<hbm>> -> memref<2048xf32, #tpu.memory_space<hbm>>
    tpu.wait_dma2 semaphore(%arg12 : memref<!tpu.dma_semaphore, #tpu.memory_space<semaphore_mem>>) src(%dma_wait3A_185 : memref<2048xf32, #tpu.memory_space<hbm>>) dst(%dma_wait3A_183 : memref<2048xf32, #tpu.memory_space<vmem>>)
    %dma_start3A_186 = arith.constant 1 : i32
    %dma_start3A_187 = arith.constant 0 : i32
    %dma_start3A_188 = tpu.memref_slice %arg10[%dma_start3A_186, %dma_start3A_187] : memref<2x2048xf32, #tpu.memory_space<vmem>> -> memref<1x2048xf32, #tpu.memory_space<vmem>>
    %dma_start3A_189 = tpu.memref_squeeze %dma_start3A_188 : memref<1x2048xf32, #tpu.memory_space<vmem>> -> memref<2048xf32, #tpu.memory_space<vmem>>
    %dma_start3A_190 = arith.constant 14336 : i32
    %dma_start3A_191 = tpu.memref_slice %arg5[%dma_start3A_190] : memref<16384xf32, #tpu.memory_space<hbm>> -> memref<2048xf32, #tpu.memory_space<hbm>>
    %dma_start3A_192 = arith.constant 0 : i32
    %dma_start3A_193 = tpu.memref_slice %arg10[%dma_start3A_186, %dma_start3A_192] : memref<2x2048xf32, #tpu.memory_space<vmem>> -> memref<1x2048xf32, #tpu.memory_space<vmem>>
    %dma_start3A_194 = tpu.memref_squeeze %dma_start3A_193 : memref<1x2048xf32, #tpu.memory_space<vmem>> -> memref<2048xf32, #tpu.memory_space<vmem>>
    %dma_start3A_195 = arith.constant 14336 : i32
    %dma_start3A_196 = tpu.memref_slice %arg5[%dma_start3A_195] : memref<16384xf32, #tpu.memory_space<hbm>> -> memref<2048xf32, #tpu.memory_space<hbm>>
    tpu.enqueue_dma source(%dma_start3A_196 : memref<2048xf32, #tpu.memory_space<hbm>>) target(%dma_start3A_194 : memref<2048xf32, #tpu.memory_space<vmem>>) target_semaphore(%arg12 : memref<!tpu.dma_semaphore, #tpu.memory_space<semaphore_mem>>)
    %parallel_loop3A_197 = arith.constant 0 : i32
    %parallel_loop3A_198 = arith.constant 128 : i32
    %parallel_loop3A_199 = arith.constant 1 : i32
    scf.for %parallel_loop3A_454 = %parallel_loop3A_197 to %parallel_loop3A_198 step %parallel_loop3A_199  : i32 {
      %parallel_loop3A_455 = arith.constant 16 : i32
      %parallel_loop3A_456 = arith.muli %parallel_loop3A_454, %parallel_loop3A_455 : i32
      %parallel_loop3A_457 = arith.constant 12288 : i32
      %parallel_loop3A_458 = arith.addi %parallel_loop3A_457, %parallel_loop3A_456 : i32
      %parallel_loop3A_459 = arith.constant 16 : i32
      %parallel_loop3A_460 = arith.muli %parallel_loop3A_454, %parallel_loop3A_459 : i32
      %parallel_loop3A_461 = arith.constant 4096 : i32
      %parallel_loop3A_462 = arith.addi %parallel_loop3A_461, %parallel_loop3A_460 : i32
      %parallel_loop3A_463 = arith.index_cast %parallel_loop3A_462 : i32 to index
      %parallel_loop3A_464 = tpu.vector_load %arg9[%parallel_loop3A_463] {strides = array<i32>} : memref<8192xi32, #tpu.memory_space<vmem>>, vector<16xi32>,
      %parallel_loop3A_465 = tpu.vector_load_idx %arg7[%parallel_loop3A_464] : memref<100000xf32, #tpu.memory_space<vmem>>[vector<16xi32>], vector<16xf32>,
      %parallel_loop3A_466 = arith.index_cast %parallel_loop3A_458 : i32 to index
      %parallel_loop3A_467 = tpu.vector_load %arg8[%parallel_loop3A_466] {strides = array<i32>} : memref<16384xf32, #tpu.memory_space<vmem>>, vector<16xf32>,
      %parallel_loop3A_468 = arith.constant 16 : i32
      %parallel_loop3A_469 = arith.muli %parallel_loop3A_454, %parallel_loop3A_468 : i32
      %parallel_loop3A_470 = arith.constant 0 : i32
      %parallel_loop3A_471 = arith.index_cast %parallel_loop3A_470 : i32 to index
      %parallel_loop3A_472 = arith.index_cast %parallel_loop3A_469 : i32 to index
      %parallel_loop3A_473 = tpu.vector_load %arg10[%parallel_loop3A_471, %parallel_loop3A_472] {strides = array<i32>} : memref<2x2048xf32, #tpu.memory_space<vmem>>, vector<16xf32>,
      %parallel_loop3A_474 = arith.mulf %parallel_loop3A_473, %parallel_loop3A_465 : vector<16xf32>
      %parallel_loop3A_475 = arith.addf %parallel_loop3A_467, %parallel_loop3A_474 : vector<16xf32>
      %parallel_loop3A_476 = arith.constant -1.000000e+00 : f32
      %parallel_loop3A_477 = arith.constant 1.000000e+00 : f32
      %parallel_loop3A_478 = vector.broadcast %parallel_loop3A_476 : f32 to vector<16xf32>
      %parallel_loop3A_479 = arith.maximumf %parallel_loop3A_478, %parallel_loop3A_475 : vector<16xf32>
      %parallel_loop3A_480 = vector.broadcast %parallel_loop3A_477 : f32 to vector<16xf32>
      %parallel_loop3A_481 = arith.minimumf %parallel_loop3A_480, %parallel_loop3A_479 : vector<16xf32>
      %parallel_loop3A_482 = arith.index_cast %parallel_loop3A_458 : i32 to index
      %parallel_loop3A_483 = tpu.vector_load %arg8[%parallel_loop3A_482] {strides = array<i32>} : memref<16384xf32, #tpu.memory_space<vmem>>, vector<16xf32>,
      tpu.vector_store %arg8[%parallel_loop3A_482], %parallel_loop3A_481 {strides = array<i32>} : memref<16384xf32, #tpu.memory_space<vmem>>, vector<16xf32>,
    } {sc.loop_unroll_factor = 8 : i64, sc.parallel_access}
    %dma_wait3A_200 = arith.constant 1 : i32
    %dma_wait3A_201 = arith.constant 0 : i32
    %dma_wait3A_202 = tpu.memref_slice %arg10[%dma_wait3A_200, %dma_wait3A_201] : memref<2x2048xf32, #tpu.memory_space<vmem>> -> memref<1x2048xf32, #tpu.memory_space<vmem>>
    %dma_wait3A_203 = tpu.memref_squeeze %dma_wait3A_202 : memref<1x2048xf32, #tpu.memory_space<vmem>> -> memref<2048xf32, #tpu.memory_space<vmem>>
    %dma_wait3A_204 = arith.constant 14336 : i32
    %dma_wait3A_205 = tpu.memref_slice %arg5[%dma_wait3A_204] : memref<16384xf32, #tpu.memory_space<hbm>> -> memref<2048xf32, #tpu.memory_space<hbm>>
    %dma_wait3A_206 = arith.constant 0 : i32
    %dma_wait3A_207 = tpu.memref_slice %arg10[%dma_wait3A_200, %dma_wait3A_206] : memref<2x2048xf32, #tpu.memory_space<vmem>> -> memref<1x2048xf32, #tpu.memory_space<vmem>>
    %dma_wait3A_208 = tpu.memref_squeeze %dma_wait3A_207 : memref<1x2048xf32, #tpu.memory_space<vmem>> -> memref<2048xf32, #tpu.memory_space<vmem>>
    %dma_wait3A_209 = arith.constant 14336 : i32
    %dma_wait3A_210 = tpu.memref_slice %arg5[%dma_wait3A_209] : memref<16384xf32, #tpu.memory_space<hbm>> -> memref<2048xf32, #tpu.memory_space<hbm>>
    tpu.wait_dma2 semaphore(%arg12 : memref<!tpu.dma_semaphore, #tpu.memory_space<semaphore_mem>>) src(%dma_wait3A_210 : memref<2048xf32, #tpu.memory_space<hbm>>) dst(%dma_wait3A_208 : memref<2048xf32, #tpu.memory_space<vmem>>)
    %parallel_loop3A_211 = arith.constant 0 : i32
    %parallel_loop3A_212 = arith.constant 128 : i32
    %parallel_loop3A_213 = arith.constant 1 : i32
    scf.for %parallel_loop3A_454 = %parallel_loop3A_211 to %parallel_loop3A_212 step %parallel_loop3A_213  : i32 {
      %parallel_loop3A_455 = arith.constant 16 : i32
      %parallel_loop3A_456 = arith.muli %parallel_loop3A_454, %parallel_loop3A_455 : i32
      %parallel_loop3A_457 = arith.constant 14336 : i32
      %parallel_loop3A_458 = arith.addi %parallel_loop3A_457, %parallel_loop3A_456 : i32
      %parallel_loop3A_459 = arith.constant 16 : i32
      %parallel_loop3A_460 = arith.muli %parallel_loop3A_454, %parallel_loop3A_459 : i32
      %parallel_loop3A_461 = arith.constant 6144 : i32
      %parallel_loop3A_462 = arith.addi %parallel_loop3A_461, %parallel_loop3A_460 : i32
      %parallel_loop3A_463 = arith.index_cast %parallel_loop3A_462 : i32 to index
      %parallel_loop3A_464 = tpu.vector_load %arg9[%parallel_loop3A_463] {strides = array<i32>} : memref<8192xi32, #tpu.memory_space<vmem>>, vector<16xi32>,
      %parallel_loop3A_465 = tpu.vector_load_idx %arg7[%parallel_loop3A_464] : memref<100000xf32, #tpu.memory_space<vmem>>[vector<16xi32>], vector<16xf32>,
      %parallel_loop3A_466 = arith.index_cast %parallel_loop3A_458 : i32 to index
      %parallel_loop3A_467 = tpu.vector_load %arg8[%parallel_loop3A_466] {strides = array<i32>} : memref<16384xf32, #tpu.memory_space<vmem>>, vector<16xf32>,
      %parallel_loop3A_468 = arith.constant 16 : i32
      %parallel_loop3A_469 = arith.muli %parallel_loop3A_454, %parallel_loop3A_468 : i32
      %parallel_loop3A_470 = arith.constant 1 : i32
      %parallel_loop3A_471 = arith.index_cast %parallel_loop3A_470 : i32 to index
      %parallel_loop3A_472 = arith.index_cast %parallel_loop3A_469 : i32 to index
      %parallel_loop3A_473 = tpu.vector_load %arg10[%parallel_loop3A_471, %parallel_loop3A_472] {strides = array<i32>} : memref<2x2048xf32, #tpu.memory_space<vmem>>, vector<16xf32>,
      %parallel_loop3A_474 = arith.mulf %parallel_loop3A_473, %parallel_loop3A_465 : vector<16xf32>
      %parallel_loop3A_475 = arith.addf %parallel_loop3A_467, %parallel_loop3A_474 : vector<16xf32>
      %parallel_loop3A_476 = arith.constant -1.000000e+00 : f32
      %parallel_loop3A_477 = arith.constant 1.000000e+00 : f32
      %parallel_loop3A_478 = vector.broadcast %parallel_loop3A_476 : f32 to vector<16xf32>
      %parallel_loop3A_479 = arith.maximumf %parallel_loop3A_478, %parallel_loop3A_475 : vector<16xf32>
      %parallel_loop3A_480 = vector.broadcast %parallel_loop3A_477 : f32 to vector<16xf32>
      %parallel_loop3A_481 = arith.minimumf %parallel_loop3A_480, %parallel_loop3A_479 : vector<16xf32>
      %parallel_loop3A_482 = arith.index_cast %parallel_loop3A_458 : i32 to index
      %parallel_loop3A_483 = tpu.vector_load %arg8[%parallel_loop3A_482] {strides = array<i32>} : memref<16384xf32, #tpu.memory_space<vmem>>, vector<16xf32>,
      tpu.vector_store %arg8[%parallel_loop3A_482], %parallel_loop3A_481 {strides = array<i32>} : memref<16384xf32, #tpu.memory_space<vmem>>, vector<16xf32>,
    } {sc.loop_unroll_factor = 8 : i64, sc.parallel_access}
    %dma_start3A_214 = arith.constant 0 : i32
    %dma_start3A_215 = tpu.memref_slice %arg6[%add3A_4, %dma_start3A_214] : memref<64x16384xf32, #tpu.memory_space<hbm>> -> memref<1x16384xf32, #tpu.memory_space<hbm>>
    %dma_start3A_216 = tpu.memref_squeeze %dma_start3A_215 : memref<1x16384xf32, #tpu.memory_space<hbm>> -> memref<16384xf32, #tpu.memory_space<hbm>>
    %dma_start3A_217 = arith.constant 0 : i32
    %dma_start3A_218 = tpu.memref_slice %arg6[%add3A_4, %dma_start3A_217] : memref<64x16384xf32, #tpu.memory_space<hbm>> -> memref<1x16384xf32, #tpu.memory_space<hbm>>
    %dma_start3A_219 = tpu.memref_squeeze %dma_start3A_218 : memref<1x16384xf32, #tpu.memory_space<hbm>> -> memref<16384xf32, #tpu.memory_space<hbm>>
    tpu.enqueue_dma source(%arg8 : memref<16384xf32, #tpu.memory_space<vmem>>) target(%dma_start3A_219 : memref<16384xf32, #tpu.memory_space<hbm>>) target_semaphore(%arg11 : memref<!tpu.dma_semaphore, #tpu.memory_space<semaphore_mem>>)
    %mul3A_220 = arith.constant 2 : i32
    %mul3A_221 = arith.muli %add3A, %mul3A_220 : i32
    %add3A_222 = arith.constant 1 : i32
    %add3A_223 = arith.addi %mul3A_221, %add3A_222 : i32
    "tpu.region"() ({
      %run_scoped3A = tpu.sem_alloc : memref<!tpu.dma_semaphore, #tpu.memory_space<semaphore_mem>>
      %dma_start3A_454 = arith.constant 0 : i32
      %dma_start3A_455 = tpu.memref_slice %arg3[%add3A_223, %dma_start3A_454] : memref<64x100000xf32, #tpu.memory_space<hbm>> -> memref<1x100000xf32, #tpu.memory_space<hbm>>
      %dma_start3A_456 = tpu.memref_squeeze %dma_start3A_455 : memref<1x100000xf32, #tpu.memory_space<hbm>> -> memref<100000xf32, #tpu.memory_space<hbm>>
      %dma_start3A_457 = arith.constant 0 : i32
      %dma_start3A_458 = tpu.memref_slice %arg3[%add3A_223, %dma_start3A_457] : memref<64x100000xf32, #tpu.memory_space<hbm>> -> memref<1x100000xf32, #tpu.memory_space<hbm>>
      %dma_start3A_459 = tpu.memref_squeeze %dma_start3A_458 : memref<1x100000xf32, #tpu.memory_space<hbm>> -> memref<100000xf32, #tpu.memory_space<hbm>>
      tpu.enqueue_dma source(%dma_start3A_459 : memref<100000xf32, #tpu.memory_space<hbm>>) target(%arg7 : memref<100000xf32, #tpu.memory_space<vmem>>) target_semaphore(%run_scoped3A : memref<!tpu.dma_semaphore, #tpu.memory_space<semaphore_mem>>)
      %dma_wait3A_460 = arith.constant 0 : i32
      %dma_wait3A_461 = tpu.memref_slice %arg3[%add3A_223, %dma_wait3A_460] : memref<64x100000xf32, #tpu.memory_space<hbm>> -> memref<1x100000xf32, #tpu.memory_space<hbm>>
      %dma_wait3A_462 = tpu.memref_squeeze %dma_wait3A_461 : memref<1x100000xf32, #tpu.memory_space<hbm>> -> memref<100000xf32, #tpu.memory_space<hbm>>
      %dma_wait3A_463 = arith.constant 0 : i32
      %dma_wait3A_464 = tpu.memref_slice %arg3[%add3A_223, %dma_wait3A_463] : memref<64x100000xf32, #tpu.memory_space<hbm>> -> memref<1x100000xf32, #tpu.memory_space<hbm>>
      %dma_wait3A_465 = tpu.memref_squeeze %dma_wait3A_464 : memref<1x100000xf32, #tpu.memory_space<hbm>> -> memref<100000xf32, #tpu.memory_space<hbm>>
      tpu.wait_dma2 semaphore(%run_scoped3A : memref<!tpu.dma_semaphore, #tpu.memory_space<semaphore_mem>>) src(%dma_wait3A_465 : memref<100000xf32, #tpu.memory_space<hbm>>) dst(%arg7 : memref<100000xf32, #tpu.memory_space<vmem>>)
      tpu.yield
    }) : () -> ()
    %dma_wait3A_224 = arith.constant 0 : i32
    %dma_wait3A_225 = tpu.memref_slice %arg6[%add3A_4, %dma_wait3A_224] : memref<64x16384xf32, #tpu.memory_space<hbm>> -> memref<1x16384xf32, #tpu.memory_space<hbm>>
    %dma_wait3A_226 = tpu.memref_squeeze %dma_wait3A_225 : memref<1x16384xf32, #tpu.memory_space<hbm>> -> memref<16384xf32, #tpu.memory_space<hbm>>
    %dma_wait3A_227 = arith.constant 0 : i32
    %dma_wait3A_228 = tpu.memref_slice %arg6[%add3A_4, %dma_wait3A_227] : memref<64x16384xf32, #tpu.memory_space<hbm>> -> memref<1x16384xf32, #tpu.memory_space<hbm>>
    %dma_wait3A_229 = tpu.memref_squeeze %dma_wait3A_228 : memref<1x16384xf32, #tpu.memory_space<hbm>> -> memref<16384xf32, #tpu.memory_space<hbm>>
    tpu.wait_dma2 semaphore(%arg11 : memref<!tpu.dma_semaphore, #tpu.memory_space<semaphore_mem>>) src(%arg8 : memref<16384xf32, #tpu.memory_space<vmem>>) dst(%dma_wait3A_229 : memref<16384xf32, #tpu.memory_space<hbm>>)
    "tpu.region"() ({
      %run_scoped3A = tpu.sem_alloc : memref<!tpu.dma_semaphore, #tpu.memory_space<semaphore_mem>>
      %dma_start3A_454 = arith.constant 0 : i32
      %dma_start3A_455 = tpu.memref_slice %arg2[%dma_start3A_454] : memref<16384xi32, #tpu.memory_space<hbm>> -> memref<8192xi32, #tpu.memory_space<hbm>>
      %dma_start3A_456 = arith.constant 0 : i32
      %dma_start3A_457 = tpu.memref_slice %arg2[%dma_start3A_456] : memref<16384xi32, #tpu.memory_space<hbm>> -> memref<8192xi32, #tpu.memory_space<hbm>>
      tpu.enqueue_dma source(%dma_start3A_457 : memref<8192xi32, #tpu.memory_space<hbm>>) target(%arg9 : memref<8192xi32, #tpu.memory_space<vmem>>) target_semaphore(%run_scoped3A : memref<!tpu.dma_semaphore, #tpu.memory_space<semaphore_mem>>)
      %dma_wait3A_458 = arith.constant 0 : i32
      %dma_wait3A_459 = tpu.memref_slice %arg2[%dma_wait3A_458] : memref<16384xi32, #tpu.memory_space<hbm>> -> memref<8192xi32, #tpu.memory_space<hbm>>
      %dma_wait3A_460 = arith.constant 0 : i32
      %dma_wait3A_461 = tpu.memref_slice %arg2[%dma_wait3A_460] : memref<16384xi32, #tpu.memory_space<hbm>> -> memref<8192xi32, #tpu.memory_space<hbm>>
      tpu.wait_dma2 semaphore(%run_scoped3A : memref<!tpu.dma_semaphore, #tpu.memory_space<semaphore_mem>>) src(%dma_wait3A_461 : memref<8192xi32, #tpu.memory_space<hbm>>) dst(%arg9 : memref<8192xi32, #tpu.memory_space<vmem>>)
      tpu.yield
    }) : () -> ()
    %parallel_loop3A_230 = arith.constant 0 : i32
    %parallel_loop3A_231 = arith.constant 256 : i32
    %parallel_loop3A_232 = arith.constant 1 : i32
    scf.for %parallel_loop3A_454 = %parallel_loop3A_230 to %parallel_loop3A_231 step %parallel_loop3A_232  : i32 {
      %parallel_loop3A_455 = arith.constant 16 : i32
      %parallel_loop3A_456 = arith.muli %parallel_loop3A_454, %parallel_loop3A_455 : i32
      %parallel_loop3A_457 = arith.constant 0 : i32
      %parallel_loop3A_458 = arith.addi %parallel_loop3A_457, %parallel_loop3A_456 : i32
      %parallel_loop3A_459 = arith.index_cast %parallel_loop3A_458 : i32 to index
      %parallel_loop3A_460 = tpu.vector_load %arg9[%parallel_loop3A_459] {strides = array<i32>} : memref<8192xi32, #tpu.memory_space<vmem>>, vector<16xi32>,
      %parallel_loop3A_461 = tpu.vector_load_idx %arg7[%parallel_loop3A_460] : memref<100000xf32, #tpu.memory_space<vmem>>[vector<16xi32>], vector<16xf32>,
      %parallel_loop3A_462 = arith.constant 16 : i32
      %parallel_loop3A_463 = arith.muli %parallel_loop3A_454, %parallel_loop3A_462 : i32
      %parallel_loop3A_464 = arith.constant 0 : i32
      %parallel_loop3A_465 = arith.addi %parallel_loop3A_464, %parallel_loop3A_463 : i32
      %parallel_loop3A_466 = arith.index_cast %parallel_loop3A_465 : i32 to index
      %parallel_loop3A_467 = tpu.vector_load %arg8[%parallel_loop3A_466] {strides = array<i32>} : memref<16384xf32, #tpu.memory_space<vmem>>, vector<16xf32>,
      tpu.vector_store %arg8[%parallel_loop3A_466], %parallel_loop3A_461 {strides = array<i32>} : memref<16384xf32, #tpu.memory_space<vmem>>, vector<16xf32>,
    } {sc.loop_unroll_factor = 8 : i64, sc.parallel_access}
    %parallel_loop3A_233 = arith.constant 0 : i32
    %parallel_loop3A_234 = arith.constant 256 : i32
    %parallel_loop3A_235 = arith.constant 1 : i32
    scf.for %parallel_loop3A_454 = %parallel_loop3A_233 to %parallel_loop3A_234 step %parallel_loop3A_235  : i32 {
      %parallel_loop3A_455 = arith.constant 16 : i32
      %parallel_loop3A_456 = arith.muli %parallel_loop3A_454, %parallel_loop3A_455 : i32
      %parallel_loop3A_457 = arith.constant 4096 : i32
      %parallel_loop3A_458 = arith.addi %parallel_loop3A_457, %parallel_loop3A_456 : i32
      %parallel_loop3A_459 = arith.index_cast %parallel_loop3A_458 : i32 to index
      %parallel_loop3A_460 = tpu.vector_load %arg9[%parallel_loop3A_459] {strides = array<i32>} : memref<8192xi32, #tpu.memory_space<vmem>>, vector<16xi32>,
      %parallel_loop3A_461 = tpu.vector_load_idx %arg7[%parallel_loop3A_460] : memref<100000xf32, #tpu.memory_space<vmem>>[vector<16xi32>], vector<16xf32>,
      %parallel_loop3A_462 = arith.constant 16 : i32
      %parallel_loop3A_463 = arith.muli %parallel_loop3A_454, %parallel_loop3A_462 : i32
      %parallel_loop3A_464 = arith.constant 4096 : i32
      %parallel_loop3A_465 = arith.addi %parallel_loop3A_464, %parallel_loop3A_463 : i32
      %parallel_loop3A_466 = arith.index_cast %parallel_loop3A_465 : i32 to index
      %parallel_loop3A_467 = tpu.vector_load %arg8[%parallel_loop3A_466] {strides = array<i32>} : memref<16384xf32, #tpu.memory_space<vmem>>, vector<16xf32>,
      tpu.vector_store %arg8[%parallel_loop3A_466], %parallel_loop3A_461 {strides = array<i32>} : memref<16384xf32, #tpu.memory_space<vmem>>, vector<16xf32>,
    } {sc.loop_unroll_factor = 8 : i64, sc.parallel_access}
    "tpu.region"() ({
      %run_scoped3A = tpu.sem_alloc : memref<!tpu.dma_semaphore, #tpu.memory_space<semaphore_mem>>
      %dma_start3A_454 = arith.constant 8192 : i32
      %dma_start3A_455 = tpu.memref_slice %arg2[%dma_start3A_454] : memref<16384xi32, #tpu.memory_space<hbm>> -> memref<8192xi32, #tpu.memory_space<hbm>>
      %dma_start3A_456 = arith.constant 8192 : i32
      %dma_start3A_457 = tpu.memref_slice %arg2[%dma_start3A_456] : memref<16384xi32, #tpu.memory_space<hbm>> -> memref<8192xi32, #tpu.memory_space<hbm>>
      tpu.enqueue_dma source(%dma_start3A_457 : memref<8192xi32, #tpu.memory_space<hbm>>) target(%arg9 : memref<8192xi32, #tpu.memory_space<vmem>>) target_semaphore(%run_scoped3A : memref<!tpu.dma_semaphore, #tpu.memory_space<semaphore_mem>>)
      %dma_wait3A_458 = arith.constant 8192 : i32
      %dma_wait3A_459 = tpu.memref_slice %arg2[%dma_wait3A_458] : memref<16384xi32, #tpu.memory_space<hbm>> -> memref<8192xi32, #tpu.memory_space<hbm>>
      %dma_wait3A_460 = arith.constant 8192 : i32
      %dma_wait3A_461 = tpu.memref_slice %arg2[%dma_wait3A_460] : memref<16384xi32, #tpu.memory_space<hbm>> -> memref<8192xi32, #tpu.memory_space<hbm>>
      tpu.wait_dma2 semaphore(%run_scoped3A : memref<!tpu.dma_semaphore, #tpu.memory_space<semaphore_mem>>) src(%dma_wait3A_461 : memref<8192xi32, #tpu.memory_space<hbm>>) dst(%arg9 : memref<8192xi32, #tpu.memory_space<vmem>>)
      tpu.yield
    }) : () -> ()
    %parallel_loop3A_236 = arith.constant 0 : i32
    %parallel_loop3A_237 = arith.constant 256 : i32
    %parallel_loop3A_238 = arith.constant 1 : i32
    scf.for %parallel_loop3A_454 = %parallel_loop3A_236 to %parallel_loop3A_237 step %parallel_loop3A_238  : i32 {
      %parallel_loop3A_455 = arith.constant 16 : i32
      %parallel_loop3A_456 = arith.muli %parallel_loop3A_454, %parallel_loop3A_455 : i32
      %parallel_loop3A_457 = arith.constant 0 : i32
      %parallel_loop3A_458 = arith.addi %parallel_loop3A_457, %parallel_loop3A_456 : i32
      %parallel_loop3A_459 = arith.index_cast %parallel_loop3A_458 : i32 to index
      %parallel_loop3A_460 = tpu.vector_load %arg9[%parallel_loop3A_459] {strides = array<i32>} : memref<8192xi32, #tpu.memory_space<vmem>>, vector<16xi32>,
      %parallel_loop3A_461 = tpu.vector_load_idx %arg7[%parallel_loop3A_460] : memref<100000xf32, #tpu.memory_space<vmem>>[vector<16xi32>], vector<16xf32>,
      %parallel_loop3A_462 = arith.constant 16 : i32
      %parallel_loop3A_463 = arith.muli %parallel_loop3A_454, %parallel_loop3A_462 : i32
      %parallel_loop3A_464 = arith.constant 8192 : i32
      %parallel_loop3A_465 = arith.addi %parallel_loop3A_464, %parallel_loop3A_463 : i32
      %parallel_loop3A_466 = arith.index_cast %parallel_loop3A_465 : i32 to index
      %parallel_loop3A_467 = tpu.vector_load %arg8[%parallel_loop3A_466] {strides = array<i32>} : memref<16384xf32, #tpu.memory_space<vmem>>, vector<16xf32>,
      tpu.vector_store %arg8[%parallel_loop3A_466], %parallel_loop3A_461 {strides = array<i32>} : memref<16384xf32, #tpu.memory_space<vmem>>, vector<16xf32>,
    } {sc.loop_unroll_factor = 8 : i64, sc.parallel_access}
    %parallel_loop3A_239 = arith.constant 0 : i32
    %parallel_loop3A_240 = arith.constant 256 : i32
    %parallel_loop3A_241 = arith.constant 1 : i32
    scf.for %parallel_loop3A_454 = %parallel_loop3A_239 to %parallel_loop3A_240 step %parallel_loop3A_241  : i32 {
      %parallel_loop3A_455 = arith.constant 16 : i32
      %parallel_loop3A_456 = arith.muli %parallel_loop3A_454, %parallel_loop3A_455 : i32
      %parallel_loop3A_457 = arith.constant 4096 : i32
      %parallel_loop3A_458 = arith.addi %parallel_loop3A_457, %parallel_loop3A_456 : i32
      %parallel_loop3A_459 = arith.index_cast %parallel_loop3A_458 : i32 to index
      %parallel_loop3A_460 = tpu.vector_load %arg9[%parallel_loop3A_459] {strides = array<i32>} : memref<8192xi32, #tpu.memory_space<vmem>>, vector<16xi32>,
      %parallel_loop3A_461 = tpu.vector_load_idx %arg7[%parallel_loop3A_460] : memref<100000xf32, #tpu.memory_space<vmem>>[vector<16xi32>], vector<16xf32>,
      %parallel_loop3A_462 = arith.constant 16 : i32
      %parallel_loop3A_463 = arith.muli %parallel_loop3A_454, %parallel_loop3A_462 : i32
      %parallel_loop3A_464 = arith.constant 12288 : i32
      %parallel_loop3A_465 = arith.addi %parallel_loop3A_464, %parallel_loop3A_463 : i32
      %parallel_loop3A_466 = arith.index_cast %parallel_loop3A_465 : i32 to index
      %parallel_loop3A_467 = tpu.vector_load %arg8[%parallel_loop3A_466] {strides = array<i32>} : memref<16384xf32, #tpu.memory_space<vmem>>, vector<16xf32>,
      tpu.vector_store %arg8[%parallel_loop3A_466], %parallel_loop3A_461 {strides = array<i32>} : memref<16384xf32, #tpu.memory_space<vmem>>, vector<16xf32>,
    } {sc.loop_unroll_factor = 8 : i64, sc.parallel_access}
    "tpu.region"() ({
      %run_scoped3A = tpu.sem_alloc : memref<!tpu.dma_semaphore, #tpu.memory_space<semaphore_mem>>
      %dma_start3A_454 = arith.constant 0 : i32
      %dma_start3A_455 = tpu.memref_slice %arg4[%add3A_223, %dma_start3A_454] : memref<64x100000xf32, #tpu.memory_space<hbm>> -> memref<1x100000xf32, #tpu.memory_space<hbm>>
      %dma_start3A_456 = tpu.memref_squeeze %dma_start3A_455 : memref<1x100000xf32, #tpu.memory_space<hbm>> -> memref<100000xf32, #tpu.memory_space<hbm>>
      %dma_start3A_457 = arith.constant 0 : i32
      %dma_start3A_458 = tpu.memref_slice %arg4[%add3A_223, %dma_start3A_457] : memref<64x100000xf32, #tpu.memory_space<hbm>> -> memref<1x100000xf32, #tpu.memory_space<hbm>>
      %dma_start3A_459 = tpu.memref_squeeze %dma_start3A_458 : memref<1x100000xf32, #tpu.memory_space<hbm>> -> memref<100000xf32, #tpu.memory_space<hbm>>
      tpu.enqueue_dma source(%dma_start3A_459 : memref<100000xf32, #tpu.memory_space<hbm>>) target(%arg7 : memref<100000xf32, #tpu.memory_space<vmem>>) target_semaphore(%run_scoped3A : memref<!tpu.dma_semaphore, #tpu.memory_space<semaphore_mem>>)
      %dma_wait3A_460 = arith.constant 0 : i32
      %dma_wait3A_461 = tpu.memref_slice %arg4[%add3A_223, %dma_wait3A_460] : memref<64x100000xf32, #tpu.memory_space<hbm>> -> memref<1x100000xf32, #tpu.memory_space<hbm>>
      %dma_wait3A_462 = tpu.memref_squeeze %dma_wait3A_461 : memref<1x100000xf32, #tpu.memory_space<hbm>> -> memref<100000xf32, #tpu.memory_space<hbm>>
      %dma_wait3A_463 = arith.constant 0 : i32
      %dma_wait3A_464 = tpu.memref_slice %arg4[%add3A_223, %dma_wait3A_463] : memref<64x100000xf32, #tpu.memory_space<hbm>> -> memref<1x100000xf32, #tpu.memory_space<hbm>>
      %dma_wait3A_465 = tpu.memref_squeeze %dma_wait3A_464 : memref<1x100000xf32, #tpu.memory_space<hbm>> -> memref<100000xf32, #tpu.memory_space<hbm>>
      tpu.wait_dma2 semaphore(%run_scoped3A : memref<!tpu.dma_semaphore, #tpu.memory_space<semaphore_mem>>) src(%dma_wait3A_465 : memref<100000xf32, #tpu.memory_space<hbm>>) dst(%arg7 : memref<100000xf32, #tpu.memory_space<vmem>>)
      tpu.yield
    }) : () -> ()
    %dma_start3A_242 = arith.constant 0 : i32
    %dma_start3A_243 = arith.constant 0 : i32
    %dma_start3A_244 = tpu.memref_slice %arg10[%dma_start3A_242, %dma_start3A_243] : memref<2x2048xf32, #tpu.memory_space<vmem>> -> memref<1x2048xf32, #tpu.memory_space<vmem>>
    %dma_start3A_245 = tpu.memref_squeeze %dma_start3A_244 : memref<1x2048xf32, #tpu.memory_space<vmem>> -> memref<2048xf32, #tpu.memory_space<vmem>>
    %dma_start3A_246 = arith.constant 0 : i32
    %dma_start3A_247 = tpu.memref_slice %arg5[%dma_start3A_246] : memref<16384xf32, #tpu.memory_space<hbm>> -> memref<2048xf32, #tpu.memory_space<hbm>>
    %dma_start3A_248 = arith.constant 0 : i32
    %dma_start3A_249 = tpu.memref_slice %arg10[%dma_start3A_242, %dma_start3A_248] : memref<2x2048xf32, #tpu.memory_space<vmem>> -> memref<1x2048xf32, #tpu.memory_space<vmem>>
    %dma_start3A_250 = tpu.memref_squeeze %dma_start3A_249 : memref<1x2048xf32, #tpu.memory_space<vmem>> -> memref<2048xf32, #tpu.memory_space<vmem>>
    %dma_start3A_251 = arith.constant 0 : i32
    %dma_start3A_252 = tpu.memref_slice %arg5[%dma_start3A_251] : memref<16384xf32, #tpu.memory_space<hbm>> -> memref<2048xf32, #tpu.memory_space<hbm>>
    tpu.enqueue_dma source(%dma_start3A_252 : memref<2048xf32, #tpu.memory_space<hbm>>) target(%dma_start3A_250 : memref<2048xf32, #tpu.memory_space<vmem>>) target_semaphore(%arg12 : memref<!tpu.dma_semaphore, #tpu.memory_space<semaphore_mem>>)
    %dma_wait3A_253 = arith.constant 0 : i32
    %dma_wait3A_254 = arith.constant 0 : i32
    %dma_wait3A_255 = tpu.memref_slice %arg10[%dma_wait3A_253, %dma_wait3A_254] : memref<2x2048xf32, #tpu.memory_space<vmem>> -> memref<1x2048xf32, #tpu.memory_space<vmem>>
    %dma_wait3A_256 = tpu.memref_squeeze %dma_wait3A_255 : memref<1x2048xf32, #tpu.memory_space<vmem>> -> memref<2048xf32, #tpu.memory_space<vmem>>
    %dma_wait3A_257 = arith.constant 0 : i32
    %dma_wait3A_258 = tpu.memref_slice %arg5[%dma_wait3A_257] : memref<16384xf32, #tpu.memory_space<hbm>> -> memref<2048xf32, #tpu.memory_space<hbm>>
    %dma_wait3A_259 = arith.constant 0 : i32
    %dma_wait3A_260 = tpu.memref_slice %arg10[%dma_wait3A_253, %dma_wait3A_259] : memref<2x2048xf32, #tpu.memory_space<vmem>> -> memref<1x2048xf32, #tpu.memory_space<vmem>>
    %dma_wait3A_261 = tpu.memref_squeeze %dma_wait3A_260 : memref<1x2048xf32, #tpu.memory_space<vmem>> -> memref<2048xf32, #tpu.memory_space<vmem>>
    %dma_wait3A_262 = arith.constant 0 : i32
    %dma_wait3A_263 = tpu.memref_slice %arg5[%dma_wait3A_262] : memref<16384xf32, #tpu.memory_space<hbm>> -> memref<2048xf32, #tpu.memory_space<hbm>>
    tpu.wait_dma2 semaphore(%arg12 : memref<!tpu.dma_semaphore, #tpu.memory_space<semaphore_mem>>) src(%dma_wait3A_263 : memref<2048xf32, #tpu.memory_space<hbm>>) dst(%dma_wait3A_261 : memref<2048xf32, #tpu.memory_space<vmem>>)
    %dma_start3A_264 = arith.constant 1 : i32
    %dma_start3A_265 = arith.constant 0 : i32
    %dma_start3A_266 = tpu.memref_slice %arg10[%dma_start3A_264, %dma_start3A_265] : memref<2x2048xf32, #tpu.memory_space<vmem>> -> memref<1x2048xf32, #tpu.memory_space<vmem>>
    %dma_start3A_267 = tpu.memref_squeeze %dma_start3A_266 : memref<1x2048xf32, #tpu.memory_space<vmem>> -> memref<2048xf32, #tpu.memory_space<vmem>>
    %dma_start3A_268 = arith.constant 2048 : i32
    %dma_start3A_269 = tpu.memref_slice %arg5[%dma_start3A_268] : memref<16384xf32, #tpu.memory_space<hbm>> -> memref<2048xf32, #tpu.memory_space<hbm>>
    %dma_start3A_270 = arith.constant 0 : i32
    %dma_start3A_271 = tpu.memref_slice %arg10[%dma_start3A_264, %dma_start3A_270] : memref<2x2048xf32, #tpu.memory_space<vmem>> -> memref<1x2048xf32, #tpu.memory_space<vmem>>
    %dma_start3A_272 = tpu.memref_squeeze %dma_start3A_271 : memref<1x2048xf32, #tpu.memory_space<vmem>> -> memref<2048xf32, #tpu.memory_space<vmem>>
    %dma_start3A_273 = arith.constant 2048 : i32
    %dma_start3A_274 = tpu.memref_slice %arg5[%dma_start3A_273] : memref<16384xf32, #tpu.memory_space<hbm>> -> memref<2048xf32, #tpu.memory_space<hbm>>
    tpu.enqueue_dma source(%dma_start3A_274 : memref<2048xf32, #tpu.memory_space<hbm>>) target(%dma_start3A_272 : memref<2048xf32, #tpu.memory_space<vmem>>) target_semaphore(%arg12 : memref<!tpu.dma_semaphore, #tpu.memory_space<semaphore_mem>>)
    "tpu.region"() ({
      %run_scoped3A = tpu.sem_alloc : memref<!tpu.dma_semaphore, #tpu.memory_space<semaphore_mem>>
      %dma_start3A_454 = arith.constant 0 : i32
      %dma_start3A_455 = tpu.memref_slice %arg2[%dma_start3A_454] : memref<16384xi32, #tpu.memory_space<hbm>> -> memref<8192xi32, #tpu.memory_space<hbm>>
      %dma_start3A_456 = arith.constant 0 : i32
      %dma_start3A_457 = tpu.memref_slice %arg2[%dma_start3A_456] : memref<16384xi32, #tpu.memory_space<hbm>> -> memref<8192xi32, #tpu.memory_space<hbm>>
      tpu.enqueue_dma source(%dma_start3A_457 : memref<8192xi32, #tpu.memory_space<hbm>>) target(%arg9 : memref<8192xi32, #tpu.memory_space<vmem>>) target_semaphore(%run_scoped3A : memref<!tpu.dma_semaphore, #tpu.memory_space<semaphore_mem>>)
      %dma_wait3A_458 = arith.constant 0 : i32
      %dma_wait3A_459 = tpu.memref_slice %arg2[%dma_wait3A_458] : memref<16384xi32, #tpu.memory_space<hbm>> -> memref<8192xi32, #tpu.memory_space<hbm>>
      %dma_wait3A_460 = arith.constant 0 : i32
      %dma_wait3A_461 = tpu.memref_slice %arg2[%dma_wait3A_460] : memref<16384xi32, #tpu.memory_space<hbm>> -> memref<8192xi32, #tpu.memory_space<hbm>>
      tpu.wait_dma2 semaphore(%run_scoped3A : memref<!tpu.dma_semaphore, #tpu.memory_space<semaphore_mem>>) src(%dma_wait3A_461 : memref<8192xi32, #tpu.memory_space<hbm>>) dst(%arg9 : memref<8192xi32, #tpu.memory_space<vmem>>)
      tpu.yield
    }) : () -> ()
    %parallel_loop3A_275 = arith.constant 0 : i32
    %parallel_loop3A_276 = arith.constant 128 : i32
    %parallel_loop3A_277 = arith.constant 1 : i32
    scf.for %parallel_loop3A_454 = %parallel_loop3A_275 to %parallel_loop3A_276 step %parallel_loop3A_277  : i32 {
      %parallel_loop3A_455 = arith.constant 16 : i32
      %parallel_loop3A_456 = arith.muli %parallel_loop3A_454, %parallel_loop3A_455 : i32
      %parallel_loop3A_457 = arith.constant 0 : i32
      %parallel_loop3A_458 = arith.addi %parallel_loop3A_457, %parallel_loop3A_456 : i32
      %parallel_loop3A_459 = arith.constant 16 : i32
      %parallel_loop3A_460 = arith.muli %parallel_loop3A_454, %parallel_loop3A_459 : i32
      %parallel_loop3A_461 = arith.constant 0 : i32
      %parallel_loop3A_462 = arith.addi %parallel_loop3A_461, %parallel_loop3A_460 : i32
      %parallel_loop3A_463 = arith.index_cast %parallel_loop3A_462 : i32 to index
      %parallel_loop3A_464 = tpu.vector_load %arg9[%parallel_loop3A_463] {strides = array<i32>} : memref<8192xi32, #tpu.memory_space<vmem>>, vector<16xi32>,
      %parallel_loop3A_465 = tpu.vector_load_idx %arg7[%parallel_loop3A_464] : memref<100000xf32, #tpu.memory_space<vmem>>[vector<16xi32>], vector<16xf32>,
      %parallel_loop3A_466 = arith.index_cast %parallel_loop3A_458 : i32 to index
      %parallel_loop3A_467 = tpu.vector_load %arg8[%parallel_loop3A_466] {strides = array<i32>} : memref<16384xf32, #tpu.memory_space<vmem>>, vector<16xf32>,
      %parallel_loop3A_468 = arith.constant 16 : i32
      %parallel_loop3A_469 = arith.muli %parallel_loop3A_454, %parallel_loop3A_468 : i32
      %parallel_loop3A_470 = arith.constant 0 : i32
      %parallel_loop3A_471 = arith.index_cast %parallel_loop3A_470 : i32 to index
      %parallel_loop3A_472 = arith.index_cast %parallel_loop3A_469 : i32 to index
      %parallel_loop3A_473 = tpu.vector_load %arg10[%parallel_loop3A_471, %parallel_loop3A_472] {strides = array<i32>} : memref<2x2048xf32, #tpu.memory_space<vmem>>, vector<16xf32>,
      %parallel_loop3A_474 = arith.mulf %parallel_loop3A_473, %parallel_loop3A_465 : vector<16xf32>
      %parallel_loop3A_475 = arith.addf %parallel_loop3A_467, %parallel_loop3A_474 : vector<16xf32>
      %parallel_loop3A_476 = arith.constant -1.000000e+00 : f32
      %parallel_loop3A_477 = arith.constant 1.000000e+00 : f32
      %parallel_loop3A_478 = vector.broadcast %parallel_loop3A_476 : f32 to vector<16xf32>
      %parallel_loop3A_479 = arith.maximumf %parallel_loop3A_478, %parallel_loop3A_475 : vector<16xf32>
      %parallel_loop3A_480 = vector.broadcast %parallel_loop3A_477 : f32 to vector<16xf32>
      %parallel_loop3A_481 = arith.minimumf %parallel_loop3A_480, %parallel_loop3A_479 : vector<16xf32>
      %parallel_loop3A_482 = arith.index_cast %parallel_loop3A_458 : i32 to index
      %parallel_loop3A_483 = tpu.vector_load %arg8[%parallel_loop3A_482] {strides = array<i32>} : memref<16384xf32, #tpu.memory_space<vmem>>, vector<16xf32>,
      tpu.vector_store %arg8[%parallel_loop3A_482], %parallel_loop3A_481 {strides = array<i32>} : memref<16384xf32, #tpu.memory_space<vmem>>, vector<16xf32>,
    } {sc.loop_unroll_factor = 8 : i64, sc.parallel_access}
    %dma_wait3A_278 = arith.constant 1 : i32
    %dma_wait3A_279 = arith.constant 0 : i32
    %dma_wait3A_280 = tpu.memref_slice %arg10[%dma_wait3A_278, %dma_wait3A_279] : memref<2x2048xf32, #tpu.memory_space<vmem>> -> memref<1x2048xf32, #tpu.memory_space<vmem>>
    %dma_wait3A_281 = tpu.memref_squeeze %dma_wait3A_280 : memref<1x2048xf32, #tpu.memory_space<vmem>> -> memref<2048xf32, #tpu.memory_space<vmem>>
    %dma_wait3A_282 = arith.constant 2048 : i32
    %dma_wait3A_283 = tpu.memref_slice %arg5[%dma_wait3A_282] : memref<16384xf32, #tpu.memory_space<hbm>> -> memref<2048xf32, #tpu.memory_space<hbm>>
    %dma_wait3A_284 = arith.constant 0 : i32
    %dma_wait3A_285 = tpu.memref_slice %arg10[%dma_wait3A_278, %dma_wait3A_284] : memref<2x2048xf32, #tpu.memory_space<vmem>> -> memref<1x2048xf32, #tpu.memory_space<vmem>>
    %dma_wait3A_286 = tpu.memref_squeeze %dma_wait3A_285 : memref<1x2048xf32, #tpu.memory_space<vmem>> -> memref<2048xf32, #tpu.memory_space<vmem>>
    %dma_wait3A_287 = arith.constant 2048 : i32
    %dma_wait3A_288 = tpu.memref_slice %arg5[%dma_wait3A_287] : memref<16384xf32, #tpu.memory_space<hbm>> -> memref<2048xf32, #tpu.memory_space<hbm>>
    tpu.wait_dma2 semaphore(%arg12 : memref<!tpu.dma_semaphore, #tpu.memory_space<semaphore_mem>>) src(%dma_wait3A_288 : memref<2048xf32, #tpu.memory_space<hbm>>) dst(%dma_wait3A_286 : memref<2048xf32, #tpu.memory_space<vmem>>)
    %dma_start3A_289 = arith.constant 0 : i32
    %dma_start3A_290 = arith.constant 0 : i32
    %dma_start3A_291 = tpu.memref_slice %arg10[%dma_start3A_289, %dma_start3A_290] : memref<2x2048xf32, #tpu.memory_space<vmem>> -> memref<1x2048xf32, #tpu.memory_space<vmem>>
    %dma_start3A_292 = tpu.memref_squeeze %dma_start3A_291 : memref<1x2048xf32, #tpu.memory_space<vmem>> -> memref<2048xf32, #tpu.memory_space<vmem>>
    %dma_start3A_293 = arith.constant 4096 : i32
    %dma_start3A_294 = tpu.memref_slice %arg5[%dma_start3A_293] : memref<16384xf32, #tpu.memory_space<hbm>> -> memref<2048xf32, #tpu.memory_space<hbm>>
    %dma_start3A_295 = arith.constant 0 : i32
    %dma_start3A_296 = tpu.memref_slice %arg10[%dma_start3A_289, %dma_start3A_295] : memref<2x2048xf32, #tpu.memory_space<vmem>> -> memref<1x2048xf32, #tpu.memory_space<vmem>>
    %dma_start3A_297 = tpu.memref_squeeze %dma_start3A_296 : memref<1x2048xf32, #tpu.memory_space<vmem>> -> memref<2048xf32, #tpu.memory_space<vmem>>
    %dma_start3A_298 = arith.constant 4096 : i32
    %dma_start3A_299 = tpu.memref_slice %arg5[%dma_start3A_298] : memref<16384xf32, #tpu.memory_space<hbm>> -> memref<2048xf32, #tpu.memory_space<hbm>>
    tpu.enqueue_dma source(%dma_start3A_299 : memref<2048xf32, #tpu.memory_space<hbm>>) target(%dma_start3A_297 : memref<2048xf32, #tpu.memory_space<vmem>>) target_semaphore(%arg12 : memref<!tpu.dma_semaphore, #tpu.memory_space<semaphore_mem>>)
    %parallel_loop3A_300 = arith.constant 0 : i32
    %parallel_loop3A_301 = arith.constant 128 : i32
    %parallel_loop3A_302 = arith.constant 1 : i32
    scf.for %parallel_loop3A_454 = %parallel_loop3A_300 to %parallel_loop3A_301 step %parallel_loop3A_302  : i32 {
      %parallel_loop3A_455 = arith.constant 16 : i32
      %parallel_loop3A_456 = arith.muli %parallel_loop3A_454, %parallel_loop3A_455 : i32
      %parallel_loop3A_457 = arith.constant 2048 : i32
      %parallel_loop3A_458 = arith.addi %parallel_loop3A_457, %parallel_loop3A_456 : i32
      %parallel_loop3A_459 = arith.constant 16 : i32
      %parallel_loop3A_460 = arith.muli %parallel_loop3A_454, %parallel_loop3A_459 : i32
      %parallel_loop3A_461 = arith.constant 2048 : i32
      %parallel_loop3A_462 = arith.addi %parallel_loop3A_461, %parallel_loop3A_460 : i32
      %parallel_loop3A_463 = arith.index_cast %parallel_loop3A_462 : i32 to index
      %parallel_loop3A_464 = tpu.vector_load %arg9[%parallel_loop3A_463] {strides = array<i32>} : memref<8192xi32, #tpu.memory_space<vmem>>, vector<16xi32>,
      %parallel_loop3A_465 = tpu.vector_load_idx %arg7[%parallel_loop3A_464] : memref<100000xf32, #tpu.memory_space<vmem>>[vector<16xi32>], vector<16xf32>,
      %parallel_loop3A_466 = arith.index_cast %parallel_loop3A_458 : i32 to index
      %parallel_loop3A_467 = tpu.vector_load %arg8[%parallel_loop3A_466] {strides = array<i32>} : memref<16384xf32, #tpu.memory_space<vmem>>, vector<16xf32>,
      %parallel_loop3A_468 = arith.constant 16 : i32
      %parallel_loop3A_469 = arith.muli %parallel_loop3A_454, %parallel_loop3A_468 : i32
      %parallel_loop3A_470 = arith.constant 1 : i32
      %parallel_loop3A_471 = arith.index_cast %parallel_loop3A_470 : i32 to index
      %parallel_loop3A_472 = arith.index_cast %parallel_loop3A_469 : i32 to index
      %parallel_loop3A_473 = tpu.vector_load %arg10[%parallel_loop3A_471, %parallel_loop3A_472] {strides = array<i32>} : memref<2x2048xf32, #tpu.memory_space<vmem>>, vector<16xf32>,
      %parallel_loop3A_474 = arith.mulf %parallel_loop3A_473, %parallel_loop3A_465 : vector<16xf32>
      %parallel_loop3A_475 = arith.addf %parallel_loop3A_467, %parallel_loop3A_474 : vector<16xf32>
      %parallel_loop3A_476 = arith.constant -1.000000e+00 : f32
      %parallel_loop3A_477 = arith.constant 1.000000e+00 : f32
      %parallel_loop3A_478 = vector.broadcast %parallel_loop3A_476 : f32 to vector<16xf32>
      %parallel_loop3A_479 = arith.maximumf %parallel_loop3A_478, %parallel_loop3A_475 : vector<16xf32>
      %parallel_loop3A_480 = vector.broadcast %parallel_loop3A_477 : f32 to vector<16xf32>
      %parallel_loop3A_481 = arith.minimumf %parallel_loop3A_480, %parallel_loop3A_479 : vector<16xf32>
      %parallel_loop3A_482 = arith.index_cast %parallel_loop3A_458 : i32 to index
      %parallel_loop3A_483 = tpu.vector_load %arg8[%parallel_loop3A_482] {strides = array<i32>} : memref<16384xf32, #tpu.memory_space<vmem>>, vector<16xf32>,
      tpu.vector_store %arg8[%parallel_loop3A_482], %parallel_loop3A_481 {strides = array<i32>} : memref<16384xf32, #tpu.memory_space<vmem>>, vector<16xf32>,
    } {sc.loop_unroll_factor = 8 : i64, sc.parallel_access}
    %dma_wait3A_303 = arith.constant 0 : i32
    %dma_wait3A_304 = arith.constant 0 : i32
    %dma_wait3A_305 = tpu.memref_slice %arg10[%dma_wait3A_303, %dma_wait3A_304] : memref<2x2048xf32, #tpu.memory_space<vmem>> -> memref<1x2048xf32, #tpu.memory_space<vmem>>
    %dma_wait3A_306 = tpu.memref_squeeze %dma_wait3A_305 : memref<1x2048xf32, #tpu.memory_space<vmem>> -> memref<2048xf32, #tpu.memory_space<vmem>>
    %dma_wait3A_307 = arith.constant 4096 : i32
    %dma_wait3A_308 = tpu.memref_slice %arg5[%dma_wait3A_307] : memref<16384xf32, #tpu.memory_space<hbm>> -> memref<2048xf32, #tpu.memory_space<hbm>>
    %dma_wait3A_309 = arith.constant 0 : i32
    %dma_wait3A_310 = tpu.memref_slice %arg10[%dma_wait3A_303, %dma_wait3A_309] : memref<2x2048xf32, #tpu.memory_space<vmem>> -> memref<1x2048xf32, #tpu.memory_space<vmem>>
    %dma_wait3A_311 = tpu.memref_squeeze %dma_wait3A_310 : memref<1x2048xf32, #tpu.memory_space<vmem>> -> memref<2048xf32, #tpu.memory_space<vmem>>
    %dma_wait3A_312 = arith.constant 4096 : i32
    %dma_wait3A_313 = tpu.memref_slice %arg5[%dma_wait3A_312] : memref<16384xf32, #tpu.memory_space<hbm>> -> memref<2048xf32, #tpu.memory_space<hbm>>
    tpu.wait_dma2 semaphore(%arg12 : memref<!tpu.dma_semaphore, #tpu.memory_space<semaphore_mem>>) src(%dma_wait3A_313 : memref<2048xf32, #tpu.memory_space<hbm>>) dst(%dma_wait3A_311 : memref<2048xf32, #tpu.memory_space<vmem>>)
    %dma_start3A_314 = arith.constant 1 : i32
    %dma_start3A_315 = arith.constant 0 : i32
    %dma_start3A_316 = tpu.memref_slice %arg10[%dma_start3A_314, %dma_start3A_315] : memref<2x2048xf32, #tpu.memory_space<vmem>> -> memref<1x2048xf32, #tpu.memory_space<vmem>>
    %dma_start3A_317 = tpu.memref_squeeze %dma_start3A_316 : memref<1x2048xf32, #tpu.memory_space<vmem>> -> memref<2048xf32, #tpu.memory_space<vmem>>
    %dma_start3A_318 = arith.constant 6144 : i32
    %dma_start3A_319 = tpu.memref_slice %arg5[%dma_start3A_318] : memref<16384xf32, #tpu.memory_space<hbm>> -> memref<2048xf32, #tpu.memory_space<hbm>>
    %dma_start3A_320 = arith.constant 0 : i32
    %dma_start3A_321 = tpu.memref_slice %arg10[%dma_start3A_314, %dma_start3A_320] : memref<2x2048xf32, #tpu.memory_space<vmem>> -> memref<1x2048xf32, #tpu.memory_space<vmem>>
    %dma_start3A_322 = tpu.memref_squeeze %dma_start3A_321 : memref<1x2048xf32, #tpu.memory_space<vmem>> -> memref<2048xf32, #tpu.memory_space<vmem>>
    %dma_start3A_323 = arith.constant 6144 : i32
    %dma_start3A_324 = tpu.memref_slice %arg5[%dma_start3A_323] : memref<16384xf32, #tpu.memory_space<hbm>> -> memref<2048xf32, #tpu.memory_space<hbm>>
    tpu.enqueue_dma source(%dma_start3A_324 : memref<2048xf32, #tpu.memory_space<hbm>>) target(%dma_start3A_322 : memref<2048xf32, #tpu.memory_space<vmem>>) target_semaphore(%arg12 : memref<!tpu.dma_semaphore, #tpu.memory_space<semaphore_mem>>)
    %parallel_loop3A_325 = arith.constant 0 : i32
    %parallel_loop3A_326 = arith.constant 128 : i32
    %parallel_loop3A_327 = arith.constant 1 : i32
    scf.for %parallel_loop3A_454 = %parallel_loop3A_325 to %parallel_loop3A_326 step %parallel_loop3A_327  : i32 {
      %parallel_loop3A_455 = arith.constant 16 : i32
      %parallel_loop3A_456 = arith.muli %parallel_loop3A_454, %parallel_loop3A_455 : i32
      %parallel_loop3A_457 = arith.constant 4096 : i32
      %parallel_loop3A_458 = arith.addi %parallel_loop3A_457, %parallel_loop3A_456 : i32
      %parallel_loop3A_459 = arith.constant 16 : i32
      %parallel_loop3A_460 = arith.muli %parallel_loop3A_454, %parallel_loop3A_459 : i32
      %parallel_loop3A_461 = arith.constant 4096 : i32
      %parallel_loop3A_462 = arith.addi %parallel_loop3A_461, %parallel_loop3A_460 : i32
      %parallel_loop3A_463 = arith.index_cast %parallel_loop3A_462 : i32 to index
      %parallel_loop3A_464 = tpu.vector_load %arg9[%parallel_loop3A_463] {strides = array<i32>} : memref<8192xi32, #tpu.memory_space<vmem>>, vector<16xi32>,
      %parallel_loop3A_465 = tpu.vector_load_idx %arg7[%parallel_loop3A_464] : memref<100000xf32, #tpu.memory_space<vmem>>[vector<16xi32>], vector<16xf32>,
      %parallel_loop3A_466 = arith.index_cast %parallel_loop3A_458 : i32 to index
      %parallel_loop3A_467 = tpu.vector_load %arg8[%parallel_loop3A_466] {strides = array<i32>} : memref<16384xf32, #tpu.memory_space<vmem>>, vector<16xf32>,
      %parallel_loop3A_468 = arith.constant 16 : i32
      %parallel_loop3A_469 = arith.muli %parallel_loop3A_454, %parallel_loop3A_468 : i32
      %parallel_loop3A_470 = arith.constant 0 : i32
      %parallel_loop3A_471 = arith.index_cast %parallel_loop3A_470 : i32 to index
      %parallel_loop3A_472 = arith.index_cast %parallel_loop3A_469 : i32 to index
      %parallel_loop3A_473 = tpu.vector_load %arg10[%parallel_loop3A_471, %parallel_loop3A_472] {strides = array<i32>} : memref<2x2048xf32, #tpu.memory_space<vmem>>, vector<16xf32>,
      %parallel_loop3A_474 = arith.mulf %parallel_loop3A_473, %parallel_loop3A_465 : vector<16xf32>
      %parallel_loop3A_475 = arith.addf %parallel_loop3A_467, %parallel_loop3A_474 : vector<16xf32>
      %parallel_loop3A_476 = arith.constant -1.000000e+00 : f32
      %parallel_loop3A_477 = arith.constant 1.000000e+00 : f32
      %parallel_loop3A_478 = vector.broadcast %parallel_loop3A_476 : f32 to vector<16xf32>
      %parallel_loop3A_479 = arith.maximumf %parallel_loop3A_478, %parallel_loop3A_475 : vector<16xf32>
      %parallel_loop3A_480 = vector.broadcast %parallel_loop3A_477 : f32 to vector<16xf32>
      %parallel_loop3A_481 = arith.minimumf %parallel_loop3A_480, %parallel_loop3A_479 : vector<16xf32>
      %parallel_loop3A_482 = arith.index_cast %parallel_loop3A_458 : i32 to index
      %parallel_loop3A_483 = tpu.vector_load %arg8[%parallel_loop3A_482] {strides = array<i32>} : memref<16384xf32, #tpu.memory_space<vmem>>, vector<16xf32>,
      tpu.vector_store %arg8[%parallel_loop3A_482], %parallel_loop3A_481 {strides = array<i32>} : memref<16384xf32, #tpu.memory_space<vmem>>, vector<16xf32>,
    } {sc.loop_unroll_factor = 8 : i64, sc.parallel_access}
    %dma_wait3A_328 = arith.constant 1 : i32
    %dma_wait3A_329 = arith.constant 0 : i32
    %dma_wait3A_330 = tpu.memref_slice %arg10[%dma_wait3A_328, %dma_wait3A_329] : memref<2x2048xf32, #tpu.memory_space<vmem>> -> memref<1x2048xf32, #tpu.memory_space<vmem>>
    %dma_wait3A_331 = tpu.memref_squeeze %dma_wait3A_330 : memref<1x2048xf32, #tpu.memory_space<vmem>> -> memref<2048xf32, #tpu.memory_space<vmem>>
    %dma_wait3A_332 = arith.constant 6144 : i32
    %dma_wait3A_333 = tpu.memref_slice %arg5[%dma_wait3A_332] : memref<16384xf32, #tpu.memory_space<hbm>> -> memref<2048xf32, #tpu.memory_space<hbm>>
    %dma_wait3A_334 = arith.constant 0 : i32
    %dma_wait3A_335 = tpu.memref_slice %arg10[%dma_wait3A_328, %dma_wait3A_334] : memref<2x2048xf32, #tpu.memory_space<vmem>> -> memref<1x2048xf32, #tpu.memory_space<vmem>>
    %dma_wait3A_336 = tpu.memref_squeeze %dma_wait3A_335 : memref<1x2048xf32, #tpu.memory_space<vmem>> -> memref<2048xf32, #tpu.memory_space<vmem>>
    %dma_wait3A_337 = arith.constant 6144 : i32
    %dma_wait3A_338 = tpu.memref_slice %arg5[%dma_wait3A_337] : memref<16384xf32, #tpu.memory_space<hbm>> -> memref<2048xf32, #tpu.memory_space<hbm>>
    tpu.wait_dma2 semaphore(%arg12 : memref<!tpu.dma_semaphore, #tpu.memory_space<semaphore_mem>>) src(%dma_wait3A_338 : memref<2048xf32, #tpu.memory_space<hbm>>) dst(%dma_wait3A_336 : memref<2048xf32, #tpu.memory_space<vmem>>)
    %dma_start3A_339 = arith.constant 0 : i32
    %dma_start3A_340 = arith.constant 0 : i32
    %dma_start3A_341 = tpu.memref_slice %arg10[%dma_start3A_339, %dma_start3A_340] : memref<2x2048xf32, #tpu.memory_space<vmem>> -> memref<1x2048xf32, #tpu.memory_space<vmem>>
    %dma_start3A_342 = tpu.memref_squeeze %dma_start3A_341 : memref<1x2048xf32, #tpu.memory_space<vmem>> -> memref<2048xf32, #tpu.memory_space<vmem>>
    %dma_start3A_343 = arith.constant 8192 : i32
    %dma_start3A_344 = tpu.memref_slice %arg5[%dma_start3A_343] : memref<16384xf32, #tpu.memory_space<hbm>> -> memref<2048xf32, #tpu.memory_space<hbm>>
    %dma_start3A_345 = arith.constant 0 : i32
    %dma_start3A_346 = tpu.memref_slice %arg10[%dma_start3A_339, %dma_start3A_345] : memref<2x2048xf32, #tpu.memory_space<vmem>> -> memref<1x2048xf32, #tpu.memory_space<vmem>>
    %dma_start3A_347 = tpu.memref_squeeze %dma_start3A_346 : memref<1x2048xf32, #tpu.memory_space<vmem>> -> memref<2048xf32, #tpu.memory_space<vmem>>
    %dma_start3A_348 = arith.constant 8192 : i32
    %dma_start3A_349 = tpu.memref_slice %arg5[%dma_start3A_348] : memref<16384xf32, #tpu.memory_space<hbm>> -> memref<2048xf32, #tpu.memory_space<hbm>>
    tpu.enqueue_dma source(%dma_start3A_349 : memref<2048xf32, #tpu.memory_space<hbm>>) target(%dma_start3A_347 : memref<2048xf32, #tpu.memory_space<vmem>>) target_semaphore(%arg12 : memref<!tpu.dma_semaphore, #tpu.memory_space<semaphore_mem>>)
    %parallel_loop3A_350 = arith.constant 0 : i32
    %parallel_loop3A_351 = arith.constant 128 : i32
    %parallel_loop3A_352 = arith.constant 1 : i32
    scf.for %parallel_loop3A_454 = %parallel_loop3A_350 to %parallel_loop3A_351 step %parallel_loop3A_352  : i32 {
      %parallel_loop3A_455 = arith.constant 16 : i32
      %parallel_loop3A_456 = arith.muli %parallel_loop3A_454, %parallel_loop3A_455 : i32
      %parallel_loop3A_457 = arith.constant 6144 : i32
      %parallel_loop3A_458 = arith.addi %parallel_loop3A_457, %parallel_loop3A_456 : i32
      %parallel_loop3A_459 = arith.constant 16 : i32
      %parallel_loop3A_460 = arith.muli %parallel_loop3A_454, %parallel_loop3A_459 : i32
      %parallel_loop3A_461 = arith.constant 6144 : i32
      %parallel_loop3A_462 = arith.addi %parallel_loop3A_461, %parallel_loop3A_460 : i32
      %parallel_loop3A_463 = arith.index_cast %parallel_loop3A_462 : i32 to index
      %parallel_loop3A_464 = tpu.vector_load %arg9[%parallel_loop3A_463] {strides = array<i32>} : memref<8192xi32, #tpu.memory_space<vmem>>, vector<16xi32>,
      %parallel_loop3A_465 = tpu.vector_load_idx %arg7[%parallel_loop3A_464] : memref<100000xf32, #tpu.memory_space<vmem>>[vector<16xi32>], vector<16xf32>,
      %parallel_loop3A_466 = arith.index_cast %parallel_loop3A_458 : i32 to index
      %parallel_loop3A_467 = tpu.vector_load %arg8[%parallel_loop3A_466] {strides = array<i32>} : memref<16384xf32, #tpu.memory_space<vmem>>, vector<16xf32>,
      %parallel_loop3A_468 = arith.constant 16 : i32
      %parallel_loop3A_469 = arith.muli %parallel_loop3A_454, %parallel_loop3A_468 : i32
      %parallel_loop3A_470 = arith.constant 1 : i32
      %parallel_loop3A_471 = arith.index_cast %parallel_loop3A_470 : i32 to index
      %parallel_loop3A_472 = arith.index_cast %parallel_loop3A_469 : i32 to index
      %parallel_loop3A_473 = tpu.vector_load %arg10[%parallel_loop3A_471, %parallel_loop3A_472] {strides = array<i32>} : memref<2x2048xf32, #tpu.memory_space<vmem>>, vector<16xf32>,
      %parallel_loop3A_474 = arith.mulf %parallel_loop3A_473, %parallel_loop3A_465 : vector<16xf32>
      %parallel_loop3A_475 = arith.addf %parallel_loop3A_467, %parallel_loop3A_474 : vector<16xf32>
      %parallel_loop3A_476 = arith.constant -1.000000e+00 : f32
      %parallel_loop3A_477 = arith.constant 1.000000e+00 : f32
      %parallel_loop3A_478 = vector.broadcast %parallel_loop3A_476 : f32 to vector<16xf32>
      %parallel_loop3A_479 = arith.maximumf %parallel_loop3A_478, %parallel_loop3A_475 : vector<16xf32>
      %parallel_loop3A_480 = vector.broadcast %parallel_loop3A_477 : f32 to vector<16xf32>
      %parallel_loop3A_481 = arith.minimumf %parallel_loop3A_480, %parallel_loop3A_479 : vector<16xf32>
      %parallel_loop3A_482 = arith.index_cast %parallel_loop3A_458 : i32 to index
      %parallel_loop3A_483 = tpu.vector_load %arg8[%parallel_loop3A_482] {strides = array<i32>} : memref<16384xf32, #tpu.memory_space<vmem>>, vector<16xf32>,
      tpu.vector_store %arg8[%parallel_loop3A_482], %parallel_loop3A_481 {strides = array<i32>} : memref<16384xf32, #tpu.memory_space<vmem>>, vector<16xf32>,
    } {sc.loop_unroll_factor = 8 : i64, sc.parallel_access}
    %dma_wait3A_353 = arith.constant 0 : i32
    %dma_wait3A_354 = arith.constant 0 : i32
    %dma_wait3A_355 = tpu.memref_slice %arg10[%dma_wait3A_353, %dma_wait3A_354] : memref<2x2048xf32, #tpu.memory_space<vmem>> -> memref<1x2048xf32, #tpu.memory_space<vmem>>
    %dma_wait3A_356 = tpu.memref_squeeze %dma_wait3A_355 : memref<1x2048xf32, #tpu.memory_space<vmem>> -> memref<2048xf32, #tpu.memory_space<vmem>>
    %dma_wait3A_357 = arith.constant 8192 : i32
    %dma_wait3A_358 = tpu.memref_slice %arg5[%dma_wait3A_357] : memref<16384xf32, #tpu.memory_space<hbm>> -> memref<2048xf32, #tpu.memory_space<hbm>>
    %dma_wait3A_359 = arith.constant 0 : i32
    %dma_wait3A_360 = tpu.memref_slice %arg10[%dma_wait3A_353, %dma_wait3A_359] : memref<2x2048xf32, #tpu.memory_space<vmem>> -> memref<1x2048xf32, #tpu.memory_space<vmem>>
    %dma_wait3A_361 = tpu.memref_squeeze %dma_wait3A_360 : memref<1x2048xf32, #tpu.memory_space<vmem>> -> memref<2048xf32, #tpu.memory_space<vmem>>
    %dma_wait3A_362 = arith.constant 8192 : i32
    %dma_wait3A_363 = tpu.memref_slice %arg5[%dma_wait3A_362] : memref<16384xf32, #tpu.memory_space<hbm>> -> memref<2048xf32, #tpu.memory_space<hbm>>
    tpu.wait_dma2 semaphore(%arg12 : memref<!tpu.dma_semaphore, #tpu.memory_space<semaphore_mem>>) src(%dma_wait3A_363 : memref<2048xf32, #tpu.memory_space<hbm>>) dst(%dma_wait3A_361 : memref<2048xf32, #tpu.memory_space<vmem>>)
    %dma_start3A_364 = arith.constant 1 : i32
    %dma_start3A_365 = arith.constant 0 : i32
    %dma_start3A_366 = tpu.memref_slice %arg10[%dma_start3A_364, %dma_start3A_365] : memref<2x2048xf32, #tpu.memory_space<vmem>> -> memref<1x2048xf32, #tpu.memory_space<vmem>>
    %dma_start3A_367 = tpu.memref_squeeze %dma_start3A_366 : memref<1x2048xf32, #tpu.memory_space<vmem>> -> memref<2048xf32, #tpu.memory_space<vmem>>
    %dma_start3A_368 = arith.constant 10240 : i32
    %dma_start3A_369 = tpu.memref_slice %arg5[%dma_start3A_368] : memref<16384xf32, #tpu.memory_space<hbm>> -> memref<2048xf32, #tpu.memory_space<hbm>>
    %dma_start3A_370 = arith.constant 0 : i32
    %dma_start3A_371 = tpu.memref_slice %arg10[%dma_start3A_364, %dma_start3A_370] : memref<2x2048xf32, #tpu.memory_space<vmem>> -> memref<1x2048xf32, #tpu.memory_space<vmem>>
    %dma_start3A_372 = tpu.memref_squeeze %dma_start3A_371 : memref<1x2048xf32, #tpu.memory_space<vmem>> -> memref<2048xf32, #tpu.memory_space<vmem>>
    %dma_start3A_373 = arith.constant 10240 : i32
    %dma_start3A_374 = tpu.memref_slice %arg5[%dma_start3A_373] : memref<16384xf32, #tpu.memory_space<hbm>> -> memref<2048xf32, #tpu.memory_space<hbm>>
    tpu.enqueue_dma source(%dma_start3A_374 : memref<2048xf32, #tpu.memory_space<hbm>>) target(%dma_start3A_372 : memref<2048xf32, #tpu.memory_space<vmem>>) target_semaphore(%arg12 : memref<!tpu.dma_semaphore, #tpu.memory_space<semaphore_mem>>)
    "tpu.region"() ({
      %run_scoped3A = tpu.sem_alloc : memref<!tpu.dma_semaphore, #tpu.memory_space<semaphore_mem>>
      %dma_start3A_454 = arith.constant 8192 : i32
      %dma_start3A_455 = tpu.memref_slice %arg2[%dma_start3A_454] : memref<16384xi32, #tpu.memory_space<hbm>> -> memref<8192xi32, #tpu.memory_space<hbm>>
      %dma_start3A_456 = arith.constant 8192 : i32
      %dma_start3A_457 = tpu.memref_slice %arg2[%dma_start3A_456] : memref<16384xi32, #tpu.memory_space<hbm>> -> memref<8192xi32, #tpu.memory_space<hbm>>
      tpu.enqueue_dma source(%dma_start3A_457 : memref<8192xi32, #tpu.memory_space<hbm>>) target(%arg9 : memref<8192xi32, #tpu.memory_space<vmem>>) target_semaphore(%run_scoped3A : memref<!tpu.dma_semaphore, #tpu.memory_space<semaphore_mem>>)
      %dma_wait3A_458 = arith.constant 8192 : i32
      %dma_wait3A_459 = tpu.memref_slice %arg2[%dma_wait3A_458] : memref<16384xi32, #tpu.memory_space<hbm>> -> memref<8192xi32, #tpu.memory_space<hbm>>
      %dma_wait3A_460 = arith.constant 8192 : i32
      %dma_wait3A_461 = tpu.memref_slice %arg2[%dma_wait3A_460] : memref<16384xi32, #tpu.memory_space<hbm>> -> memref<8192xi32, #tpu.memory_space<hbm>>
      tpu.wait_dma2 semaphore(%run_scoped3A : memref<!tpu.dma_semaphore, #tpu.memory_space<semaphore_mem>>) src(%dma_wait3A_461 : memref<8192xi32, #tpu.memory_space<hbm>>) dst(%arg9 : memref<8192xi32, #tpu.memory_space<vmem>>)
      tpu.yield
    }) : () -> ()
    %parallel_loop3A_375 = arith.constant 0 : i32
    %parallel_loop3A_376 = arith.constant 128 : i32
    %parallel_loop3A_377 = arith.constant 1 : i32
    scf.for %parallel_loop3A_454 = %parallel_loop3A_375 to %parallel_loop3A_376 step %parallel_loop3A_377  : i32 {
      %parallel_loop3A_455 = arith.constant 16 : i32
      %parallel_loop3A_456 = arith.muli %parallel_loop3A_454, %parallel_loop3A_455 : i32
      %parallel_loop3A_457 = arith.constant 8192 : i32
      %parallel_loop3A_458 = arith.addi %parallel_loop3A_457, %parallel_loop3A_456 : i32
      %parallel_loop3A_459 = arith.constant 16 : i32
      %parallel_loop3A_460 = arith.muli %parallel_loop3A_454, %parallel_loop3A_459 : i32
      %parallel_loop3A_461 = arith.constant 0 : i32
      %parallel_loop3A_462 = arith.addi %parallel_loop3A_461, %parallel_loop3A_460 : i32
      %parallel_loop3A_463 = arith.index_cast %parallel_loop3A_462 : i32 to index
      %parallel_loop3A_464 = tpu.vector_load %arg9[%parallel_loop3A_463] {strides = array<i32>} : memref<8192xi32, #tpu.memory_space<vmem>>, vector<16xi32>,
      %parallel_loop3A_465 = tpu.vector_load_idx %arg7[%parallel_loop3A_464] : memref<100000xf32, #tpu.memory_space<vmem>>[vector<16xi32>], vector<16xf32>,
      %parallel_loop3A_466 = arith.index_cast %parallel_loop3A_458 : i32 to index
      %parallel_loop3A_467 = tpu.vector_load %arg8[%parallel_loop3A_466] {strides = array<i32>} : memref<16384xf32, #tpu.memory_space<vmem>>, vector<16xf32>,
      %parallel_loop3A_468 = arith.constant 16 : i32
      %parallel_loop3A_469 = arith.muli %parallel_loop3A_454, %parallel_loop3A_468 : i32
      %parallel_loop3A_470 = arith.constant 0 : i32
      %parallel_loop3A_471 = arith.index_cast %parallel_loop3A_470 : i32 to index
      %parallel_loop3A_472 = arith.index_cast %parallel_loop3A_469 : i32 to index
      %parallel_loop3A_473 = tpu.vector_load %arg10[%parallel_loop3A_471, %parallel_loop3A_472] {strides = array<i32>} : memref<2x2048xf32, #tpu.memory_space<vmem>>, vector<16xf32>,
      %parallel_loop3A_474 = arith.mulf %parallel_loop3A_473, %parallel_loop3A_465 : vector<16xf32>
      %parallel_loop3A_475 = arith.addf %parallel_loop3A_467, %parallel_loop3A_474 : vector<16xf32>
      %parallel_loop3A_476 = arith.constant -1.000000e+00 : f32
      %parallel_loop3A_477 = arith.constant 1.000000e+00 : f32
      %parallel_loop3A_478 = vector.broadcast %parallel_loop3A_476 : f32 to vector<16xf32>
      %parallel_loop3A_479 = arith.maximumf %parallel_loop3A_478, %parallel_loop3A_475 : vector<16xf32>
      %parallel_loop3A_480 = vector.broadcast %parallel_loop3A_477 : f32 to vector<16xf32>
      %parallel_loop3A_481 = arith.minimumf %parallel_loop3A_480, %parallel_loop3A_479 : vector<16xf32>
      %parallel_loop3A_482 = arith.index_cast %parallel_loop3A_458 : i32 to index
      %parallel_loop3A_483 = tpu.vector_load %arg8[%parallel_loop3A_482] {strides = array<i32>} : memref<16384xf32, #tpu.memory_space<vmem>>, vector<16xf32>,
      tpu.vector_store %arg8[%parallel_loop3A_482], %parallel_loop3A_481 {strides = array<i32>} : memref<16384xf32, #tpu.memory_space<vmem>>, vector<16xf32>,
    } {sc.loop_unroll_factor = 8 : i64, sc.parallel_access}
    %dma_wait3A_378 = arith.constant 1 : i32
    %dma_wait3A_379 = arith.constant 0 : i32
    %dma_wait3A_380 = tpu.memref_slice %arg10[%dma_wait3A_378, %dma_wait3A_379] : memref<2x2048xf32, #tpu.memory_space<vmem>> -> memref<1x2048xf32, #tpu.memory_space<vmem>>
    %dma_wait3A_381 = tpu.memref_squeeze %dma_wait3A_380 : memref<1x2048xf32, #tpu.memory_space<vmem>> -> memref<2048xf32, #tpu.memory_space<vmem>>
    %dma_wait3A_382 = arith.constant 10240 : i32
    %dma_wait3A_383 = tpu.memref_slice %arg5[%dma_wait3A_382] : memref<16384xf32, #tpu.memory_space<hbm>> -> memref<2048xf32, #tpu.memory_space<hbm>>
    %dma_wait3A_384 = arith.constant 0 : i32
    %dma_wait3A_385 = tpu.memref_slice %arg10[%dma_wait3A_378, %dma_wait3A_384] : memref<2x2048xf32, #tpu.memory_space<vmem>> -> memref<1x2048xf32, #tpu.memory_space<vmem>>
    %dma_wait3A_386 = tpu.memref_squeeze %dma_wait3A_385 : memref<1x2048xf32, #tpu.memory_space<vmem>> -> memref<2048xf32, #tpu.memory_space<vmem>>
    %dma_wait3A_387 = arith.constant 10240 : i32
    %dma_wait3A_388 = tpu.memref_slice %arg5[%dma_wait3A_387] : memref<16384xf32, #tpu.memory_space<hbm>> -> memref<2048xf32, #tpu.memory_space<hbm>>
    tpu.wait_dma2 semaphore(%arg12 : memref<!tpu.dma_semaphore, #tpu.memory_space<semaphore_mem>>) src(%dma_wait3A_388 : memref<2048xf32, #tpu.memory_space<hbm>>) dst(%dma_wait3A_386 : memref<2048xf32, #tpu.memory_space<vmem>>)
    %dma_start3A_389 = arith.constant 0 : i32
    %dma_start3A_390 = arith.constant 0 : i32
    %dma_start3A_391 = tpu.memref_slice %arg10[%dma_start3A_389, %dma_start3A_390] : memref<2x2048xf32, #tpu.memory_space<vmem>> -> memref<1x2048xf32, #tpu.memory_space<vmem>>
    %dma_start3A_392 = tpu.memref_squeeze %dma_start3A_391 : memref<1x2048xf32, #tpu.memory_space<vmem>> -> memref<2048xf32, #tpu.memory_space<vmem>>
    %dma_start3A_393 = arith.constant 12288 : i32
    %dma_start3A_394 = tpu.memref_slice %arg5[%dma_start3A_393] : memref<16384xf32, #tpu.memory_space<hbm>> -> memref<2048xf32, #tpu.memory_space<hbm>>
    %dma_start3A_395 = arith.constant 0 : i32
    %dma_start3A_396 = tpu.memref_slice %arg10[%dma_start3A_389, %dma_start3A_395] : memref<2x2048xf32, #tpu.memory_space<vmem>> -> memref<1x2048xf32, #tpu.memory_space<vmem>>
    %dma_start3A_397 = tpu.memref_squeeze %dma_start3A_396 : memref<1x2048xf32, #tpu.memory_space<vmem>> -> memref<2048xf32, #tpu.memory_space<vmem>>
    %dma_start3A_398 = arith.constant 12288 : i32
    %dma_start3A_399 = tpu.memref_slice %arg5[%dma_start3A_398] : memref<16384xf32, #tpu.memory_space<hbm>> -> memref<2048xf32, #tpu.memory_space<hbm>>
    tpu.enqueue_dma source(%dma_start3A_399 : memref<2048xf32, #tpu.memory_space<hbm>>) target(%dma_start3A_397 : memref<2048xf32, #tpu.memory_space<vmem>>) target_semaphore(%arg12 : memref<!tpu.dma_semaphore, #tpu.memory_space<semaphore_mem>>)
    %parallel_loop3A_400 = arith.constant 0 : i32
    %parallel_loop3A_401 = arith.constant 128 : i32
    %parallel_loop3A_402 = arith.constant 1 : i32
    scf.for %parallel_loop3A_454 = %parallel_loop3A_400 to %parallel_loop3A_401 step %parallel_loop3A_402  : i32 {
      %parallel_loop3A_455 = arith.constant 16 : i32
      %parallel_loop3A_456 = arith.muli %parallel_loop3A_454, %parallel_loop3A_455 : i32
      %parallel_loop3A_457 = arith.constant 10240 : i32
      %parallel_loop3A_458 = arith.addi %parallel_loop3A_457, %parallel_loop3A_456 : i32
      %parallel_loop3A_459 = arith.constant 16 : i32
      %parallel_loop3A_460 = arith.muli %parallel_loop3A_454, %parallel_loop3A_459 : i32
      %parallel_loop3A_461 = arith.constant 2048 : i32
      %parallel_loop3A_462 = arith.addi %parallel_loop3A_461, %parallel_loop3A_460 : i32
      %parallel_loop3A_463 = arith.index_cast %parallel_loop3A_462 : i32 to index
      %parallel_loop3A_464 = tpu.vector_load %arg9[%parallel_loop3A_463] {strides = array<i32>} : memref<8192xi32, #tpu.memory_space<vmem>>, vector<16xi32>,
      %parallel_loop3A_465 = tpu.vector_load_idx %arg7[%parallel_loop3A_464] : memref<100000xf32, #tpu.memory_space<vmem>>[vector<16xi32>], vector<16xf32>,
      %parallel_loop3A_466 = arith.index_cast %parallel_loop3A_458 : i32 to index
      %parallel_loop3A_467 = tpu.vector_load %arg8[%parallel_loop3A_466] {strides = array<i32>} : memref<16384xf32, #tpu.memory_space<vmem>>, vector<16xf32>,
      %parallel_loop3A_468 = arith.constant 16 : i32
      %parallel_loop3A_469 = arith.muli %parallel_loop3A_454, %parallel_loop3A_468 : i32
      %parallel_loop3A_470 = arith.constant 1 : i32
      %parallel_loop3A_471 = arith.index_cast %parallel_loop3A_470 : i32 to index
      %parallel_loop3A_472 = arith.index_cast %parallel_loop3A_469 : i32 to index
      %parallel_loop3A_473 = tpu.vector_load %arg10[%parallel_loop3A_471, %parallel_loop3A_472] {strides = array<i32>} : memref<2x2048xf32, #tpu.memory_space<vmem>>, vector<16xf32>,
      %parallel_loop3A_474 = arith.mulf %parallel_loop3A_473, %parallel_loop3A_465 : vector<16xf32>
      %parallel_loop3A_475 = arith.addf %parallel_loop3A_467, %parallel_loop3A_474 : vector<16xf32>
      %parallel_loop3A_476 = arith.constant -1.000000e+00 : f32
      %parallel_loop3A_477 = arith.constant 1.000000e+00 : f32
      %parallel_loop3A_478 = vector.broadcast %parallel_loop3A_476 : f32 to vector<16xf32>
      %parallel_loop3A_479 = arith.maximumf %parallel_loop3A_478, %parallel_loop3A_475 : vector<16xf32>
      %parallel_loop3A_480 = vector.broadcast %parallel_loop3A_477 : f32 to vector<16xf32>
      %parallel_loop3A_481 = arith.minimumf %parallel_loop3A_480, %parallel_loop3A_479 : vector<16xf32>
      %parallel_loop3A_482 = arith.index_cast %parallel_loop3A_458 : i32 to index
      %parallel_loop3A_483 = tpu.vector_load %arg8[%parallel_loop3A_482] {strides = array<i32>} : memref<16384xf32, #tpu.memory_space<vmem>>, vector<16xf32>,
      tpu.vector_store %arg8[%parallel_loop3A_482], %parallel_loop3A_481 {strides = array<i32>} : memref<16384xf32, #tpu.memory_space<vmem>>, vector<16xf32>,
    } {sc.loop_unroll_factor = 8 : i64, sc.parallel_access}
    %dma_wait3A_403 = arith.constant 0 : i32
    %dma_wait3A_404 = arith.constant 0 : i32
    %dma_wait3A_405 = tpu.memref_slice %arg10[%dma_wait3A_403, %dma_wait3A_404] : memref<2x2048xf32, #tpu.memory_space<vmem>> -> memref<1x2048xf32, #tpu.memory_space<vmem>>
    %dma_wait3A_406 = tpu.memref_squeeze %dma_wait3A_405 : memref<1x2048xf32, #tpu.memory_space<vmem>> -> memref<2048xf32, #tpu.memory_space<vmem>>
    %dma_wait3A_407 = arith.constant 12288 : i32
    %dma_wait3A_408 = tpu.memref_slice %arg5[%dma_wait3A_407] : memref<16384xf32, #tpu.memory_space<hbm>> -> memref<2048xf32, #tpu.memory_space<hbm>>
    %dma_wait3A_409 = arith.constant 0 : i32
    %dma_wait3A_410 = tpu.memref_slice %arg10[%dma_wait3A_403, %dma_wait3A_409] : memref<2x2048xf32, #tpu.memory_space<vmem>> -> memref<1x2048xf32, #tpu.memory_space<vmem>>
    %dma_wait3A_411 = tpu.memref_squeeze %dma_wait3A_410 : memref<1x2048xf32, #tpu.memory_space<vmem>> -> memref<2048xf32, #tpu.memory_space<vmem>>
    %dma_wait3A_412 = arith.constant 12288 : i32
    %dma_wait3A_413 = tpu.memref_slice %arg5[%dma_wait3A_412] : memref<16384xf32, #tpu.memory_space<hbm>> -> memref<2048xf32, #tpu.memory_space<hbm>>
    tpu.wait_dma2 semaphore(%arg12 : memref<!tpu.dma_semaphore, #tpu.memory_space<semaphore_mem>>) src(%dma_wait3A_413 : memref<2048xf32, #tpu.memory_space<hbm>>) dst(%dma_wait3A_411 : memref<2048xf32, #tpu.memory_space<vmem>>)
    %dma_start3A_414 = arith.constant 1 : i32
    %dma_start3A_415 = arith.constant 0 : i32
    %dma_start3A_416 = tpu.memref_slice %arg10[%dma_start3A_414, %dma_start3A_415] : memref<2x2048xf32, #tpu.memory_space<vmem>> -> memref<1x2048xf32, #tpu.memory_space<vmem>>
    %dma_start3A_417 = tpu.memref_squeeze %dma_start3A_416 : memref<1x2048xf32, #tpu.memory_space<vmem>> -> memref<2048xf32, #tpu.memory_space<vmem>>
    %dma_start3A_418 = arith.constant 14336 : i32
    %dma_start3A_419 = tpu.memref_slice %arg5[%dma_start3A_418] : memref<16384xf32, #tpu.memory_space<hbm>> -> memref<2048xf32, #tpu.memory_space<hbm>>
    %dma_start3A_420 = arith.constant 0 : i32
    %dma_start3A_421 = tpu.memref_slice %arg10[%dma_start3A_414, %dma_start3A_420] : memref<2x2048xf32, #tpu.memory_space<vmem>> -> memref<1x2048xf32, #tpu.memory_space<vmem>>
    %dma_start3A_422 = tpu.memref_squeeze %dma_start3A_421 : memref<1x2048xf32, #tpu.memory_space<vmem>> -> memref<2048xf32, #tpu.memory_space<vmem>>
    %dma_start3A_423 = arith.constant 14336 : i32
    %dma_start3A_424 = tpu.memref_slice %arg5[%dma_start3A_423] : memref<16384xf32, #tpu.memory_space<hbm>> -> memref<2048xf32, #tpu.memory_space<hbm>>
    tpu.enqueue_dma source(%dma_start3A_424 : memref<2048xf32, #tpu.memory_space<hbm>>) target(%dma_start3A_422 : memref<2048xf32, #tpu.memory_space<vmem>>) target_semaphore(%arg12 : memref<!tpu.dma_semaphore, #tpu.memory_space<semaphore_mem>>)
    %parallel_loop3A_425 = arith.constant 0 : i32
    %parallel_loop3A_426 = arith.constant 128 : i32
    %parallel_loop3A_427 = arith.constant 1 : i32
    scf.for %parallel_loop3A_454 = %parallel_loop3A_425 to %parallel_loop3A_426 step %parallel_loop3A_427  : i32 {
      %parallel_loop3A_455 = arith.constant 16 : i32
      %parallel_loop3A_456 = arith.muli %parallel_loop3A_454, %parallel_loop3A_455 : i32
      %parallel_loop3A_457 = arith.constant 12288 : i32
      %parallel_loop3A_458 = arith.addi %parallel_loop3A_457, %parallel_loop3A_456 : i32
      %parallel_loop3A_459 = arith.constant 16 : i32
      %parallel_loop3A_460 = arith.muli %parallel_loop3A_454, %parallel_loop3A_459 : i32
      %parallel_loop3A_461 = arith.constant 4096 : i32
      %parallel_loop3A_462 = arith.addi %parallel_loop3A_461, %parallel_loop3A_460 : i32
      %parallel_loop3A_463 = arith.index_cast %parallel_loop3A_462 : i32 to index
      %parallel_loop3A_464 = tpu.vector_load %arg9[%parallel_loop3A_463] {strides = array<i32>} : memref<8192xi32, #tpu.memory_space<vmem>>, vector<16xi32>,
      %parallel_loop3A_465 = tpu.vector_load_idx %arg7[%parallel_loop3A_464] : memref<100000xf32, #tpu.memory_space<vmem>>[vector<16xi32>], vector<16xf32>,
      %parallel_loop3A_466 = arith.index_cast %parallel_loop3A_458 : i32 to index
      %parallel_loop3A_467 = tpu.vector_load %arg8[%parallel_loop3A_466] {strides = array<i32>} : memref<16384xf32, #tpu.memory_space<vmem>>, vector<16xf32>,
      %parallel_loop3A_468 = arith.constant 16 : i32
      %parallel_loop3A_469 = arith.muli %parallel_loop3A_454, %parallel_loop3A_468 : i32
      %parallel_loop3A_470 = arith.constant 0 : i32
      %parallel_loop3A_471 = arith.index_cast %parallel_loop3A_470 : i32 to index
      %parallel_loop3A_472 = arith.index_cast %parallel_loop3A_469 : i32 to index
      %parallel_loop3A_473 = tpu.vector_load %arg10[%parallel_loop3A_471, %parallel_loop3A_472] {strides = array<i32>} : memref<2x2048xf32, #tpu.memory_space<vmem>>, vector<16xf32>,
      %parallel_loop3A_474 = arith.mulf %parallel_loop3A_473, %parallel_loop3A_465 : vector<16xf32>
      %parallel_loop3A_475 = arith.addf %parallel_loop3A_467, %parallel_loop3A_474 : vector<16xf32>
      %parallel_loop3A_476 = arith.constant -1.000000e+00 : f32
      %parallel_loop3A_477 = arith.constant 1.000000e+00 : f32
      %parallel_loop3A_478 = vector.broadcast %parallel_loop3A_476 : f32 to vector<16xf32>
      %parallel_loop3A_479 = arith.maximumf %parallel_loop3A_478, %parallel_loop3A_475 : vector<16xf32>
      %parallel_loop3A_480 = vector.broadcast %parallel_loop3A_477 : f32 to vector<16xf32>
      %parallel_loop3A_481 = arith.minimumf %parallel_loop3A_480, %parallel_loop3A_479 : vector<16xf32>
      %parallel_loop3A_482 = arith.index_cast %parallel_loop3A_458 : i32 to index
      %parallel_loop3A_483 = tpu.vector_load %arg8[%parallel_loop3A_482] {strides = array<i32>} : memref<16384xf32, #tpu.memory_space<vmem>>, vector<16xf32>,
      tpu.vector_store %arg8[%parallel_loop3A_482], %parallel_loop3A_481 {strides = array<i32>} : memref<16384xf32, #tpu.memory_space<vmem>>, vector<16xf32>,
    } {sc.loop_unroll_factor = 8 : i64, sc.parallel_access}
    %dma_wait3A_428 = arith.constant 1 : i32
    %dma_wait3A_429 = arith.constant 0 : i32
    %dma_wait3A_430 = tpu.memref_slice %arg10[%dma_wait3A_428, %dma_wait3A_429] : memref<2x2048xf32, #tpu.memory_space<vmem>> -> memref<1x2048xf32, #tpu.memory_space<vmem>>
    %dma_wait3A_431 = tpu.memref_squeeze %dma_wait3A_430 : memref<1x2048xf32, #tpu.memory_space<vmem>> -> memref<2048xf32, #tpu.memory_space<vmem>>
    %dma_wait3A_432 = arith.constant 14336 : i32
    %dma_wait3A_433 = tpu.memref_slice %arg5[%dma_wait3A_432] : memref<16384xf32, #tpu.memory_space<hbm>> -> memref<2048xf32, #tpu.memory_space<hbm>>
    %dma_wait3A_434 = arith.constant 0 : i32
    %dma_wait3A_435 = tpu.memref_slice %arg10[%dma_wait3A_428, %dma_wait3A_434] : memref<2x2048xf32, #tpu.memory_space<vmem>> -> memref<1x2048xf32, #tpu.memory_space<vmem>>
    %dma_wait3A_436 = tpu.memref_squeeze %dma_wait3A_435 : memref<1x2048xf32, #tpu.memory_space<vmem>> -> memref<2048xf32, #tpu.memory_space<vmem>>
    %dma_wait3A_437 = arith.constant 14336 : i32
    %dma_wait3A_438 = tpu.memref_slice %arg5[%dma_wait3A_437] : memref<16384xf32, #tpu.memory_space<hbm>> -> memref<2048xf32, #tpu.memory_space<hbm>>
    tpu.wait_dma2 semaphore(%arg12 : memref<!tpu.dma_semaphore, #tpu.memory_space<semaphore_mem>>) src(%dma_wait3A_438 : memref<2048xf32, #tpu.memory_space<hbm>>) dst(%dma_wait3A_436 : memref<2048xf32, #tpu.memory_space<vmem>>)
    %parallel_loop3A_439 = arith.constant 0 : i32
    %parallel_loop3A_440 = arith.constant 128 : i32
    %parallel_loop3A_441 = arith.constant 1 : i32
    scf.for %parallel_loop3A_454 = %parallel_loop3A_439 to %parallel_loop3A_440 step %parallel_loop3A_441  : i32 {
      %parallel_loop3A_455 = arith.constant 16 : i32
      %parallel_loop3A_456 = arith.muli %parallel_loop3A_454, %parallel_loop3A_455 : i32
      %parallel_loop3A_457 = arith.constant 14336 : i32
      %parallel_loop3A_458 = arith.addi %parallel_loop3A_457, %parallel_loop3A_456 : i32
      %parallel_loop3A_459 = arith.constant 16 : i32
      %parallel_loop3A_460 = arith.muli %parallel_loop3A_454, %parallel_loop3A_459 : i32
      %parallel_loop3A_461 = arith.constant 6144 : i32
      %parallel_loop3A_462 = arith.addi %parallel_loop3A_461, %parallel_loop3A_460 : i32
      %parallel_loop3A_463 = arith.index_cast %parallel_loop3A_462 : i32 to index
      %parallel_loop3A_464 = tpu.vector_load %arg9[%parallel_loop3A_463] {strides = array<i32>} : memref<8192xi32, #tpu.memory_space<vmem>>, vector<16xi32>,
      %parallel_loop3A_465 = tpu.vector_load_idx %arg7[%parallel_loop3A_464] : memref<100000xf32, #tpu.memory_space<vmem>>[vector<16xi32>], vector<16xf32>,
      %parallel_loop3A_466 = arith.index_cast %parallel_loop3A_458 : i32 to index
      %parallel_loop3A_467 = tpu.vector_load %arg8[%parallel_loop3A_466] {strides = array<i32>} : memref<16384xf32, #tpu.memory_space<vmem>>, vector<16xf32>,
      %parallel_loop3A_468 = arith.constant 16 : i32
      %parallel_loop3A_469 = arith.muli %parallel_loop3A_454, %parallel_loop3A_468 : i32
      %parallel_loop3A_470 = arith.constant 1 : i32
      %parallel_loop3A_471 = arith.index_cast %parallel_loop3A_470 : i32 to index
      %parallel_loop3A_472 = arith.index_cast %parallel_loop3A_469 : i32 to index
      %parallel_loop3A_473 = tpu.vector_load %arg10[%parallel_loop3A_471, %parallel_loop3A_472] {strides = array<i32>} : memref<2x2048xf32, #tpu.memory_space<vmem>>, vector<16xf32>,
      %parallel_loop3A_474 = arith.mulf %parallel_loop3A_473, %parallel_loop3A_465 : vector<16xf32>
      %parallel_loop3A_475 = arith.addf %parallel_loop3A_467, %parallel_loop3A_474 : vector<16xf32>
      %parallel_loop3A_476 = arith.constant -1.000000e+00 : f32
      %parallel_loop3A_477 = arith.constant 1.000000e+00 : f32
      %parallel_loop3A_478 = vector.broadcast %parallel_loop3A_476 : f32 to vector<16xf32>
      %parallel_loop3A_479 = arith.maximumf %parallel_loop3A_478, %parallel_loop3A_475 : vector<16xf32>
      %parallel_loop3A_480 = vector.broadcast %parallel_loop3A_477 : f32 to vector<16xf32>
      %parallel_loop3A_481 = arith.minimumf %parallel_loop3A_480, %parallel_loop3A_479 : vector<16xf32>
      %parallel_loop3A_482 = arith.index_cast %parallel_loop3A_458 : i32 to index
      %parallel_loop3A_483 = tpu.vector_load %arg8[%parallel_loop3A_482] {strides = array<i32>} : memref<16384xf32, #tpu.memory_space<vmem>>, vector<16xf32>,
      tpu.vector_store %arg8[%parallel_loop3A_482], %parallel_loop3A_481 {strides = array<i32>} : memref<16384xf32, #tpu.memory_space<vmem>>, vector<16xf32>,
    } {sc.loop_unroll_factor = 8 : i64, sc.parallel_access}
    %dma_start3A_442 = arith.constant 0 : i32
    %dma_start3A_443 = tpu.memref_slice %arg6[%add3A_223, %dma_start3A_442] : memref<64x16384xf32, #tpu.memory_space<hbm>> -> memref<1x16384xf32, #tpu.memory_space<hbm>>
    %dma_start3A_444 = tpu.memref_squeeze %dma_start3A_443 : memref<1x16384xf32, #tpu.memory_space<hbm>> -> memref<16384xf32, #tpu.memory_space<hbm>>
    %dma_start3A_445 = arith.constant 0 : i32
    %dma_start3A_446 = tpu.memref_slice %arg6[%add3A_223, %dma_start3A_445] : memref<64x16384xf32, #tpu.memory_space<hbm>> -> memref<1x16384xf32, #tpu.memory_space<hbm>>
    %dma_start3A_447 = tpu.memref_squeeze %dma_start3A_446 : memref<1x16384xf32, #tpu.memory_space<hbm>> -> memref<16384xf32, #tpu.memory_space<hbm>>
    tpu.enqueue_dma source(%arg8 : memref<16384xf32, #tpu.memory_space<vmem>>) target(%dma_start3A_447 : memref<16384xf32, #tpu.memory_space<hbm>>) target_semaphore(%arg11 : memref<!tpu.dma_semaphore, #tpu.memory_space<semaphore_mem>>)
    %dma_wait3A_448 = arith.constant 0 : i32
    %dma_wait3A_449 = tpu.memref_slice %arg6[%add3A_223, %dma_wait3A_448] : memref<64x16384xf32, #tpu.memory_space<hbm>> -> memref<1x16384xf32, #tpu.memory_space<hbm>>
    %dma_wait3A_450 = tpu.memref_squeeze %dma_wait3A_449 : memref<1x16384xf32, #tpu.memory_space<hbm>> -> memref<16384xf32, #tpu.memory_space<hbm>>
    %dma_wait3A_451 = arith.constant 0 : i32
    %dma_wait3A_452 = tpu.memref_slice %arg6[%add3A_223, %dma_wait3A_451] : memref<64x16384xf32, #tpu.memory_space<hbm>> -> memref<1x16384xf32, #tpu.memory_space<hbm>>
    %dma_wait3A_453 = tpu.memref_squeeze %dma_wait3A_452 : memref<1x16384xf32, #tpu.memory_space<hbm>> -> memref<16384xf32, #tpu.memory_space<hbm>>
    tpu.wait_dma2 semaphore(%arg11 : memref<!tpu.dma_semaphore, #tpu.memory_space<semaphore_mem>>) src(%arg8 : memref<16384xf32, #tpu.memory_space<vmem>>) dst(%dma_wait3A_453 : memref<16384xf32, #tpu.memory_space<hbm>>)
    return
  }
}

</mosaic_0001>

<sc_bundles>
// kernel: kernel.3.cloned.1.call-start
scs
__scs_entry_jumppad:
0x0: {  	(pc) =	sbr.rel $0x88, $3  }
0x1: {  	(tag) =	ssettag $0x0;
	lr =	simm.s32 $0x1  }
0x2: {  	[smem:$0x3F9D] =	sst lr;
	_ =	strace $0xD0000000  }
0x3: {  	_ = 	snop  }
0x4: {  	_ = 	snop  }
0x5: {  	_ = 	snop  }
0x6: {  	_ = 	snop  }
0x7: {  	_ = 	snop  }
__scs_overlays_trampoline_lowered:
0x8: {  	[smem:$0x3FAC] =	sst s0  }
0x9: {  	[smem:$0x3FAD] =	sst s1  }
0xa: {  	[smem:$0x3FAE] =	sst s2  }
0xb: {  	[smem:$0x3FAF] =	sst s3  }
0xc: {  	[smem:$0x3FB0] =	sst s4  }
0xd: {  	[smem:$0x3FB1] =	sst s5  }
0xe: {  	[smem:$0x3FB2] =	sst s6  }
0xf: {  	[smem:$0x3FB3] =	sst s7  }
0x10: {  	[smem:$0x3FB4] =	sst s8  }
0x11: {  	[smem:$0x3FB5] =	sst s9;
	s0 =	simm.s32 @!p0 $0x0  }
0x12: {  	s1 =	sld [smem:$0x3F9B];
	s0 =	simm.s32 @p0 $0x1  }
0x13: {  	[smem:$0x3FB6] =	sst s0;
	s0 =	simm.s32 @!p1 $0x0  }
0x14: {  	s2 =	sld [smem:$0x3F9A];
	s0 =	simm.s32 @p1 $0x1  }
0x15: {  	[smem:$0x3FB7] =	sst s0;
	s0 =	simm.s32 @!p2 $0x0  }
0x16: {  	s3 =	sld [smem:$0x3FDB];
	s0 =	simm.s32 @p2 $0x1  }
0x17: {  	s4 =	simm.s32 $0x1BF5;
	[smem:$0x3FB9] =	sst s0  }
0x18: {  	s0 =	sld [smem:$0x3F9C];
	_ =	swait.ge [sflag:s4], $0x0  }
0x19: {  	s7 =	sld [smem:$0x3F9D]  }
0x1a: {  	s8 =	sadd.s32 $0xFFFFE003, lr  }
0x1b: {  	s9 =	sadd.s32 $0xFFFFFEF7, lr;
	s5 =	simm.s32 $0xFFFFFFFF;
	p2 =	slt.u32 s8, $0xFFFFF086  }
0x1c: {  	p1 =	slt.u32 s9, $0xF7A;
	s5 =	simm.s32 @!p2 $0x0  }
0x1d: {  	s5 =	simm.s32 @p1 $0x1;
	p0 =	seq.s32 s7, s2  }
0x1e: {  	s7 =	smul.u32 @!p0 $0xF7A, s2;
	p2 =	seq.s32 @!p0 s5, $0x0  }
0x1f: {  	s9 =	smul.u32 $0xF7A, s1;
	s8 =	simm.s32 @!p0 $0x1BF5;
	p2 =	por !p2, p0  }
0x20: {  	[sflag:s8] =	ssyncset.s32 @!p0 $0xFFFFF086;
	s6 =	sadd.s32 @!p0 s3, s7;
	s7 =	simm.s32 @!p0 $0x108  }
0x21: {  	s3 =	sadd.s32 s3, s9;
	s6 =	sadd.s32 @!p0 $0x88, s6;
	s7 =	simm.s32 @p2 $0x1082  }
0x22: {  	[simem:s7], [sflag:s8] =	dma.local @!p0 [hbm:s6], $0xF7A  }
0x23: {  	s9 =	sor.u32 $0xD0000000, s2;
	s6 =	simm.s32 $0x108;
	_ =	swait.ge @!p0 [sflag:s8], $0x0  }
0x24: {  	s3 =	sadd.s32 $0x88, s3;
	s6 =	simm.s32 @!p1 $0x1082;
	[sflag:s4] =	ssyncset.s32 $0xFFFFF086  }
0x25: {  	[simem:s6], [sflag:s4] =	dma.local [hbm:s3], $0xF7A  }
0x26: {  	[smem:$0x3F9D] =	sst s1;
	(tag) =	ssettag s2;
	_ =	strace s9  }
0x27: {  	s1 =	sld [smem:$0x3FAD]  }
0x28: {  	s2 =	sld [smem:$0x3FAE]  }
0x29: {  	s4 =	sld [smem:$0x3FB0]  }
0x2a: {  	p0 =	seq.s32 s5, $0x0;
	s5 =	sld [smem:$0x3FB1]  }
0x2b: {  	s6 =	sld [smem:$0x3FB2]  }
0x2c: {  	s7 =	sld [smem:$0x3FB3]  }
0x2d: {  	s3 =	simm.s32 $0x108;
	s8 =	sld [smem:$0x3FB4]  }
0x2e: {  	s3 =	simm.s32 @!p0 $0x1082;
	s9 =	sld [smem:$0x3FB5]  }
0x2f: {  	lr =	sadd.s32 s0, s3;
	s0 =	sld [smem:$0x3FAC]  }
0x30: {  	s3 =	sld [smem:$0x3FAF]  }
0x31: {  	[smem:$0x3FB8] =	sst s10  }
0x32: {  	s10 =	sld [smem:$0x3FB6];
	_ =	sdelay $0x3  }
0x33: {  	p0 =	seq.s32 s10, $0x1;
	s10 =	sld [smem:$0x3FB8];
	_ =	sdelay $0x3  }
0x34: {  	[smem:$0x3FB8] =	sst s10  }
0x35: {  	s10 =	sld [smem:$0x3FB7];
	_ =	sdelay $0x3  }
0x36: {  	p1 =	seq.s32 s10, $0x1;
	s10 =	sld [smem:$0x3FB8];
	_ =	sdelay $0x3  }
0x37: {  	[smem:$0x3FB8] =	sst s10  }
0x38: {  	s10 =	sld [smem:$0x3FB9]  }
0x39: {  	_ = 	snop;
	(pc) =	sbr.ind lr, $3  }
0x3a: {  	_ = 	snop  }
0x3b: {  	_ = 	snop  }
0x3c: {  	p2 =	seq.s32 s10, $0x1;
	s10 =	sld [smem:$0x3FB8]  }
0x3d: {  	_ =	shalt  }
0x3e: {  	_ =	shalt  }
0x3f: {  	_ =	shalt  }
0x40: {  	_ =	shalt  }
0x41: {  	_ =	shalt  }
0x42: {  	_ =	shalt  }
0x43: {  	_ =	shalt  }
0x44: {  	_ =	shalt  }
0x45: {  	_ =	shalt  }
0x46: {  	_ =	shalt  }
0x47: {  	_ =	shalt  }
0x48: {  	_ =	shalt  }
0x49: {  	_ =	shalt  }
0x4a: {  	_ =	shalt  }
0x4b: {  	_ =	shalt  }
0x4c: {  	_ =	shalt  }
0x4d: {  	_ =	shalt  }
0x4e: {  	_ =	shalt  }
0x4f: {  	_ =	shalt  }
0x50: {  	_ =	shalt  }
0x51: {  	_ =	shalt  }
0x52: {  	_ =	shalt  }
0x53: {  	_ =	shalt  }
0x54: {  	_ =	shalt  }
0x55: {  	_ =	shalt  }
0x56: {  	_ =	shalt  }
0x57: {  	_ =	shalt  }
0x58: {  	_ =	shalt  }
0x59: {  	_ =	shalt  }
0x5a: {  	_ =	shalt  }
0x5b: {  	_ =	shalt  }
0x5c: {  	_ =	shalt  }
0x5d: {  	_ =	shalt  }
0x5e: {  	_ =	shalt  }
0x5f: {  	_ =	shalt  }
0x60: {  	_ =	shalt  }
0x61: {  	_ =	shalt  }
0x62: {  	_ =	shalt  }
0x63: {  	_ =	shalt  }
0x64: {  	_ =	shalt  }
0x65: {  	_ =	shalt  }
0x66: {  	_ =	shalt  }
0x67: {  	_ =	shalt  }
0x68: {  	_ =	shalt  }
0x69: {  	_ =	shalt  }
0x6a: {  	_ =	shalt  }
0x6b: {  	_ =	shalt  }
0x6c: {  	_ =	shalt  }
0x6d: {  	_ =	shalt  }
0x6e: {  	_ =	shalt  }
0x6f: {  	_ =	shalt  }
0x70: {  	_ =	shalt  }
0x71: {  	_ =	shalt  }
0x72: {  	_ =	shalt  }
0x73: {  	_ =	shalt  }
0x74: {  	_ =	shalt  }
0x75: {  	_ =	shalt  }
0x76: {  	_ =	shalt  }
0x77: {  	_ =	shalt  }
0x78: {  	_ =	shalt  }
0x79: {  	_ =	shalt  }
0x7a: {  	_ =	shalt  }
0x7b: {  	_ =	shalt  }
0x7c: {  	_ =	shalt  }
0x7d: {  	_ =	shalt  }
0x7e: {  	_ =	shalt  }
0x7f: {  	_ =	shalt  }
0x80: {  	_ =	shalt  }
0x81: {  	_ =	shalt  }
0x82: {  	_ =	shalt  }
0x83: {  	_ =	shalt  }
0x84: {  	_ =	shalt  }
0x85: {  	_ =	shalt  }
0x86: {  	_ =	shalt  }
0x87: {  	_ =	shalt  }
.Lfunc_end0:
.L_simem_size_0:
called_computation_lowered:
.L_overlay_start_0:
0x88: {  	s2 =	sld [smem:$0x3FD9]  }
0x89: {  	s3 =	sld [smem:$0x3FFE];
	_ =	sdelay $0x1  }
0x8a: {  	s1 =	srdreg.scid  }
0x8b: {  	s0 =	sand.u32 $0x1, s1  }
0x8c: {  	s18 =	sshll.u32 s0, $0xA;
	s2 =	sadd.s32 s3, s2  }
0x8d: {  	s2 =	sadd.s32 s2, s18  }
0x8e: {  	[smem:$0x3FC4] =	sst s2  }
0x8f: {  	_ = 	snop  }
0x90: {  	s2 =	sld [smem:$0x3FC9]  }
0x91: {  	s19 =	sld [smem:$0x3FC8]  }
0x92: {  	s4 =	sld [smem:$0x3FC7]  }
0x93: {  	s5 =	sld [smem:$0x3FC6]  }
0x94: {  	s6 =	sld [smem:$0x3FD0];
	(tm) =	ssettm $0x1  }
0x95: {  	s7 =	sld [smem:$0x3FFB];
	_ =	sdelay $0x3  }
0x96: {  	_ =	strace s7  }
0x97: {  	s7 =	sld [smem:$0x3FFC];
	_ =	sdelay $0x3  }
0x98: {  	_ =	strace s7  }
0x99: {  	s7 =	sld [smem:$0x3FFD];
	_ =	sdelay $0x3  }
0x9a: {  	_ =	strace s7  }
0x9b: {  	_ =	strace $0x8FFFFFFF  }
0x9c: {  	s20 =	sld [smem:$0x3FDB];
	_ =	sdelay $0x1  }
0x9d: {  	s8 =	simm.s32 $_scs_section_size  }
0x9e: {  	s9 =	simm.s32 $_size__tile_overlayer_lowered;
	s10 =	simm.s32 $_tile_overlayer_lowered  }
0x9f: {  	s23 =	simm.s32 $0x1BFF;
	s22 =	sshll.u32 s10, $0x1;
	s7 =	sadd.s32 s8, s20  }
0xa0: {  	s11 =	simm.s32 $0x0;
	s21 =	sshll.u32 s9, $0x1;
	s9 =	sadd.s32 s22, s7  }
0xa1: {  	[timem:s11], [sflag:s23] =	dma.local [hbm:s9], s21  }
0xa2: {  	_ =	swait.ge [sflag:s23], s21  }
0xa3: {  	s8 =	ssub.s32 $0x0, s21;
	[sflag:s23] =	ssyncset.done $0x0  }
0xa4: {  	[sflag:s23] =	ssyncadd.s32 s8;
	_ =	sdelay $0x1  }
0xa5: {  	s24 =	simm.s32 $0x1B8B  }
0xa6: {  	_ =	swait.ge [sflag:s24], $0x1  }
0xa7: {  	[sflag:s24] =	ssyncset.done $0x0  }
0xa8: {  	s25 =	simm.s32 $0x1B8E;
	[sflag:s24] =	ssyncadd.s32 $0xFFFFFFFF  }
0xa9: {  	s26 =	simm.s32 $execute0_lowered;
	[smem:$0x3FD2] =	sst s25  }
0xaa: {  	s8 =	sshll.u32 s26, $0x1;
	_ =	strace $0x80000046;
	[dreg:$0x1] =	wrdreg $0xFFFFFFFF  }
0xab: {  	s28 =	simm.s32 $_size_execute0_lowered;
	s7 =	sadd.s32 s7, s8;
	[dreg:$0x0] =	wrdreg $0x0  }
0xac: {  	s8 =	sshll.u32 s28, $0x1;
	[dreg:$0x2] =	wrdreg s7  }
0xad: {  	[dreg:$0x3] =	wrdreg s8  }
0xae: {  	[dreg:$0x4] =	wrdreg $0xC0  }
0xaf: {  	_ =	task [dreg:s11], $0x5FFFF  }
0xb0: {  	[dreg:$0x1] =	wrdreg $0xFFFFFFFF  }
0xb1: {  	[dreg:$0x0] =	wrdreg $0x60  }
0xb2: {  	[dreg:$0x2] =	wrdreg s2  }
0xb3: {  	[dreg:$0x3] =	wrdreg s19  }
0xb4: {  	[dreg:$0x4] =	wrdreg s4  }
0xb5: {  	[dreg:$0x5] =	wrdreg s5  }
0xb6: {  	[dreg:$0x6] =	wrdreg s6  }
0xb7: {  	[dreg:$0x7] =	wrdreg $0x9  }
0xb8: {  	_ =	task.clear_ibuf [dreg:s11], $0x8FFFF;
	_ =	strace $0x90000046  }
0xb9: {  	s29 =	simm.s32 $0x9;
	_ =	strace $0x80000048  }
0xba: {  	_ =	swait.ge [sflag:s29], $0x1  }
0xbb: {  	[sflag:s29] =	ssyncadd.s32 $0xFFFFFFFF  }
0xbc: {  	_ =	strace $0x90000048  }
0xbd: {  	_ =	sfence  }
0xbe: {  	s30 =	sld [smem:$0x0];
	_ =	sdelay $0x2  }
0xbf: {  	s31 =	sshll.u32 s1, $0xD;
	s1 =	sshrl.u32 s1, $0x2  }
0xc0: {  	s3 =	sand.u32 $0x4000, s31;
	s1 =	sadd.s32 s1, s30  }
0xc1: {  	s0 =	sor.u32 s3, s0;
	s1 =	sshll.u32 s1, $0x11  }
0xc2: {  	s0 =	sor.u32 s1, s0  }
0xc3: {  	s0 =	sadd.s32 $0x8F2B, s0  }
0xc4: {  	[sflag:s0] =	ssyncadd.remote.s32 $0x1  }
0xc5: {  	_ =	sfence.sel $0xFFFF  }
0xc6: {  	[dreg:$0x0] =	wrdreg $0xFFFFFFFF;
	(pc) =	sbr.abs _section_cstart, $3  }
0xc7: {  	[dreg:$0x1] =	wrdreg $0xFFFFFFFF  }
0xc8: {  	_ =	task.clear_ibuf [dreg:s11], $0x2FFFF;
	_ =	strace $0x9FFFFFFF  }
0xc9: {  	(tm) =	ssettm $0x7FFFFFFF  }
tec
execute0_lowered:
.L_overlay_start_1:
0x0: {  	(tag) =	ssettag $0x1  }
0x1: {  	s19 =	rddreg [dreg:$0x0]  }
0x2: {  	s0 =	rddreg [dreg:$0x1]  }
0x3: {  	s1 =	rddreg [dreg:$0x2]  }
0x4: {  	s16 =	rddreg [dreg:$0x3]  }
0x5: {  	s2 =	rddreg [dreg:$0x4]  }
0x6: {  	s3 =	srdreg.scid;
	s5 =	stileid.u32;
	s29 =	simm.s32 $0x0  }
0x7: {  	s3 =	sand.u32 $0x1, s3;
	s4 =	sshll.u32 s5, $0x9;
	s5 =	sshrl.u32 s5, $0x1  }
0x8: {  	s26 =	sadd.s32 $0x400, s19;
	s9 =	sadd.s32 $0x200, s16;
	s10 =	sadd.s32 $0x300, s16  }
0x9: {  	s11 =	sadd.s32 $0x400, s16;
	s17 =	sadd.s32 $0x40, s16;
	s18 =	sadd.s32 $0x50, s16  }
0xa: {  	s20 =	sadd.s32 $0x60, s16;
	s7 =	sand.u32 $0x200, s4;
	s4 =	simm.s32 $0x0  }
0xb: {  	s21 =	sadd.s32 $0x70, s16;
	s22 =	sadd.s32 $0x80, s16;
	[smem:$0x7FF] =	sst s4  }
0xc: {  	s23 =	sadd.s32 $0x90, s16;
	_ =	strace $0x80000047;
	[dreg:$0x7] =	wrdreg s26  }
0xd: {  	s6 =	sshll.u32 s3, $0x8;
	s15 =	smul.u32 $0xC3800, s5;
	[dreg:$0x11] =	wrdreg s17  }
0xe: {  	s3 =	ssub.s32 $0x2, s3;
	s5 =	sshll.u32 s5, $0x11;
	[dreg:$0x12] =	wrdreg s18  }
0xf: {  	s6 =	sor.u32 s6, s7;
	s24 =	sshrl.u32 s3, $0x1;
	[dreg:$0x13] =	wrdreg s20  }
0x10: {  	s8 =	sor.u32 s15, s6;
	s3 =	ssub.s32 s3, s24;
	[dreg:$0x14] =	wrdreg s21  }
0x11: {  	s28 =	sor.u32 s5, s6;
	s6 =	sor.u32 $0x80, s6;
	[dreg:$0x15] =	wrdreg s22  }
0x12: {  	[dreg:$0x16] =	wrdreg s23;
	s24 =	sadd.s32 $0xA0, s16;
	s26 =	sadd.s32 $0xC0, s16  }
0x13: {  	s25 =	sshrl.u32 s8, $0x3;
	s15 =	sor.u32 s15, s6;
	[dreg:$0x17] =	wrdreg s24  }
0x14: {  	s5 =	sor.u32 s5, s6;
	s6 =	sadd.s32 $0x10, s16;
	[dreg:$0x19] =	wrdreg s26  }
0x15: {  	s12 =	sadd.s32 $0x500, s16;
	s8 =	sadd.s32 s0, s25;
	[dreg:$0xe] =	wrdreg s6  }
0x16: {  	s13 =	sadd.s32 $0x600, s16;
	s7 =	sadd.s32 s1, s25;
	[dreg:$0x6] =	wrdreg s8  }
0x17: {  	s30 =	sshrl.u32 s15, $0x3;
	s15 =	sadd.s32 $0x30, s16;
	[dreg:$0x8] =	wrdreg s7  }
0x18: {  	s14 =	sadd.s32 $0x700, s16;
	s25 =	sadd.s32 $0xB0, s16;
	[dreg:$0x10] =	wrdreg s15  }
0x19: {  	s17 =	simm.s32 $0x3;
	s0 =	sadd.s32 s0, s30;
	[dreg:$0x18] =	wrdreg s25  }
0x1a: {  	s20 =	simm.s32 $0x1C700;
	s31 =	sadd.s32 s1, s30;
	[dreg:$0xa] =	wrdreg s0  }
0x1b: {  	s1 =	sshrl.u32 s5, $0x3;
	s5 =	smax.u32 s3, $0x1;
	[dreg:$0xb] =	wrdreg s31  }
0x1c: {  	s7 =	sshrl.u32 s28, $0x3;
	s28 =	sadd.s32 $0xD0, s16;
	[dreg:$0xd] =	wrdreg s5  }
0x1d: {  	s21 =	simm.s32 $0x1E700;
	s30 =	sadd.s32 $0xE0, s16;
	[dreg:$0x1a] =	wrdreg s28  }
0x1e: {  	s18 =	simm.s32 $0x1E880;
	s7 =	sadd.s32 s2, s7;
	[dreg:$0x1b] =	wrdreg s30  }
0x1f: {  	s8 =	sadd.s32 $0x100, s16;
	s0 =	sadd.s32 s2, s1;
	[dreg:$0x9] =	wrdreg s7  }
0x20: {  	s15 =	simm.s32 $0x400;
	s31 =	sadd.s32 $0xF0, s16;
	[dreg:$0xc] =	wrdreg s0  }
0x21: {  	s5 =	simm.s32 $0x2;
	s7 =	sadd.s32 $0x20, s16;
	[dreg:$0x1c] =	wrdreg s31  }
0x22: {  	s16 =	simm.s32 $0x1E780;
	[dreg:$0xf] =	wrdreg s7;
	s7 =	simm.s32 $0x80  }
.LBB2_1:
0x23: {  	s0 =	rddreg [dreg:$0x6]  }
0x24: {  	[tilespmem:s4], [sflag:$0x3] =	stream.strided.gather [hbm4b:s0+s7], $0x18700, s15, s7, $0x38;
	[tilespmem:$0x1F700] =	vst v63  }
0x25: {  	_ =	swait.ge [sflag:s17], $0x18700  }
0x26: {  	[sflag:s17] =	ssyncset.done $0x0  }
0x27: {  	[sflag:s17] =	ssyncadd.s32 $0xFFFE7900  }
0x28: {  	[tilespmem:s20], [sflag:$0x3] =	stream.linear.gather [hbm4b:s19+s4], $0x2000, $0x38;
	[tilespmem:$0x1F700] =	vst v63  }
0x29: {  	_ =	swait.ge [sflag:s17], $0x2000  }
0x2a: {  	[sflag:s17] =	ssyncset.done $0x0  }
0x2b: {  	s31 =	simm.s32 $0x1C740;
	[sflag:s17] =	ssyncadd.s32 $0xFFFFE000  }
0x2c: {  	v0 =	vld [tilespmem:s31+$0x30]  }
0x2d: {  	v1 =	vld [tilespmem:s31+$0xFFFFFFD0]  }
0x2e: {  	v2 =	vld [tilespmem:s31+$0xFFFFFFE0]  }
0x2f: {  	v3 =	vld [tilespmem:s31+$0xFFFFFFF0]  }
0x30: {  	v5 =	vld [tilespmem:s31+$0x0]  }
0x31: {  	v6 =	vld [tilespmem:s31+$0x10]  }
0x32: {  	v7 =	vld [tilespmem:s31+$0x20]  }
0x33: {  	v8 =	vld [tilespmem:s31+$0xFFFFFFC0]  }
0x34: {  	v9 =	vld.idx.msk [tilespmem:v0+s4+$0x0], $0xffff  }
0x35: {  	v10 =	vld.idx.msk [tilespmem:v1+s4+$0x0], $0xffff  }
0x36: {  	v4 =	vld.idx.msk [tilespmem:v2+s4+$0x0], $0xffff  }
0x37: {  	v2 =	vld.idx.msk [tilespmem:v3+s4+$0x0], $0xffff  }
0x38: {  	v0 =	vld.idx.msk [tilespmem:v5+s4+$0x0], $0xffff  }
0x39: {  	s2 =	simm.s32 $0x18740;
	v1 =	vld.idx.msk [tilespmem:v6+s4+$0x0], $0xffff  }
0x3a: {  	s3 =	simm.s32 $0x0;
	v3 =	vld.idx.msk [tilespmem:v7+s4+$0x0], $0xffff;
	[tilespmem:s2+$0x30] =	vst v9  }
0x3b: {  	s1 =	simm.s32 $0x1D770;
	s6 =	simm.s32 $0x1C7C0;
	s0 =	simm.s32 $0x19770;
	v5 =	vld.idx.msk [tilespmem:v8+s4+$0x0], $0xffff;
	[tilespmem:s2+$0xFFFFFFD0] =	vst v10  }
.LBB2_2:
0x3c: {  	v6 =	vld [tilespmem:s6+$0x30];
	s3 =	sadd.s32 $0x8, s3;
	[tilespmem:s2+$0xFFFFFFE0] =	vst v4  }
0x3d: {  	v4 =	vld [tilespmem:s6+$0xFFFFFFD0];
	p0 =	slt.u32 s3, $0xF8;
	[tilespmem:s2+$0xFFFFFFF0] =	vst v2  }
0x3e: {  	v2 =	vld [tilespmem:s6+$0xFFFFFFE0];
	[tilespmem:s2+$0x0] =	vst v0  }
0x3f: {  	v0 =	vld [tilespmem:s6+$0xFFFFFFF0];
	[tilespmem:s2+$0x10] =	vst v1  }
0x40: {  	v1 =	vld [tilespmem:s6+$0x0];
	[tilespmem:s2+$0x20] =	vst v3  }
0x41: {  	v3 =	vld [tilespmem:s6+$0x10];
	[tilespmem:s2+$0xFFFFFFC0] =	vst v5  }
0x42: {  	v5 =	vld [tilespmem:s6+$0x20]  }
0x43: {  	v7 =	vld [tilespmem:s6+$0xFFFFFFC0]  }
0x44: {  	v6 =	vld.idx.msk [tilespmem:v6+s4+$0x0], $0xffff  }
0x45: {  	v8 =	vld.idx.msk [tilespmem:v4+s4+$0x0], $0xffff  }
0x46: {  	v4 =	vld.idx.msk [tilespmem:v2+s4+$0x0], $0xffff  }
.Ltmp0:
0x47: {  	v2 =	vld.idx.msk [tilespmem:v0+s4+$0x0], $0xffff;
	(pc) =	sbr.rel @p0 .LBB2_2-.Ltmp0, $4  }
0x48: {  	v0 =	vld.idx.msk [tilespmem:v1+s4+$0x0], $0xffff  }
0x49: {  	s2 =	sadd.s32 $0x80, s2;
	v1 =	vld.idx.msk [tilespmem:v3+s4+$0x0], $0xffff  }
0x4a: {  	v3 =	vld.idx.msk [tilespmem:v5+s4+$0x0], $0xffff;
	[tilespmem:s2+$0x30] =	vst v6  }
0x4b: {  	s6 =	sadd.s32 $0x80, s6;
	v5 =	vld.idx.msk [tilespmem:v7+s4+$0x0], $0xffff;
	[tilespmem:s2+$0xFFFFFFD0] =	vst v8  }
0x4c: {  	[tilespmem:s2+$0xFFFFFFE0] =	vst v4  }
0x4d: {  	[tilespmem:s2+$0xFFFFFFF0] =	vst v2  }
0x4e: {  	[tilespmem:s2+$0x0] =	vst v0  }
0x4f: {  	[tilespmem:s2+$0x10] =	vst v1  }
0x50: {  	[tilespmem:s2+$0x20] =	vst v3  }
0x51: {  	[tilespmem:s2+$0xFFFFFFC0] =	vst v5  }
0x52: {  	v0 =	vld [tilespmem:s1+$0x0]  }
0x53: {  	v1 =	vld [tilespmem:s1+$0xFFFFFFA0]  }
0x54: {  	v2 =	vld [tilespmem:s1+$0xFFFFFFB0]  }
0x55: {  	v3 =	vld [tilespmem:s1+$0xFFFFFFC0]  }
0x56: {  	v4 =	vld [tilespmem:s1+$0xFFFFFFD0]  }
0x57: {  	v6 =	vld [tilespmem:s1+$0xFFFFFFE0]  }
0x58: {  	v7 =	vld [tilespmem:s1+$0xFFFFFFF0]  }
0x59: {  	v8 =	vld [tilespmem:s1+$0xFFFFFF90]  }
0x5a: {  	v9 =	vld.idx.msk [tilespmem:v0+s4+$0x0], $0xffff  }
0x5b: {  	v10 =	vld.idx.msk [tilespmem:v1+s4+$0x0], $0xffff  }
0x5c: {  	v5 =	vld.idx.msk [tilespmem:v2+s4+$0x0], $0xffff  }
0x5d: {  	v3 =	vld.idx.msk [tilespmem:v3+s4+$0x0], $0xffff  }
0x5e: {  	v2 =	vld.idx.msk [tilespmem:v4+s4+$0x0], $0xffff  }
0x5f: {  	v0 =	vld.idx.msk [tilespmem:v6+s4+$0x0], $0xffff  }
0x60: {  	v1 =	vld.idx.msk [tilespmem:v7+s4+$0x0], $0xffff;
	[tilespmem:s0+$0x0] =	vst v9  }
0x61: {  	s2 =	simm.s32 $0x1D7F0;
	s1 =	simm.s32 $0x0;
	v4 =	vld.idx.msk [tilespmem:v8+s4+$0x0], $0xffff;
	[tilespmem:s0+$0xFFFFFFA0] =	vst v10  }
.LBB2_4:
0x62: {  	v6 =	vld [tilespmem:s2+$0x0];
	s1 =	sadd.s32 $0x8, s1;
	[tilespmem:s0+$0xFFFFFFB0] =	vst v5  }
0x63: {  	v5 =	vld [tilespmem:s2+$0xFFFFFFA0];
	p0 =	slt.u32 s1, $0xF8;
	[tilespmem:s0+$0xFFFFFFC0] =	vst v3  }
0x64: {  	v3 =	vld [tilespmem:s2+$0xFFFFFFB0];
	[tilespmem:s0+$0xFFFFFFD0] =	vst v2  }
0x65: {  	v2 =	vld [tilespmem:s2+$0xFFFFFFC0];
	[tilespmem:s0+$0xFFFFFFE0] =	vst v0  }
0x66: {  	v0 =	vld [tilespmem:s2+$0xFFFFFFD0];
	[tilespmem:s0+$0xFFFFFFF0] =	vst v1  }
0x67: {  	v1 =	vld [tilespmem:s2+$0xFFFFFFE0];
	[tilespmem:s0+$0xFFFFFF90] =	vst v4  }
0x68: {  	v4 =	vld [tilespmem:s2+$0xFFFFFFF0]  }
0x69: {  	v7 =	vld [tilespmem:s2+$0xFFFFFF90]  }
0x6a: {  	v6 =	vld.idx.msk [tilespmem:v6+s4+$0x0], $0xffff  }
0x6b: {  	v8 =	vld.idx.msk [tilespmem:v5+s4+$0x0], $0xffff  }
0x6c: {  	v5 =	vld.idx.msk [tilespmem:v3+s4+$0x0], $0xffff  }
.Ltmp1:
0x6d: {  	v3 =	vld.idx.msk [tilespmem:v2+s4+$0x0], $0xffff;
	(pc) =	sbr.rel @p0 .LBB2_4-.Ltmp1, $4  }
0x6e: {  	v2 =	vld.idx.msk [tilespmem:v0+s4+$0x0], $0xffff  }
0x6f: {  	s0 =	sadd.s32 $0x80, s0;
	v0 =	vld.idx.msk [tilespmem:v1+s4+$0x0], $0xffff  }
0x70: {  	v1 =	vld.idx.msk [tilespmem:v4+s4+$0x0], $0xffff;
	[tilespmem:s0+$0x0] =	vst v6  }
0x71: {  	s2 =	sadd.s32 $0x80, s2;
	v4 =	vld.idx.msk [tilespmem:v7+s4+$0x0], $0xffff;
	[tilespmem:s0+$0xFFFFFFA0] =	vst v8  }
0x72: {  	[tilespmem:s0+$0xFFFFFFB0] =	vst v5  }
0x73: {  	[tilespmem:s0+$0xFFFFFFC0] =	vst v3  }
0x74: {  	[tilespmem:s0+$0xFFFFFFD0] =	vst v2  }
0x75: {  	[tilespmem:s0+$0xFFFFFFE0] =	vst v0  }
0x76: {  	[tilespmem:s0+$0xFFFFFFF0] =	vst v1  }
0x77: {  	[tilespmem:s0+$0xFFFFFF90] =	vst v4  }
0x78: {  	s0 =	rddreg [dreg:$0x7]  }
0x79: {  	[tilespmem:s20], [sflag:$0x3] =	stream.linear.gather [hbm4b:s0+s4], $0x2000, $0x38;
	[tilespmem:$0x1F700] =	vst v63  }
0x7a: {  	_ =	swait.ge [sflag:s17], $0x2000  }
0x7b: {  	[sflag:s17] =	ssyncset.done $0x0  }
0x7c: {  	s31 =	simm.s32 $0x1C740;
	[sflag:s17] =	ssyncadd.s32 $0xFFFFE000  }
0x7d: {  	v0 =	vld [tilespmem:s31+$0x30]  }
0x7e: {  	v1 =	vld [tilespmem:s31+$0xFFFFFFD0]  }
0x7f: {  	v2 =	vld [tilespmem:s31+$0xFFFFFFE0]  }
0x80: {  	v3 =	vld [tilespmem:s31+$0xFFFFFFF0]  }
0x81: {  	v5 =	vld [tilespmem:s31+$0x0]  }
0x82: {  	v6 =	vld [tilespmem:s31+$0x10]  }
0x83: {  	v7 =	vld [tilespmem:s31+$0x20]  }
0x84: {  	v8 =	vld [tilespmem:s31+$0xFFFFFFC0]  }
0x85: {  	v9 =	vld.idx.msk [tilespmem:v0+s4+$0x0], $0xffff  }
0x86: {  	v10 =	vld.idx.msk [tilespmem:v1+s4+$0x0], $0xffff  }
0x87: {  	v4 =	vld.idx.msk [tilespmem:v2+s4+$0x0], $0xffff  }
0x88: {  	v3 =	vld.idx.msk [tilespmem:v3+s4+$0x0], $0xffff  }
0x89: {  	v0 =	vld.idx.msk [tilespmem:v5+s4+$0x0], $0xffff  }
0x8a: {  	s1 =	simm.s32 $0x1A770;
	v1 =	vld.idx.msk [tilespmem:v6+s4+$0x0], $0xffff  }
0x8b: {  	v2 =	vld.idx.msk [tilespmem:v7+s4+$0x0], $0xffff;
	[tilespmem:s1+$0x0] =	vst v9  }
0x8c: {  	s2 =	simm.s32 $0x0;
	s3 =	simm.s32 $0x1C7C0;
	s0 =	simm.s32 $0x1B770;
	v5 =	vld.idx.msk [tilespmem:v8+s4+$0x0], $0xffff;
	[tilespmem:s1+$0xFFFFFFA0] =	vst v10  }
.LBB2_6:
0x8d: {  	v6 =	vld [tilespmem:s3+$0x30];
	s2 =	sadd.s32 $0x8, s2;
	[tilespmem:s1+$0xFFFFFFB0] =	vst v4  }
0x8e: {  	v4 =	vld [tilespmem:s3+$0xFFFFFFD0];
	p0 =	slt.u32 s2, $0xF8;
	[tilespmem:s1+$0xFFFFFFC0] =	vst v3  }
0x8f: {  	v3 =	vld [tilespmem:s3+$0xFFFFFFE0];
	[tilespmem:s1+$0xFFFFFFD0] =	vst v0  }
0x90: {  	v0 =	vld [tilespmem:s3+$0xFFFFFFF0];
	[tilespmem:s1+$0xFFFFFFE0] =	vst v1  }
0x91: {  	v1 =	vld [tilespmem:s3+$0x0];
	[tilespmem:s1+$0xFFFFFFF0] =	vst v2  }
0x92: {  	v2 =	vld [tilespmem:s3+$0x10];
	[tilespmem:s1+$0xFFFFFF90] =	vst v5  }
0x93: {  	v5 =	vld [tilespmem:s3+$0x20]  }
0x94: {  	v7 =	vld [tilespmem:s3+$0xFFFFFFC0]  }
0x95: {  	v6 =	vld.idx.msk [tilespmem:v6+s4+$0x0], $0xffff  }
0x96: {  	v8 =	vld.idx.msk [tilespmem:v4+s4+$0x0], $0xffff  }
0x97: {  	v4 =	vld.idx.msk [tilespmem:v3+s4+$0x0], $0xffff  }
.Ltmp2:
0x98: {  	v3 =	vld.idx.msk [tilespmem:v0+s4+$0x0], $0xffff;
	(pc) =	sbr.rel @p0 .LBB2_6-.Ltmp2, $4  }
0x99: {  	v0 =	vld.idx.msk [tilespmem:v1+s4+$0x0], $0xffff  }
0x9a: {  	s1 =	sadd.s32 $0x80, s1;
	v1 =	vld.idx.msk [tilespmem:v2+s4+$0x0], $0xffff  }
0x9b: {  	s6 =	simm.s32 $0x1D770;
	v2 =	vld.idx.msk [tilespmem:v5+s4+$0x0], $0xffff;
	[tilespmem:s1+$0x0] =	vst v6  }
0x9c: {  	s3 =	sadd.s32 $0x80, s3;
	v5 =	vld.idx.msk [tilespmem:v7+s4+$0x0], $0xffff;
	[tilespmem:s1+$0xFFFFFFA0] =	vst v8  }
0x9d: {  	[tilespmem:s1+$0xFFFFFFB0] =	vst v4  }
0x9e: {  	[tilespmem:s1+$0xFFFFFFC0] =	vst v3  }
0x9f: {  	[tilespmem:s1+$0xFFFFFFD0] =	vst v0  }
0xa0: {  	[tilespmem:s1+$0xFFFFFFE0] =	vst v1  }
0xa1: {  	[tilespmem:s1+$0xFFFFFFF0] =	vst v2  }
0xa2: {  	[tilespmem:s1+$0xFFFFFF90] =	vst v5  }
0xa3: {  	v0 =	vld [tilespmem:s6+$0x0]  }
0xa4: {  	v1 =	vld [tilespmem:s6+$0xFFFFFFA0]  }
0xa5: {  	v2 =	vld [tilespmem:s6+$0xFFFFFFB0]  }
0xa6: {  	v3 =	vld [tilespmem:s6+$0xFFFFFFC0]  }
0xa7: {  	v4 =	vld [tilespmem:s6+$0xFFFFFFD0]  }
0xa8: {  	v6 =	vld [tilespmem:s6+$0xFFFFFFE0]  }
0xa9: {  	v7 =	vld [tilespmem:s6+$0xFFFFFFF0]  }
0xaa: {  	v8 =	vld [tilespmem:s6+$0xFFFFFF90]  }
0xab: {  	v9 =	vld.idx.msk [tilespmem:v0+s4+$0x0], $0xffff  }
0xac: {  	v10 =	vld.idx.msk [tilespmem:v1+s4+$0x0], $0xffff  }
0xad: {  	v5 =	vld.idx.msk [tilespmem:v2+s4+$0x0], $0xffff  }
0xae: {  	v3 =	vld.idx.msk [tilespmem:v3+s4+$0x0], $0xffff  }
0xaf: {  	v2 =	vld.idx.msk [tilespmem:v4+s4+$0x0], $0xffff  }
0xb0: {  	v0 =	vld.idx.msk [tilespmem:v6+s4+$0x0], $0xffff  }
0xb1: {  	v1 =	vld.idx.msk [tilespmem:v7+s4+$0x0], $0xffff;
	[tilespmem:s0+$0x0] =	vst v9  }
0xb2: {  	s2 =	simm.s32 $0x1D7F0;
	s1 =	simm.s32 $0x0;
	v4 =	vld.idx.msk [tilespmem:v8+s4+$0x0], $0xffff;
	[tilespmem:s0+$0xFFFFFFA0] =	vst v10  }
.LBB2_8:
0xb3: {  	v6 =	vld [tilespmem:s2+$0x0];
	s1 =	sadd.s32 $0x8, s1;
	[tilespmem:s0+$0xFFFFFFB0] =	vst v5  }
0xb4: {  	v5 =	vld [tilespmem:s2+$0xFFFFFFA0];
	p0 =	slt.u32 s1, $0xF8;
	[tilespmem:s0+$0xFFFFFFC0] =	vst v3  }
0xb5: {  	v3 =	vld [tilespmem:s2+$0xFFFFFFB0];
	[tilespmem:s0+$0xFFFFFFD0] =	vst v2  }
0xb6: {  	v2 =	vld [tilespmem:s2+$0xFFFFFFC0];
	[tilespmem:s0+$0xFFFFFFE0] =	vst v0  }
0xb7: {  	v0 =	vld [tilespmem:s2+$0xFFFFFFD0];
	[tilespmem:s0+$0xFFFFFFF0] =	vst v1  }
0xb8: {  	v1 =	vld [tilespmem:s2+$0xFFFFFFE0];
	[tilespmem:s0+$0xFFFFFF90] =	vst v4  }
0xb9: {  	v4 =	vld [tilespmem:s2+$0xFFFFFFF0]  }
0xba: {  	v7 =	vld [tilespmem:s2+$0xFFFFFF90]  }
0xbb: {  	v6 =	vld.idx.msk [tilespmem:v6+s4+$0x0], $0xffff  }
0xbc: {  	v8 =	vld.idx.msk [tilespmem:v5+s4+$0x0], $0xffff  }
0xbd: {  	v5 =	vld.idx.msk [tilespmem:v3+s4+$0x0], $0xffff  }
.Ltmp3:
0xbe: {  	v3 =	vld.idx.msk [tilespmem:v2+s4+$0x0], $0xffff;
	(pc) =	sbr.rel @p0 .LBB2_8-.Ltmp3, $4  }
0xbf: {  	v2 =	vld.idx.msk [tilespmem:v0+s4+$0x0], $0xffff  }
0xc0: {  	s0 =	sadd.s32 $0x80, s0;
	v0 =	vld.idx.msk [tilespmem:v1+s4+$0x0], $0xffff  }
0xc1: {  	v1 =	vld.idx.msk [tilespmem:v4+s4+$0x0], $0xffff;
	[tilespmem:s0+$0x0] =	vst v6  }
0xc2: {  	s2 =	sadd.s32 $0x80, s2;
	v4 =	vld.idx.msk [tilespmem:v7+s4+$0x0], $0xffff;
	[tilespmem:s0+$0xFFFFFFA0] =	vst v8  }
0xc3: {  	[tilespmem:s0+$0xFFFFFFB0] =	vst v5  }
0xc4: {  	[tilespmem:s0+$0xFFFFFFC0] =	vst v3  }
0xc5: {  	[tilespmem:s0+$0xFFFFFFD0] =	vst v2  }
0xc6: {  	[tilespmem:s0+$0xFFFFFFE0] =	vst v0  }
0xc7: {  	[tilespmem:s0+$0xFFFFFFF0] =	vst v1  }
0xc8: {  	[tilespmem:s0+$0xFFFFFF90] =	vst v4  }
0xc9: {  	s0 =	rddreg [dreg:$0x8]  }
0xca: {  	[tilespmem:s4], [sflag:$0x3] =	stream.strided.gather [hbm4b:s0+s7], $0x18700, s15, s7, $0x38;
	[tilespmem:$0x1F700] =	vst v63  }
0xcb: {  	_ =	swait.ge [sflag:s17], $0x18700  }
0xcc: {  	[sflag:s17] =	ssyncset.done $0x0  }
0xcd: {  	[sflag:s17] =	ssyncadd.s32 $0xFFFE7900  }
0xce: {  	s24 =	rddreg [dreg:$0x3]  }
0xcf: {  	[tilespmem:s21], [sflag:$0x2] =	stream.linear.gather [hbm4b:s24+s4], $0x80, $0x38;
	[tilespmem:$0x1F700] =	vst v63  }
0xd0: {  	s1 =	simm.s32 $0x1E800;
	s25 =	rddreg [dreg:$0xe]  }
0xd1: {  	[tilespmem:s1], [sflag:$0x2] =	stream.linear.gather [hbm4b:s25+s4], $0x80, $0x38;
	[tilespmem:$0x1F700] =	vst v63  }
0xd2: {  	s28 =	simm.s32 $0x1E900;
	s26 =	rddreg [dreg:$0xf]  }
0xd3: {  	[tilespmem:s28], [sflag:$0x2] =	stream.linear.gather [hbm4b:s26+s4], $0x80, $0x38;
	[tilespmem:$0x1F700] =	vst v63  }
0xd4: {  	s31 =	simm.s32 $0x1EA00;
	s30 =	rddreg [dreg:$0x10]  }
0xd5: {  	[tilespmem:s31], [sflag:$0x2] =	stream.linear.gather [hbm4b:s30+s4], $0x80, $0x38;
	[tilespmem:$0x1F700] =	vst v63  }
0xd6: {  	s2 =	simm.s32 $0x1EB00;
	s1 =	rddreg [dreg:$0x11]  }
0xd7: {  	[tilespmem:s2], [sflag:$0x2] =	stream.linear.gather [hbm4b:s1+s4], $0x80, $0x38;
	[tilespmem:$0x1F700] =	vst v63  }
0xd8: {  	s6 =	simm.s32 $0x1EC00;
	s3 =	rddreg [dreg:$0x12]  }
0xd9: {  	[tilespmem:s6], [sflag:$0x2] =	stream.linear.gather [hbm4b:s3+s4], $0x80, $0x38;
	[tilespmem:$0x1F700] =	vst v63  }
0xda: {  	s15 =	simm.s32 $0x1ED00;
	s7 =	rddreg [dreg:$0x13]  }
0xdb: {  	[tilespmem:s15], [sflag:$0x2] =	stream.linear.gather [hbm4b:s7+s4], $0x80, $0x38;
	[tilespmem:$0x1F700] =	vst v63  }
0xdc: {  	s23 =	simm.s32 $0x1EE00;
	s22 =	rddreg [dreg:$0x14]  }
0xdd: {  	[tilespmem:s23], [sflag:$0x2] =	stream.linear.gather [hbm4b:s22+s4], $0x80, $0x38;
	[tilespmem:$0x1F700] =	vst v63  }
0xde: {  	s24 =	rddreg [dreg:$0x15];
	s25 =	simm.s32 $0x1EF00  }
0xdf: {  	[tilespmem:s25], [sflag:$0x2] =	stream.linear.gather [hbm4b:s24+s4], $0x80, $0x38;
	[tilespmem:$0x1F700] =	vst v63  }
0xe0: {  	s26 =	rddreg [dreg:$0x16];
	s28 =	simm.s32 $0x1F000  }
0xe1: {  	[tilespmem:s28], [sflag:$0x2] =	stream.linear.gather [hbm4b:s26+s4], $0x80, $0x38;
	[tilespmem:$0x1F700] =	vst v63  }
0xe2: {  	s30 =	rddreg [dreg:$0x17];
	s31 =	simm.s32 $0x1F100  }
0xe3: {  	[tilespmem:s31], [sflag:$0x2] =	stream.linear.gather [hbm4b:s30+s4], $0x80, $0x38;
	[tilespmem:$0x1F700] =	vst v63  }
0xe4: {  	s2 =	rddreg [dreg:$0x18];
	s3 =	simm.s32 $0x1F200  }
0xe5: {  	[tilespmem:s3], [sflag:$0x2] =	stream.linear.gather [hbm4b:s2+s4], $0x80, $0x38;
	[tilespmem:$0x1F700] =	vst v63  }
0xe6: {  	s6 =	rddreg [dreg:$0x19];
	s7 =	simm.s32 $0x1F300  }
0xe7: {  	[tilespmem:s7], [sflag:$0x2] =	stream.linear.gather [hbm4b:s6+s4], $0x80, $0x38;
	[tilespmem:$0x1F700] =	vst v63  }
0xe8: {  	s15 =	rddreg [dreg:$0x1a];
	s22 =	simm.s32 $0x1F400  }
0xe9: {  	[tilespmem:s22], [sflag:$0x2] =	stream.linear.gather [hbm4b:s15+s4], $0x80, $0x38;
	[tilespmem:$0x1F700] =	vst v63  }
0xea: {  	s23 =	rddreg [dreg:$0x1b];
	s24 =	simm.s32 $0x1F500  }
0xeb: {  	[tilespmem:s24], [sflag:$0x2] =	stream.linear.gather [hbm4b:s23+s4], $0x80, $0x38;
	[tilespmem:$0x1F700] =	vst v63  }
0xec: {  	s25 =	rddreg [dreg:$0x1c];
	s26 =	simm.s32 $0x1F600  }
0xed: {  	[tilespmem:s26], [sflag:$0x2] =	stream.linear.gather [hbm4b:s25+s4], $0x80, $0x38;
	[tilespmem:$0x1F700] =	vst v63  }
0xee: {  	_ =	swait.ge [sflag:s5], $0x800  }
0xef: {  	[sflag:s5] =	ssyncset.done $0x0  }
0xf0: {  	[sflag:s5] =	ssyncadd.s32 $0xFFFFF800  }
0xf1: {  	[tilespmem:s16], [sflag:$0x2] =	stream.linear.gather [hbm4b:s8+s4], $0x80, $0x38;
	[tilespmem:$0x1F700] =	vst v63  }
0xf2: {  	s28 =	sadd.s32 $0x10, s8  }
0xf3: {  	[tilespmem:s18], [sflag:$0x2] =	stream.linear.gather [hbm4b:s28+s4], $0x80, $0x38;
	[tilespmem:$0x1F700] =	vst v63  }
0xf4: {  	s30 =	sadd.s32 $0x20, s8;
	s31 =	simm.s32 $0x1E980;
	[dreg:$0x1d] =	wrdreg s28  }
0xf5: {  	[tilespmem:s31], [sflag:$0x2] =	stream.linear.gather [hbm4b:s30+s4], $0x80, $0x38;
	[tilespmem:$0x1F700] =	vst v63  }
0xf6: {  	s0 =	sadd.s32 $0x30, s8;
	s2 =	simm.s32 $0x1EA80;
	[dreg:$0x1e] =	wrdreg s30  }
0xf7: {  	[tilespmem:s2], [sflag:$0x2] =	stream.linear.gather [hbm4b:s0+s4], $0x80, $0x38;
	[tilespmem:$0x1F700] =	vst v63  }
0xf8: {  	s3 =	sadd.s32 $0x40, s8;
	s6 =	simm.s32 $0x1EB80;
	[dreg:$0x1f] =	wrdreg s0  }
0xf9: {  	[tilespmem:s6], [sflag:$0x2] =	stream.linear.gather [hbm4b:s3+s4], $0x80, $0x38;
	[tilespmem:$0x1F700] =	vst v63  }
0xfa: {  	s7 =	sadd.s32 $0x50, s8;
	s15 =	simm.s32 $0x1EC80;
	[smem:$0x7F2] =	sst s3  }
0xfb: {  	[tilespmem:s15], [sflag:$0x2] =	stream.linear.gather [hbm4b:s7+s4], $0x80, $0x38;
	[tilespmem:$0x1F700] =	vst v63  }
0xfc: {  	s22 =	sadd.s32 $0x60, s8;
	s23 =	simm.s32 $0x1ED80;
	[smem:$0x7F3] =	sst s7  }
0xfd: {  	[tilespmem:s23], [sflag:$0x2] =	stream.linear.gather [hbm4b:s22+s4], $0x80, $0x38;
	[tilespmem:$0x1F700] =	vst v63  }
0xfe: {  	s24 =	sadd.s32 $0x70, s8;
	s25 =	simm.s32 $0x1EE80;
	[smem:$0x7F4] =	sst s22  }
0xff: {  	[tilespmem:s25], [sflag:$0x2] =	stream.linear.gather [hbm4b:s24+s4], $0x80, $0x38;
	[tilespmem:$0x1F700] =	vst v63  }
0x100: {  	s26 =	sadd.s32 $0x80, s8;
	[smem:$0x7F5] =	sst s24;
	s28 =	simm.s32 $0x1EF80  }
0x101: {  	[tilespmem:s28], [sflag:$0x2] =	stream.linear.gather [hbm4b:s26+s4], $0x80, $0x38;
	[tilespmem:$0x1F700] =	vst v63  }
0x102: {  	[smem:$0x7F6] =	sst s26;
	s30 =	sadd.s32 $0x90, s8;
	s31 =	simm.s32 $0x1F080  }
0x103: {  	[tilespmem:s31], [sflag:$0x2] =	stream.linear.gather [hbm4b:s30+s4], $0x80, $0x38;
	[tilespmem:$0x1F700] =	vst v63  }
0x104: {  	[smem:$0x7F7] =	sst s30;
	s2 =	sadd.s32 $0xA0, s8;
	s3 =	simm.s32 $0x1F180  }
0x105: {  	[tilespmem:s3], [sflag:$0x2] =	stream.linear.gather [hbm4b:s2+s4], $0x80, $0x38;
	[tilespmem:$0x1F700] =	vst v63  }
0x106: {  	[smem:$0x7F8] =	sst s2;
	s6 =	sadd.s32 $0xB0, s8;
	s7 =	simm.s32 $0x1F280  }
0x107: {  	[tilespmem:s7], [sflag:$0x2] =	stream.linear.gather [hbm4b:s6+s4], $0x80, $0x38;
	[tilespmem:$0x1F700] =	vst v63  }
0x108: {  	[smem:$0x7F9] =	sst s6;
	s15 =	sadd.s32 $0xC0, s8;
	s22 =	simm.s32 $0x1F380  }
0x109: {  	[tilespmem:s22], [sflag:$0x2] =	stream.linear.gather [hbm4b:s15+s4], $0x80, $0x38;
	[tilespmem:$0x1F700] =	vst v63  }
0x10a: {  	[smem:$0x7FA] =	sst s15;
	s23 =	sadd.s32 $0xD0, s8;
	s24 =	simm.s32 $0x1F480  }
0x10b: {  	[tilespmem:s24], [sflag:$0x2] =	stream.linear.gather [hbm4b:s23+s4], $0x80, $0x38;
	[tilespmem:$0x1F700] =	vst v63  }
0x10c: {  	[smem:$0x7FB] =	sst s23;
	s25 =	sadd.s32 $0xE0, s8;
	s26 =	simm.s32 $0x1F580  }
0x10d: {  	[tilespmem:s26], [sflag:$0x2] =	stream.linear.gather [hbm4b:s25+s4], $0x80, $0x38;
	[tilespmem:$0x1F700] =	vst v63  }
0x10e: {  	[smem:$0x7FC] =	sst s25;
	s28 =	sadd.s32 $0xF0, s8;
	s30 =	simm.s32 $0x1F680  }
0x10f: {  	[tilespmem:s30], [sflag:$0x2] =	stream.linear.gather [hbm4b:s28+s4], $0x80, $0x38;
	[tilespmem:$0x1F700] =	vst v63  }
0x110: {  	[smem:$0x7FD] =	sst s28  }
0x111: {  	[tilespmem:s20], [sflag:$0x3] =	stream.linear.gather [hbm4b:s19+s4], $0x2000, $0x38;
	[tilespmem:$0x1F700] =	vst v63  }
0x112: {  	_ =	swait.ge [sflag:s17], $0x2000  }
0x113: {  	[sflag:s17] =	ssyncset.done $0x0  }
0x114: {  	s31 =	simm.s32 $0x1C740;
	[sflag:s17] =	ssyncadd.s32 $0xFFFFE000  }
0x115: {  	v0 =	vld [tilespmem:s31+$0x30]  }
0x116: {  	v1 =	vld [tilespmem:s31+$0xFFFFFFD0]  }
0x117: {  	v2 =	vld [tilespmem:s31+$0xFFFFFFE0]  }
0x118: {  	v3 =	vld [tilespmem:s31+$0xFFFFFFF0]  }
0x119: {  	v4 =	vld [tilespmem:s31+$0x0]  }
0x11a: {  	v5 =	vld [tilespmem:s31+$0x10]  }
0x11b: {  	v6 =	vld [tilespmem:s31+$0x20]  }
0x11c: {  	s1 =	simm.s32 $0x1E740;
	v7 =	vld [tilespmem:s31+$0xFFFFFFC0]  }
0x11d: {  	s0 =	simm.s32 $0x18740;
	v8 =	vld [tilespmem:s1+$0x30]  }
0x11e: {  	v9 =	vld [tilespmem:s0+$0x30]  }
0x11f: {  	v12 =	vld [tilespmem:s1+$0xFFFFFFE0]  }
0x120: {  	v13 =	vld [tilespmem:s1+$0xFFFFFFF0]  }
0x121: {  	v14 =	vld [tilespmem:s1+$0x0]  }
0x122: {  	v15 =	vld [tilespmem:s1+$0x10]  }
0x123: {  	v16 =	vld [tilespmem:s1+$0x20]  }
0x124: {  	v17 =	vld [tilespmem:s0+$0xFFFFFFC0]  }
0x125: {  	v18 =	vld [tilespmem:s0+$0xFFFFFFD0]  }
0x126: {  	v0 =	vld.idx.msk [tilespmem:v0+s4+$0x0], $0xffff  }
0x127: {  	v1 =	vld.idx.msk [tilespmem:v1+s4+$0x0], $0xffff  }
0x128: {  	v2 =	vld.idx.msk [tilespmem:v2+s4+$0x0], $0xffff  }
0x129: {  	v7 =	vld.idx.msk [tilespmem:v7+s4+$0x0], $0xffff  }
0x12a: {  	v10 =	vld.idx.msk [tilespmem:v5+s4+$0x0], $0xffff  }
0x12b: {  	v11 =	vld.idx.msk [tilespmem:v6+s4+$0x0], $0xffff  }
0x12c: {  	v5 =	vld [tilespmem:s1+$0xFFFFFFC0]  }
0x12d: {  	v6 =	vld [tilespmem:s1+$0xFFFFFFD0];
	v0 =	vmul.f32 v8, v0  }
0x12e: {  	v4 =	vld.idx.msk [tilespmem:v4+s4+$0x0], $0xffff  }
0x12f: {  	v3 =	vld.idx.msk [tilespmem:v3+s4+$0x0], $0xffff;
	v0 =	vadd.f32 v0, v9  }
0x130: {  	v9 =	vld [tilespmem:s0+$0xFFFFFFE0]  }
0x131: {  	v19 =	vmul.f32 v5, v7;
	v7 =	vld [tilespmem:s0+$0xFFFFFFF0];
	v0 =	vmax.f32 v0, $-1.000000000e+00  }
0x132: {  	v20 =	vmul.f32 v6, v1;
	v8 =	vmul.f32 v12, v2;
	v5 =	vld [tilespmem:s0+$0x0];
	v0 =	vmin.f32 v0, $1.000000000e+00  }
0x133: {  	v2 =	vmul.f32 v14, v4;
	v4 =	vld [tilespmem:s0+$0x10];
	[tilespmem:s0+$0x30] =	vst v0;
	v0 =	vmul.f32 v16, v11;
	v11 =	vadd.f32 v19, v17  }
0x134: {  	s2 =	simm.s32 $0x0;
	s3 =	simm.s32 $0x1C7C0;
	v6 =	vmul.f32 v13, v3;
	v1 =	vmul.f32 v15, v10;
	v3 =	vld [tilespmem:s0+$0x20];
	v10 =	vadd.f32 v20, v18  }
.LBB2_10:
0x135: {  	v12 =	vld [tilespmem:s3+$0x30];
	s2 =	sadd.s32 $0x8, s2;
	v11 =	vmax.f32 v11, $-1.000000000e+00;
	v8 =	vadd.f32 v8, v9  }
0x136: {  	v9 =	vld [tilespmem:s3+$0xFFFFFFD0];
	p0 =	slt.u32 s2, $0x78;
	v11 =	vmin.f32 v11, $1.000000000e+00;
	v10 =	vmax.f32 v10, $-1.000000000e+00;
	v6 =	vadd.f32 v6, v7  }
0x137: {  	v7 =	vld [tilespmem:s3+$0xFFFFFFE0];
	[tilespmem:s0+$0xFFFFFFC0] =	vst v11;
	v10 =	vmin.f32 v10, $1.000000000e+00;
	v8 =	vmax.f32 v8, $-1.000000000e+00;
	v2 =	vadd.f32 v2, v5  }
0x138: {  	v5 =	vld [tilespmem:s3+$0xFFFFFFF0];
	[tilespmem:s0+$0xFFFFFFD0] =	vst v10;
	v8 =	vmin.f32 v8, $1.000000000e+00;
	v6 =	vmax.f32 v6, $-1.000000000e+00;
	v1 =	vadd.f32 v1, v4  }
0x139: {  	v4 =	vld [tilespmem:s3+$0x0];
	[tilespmem:s0+$0xFFFFFFE0] =	vst v8;
	v6 =	vmin.f32 v6, $1.000000000e+00;
	v2 =	vmax.f32 v2, $-1.000000000e+00;
	v0 =	vadd.f32 v0, v3  }
0x13a: {  	v3 =	vld [tilespmem:s3+$0x10];
	[tilespmem:s0+$0xFFFFFFF0] =	vst v6;
	v2 =	vmin.f32 v2, $1.000000000e+00;
	v1 =	vmax.f32 v1, $-1.000000000e+00  }
0x13b: {  	v6 =	vld [tilespmem:s3+$0x20];
	[tilespmem:s0+$0x0] =	vst v2;
	v1 =	vmin.f32 v1, $1.000000000e+00;
	v0 =	vmax.f32 v0, $-1.000000000e+00  }
0x13c: {  	v2 =	vld [tilespmem:s3+$0xFFFFFFC0];
	[tilespmem:s0+$0x10] =	vst v1;
	v0 =	vmin.f32 v0, $1.000000000e+00  }
0x13d: {  	s1 =	sadd.s32 $0x100, s1;
	v1 =	vld.idx.msk [tilespmem:v12+s4+$0x0], $0xffff;
	[tilespmem:s0+$0x20] =	vst v0  }
0x13e: {  	v0 =	vld [tilespmem:s1+$0x30]  }
0x13f: {  	s0 =	sadd.s32 $0x80, s0;
	v8 =	vld.idx.msk [tilespmem:v9+s4+$0x0], $0xffff  }
0x140: {  	v9 =	vld [tilespmem:s0+$0x30]  }
0x141: {  	v7 =	vld.idx.msk [tilespmem:v7+s4+$0x0], $0xffff  }
0x142: {  	v5 =	vld.idx.msk [tilespmem:v5+s4+$0x0], $0xffff  }
0x143: {  	v4 =	vld.idx.msk [tilespmem:v4+s4+$0x0], $0xffff;
	v0 =	vmul.f32 v0, v1  }
0x144: {  	v1 =	vld.idx.msk [tilespmem:v2+s4+$0x0], $0xffff  }
0x145: {  	v3 =	vld.idx.msk [tilespmem:v3+s4+$0x0], $0xffff;
	v0 =	vadd.f32 v0, v9  }
0x146: {  	v10 =	vld.idx.msk [tilespmem:v6+s4+$0x0], $0xffff  }
0x147: {  	v2 =	vld [tilespmem:s1+$0xFFFFFFC0];
	v0 =	vmax.f32 v0, $-1.000000000e+00  }
0x148: {  	v6 =	vld [tilespmem:s1+$0xFFFFFFD0];
	v0 =	vmin.f32 v0, $1.000000000e+00  }
0x149: {  	v9 =	vld [tilespmem:s1+$0xFFFFFFE0];
	[tilespmem:s0+$0x30] =	vst v0  }
0x14a: {  	v0 =	vld [tilespmem:s1+$0xFFFFFFF0]  }
0x14b: {  	v11 =	vld [tilespmem:s1+$0x0]  }
0x14c: {  	v12 =	vmul.f32 v2, v1;
	v1 =	vld [tilespmem:s1+$0x10]  }
0x14d: {  	v13 =	vmul.f32 v6, v8;
	v14 =	vld [tilespmem:s1+$0x20]  }
0x14e: {  	v15 =	vld [tilespmem:s0+$0xFFFFFFC0];
	v8 =	vmul.f32 v9, v7  }
0x14f: {  	v16 =	vld [tilespmem:s0+$0xFFFFFFD0];
	v6 =	vmul.f32 v0, v5  }
.Ltmp4:
0x150: {  	v9 =	vld [tilespmem:s0+$0xFFFFFFE0];
	v2 =	vmul.f32 v11, v4;
	(pc) =	sbr.rel @p0 .LBB2_10-.Ltmp4, $4  }
0x151: {  	v7 =	vld [tilespmem:s0+$0xFFFFFFF0];
	v1 =	vmul.f32 v1, v3  }
0x152: {  	v5 =	vld [tilespmem:s0+$0x0];
	v0 =	vmul.f32 v14, v10  }
0x153: {  	v11 =	vadd.f32 v12, v15;
	v4 =	vld [tilespmem:s0+$0x10]  }
0x154: {  	s3 =	sadd.s32 $0x80, s3;
	v10 =	vadd.f32 v13, v16;
	v3 =	vld [tilespmem:s0+$0x20]  }
0x155: {  	v11 =	vmax.f32 v11, $-1.000000000e+00;
	v8 =	vadd.f32 v8, v9  }
0x156: {  	v9 =	vmin.f32 v11, $1.000000000e+00;
	v10 =	vmax.f32 v10, $-1.000000000e+00;
	v6 =	vadd.f32 v6, v7  }
0x157: {  	[tilespmem:s0+$0xFFFFFFC0] =	vst v9;
	v7 =	vmin.f32 v10, $1.000000000e+00;
	v8 =	vmax.f32 v8, $-1.000000000e+00;
	v2 =	vadd.f32 v2, v5  }
0x158: {  	[tilespmem:s0+$0xFFFFFFD0] =	vst v7;
	v5 =	vmin.f32 v8, $1.000000000e+00;
	v6 =	vmax.f32 v6, $-1.000000000e+00;
	v1 =	vadd.f32 v1, v4  }
0x159: {  	[tilespmem:s0+$0xFFFFFFE0] =	vst v5;
	v4 =	vmin.f32 v6, $1.000000000e+00;
	v2 =	vmax.f32 v2, $-1.000000000e+00;
	v0 =	vadd.f32 v0, v3  }
0x15a: {  	[tilespmem:s0+$0xFFFFFFF0] =	vst v4;
	v2 =	vmin.f32 v2, $1.000000000e+00;
	v1 =	vmax.f32 v1, $-1.000000000e+00  }
0x15b: {  	[tilespmem:s0+$0x0] =	vst v2;
	v1 =	vmin.f32 v1, $1.000000000e+00;
	v0 =	vmax.f32 v0, $-1.000000000e+00  }
0x15c: {  	[tilespmem:s0+$0x10] =	vst v1;
	v0 =	vmin.f32 v0, $1.000000000e+00  }
0x15d: {  	[tilespmem:s0+$0x20] =	vst v0  }
0x15e: {  	_ =	swait.ge [sflag:s5], $0x800  }
0x15f: {  	[sflag:s5] =	ssyncset.done $0x0  }
0x160: {  	s1 =	sadd.s32 $0x10, s9;
	[sflag:s5] =	ssyncadd.s32 $0xFFFFF800  }
0x161: {  	[tilespmem:s21], [sflag:$0x2] =	stream.linear.gather [hbm4b:s9+s4], $0x80, $0x38;
	[tilespmem:$0x1F700] =	vst v63  }
0x162: {  	s28 =	simm.s32 $0x1E800;
	s30 =	sadd.s32 $0x20, s9;
	[smem:$0x7E3] =	sst s1  }
0x163: {  	[tilespmem:s28], [sflag:$0x2] =	stream.linear.gather [hbm4b:s1+s4], $0x80, $0x38;
	[tilespmem:$0x1F700] =	vst v63  }
0x164: {  	s31 =	simm.s32 $0x1E900;
	s0 =	sadd.s32 $0x30, s9;
	[smem:$0x7E4] =	sst s30  }
0x165: {  	[tilespmem:s31], [sflag:$0x2] =	stream.linear.gather [hbm4b:s30+s4], $0x80, $0x38;
	[tilespmem:$0x1F700] =	vst v63  }
0x166: {  	s2 =	simm.s32 $0x1EA00;
	s3 =	sadd.s32 $0x40, s9;
	[smem:$0x7E5] =	sst s0  }
0x167: {  	[tilespmem:s2], [sflag:$0x2] =	stream.linear.gather [hbm4b:s0+s4], $0x80, $0x38;
	[tilespmem:$0x1F700] =	vst v63  }
0x168: {  	s6 =	simm.s32 $0x1EB00;
	s7 =	sadd.s32 $0x50, s9;
	[smem:$0x7E6] =	sst s3  }
0x169: {  	[tilespmem:s6], [sflag:$0x2] =	stream.linear.gather [hbm4b:s3+s4], $0x80, $0x38;
	[tilespmem:$0x1F700] =	vst v63  }
0x16a: {  	s15 =	simm.s32 $0x1EC00;
	s22 =	sadd.s32 $0x60, s9;
	[smem:$0x7E7] =	sst s7  }
0x16b: {  	[tilespmem:s15], [sflag:$0x2] =	stream.linear.gather [hbm4b:s7+s4], $0x80, $0x38;
	[tilespmem:$0x1F700] =	vst v63  }
0x16c: {  	s23 =	simm.s32 $0x1ED00;
	s24 =	sadd.s32 $0x70, s9;
	[smem:$0x7E8] =	sst s22  }
0x16d: {  	[tilespmem:s23], [sflag:$0x2] =	stream.linear.gather [hbm4b:s22+s4], $0x80, $0x38;
	[tilespmem:$0x1F700] =	vst v63  }
0x16e: {  	s25 =	simm.s32 $0x1EE00;
	s26 =	sadd.s32 $0x80, s9;
	[smem:$0x7E9] =	sst s24  }
0x16f: {  	[tilespmem:s25], [sflag:$0x2] =	stream.linear.gather [hbm4b:s24+s4], $0x80, $0x38;
	[tilespmem:$0x1F700] =	vst v63  }
0x170: {  	[smem:$0x7EA] =	sst s26;
	s28 =	simm.s32 $0x1EF00;
	s30 =	sadd.s32 $0x90, s9  }
0x171: {  	[tilespmem:s28], [sflag:$0x2] =	stream.linear.gather [hbm4b:s26+s4], $0x80, $0x38;
	[tilespmem:$0x1F700] =	vst v63  }
0x172: {  	s31 =	simm.s32 $0x1F000;
	[smem:$0x7EB] =	sst s30;
	s2 =	sadd.s32 $0xA0, s9  }
0x173: {  	[tilespmem:s31], [sflag:$0x2] =	stream.linear.gather [hbm4b:s30+s4], $0x80, $0x38;
	[tilespmem:$0x1F700] =	vst v63  }
0x174: {  	[smem:$0x7EC] =	sst s2;
	s3 =	simm.s32 $0x1F100;
	s6 =	sadd.s32 $0xB0, s9  }
0x175: {  	[tilespmem:s3], [sflag:$0x2] =	stream.linear.gather [hbm4b:s2+s4], $0x80, $0x38;
	[tilespmem:$0x1F700] =	vst v63  }
0x176: {  	[smem:$0x7ED] =	sst s6;
	s7 =	simm.s32 $0x1F200;
	s15 =	sadd.s32 $0xC0, s9  }
0x177: {  	[tilespmem:s7], [sflag:$0x2] =	stream.linear.gather [hbm4b:s6+s4], $0x80, $0x38;
	[tilespmem:$0x1F700] =	vst v63  }
0x178: {  	[smem:$0x7EE] =	sst s15;
	s22 =	simm.s32 $0x1F300;
	s23 =	sadd.s32 $0xD0, s9  }
0x179: {  	[tilespmem:s22], [sflag:$0x2] =	stream.linear.gather [hbm4b:s15+s4], $0x80, $0x38;
	[tilespmem:$0x1F700] =	vst v63  }
0x17a: {  	[smem:$0x7EF] =	sst s23;
	s24 =	simm.s32 $0x1F400;
	s25 =	sadd.s32 $0xE0, s9  }
0x17b: {  	[tilespmem:s24], [sflag:$0x2] =	stream.linear.gather [hbm4b:s23+s4], $0x80, $0x38;
	[tilespmem:$0x1F700] =	vst v63  }
0x17c: {  	[smem:$0x7F0] =	sst s25;
	s26 =	simm.s32 $0x1F500;
	s28 =	sadd.s32 $0xF0, s9  }
0x17d: {  	[tilespmem:s26], [sflag:$0x2] =	stream.linear.gather [hbm4b:s25+s4], $0x80, $0x38;
	[tilespmem:$0x1F700] =	vst v63  }
0x17e: {  	[smem:$0x7F1] =	sst s28;
	s30 =	simm.s32 $0x1F600;
	s31 =	simm.s32 $0x1CF70  }
0x17f: {  	[tilespmem:s30], [sflag:$0x2] =	stream.linear.gather [hbm4b:s28+s4], $0x80, $0x38;
	[tilespmem:$0x1F700] =	vst v63  }
0x180: {  	v0 =	vld [tilespmem:s31+$0x0]  }
0x181: {  	v1 =	vld [tilespmem:s31+$0xFFFFFFA0]  }
0x182: {  	v2 =	vld [tilespmem:s31+$0xFFFFFFB0]  }
0x183: {  	v3 =	vld [tilespmem:s31+$0xFFFFFFC0]  }
0x184: {  	v4 =	vld [tilespmem:s31+$0xFFFFFFD0]  }
0x185: {  	v5 =	vld [tilespmem:s31+$0xFFFFFFE0]  }
0x186: {  	v6 =	vld [tilespmem:s31+$0xFFFFFFF0]  }
0x187: {  	s1 =	simm.s32 $0x1E7F0;
	v7 =	vld [tilespmem:s31+$0xFFFFFF90]  }
0x188: {  	s0 =	simm.s32 $0x18F70;
	v8 =	vld [tilespmem:s1+$0x0]  }
0x189: {  	v9 =	vld [tilespmem:s0+$0x0]  }
0x18a: {  	v12 =	vld [tilespmem:s1+$0xFFFFFFB0]  }
0x18b: {  	v13 =	vld [tilespmem:s1+$0xFFFFFFC0]  }
0x18c: {  	v14 =	vld [tilespmem:s1+$0xFFFFFFD0]  }
0x18d: {  	v15 =	vld [tilespmem:s1+$0xFFFFFFE0]  }
0x18e: {  	v16 =	vld [tilespmem:s1+$0xFFFFFFF0]  }
0x18f: {  	v17 =	vld [tilespmem:s0+$0xFFFFFF90]  }
0x190: {  	v18 =	vld [tilespmem:s0+$0xFFFFFFA0]  }
0x191: {  	v0 =	vld.idx.msk [tilespmem:v0+s4+$0x0], $0xffff  }
0x192: {  	v1 =	vld.idx.msk [tilespmem:v1+s4+$0x0], $0xffff  }
0x193: {  	v2 =	vld.idx.msk [tilespmem:v2+s4+$0x0], $0xffff  }
0x194: {  	v7 =	vld.idx.msk [tilespmem:v7+s4+$0x0], $0xffff  }
0x195: {  	v10 =	vld.idx.msk [tilespmem:v5+s4+$0x0], $0xffff  }
0x196: {  	v11 =	vld.idx.msk [tilespmem:v6+s4+$0x0], $0xffff  }
0x197: {  	v5 =	vld [tilespmem:s1+$0xFFFFFF90]  }
0x198: {  	v6 =	vld [tilespmem:s1+$0xFFFFFFA0];
	v0 =	vmul.f32 v8, v0  }
0x199: {  	v4 =	vld.idx.msk [tilespmem:v4+s4+$0x0], $0xffff  }
0x19a: {  	v3 =	vld.idx.msk [tilespmem:v3+s4+$0x0], $0xffff;
	v0 =	vadd.f32 v0, v9  }
0x19b: {  	v9 =	vld [tilespmem:s0+$0xFFFFFFB0]  }
0x19c: {  	v19 =	vmul.f32 v5, v7;
	v7 =	vld [tilespmem:s0+$0xFFFFFFC0];
	v0 =	vmax.f32 v0, $-1.000000000e+00  }
0x19d: {  	v20 =	vmul.f32 v6, v1;
	v8 =	vmul.f32 v12, v2;
	v5 =	vld [tilespmem:s0+$0xFFFFFFD0];
	v0 =	vmin.f32 v0, $1.000000000e+00  }
0x19e: {  	v2 =	vmul.f32 v14, v4;
	v4 =	vld [tilespmem:s0+$0xFFFFFFE0];
	[tilespmem:s0+$0x0] =	vst v0;
	v0 =	vmul.f32 v16, v11;
	v11 =	vadd.f32 v19, v17  }
0x19f: {  	s2 =	simm.s32 $0x0;
	s3 =	simm.s32 $0x1CFF0;
	v6 =	vmul.f32 v13, v3;
	v1 =	vmul.f32 v15, v10;
	v3 =	vld [tilespmem:s0+$0xFFFFFFF0];
	v10 =	vadd.f32 v20, v18  }
.LBB2_12:
0x1a0: {  	v12 =	vld [tilespmem:s3+$0x0];
	s2 =	sadd.s32 $0x8, s2;
	v11 =	vmax.f32 v11, $-1.000000000e+00;
	v8 =	vadd.f32 v8, v9  }
0x1a1: {  	v9 =	vld [tilespmem:s3+$0xFFFFFFA0];
	p0 =	slt.u32 s2, $0x78;
	v11 =	vmin.f32 v11, $1.000000000e+00;
	v10 =	vmax.f32 v10, $-1.000000000e+00;
	v6 =	vadd.f32 v6, v7  }
0x1a2: {  	v7 =	vld [tilespmem:s3+$0xFFFFFFB0];
	[tilespmem:s0+$0xFFFFFF90] =	vst v11;
	v10 =	vmin.f32 v10, $1.000000000e+00;
	v8 =	vmax.f32 v8, $-1.000000000e+00;
	v2 =	vadd.f32 v2, v5  }
0x1a3: {  	v5 =	vld [tilespmem:s3+$0xFFFFFFC0];
	[tilespmem:s0+$0xFFFFFFA0] =	vst v10;
	v8 =	vmin.f32 v8, $1.000000000e+00;
	v6 =	vmax.f32 v6, $-1.000000000e+00;
	v1 =	vadd.f32 v1, v4  }
0x1a4: {  	v4 =	vld [tilespmem:s3+$0xFFFFFFD0];
	[tilespmem:s0+$0xFFFFFFB0] =	vst v8;
	v6 =	vmin.f32 v6, $1.000000000e+00;
	v2 =	vmax.f32 v2, $-1.000000000e+00;
	v0 =	vadd.f32 v0, v3  }
0x1a5: {  	v3 =	vld [tilespmem:s3+$0xFFFFFFE0];
	[tilespmem:s0+$0xFFFFFFC0] =	vst v6;
	v2 =	vmin.f32 v2, $1.000000000e+00;
	v1 =	vmax.f32 v1, $-1.000000000e+00  }
0x1a6: {  	v6 =	vld [tilespmem:s3+$0xFFFFFFF0];
	[tilespmem:s0+$0xFFFFFFD0] =	vst v2;
	v1 =	vmin.f32 v1, $1.000000000e+00;
	v0 =	vmax.f32 v0, $-1.000000000e+00  }
0x1a7: {  	v2 =	vld [tilespmem:s3+$0xFFFFFF90];
	[tilespmem:s0+$0xFFFFFFE0] =	vst v1;
	v0 =	vmin.f32 v0, $1.000000000e+00  }
0x1a8: {  	s1 =	sadd.s32 $0x100, s1;
	v1 =	vld.idx.msk [tilespmem:v12+s4+$0x0], $0xffff;
	[tilespmem:s0+$0xFFFFFFF0] =	vst v0  }
0x1a9: {  	v0 =	vld [tilespmem:s1+$0x0]  }
0x1aa: {  	s0 =	sadd.s32 $0x80, s0;
	v8 =	vld.idx.msk [tilespmem:v9+s4+$0x0], $0xffff  }
0x1ab: {  	v9 =	vld [tilespmem:s0+$0x0]  }
0x1ac: {  	v7 =	vld.idx.msk [tilespmem:v7+s4+$0x0], $0xffff  }
0x1ad: {  	v5 =	vld.idx.msk [tilespmem:v5+s4+$0x0], $0xffff  }
0x1ae: {  	v4 =	vld.idx.msk [tilespmem:v4+s4+$0x0], $0xffff;
	v0 =	vmul.f32 v0, v1  }
0x1af: {  	v1 =	vld.idx.msk [tilespmem:v2+s4+$0x0], $0xffff  }
0x1b0: {  	v3 =	vld.idx.msk [tilespmem:v3+s4+$0x0], $0xffff;
	v0 =	vadd.f32 v0, v9  }
0x1b1: {  	v10 =	vld.idx.msk [tilespmem:v6+s4+$0x0], $0xffff  }
0x1b2: {  	v2 =	vld [tilespmem:s1+$0xFFFFFF90];
	v0 =	vmax.f32 v0, $-1.000000000e+00  }
0x1b3: {  	v6 =	vld [tilespmem:s1+$0xFFFFFFA0];
	v0 =	vmin.f32 v0, $1.000000000e+00  }
0x1b4: {  	v9 =	vld [tilespmem:s1+$0xFFFFFFB0];
	[tilespmem:s0+$0x0] =	vst v0  }
0x1b5: {  	v0 =	vld [tilespmem:s1+$0xFFFFFFC0]  }
0x1b6: {  	v11 =	vld [tilespmem:s1+$0xFFFFFFD0]  }
0x1b7: {  	v12 =	vmul.f32 v2, v1;
	v1 =	vld [tilespmem:s1+$0xFFFFFFE0]  }
0x1b8: {  	v13 =	vmul.f32 v6, v8;
	v14 =	vld [tilespmem:s1+$0xFFFFFFF0]  }
0x1b9: {  	v15 =	vld [tilespmem:s0+$0xFFFFFF90];
	v8 =	vmul.f32 v9, v7  }
0x1ba: {  	v16 =	vld [tilespmem:s0+$0xFFFFFFA0];
	v6 =	vmul.f32 v0, v5  }
.Ltmp5:
0x1bb: {  	v9 =	vld [tilespmem:s0+$0xFFFFFFB0];
	v2 =	vmul.f32 v11, v4;
	(pc) =	sbr.rel @p0 .LBB2_12-.Ltmp5, $4  }
0x1bc: {  	v7 =	vld [tilespmem:s0+$0xFFFFFFC0];
	v1 =	vmul.f32 v1, v3  }
0x1bd: {  	v5 =	vld [tilespmem:s0+$0xFFFFFFD0];
	v0 =	vmul.f32 v14, v10  }
0x1be: {  	v11 =	vadd.f32 v12, v15;
	v4 =	vld [tilespmem:s0+$0xFFFFFFE0]  }
0x1bf: {  	s3 =	sadd.s32 $0x80, s3;
	v10 =	vadd.f32 v13, v16;
	v3 =	vld [tilespmem:s0+$0xFFFFFFF0]  }
0x1c0: {  	v11 =	vmax.f32 v11, $-1.000000000e+00;
	v8 =	vadd.f32 v8, v9  }
0x1c1: {  	v9 =	vmin.f32 v11, $1.000000000e+00;
	v10 =	vmax.f32 v10, $-1.000000000e+00;
	v6 =	vadd.f32 v6, v7  }
0x1c2: {  	[tilespmem:s0+$0xFFFFFF90] =	vst v9;
	v7 =	vmin.f32 v10, $1.000000000e+00;
	v8 =	vmax.f32 v8, $-1.000000000e+00;
	v2 =	vadd.f32 v2, v5  }
0x1c3: {  	[tilespmem:s0+$0xFFFFFFA0] =	vst v7;
	v5 =	vmin.f32 v8, $1.000000000e+00;
	v6 =	vmax.f32 v6, $-1.000000000e+00;
	v1 =	vadd.f32 v1, v4  }
0x1c4: {  	[tilespmem:s0+$0xFFFFFFB0] =	vst v5;
	v4 =	vmin.f32 v6, $1.000000000e+00;
	v2 =	vmax.f32 v2, $-1.000000000e+00;
	v0 =	vadd.f32 v0, v3  }
0x1c5: {  	[tilespmem:s0+$0xFFFFFFC0] =	vst v4;
	v2 =	vmin.f32 v2, $1.000000000e+00;
	v1 =	vmax.f32 v1, $-1.000000000e+00  }
0x1c6: {  	[tilespmem:s0+$0xFFFFFFD0] =	vst v2;
	v1 =	vmin.f32 v1, $1.000000000e+00;
	v0 =	vmax.f32 v0, $-1.000000000e+00  }
0x1c7: {  	[tilespmem:s0+$0xFFFFFFE0] =	vst v1;
	v0 =	vmin.f32 v0, $1.000000000e+00  }
0x1c8: {  	[tilespmem:s0+$0xFFFFFFF0] =	vst v0  }
0x1c9: {  	_ =	swait.ge [sflag:s5], $0x800  }
0x1ca: {  	[sflag:s5] =	ssyncset.done $0x0  }
0x1cb: {  	s30 =	sadd.s32 $0x10, s10;
	[sflag:s5] =	ssyncadd.s32 $0xFFFFF800  }
0x1cc: {  	[tilespmem:s16], [sflag:$0x2] =	stream.linear.gather [hbm4b:s10+s4], $0x80, $0x38;
	[tilespmem:$0x1F700] =	vst v63  }
0x1cd: {  	s1 =	sadd.s32 $0x20, s10;
	[smem:$0x7D4] =	sst s30  }
0x1ce: {  	[tilespmem:s18], [sflag:$0x2] =	stream.linear.gather [hbm4b:s30+s4], $0x80, $0x38;
	[tilespmem:$0x1F700] =	vst v63  }
0x1cf: {  	s31 =	simm.s32 $0x1E980;
	s0 =	sadd.s32 $0x30, s10;
	[smem:$0x7D5] =	sst s1  }
0x1d0: {  	[tilespmem:s31], [sflag:$0x2] =	stream.linear.gather [hbm4b:s1+s4], $0x80, $0x38;
	[tilespmem:$0x1F700] =	vst v63  }
0x1d1: {  	s2 =	simm.s32 $0x1EA80;
	s3 =	sadd.s32 $0x40, s10;
	[smem:$0x7D6] =	sst s0  }
0x1d2: {  	[tilespmem:s2], [sflag:$0x2] =	stream.linear.gather [hbm4b:s0+s4], $0x80, $0x38;
	[tilespmem:$0x1F700] =	vst v63  }
0x1d3: {  	s6 =	simm.s32 $0x1EB80;
	s7 =	sadd.s32 $0x50, s10;
	[smem:$0x7D7] =	sst s3  }
0x1d4: {  	[tilespmem:s6], [sflag:$0x2] =	stream.linear.gather [hbm4b:s3+s4], $0x80, $0x38;
	[tilespmem:$0x1F700] =	vst v63  }
0x1d5: {  	s15 =	simm.s32 $0x1EC80;
	s22 =	sadd.s32 $0x60, s10;
	[smem:$0x7D8] =	sst s7  }
0x1d6: {  	[tilespmem:s15], [sflag:$0x2] =	stream.linear.gather [hbm4b:s7+s4], $0x80, $0x38;
	[tilespmem:$0x1F700] =	vst v63  }
0x1d7: {  	s23 =	simm.s32 $0x1ED80;
	s24 =	sadd.s32 $0x70, s10;
	[smem:$0x7D9] =	sst s22  }
0x1d8: {  	[tilespmem:s23], [sflag:$0x2] =	stream.linear.gather [hbm4b:s22+s4], $0x80, $0x38;
	[tilespmem:$0x1F700] =	vst v63  }
0x1d9: {  	s25 =	simm.s32 $0x1EE80;
	s26 =	sadd.s32 $0x80, s10;
	[smem:$0x7DA] =	sst s24  }
0x1da: {  	[tilespmem:s25], [sflag:$0x2] =	stream.linear.gather [hbm4b:s24+s4], $0x80, $0x38;
	[tilespmem:$0x1F700] =	vst v63  }
0x1db: {  	s28 =	simm.s32 $0x1EF80;
	[smem:$0x7DB] =	sst s26;
	s30 =	sadd.s32 $0x90, s10  }
0x1dc: {  	[tilespmem:s28], [sflag:$0x2] =	stream.linear.gather [hbm4b:s26+s4], $0x80, $0x38;
	[tilespmem:$0x1F700] =	vst v63  }
0x1dd: {  	[smem:$0x7DC] =	sst s30;
	s31 =	simm.s32 $0x1F080;
	s2 =	sadd.s32 $0xA0, s10  }
0x1de: {  	[tilespmem:s31], [sflag:$0x2] =	stream.linear.gather [hbm4b:s30+s4], $0x80, $0x38;
	[tilespmem:$0x1F700] =	vst v63  }
0x1df: {  	[smem:$0x7DD] =	sst s2;
	s3 =	simm.s32 $0x1F180;
	s6 =	sadd.s32 $0xB0, s10  }
0x1e0: {  	[tilespmem:s3], [sflag:$0x2] =	stream.linear.gather [hbm4b:s2+s4], $0x80, $0x38;
	[tilespmem:$0x1F700] =	vst v63  }
0x1e1: {  	[smem:$0x7DE] =	sst s6;
	s7 =	simm.s32 $0x1F280;
	s15 =	sadd.s32 $0xC0, s10  }
0x1e2: {  	[tilespmem:s7], [sflag:$0x2] =	stream.linear.gather [hbm4b:s6+s4], $0x80, $0x38;
	[tilespmem:$0x1F700] =	vst v63  }
0x1e3: {  	[smem:$0x7DF] =	sst s15;
	s22 =	simm.s32 $0x1F380;
	s23 =	sadd.s32 $0xD0, s10  }
0x1e4: {  	[tilespmem:s22], [sflag:$0x2] =	stream.linear.gather [hbm4b:s15+s4], $0x80, $0x38;
	[tilespmem:$0x1F700] =	vst v63  }
0x1e5: {  	[smem:$0x7E0] =	sst s23;
	s24 =	simm.s32 $0x1F480;
	s25 =	sadd.s32 $0xE0, s10  }
0x1e6: {  	[tilespmem:s24], [sflag:$0x2] =	stream.linear.gather [hbm4b:s23+s4], $0x80, $0x38;
	[tilespmem:$0x1F700] =	vst v63  }
0x1e7: {  	[smem:$0x7E1] =	sst s25;
	s26 =	simm.s32 $0x1F580;
	s28 =	sadd.s32 $0xF0, s10  }
0x1e8: {  	[tilespmem:s26], [sflag:$0x2] =	stream.linear.gather [hbm4b:s25+s4], $0x80, $0x38;
	[tilespmem:$0x1F700] =	vst v63  }
0x1e9: {  	[smem:$0x7E2] =	sst s28;
	s30 =	simm.s32 $0x1F680;
	s31 =	simm.s32 $0x1D770  }
0x1ea: {  	[tilespmem:s30], [sflag:$0x2] =	stream.linear.gather [hbm4b:s28+s4], $0x80, $0x38;
	[tilespmem:$0x1F700] =	vst v63  }
0x1eb: {  	v0 =	vld [tilespmem:s31+$0x0]  }
0x1ec: {  	v1 =	vld [tilespmem:s31+$0xFFFFFFA0]  }
0x1ed: {  	v2 =	vld [tilespmem:s31+$0xFFFFFFB0]  }
0x1ee: {  	v3 =	vld [tilespmem:s31+$0xFFFFFFC0]  }
0x1ef: {  	v4 =	vld [tilespmem:s31+$0xFFFFFFD0]  }
0x1f0: {  	v5 =	vld [tilespmem:s31+$0xFFFFFFE0]  }
0x1f1: {  	v6 =	vld [tilespmem:s31+$0xFFFFFFF0]  }
0x1f2: {  	s1 =	simm.s32 $0x1E740;
	v7 =	vld [tilespmem:s31+$0xFFFFFF90]  }
0x1f3: {  	s0 =	simm.s32 $0x19770;
	v8 =	vld [tilespmem:s1+$0x30]  }
0x1f4: {  	v9 =	vld [tilespmem:s0+$0x0]  }
0x1f5: {  	v12 =	vld [tilespmem:s1+$0xFFFFFFE0]  }
0x1f6: {  	v13 =	vld [tilespmem:s1+$0xFFFFFFF0]  }
0x1f7: {  	v14 =	vld [tilespmem:s1+$0x0]  }
0x1f8: {  	v15 =	vld [tilespmem:s1+$0x10]  }
0x1f9: {  	v16 =	vld [tilespmem:s1+$0x20]  }
0x1fa: {  	v17 =	vld [tilespmem:s0+$0xFFFFFF90]  }
0x1fb: {  	v18 =	vld [tilespmem:s0+$0xFFFFFFA0]  }
0x1fc: {  	v0 =	vld.idx.msk [tilespmem:v0+s4+$0x0], $0xffff  }
0x1fd: {  	v1 =	vld.idx.msk [tilespmem:v1+s4+$0x0], $0xffff  }
0x1fe: {  	v2 =	vld.idx.msk [tilespmem:v2+s4+$0x0], $0xffff  }
0x1ff: {  	v7 =	vld.idx.msk [tilespmem:v7+s4+$0x0], $0xffff  }
0x200: {  	v10 =	vld.idx.msk [tilespmem:v5+s4+$0x0], $0xffff  }
0x201: {  	v11 =	vld.idx.msk [tilespmem:v6+s4+$0x0], $0xffff  }
0x202: {  	v5 =	vld [tilespmem:s1+$0xFFFFFFC0]  }
0x203: {  	v6 =	vld [tilespmem:s1+$0xFFFFFFD0];
	v0 =	vmul.f32 v8, v0  }
0x204: {  	v4 =	vld.idx.msk [tilespmem:v4+s4+$0x0], $0xffff  }
0x205: {  	v3 =	vld.idx.msk [tilespmem:v3+s4+$0x0], $0xffff;
	v0 =	vadd.f32 v0, v9  }
0x206: {  	v9 =	vld [tilespmem:s0+$0xFFFFFFB0]  }
0x207: {  	v19 =	vmul.f32 v5, v7;
	v7 =	vld [tilespmem:s0+$0xFFFFFFC0];
	v0 =	vmax.f32 v0, $-1.000000000e+00  }
0x208: {  	v20 =	vmul.f32 v6, v1;
	v8 =	vmul.f32 v12, v2;
	v5 =	vld [tilespmem:s0+$0xFFFFFFD0];
	v0 =	vmin.f32 v0, $1.000000000e+00  }
0x209: {  	v2 =	vmul.f32 v14, v4;
	v4 =	vld [tilespmem:s0+$0xFFFFFFE0];
	[tilespmem:s0+$0x0] =	vst v0;
	v0 =	vmul.f32 v16, v11;
	v11 =	vadd.f32 v19, v17  }
0x20a: {  	s2 =	simm.s32 $0x0;
	s3 =	simm.s32 $0x1D7F0;
	v6 =	vmul.f32 v13, v3;
	v1 =	vmul.f32 v15, v10;
	v3 =	vld [tilespmem:s0+$0xFFFFFFF0];
	v10 =	vadd.f32 v20, v18  }
.LBB2_14:
0x20b: {  	v12 =	vld [tilespmem:s3+$0x0];
	s2 =	sadd.s32 $0x8, s2;
	v11 =	vmax.f32 v11, $-1.000000000e+00;
	v8 =	vadd.f32 v8, v9  }
0x20c: {  	v9 =	vld [tilespmem:s3+$0xFFFFFFA0];
	p0 =	slt.u32 s2, $0x78;
	v11 =	vmin.f32 v11, $1.000000000e+00;
	v10 =	vmax.f32 v10, $-1.000000000e+00;
	v6 =	vadd.f32 v6, v7  }
0x20d: {  	v7 =	vld [tilespmem:s3+$0xFFFFFFB0];
	[tilespmem:s0+$0xFFFFFF90] =	vst v11;
	v10 =	vmin.f32 v10, $1.000000000e+00;
	v8 =	vmax.f32 v8, $-1.000000000e+00;
	v2 =	vadd.f32 v2, v5  }
0x20e: {  	v5 =	vld [tilespmem:s3+$0xFFFFFFC0];
	[tilespmem:s0+$0xFFFFFFA0] =	vst v10;
	v8 =	vmin.f32 v8, $1.000000000e+00;
	v6 =	vmax.f32 v6, $-1.000000000e+00;
	v1 =	vadd.f32 v1, v4  }
0x20f: {  	v4 =	vld [tilespmem:s3+$0xFFFFFFD0];
	[tilespmem:s0+$0xFFFFFFB0] =	vst v8;
	v6 =	vmin.f32 v6, $1.000000000e+00;
	v2 =	vmax.f32 v2, $-1.000000000e+00;
	v0 =	vadd.f32 v0, v3  }
0x210: {  	v3 =	vld [tilespmem:s3+$0xFFFFFFE0];
	[tilespmem:s0+$0xFFFFFFC0] =	vst v6;
	v2 =	vmin.f32 v2, $1.000000000e+00;
	v1 =	vmax.f32 v1, $-1.000000000e+00  }
0x211: {  	v6 =	vld [tilespmem:s3+$0xFFFFFFF0];
	[tilespmem:s0+$0xFFFFFFD0] =	vst v2;
	v1 =	vmin.f32 v1, $1.000000000e+00;
	v0 =	vmax.f32 v0, $-1.000000000e+00  }
0x212: {  	v2 =	vld [tilespmem:s3+$0xFFFFFF90];
	[tilespmem:s0+$0xFFFFFFE0] =	vst v1;
	v0 =	vmin.f32 v0, $1.000000000e+00  }
0x213: {  	s1 =	sadd.s32 $0x100, s1;
	v1 =	vld.idx.msk [tilespmem:v12+s4+$0x0], $0xffff;
	[tilespmem:s0+$0xFFFFFFF0] =	vst v0  }
0x214: {  	v0 =	vld [tilespmem:s1+$0x30]  }
0x215: {  	s0 =	sadd.s32 $0x80, s0;
	v8 =	vld.idx.msk [tilespmem:v9+s4+$0x0], $0xffff  }
0x216: {  	v9 =	vld [tilespmem:s0+$0x0]  }
0x217: {  	v7 =	vld.idx.msk [tilespmem:v7+s4+$0x0], $0xffff  }
0x218: {  	v5 =	vld.idx.msk [tilespmem:v5+s4+$0x0], $0xffff  }
0x219: {  	v4 =	vld.idx.msk [tilespmem:v4+s4+$0x0], $0xffff;
	v0 =	vmul.f32 v0, v1  }
0x21a: {  	v1 =	vld.idx.msk [tilespmem:v2+s4+$0x0], $0xffff  }
0x21b: {  	v3 =	vld.idx.msk [tilespmem:v3+s4+$0x0], $0xffff;
	v0 =	vadd.f32 v0, v9  }
0x21c: {  	v10 =	vld.idx.msk [tilespmem:v6+s4+$0x0], $0xffff  }
0x21d: {  	v2 =	vld [tilespmem:s1+$0xFFFFFFC0];
	v0 =	vmax.f32 v0, $-1.000000000e+00  }
0x21e: {  	v6 =	vld [tilespmem:s1+$0xFFFFFFD0];
	v0 =	vmin.f32 v0, $1.000000000e+00  }
0x21f: {  	v9 =	vld [tilespmem:s1+$0xFFFFFFE0];
	[tilespmem:s0+$0x0] =	vst v0  }
0x220: {  	v0 =	vld [tilespmem:s1+$0xFFFFFFF0]  }
0x221: {  	v11 =	vld [tilespmem:s1+$0x0]  }
0x222: {  	v12 =	vmul.f32 v2, v1;
	v1 =	vld [tilespmem:s1+$0x10]  }
0x223: {  	v13 =	vmul.f32 v6, v8;
	v14 =	vld [tilespmem:s1+$0x20]  }
0x224: {  	v15 =	vld [tilespmem:s0+$0xFFFFFF90];
	v8 =	vmul.f32 v9, v7  }
0x225: {  	v16 =	vld [tilespmem:s0+$0xFFFFFFA0];
	v6 =	vmul.f32 v0, v5  }
.Ltmp6:
0x226: {  	v9 =	vld [tilespmem:s0+$0xFFFFFFB0];
	v2 =	vmul.f32 v11, v4;
	(pc) =	sbr.rel @p0 .LBB2_14-.Ltmp6, $4  }
0x227: {  	v7 =	vld [tilespmem:s0+$0xFFFFFFC0];
	v1 =	vmul.f32 v1, v3  }
0x228: {  	v5 =	vld [tilespmem:s0+$0xFFFFFFD0];
	v0 =	vmul.f32 v14, v10  }
0x229: {  	v11 =	vadd.f32 v12, v15;
	v4 =	vld [tilespmem:s0+$0xFFFFFFE0]  }
0x22a: {  	s3 =	sadd.s32 $0x80, s3;
	v10 =	vadd.f32 v13, v16;
	v3 =	vld [tilespmem:s0+$0xFFFFFFF0]  }
0x22b: {  	v11 =	vmax.f32 v11, $-1.000000000e+00;
	v8 =	vadd.f32 v8, v9  }
0x22c: {  	v9 =	vmin.f32 v11, $1.000000000e+00;
	v10 =	vmax.f32 v10, $-1.000000000e+00;
	v6 =	vadd.f32 v6, v7  }
0x22d: {  	[tilespmem:s0+$0xFFFFFF90] =	vst v9;
	v7 =	vmin.f32 v10, $1.000000000e+00;
	v8 =	vmax.f32 v8, $-1.000000000e+00;
	v2 =	vadd.f32 v2, v5  }
0x22e: {  	[tilespmem:s0+$0xFFFFFFA0] =	vst v7;
	v5 =	vmin.f32 v8, $1.000000000e+00;
	v6 =	vmax.f32 v6, $-1.000000000e+00;
	v1 =	vadd.f32 v1, v4  }
0x22f: {  	[tilespmem:s0+$0xFFFFFFB0] =	vst v5;
	v4 =	vmin.f32 v6, $1.000000000e+00;
	v2 =	vmax.f32 v2, $-1.000000000e+00;
	v0 =	vadd.f32 v0, v3  }
0x230: {  	[tilespmem:s0+$0xFFFFFFC0] =	vst v4;
	v2 =	vmin.f32 v2, $1.000000000e+00;
	v1 =	vmax.f32 v1, $-1.000000000e+00  }
0x231: {  	[tilespmem:s0+$0xFFFFFFD0] =	vst v2;
	v1 =	vmin.f32 v1, $1.000000000e+00;
	v0 =	vmax.f32 v0, $-1.000000000e+00  }
0x232: {  	[tilespmem:s0+$0xFFFFFFE0] =	vst v1;
	v0 =	vmin.f32 v0, $1.000000000e+00  }
0x233: {  	[tilespmem:s0+$0xFFFFFFF0] =	vst v0  }
0x234: {  	_ =	swait.ge [sflag:s5], $0x800  }
0x235: {  	[sflag:s5] =	ssyncset.done $0x0  }
0x236: {  	s1 =	sadd.s32 $0x10, s11;
	[sflag:s5] =	ssyncadd.s32 $0xFFFFF800  }
0x237: {  	[tilespmem:s21], [sflag:$0x2] =	stream.linear.gather [hbm4b:s11+s4], $0x80, $0x38;
	[tilespmem:$0x1F700] =	vst v63  }
0x238: {  	s28 =	simm.s32 $0x1E800;
	s30 =	sadd.s32 $0x20, s11;
	[smem:$0x7C5] =	sst s1  }
0x239: {  	[tilespmem:s28], [sflag:$0x2] =	stream.linear.gather [hbm4b:s1+s4], $0x80, $0x38;
	[tilespmem:$0x1F700] =	vst v63  }
0x23a: {  	s31 =	simm.s32 $0x1E900;
	s0 =	sadd.s32 $0x30, s11;
	[smem:$0x7C6] =	sst s30  }
0x23b: {  	[tilespmem:s31], [sflag:$0x2] =	stream.linear.gather [hbm4b:s30+s4], $0x80, $0x38;
	[tilespmem:$0x1F700] =	vst v63  }
0x23c: {  	s2 =	simm.s32 $0x1EA00;
	s3 =	sadd.s32 $0x40, s11;
	[smem:$0x7C7] =	sst s0  }
0x23d: {  	[tilespmem:s2], [sflag:$0x2] =	stream.linear.gather [hbm4b:s0+s4], $0x80, $0x38;
	[tilespmem:$0x1F700] =	vst v63  }
0x23e: {  	s6 =	simm.s32 $0x1EB00;
	s7 =	sadd.s32 $0x50, s11;
	[smem:$0x7C8] =	sst s3  }
0x23f: {  	[tilespmem:s6], [sflag:$0x2] =	stream.linear.gather [hbm4b:s3+s4], $0x80, $0x38;
	[tilespmem:$0x1F700] =	vst v63  }
0x240: {  	s15 =	simm.s32 $0x1EC00;
	s22 =	sadd.s32 $0x60, s11;
	[smem:$0x7C9] =	sst s7  }
0x241: {  	[tilespmem:s15], [sflag:$0x2] =	stream.linear.gather [hbm4b:s7+s4], $0x80, $0x38;
	[tilespmem:$0x1F700] =	vst v63  }
0x242: {  	s23 =	simm.s32 $0x1ED00;
	s24 =	sadd.s32 $0x70, s11;
	[smem:$0x7CA] =	sst s22  }
0x243: {  	[tilespmem:s23], [sflag:$0x2] =	stream.linear.gather [hbm4b:s22+s4], $0x80, $0x38;
	[tilespmem:$0x1F700] =	vst v63  }
0x244: {  	s25 =	simm.s32 $0x1EE00;
	s26 =	sadd.s32 $0x80, s11;
	[smem:$0x7CB] =	sst s24  }
0x245: {  	[tilespmem:s25], [sflag:$0x2] =	stream.linear.gather [hbm4b:s24+s4], $0x80, $0x38;
	[tilespmem:$0x1F700] =	vst v63  }
0x246: {  	[smem:$0x7CC] =	sst s26;
	s28 =	simm.s32 $0x1EF00;
	s30 =	sadd.s32 $0x90, s11  }
0x247: {  	[tilespmem:s28], [sflag:$0x2] =	stream.linear.gather [hbm4b:s26+s4], $0x80, $0x38;
	[tilespmem:$0x1F700] =	vst v63  }
0x248: {  	s31 =	simm.s32 $0x1F000;
	[smem:$0x7CD] =	sst s30;
	s2 =	sadd.s32 $0xA0, s11  }
0x249: {  	[tilespmem:s31], [sflag:$0x2] =	stream.linear.gather [hbm4b:s30+s4], $0x80, $0x38;
	[tilespmem:$0x1F700] =	vst v63  }
0x24a: {  	[smem:$0x7CE] =	sst s2;
	s3 =	simm.s32 $0x1F100;
	s6 =	sadd.s32 $0xB0, s11  }
0x24b: {  	[tilespmem:s3], [sflag:$0x2] =	stream.linear.gather [hbm4b:s2+s4], $0x80, $0x38;
	[tilespmem:$0x1F700] =	vst v63  }
0x24c: {  	[smem:$0x7CF] =	sst s6;
	s7 =	simm.s32 $0x1F200;
	s15 =	sadd.s32 $0xC0, s11  }
0x24d: {  	[tilespmem:s7], [sflag:$0x2] =	stream.linear.gather [hbm4b:s6+s4], $0x80, $0x38;
	[tilespmem:$0x1F700] =	vst v63  }
0x24e: {  	[smem:$0x7D0] =	sst s15;
	s22 =	simm.s32 $0x1F300;
	s23 =	sadd.s32 $0xD0, s11  }
0x24f: {  	[tilespmem:s22], [sflag:$0x2] =	stream.linear.gather [hbm4b:s15+s4], $0x80, $0x38;
	[tilespmem:$0x1F700] =	vst v63  }
0x250: {  	[smem:$0x7D1] =	sst s23;
	s24 =	simm.s32 $0x1F400;
	s25 =	sadd.s32 $0xE0, s11  }
0x251: {  	[tilespmem:s24], [sflag:$0x2] =	stream.linear.gather [hbm4b:s23+s4], $0x80, $0x38;
	[tilespmem:$0x1F700] =	vst v63  }
0x252: {  	[smem:$0x7D2] =	sst s25;
	s26 =	simm.s32 $0x1F500;
	s28 =	sadd.s32 $0xF0, s11  }
0x253: {  	[tilespmem:s26], [sflag:$0x2] =	stream.linear.gather [hbm4b:s25+s4], $0x80, $0x38;
	[tilespmem:$0x1F700] =	vst v63  }
0x254: {  	[smem:$0x7D3] =	sst s28;
	s30 =	simm.s32 $0x1F600;
	s31 =	simm.s32 $0x1DF70  }
0x255: {  	[tilespmem:s30], [sflag:$0x2] =	stream.linear.gather [hbm4b:s28+s4], $0x80, $0x38;
	[tilespmem:$0x1F700] =	vst v63  }
0x256: {  	v0 =	vld [tilespmem:s31+$0x0]  }
0x257: {  	v1 =	vld [tilespmem:s31+$0xFFFFFFA0]  }
0x258: {  	v2 =	vld [tilespmem:s31+$0xFFFFFFB0]  }
0x259: {  	v3 =	vld [tilespmem:s31+$0xFFFFFFC0]  }
0x25a: {  	v4 =	vld [tilespmem:s31+$0xFFFFFFD0]  }
0x25b: {  	v5 =	vld [tilespmem:s31+$0xFFFFFFE0]  }
0x25c: {  	v6 =	vld [tilespmem:s31+$0xFFFFFFF0]  }
0x25d: {  	s1 =	simm.s32 $0x1E7F0;
	v7 =	vld [tilespmem:s31+$0xFFFFFF90]  }
0x25e: {  	s0 =	simm.s32 $0x19F70;
	v8 =	vld [tilespmem:s1+$0x0]  }
0x25f: {  	v9 =	vld [tilespmem:s0+$0x0]  }
0x260: {  	v12 =	vld [tilespmem:s1+$0xFFFFFFB0]  }
0x261: {  	v13 =	vld [tilespmem:s1+$0xFFFFFFC0]  }
0x262: {  	v14 =	vld [tilespmem:s1+$0xFFFFFFD0]  }
0x263: {  	v15 =	vld [tilespmem:s1+$0xFFFFFFE0]  }
0x264: {  	v16 =	vld [tilespmem:s1+$0xFFFFFFF0]  }
0x265: {  	v17 =	vld [tilespmem:s0+$0xFFFFFF90]  }
0x266: {  	v18 =	vld [tilespmem:s0+$0xFFFFFFA0]  }
0x267: {  	v0 =	vld.idx.msk [tilespmem:v0+s4+$0x0], $0xffff  }
0x268: {  	v1 =	vld.idx.msk [tilespmem:v1+s4+$0x0], $0xffff  }
0x269: {  	v2 =	vld.idx.msk [tilespmem:v2+s4+$0x0], $0xffff  }
0x26a: {  	v7 =	vld.idx.msk [tilespmem:v7+s4+$0x0], $0xffff  }
0x26b: {  	v10 =	vld.idx.msk [tilespmem:v5+s4+$0x0], $0xffff  }
0x26c: {  	v11 =	vld.idx.msk [tilespmem:v6+s4+$0x0], $0xffff  }
0x26d: {  	v5 =	vld [tilespmem:s1+$0xFFFFFF90]  }
0x26e: {  	v6 =	vld [tilespmem:s1+$0xFFFFFFA0];
	v0 =	vmul.f32 v8, v0  }
0x26f: {  	v4 =	vld.idx.msk [tilespmem:v4+s4+$0x0], $0xffff  }
0x270: {  	v3 =	vld.idx.msk [tilespmem:v3+s4+$0x0], $0xffff;
	v0 =	vadd.f32 v0, v9  }
0x271: {  	v9 =	vld [tilespmem:s0+$0xFFFFFFB0]  }
0x272: {  	v19 =	vmul.f32 v5, v7;
	v7 =	vld [tilespmem:s0+$0xFFFFFFC0];
	v0 =	vmax.f32 v0, $-1.000000000e+00  }
0x273: {  	v20 =	vmul.f32 v6, v1;
	v8 =	vmul.f32 v12, v2;
	v5 =	vld [tilespmem:s0+$0xFFFFFFD0];
	v0 =	vmin.f32 v0, $1.000000000e+00  }
0x274: {  	v2 =	vmul.f32 v14, v4;
	v4 =	vld [tilespmem:s0+$0xFFFFFFE0];
	[tilespmem:s0+$0x0] =	vst v0;
	v0 =	vmul.f32 v16, v11;
	v11 =	vadd.f32 v19, v17  }
0x275: {  	s2 =	simm.s32 $0x0;
	s3 =	simm.s32 $0x1DFF0;
	v6 =	vmul.f32 v13, v3;
	v1 =	vmul.f32 v15, v10;
	v3 =	vld [tilespmem:s0+$0xFFFFFFF0];
	v10 =	vadd.f32 v20, v18  }
.LBB2_16:
0x276: {  	v12 =	vld [tilespmem:s3+$0x0];
	s2 =	sadd.s32 $0x8, s2;
	v11 =	vmax.f32 v11, $-1.000000000e+00;
	v8 =	vadd.f32 v8, v9  }
0x277: {  	v9 =	vld [tilespmem:s3+$0xFFFFFFA0];
	p0 =	slt.u32 s2, $0x78;
	v11 =	vmin.f32 v11, $1.000000000e+00;
	v10 =	vmax.f32 v10, $-1.000000000e+00;
	v6 =	vadd.f32 v6, v7  }
0x278: {  	v7 =	vld [tilespmem:s3+$0xFFFFFFB0];
	[tilespmem:s0+$0xFFFFFF90] =	vst v11;
	v10 =	vmin.f32 v10, $1.000000000e+00;
	v8 =	vmax.f32 v8, $-1.000000000e+00;
	v2 =	vadd.f32 v2, v5  }
0x279: {  	v5 =	vld [tilespmem:s3+$0xFFFFFFC0];
	[tilespmem:s0+$0xFFFFFFA0] =	vst v10;
	v8 =	vmin.f32 v8, $1.000000000e+00;
	v6 =	vmax.f32 v6, $-1.000000000e+00;
	v1 =	vadd.f32 v1, v4  }
0x27a: {  	v4 =	vld [tilespmem:s3+$0xFFFFFFD0];
	[tilespmem:s0+$0xFFFFFFB0] =	vst v8;
	v6 =	vmin.f32 v6, $1.000000000e+00;
	v2 =	vmax.f32 v2, $-1.000000000e+00;
	v0 =	vadd.f32 v0, v3  }
0x27b: {  	v3 =	vld [tilespmem:s3+$0xFFFFFFE0];
	[tilespmem:s0+$0xFFFFFFC0] =	vst v6;
	v2 =	vmin.f32 v2, $1.000000000e+00;
	v1 =	vmax.f32 v1, $-1.000000000e+00  }
0x27c: {  	v6 =	vld [tilespmem:s3+$0xFFFFFFF0];
	[tilespmem:s0+$0xFFFFFFD0] =	vst v2;
	v1 =	vmin.f32 v1, $1.000000000e+00;
	v0 =	vmax.f32 v0, $-1.000000000e+00  }
0x27d: {  	v2 =	vld [tilespmem:s3+$0xFFFFFF90];
	[tilespmem:s0+$0xFFFFFFE0] =	vst v1;
	v0 =	vmin.f32 v0, $1.000000000e+00  }
0x27e: {  	s1 =	sadd.s32 $0x100, s1;
	v1 =	vld.idx.msk [tilespmem:v12+s4+$0x0], $0xffff;
	[tilespmem:s0+$0xFFFFFFF0] =	vst v0  }
0x27f: {  	v0 =	vld [tilespmem:s1+$0x0]  }
0x280: {  	s0 =	sadd.s32 $0x80, s0;
	v8 =	vld.idx.msk [tilespmem:v9+s4+$0x0], $0xffff  }
0x281: {  	v9 =	vld [tilespmem:s0+$0x0]  }
0x282: {  	v7 =	vld.idx.msk [tilespmem:v7+s4+$0x0], $0xffff  }
0x283: {  	v5 =	vld.idx.msk [tilespmem:v5+s4+$0x0], $0xffff  }
0x284: {  	v4 =	vld.idx.msk [tilespmem:v4+s4+$0x0], $0xffff;
	v0 =	vmul.f32 v0, v1  }
0x285: {  	v1 =	vld.idx.msk [tilespmem:v2+s4+$0x0], $0xffff  }
0x286: {  	v3 =	vld.idx.msk [tilespmem:v3+s4+$0x0], $0xffff;
	v0 =	vadd.f32 v0, v9  }
0x287: {  	v10 =	vld.idx.msk [tilespmem:v6+s4+$0x0], $0xffff  }
0x288: {  	v2 =	vld [tilespmem:s1+$0xFFFFFF90];
	v0 =	vmax.f32 v0, $-1.000000000e+00  }
0x289: {  	v6 =	vld [tilespmem:s1+$0xFFFFFFA0];
	v0 =	vmin.f32 v0, $1.000000000e+00  }
0x28a: {  	v9 =	vld [tilespmem:s1+$0xFFFFFFB0];
	[tilespmem:s0+$0x0] =	vst v0  }
0x28b: {  	v0 =	vld [tilespmem:s1+$0xFFFFFFC0]  }
0x28c: {  	v11 =	vld [tilespmem:s1+$0xFFFFFFD0]  }
0x28d: {  	v12 =	vmul.f32 v2, v1;
	v1 =	vld [tilespmem:s1+$0xFFFFFFE0]  }
0x28e: {  	v13 =	vmul.f32 v6, v8;
	v14 =	vld [tilespmem:s1+$0xFFFFFFF0]  }
0x28f: {  	v15 =	vld [tilespmem:s0+$0xFFFFFF90];
	v8 =	vmul.f32 v9, v7  }
0x290: {  	v16 =	vld [tilespmem:s0+$0xFFFFFFA0];
	v6 =	vmul.f32 v0, v5  }
.Ltmp7:
0x291: {  	v9 =	vld [tilespmem:s0+$0xFFFFFFB0];
	v2 =	vmul.f32 v11, v4;
	(pc) =	sbr.rel @p0 .LBB2_16-.Ltmp7, $4  }
0x292: {  	v7 =	vld [tilespmem:s0+$0xFFFFFFC0];
	v1 =	vmul.f32 v1, v3  }
0x293: {  	v5 =	vld [tilespmem:s0+$0xFFFFFFD0];
	v0 =	vmul.f32 v14, v10  }
0x294: {  	v11 =	vadd.f32 v12, v15;
	v4 =	vld [tilespmem:s0+$0xFFFFFFE0]  }
0x295: {  	s3 =	sadd.s32 $0x80, s3;
	v10 =	vadd.f32 v13, v16;
	v3 =	vld [tilespmem:s0+$0xFFFFFFF0]  }
0x296: {  	v11 =	vmax.f32 v11, $-1.000000000e+00;
	v8 =	vadd.f32 v8, v9  }
0x297: {  	v9 =	vmin.f32 v11, $1.000000000e+00;
	v10 =	vmax.f32 v10, $-1.000000000e+00;
	v6 =	vadd.f32 v6, v7  }
0x298: {  	[tilespmem:s0+$0xFFFFFF90] =	vst v9;
	v7 =	vmin.f32 v10, $1.000000000e+00;
	v8 =	vmax.f32 v8, $-1.000000000e+00;
	v2 =	vadd.f32 v2, v5  }
0x299: {  	[tilespmem:s0+$0xFFFFFFA0] =	vst v7;
	v5 =	vmin.f32 v8, $1.000000000e+00;
	v6 =	vmax.f32 v6, $-1.000000000e+00;
	v1 =	vadd.f32 v1, v4  }
0x29a: {  	[tilespmem:s0+$0xFFFFFFB0] =	vst v5;
	v4 =	vmin.f32 v6, $1.000000000e+00;
	v2 =	vmax.f32 v2, $-1.000000000e+00;
	v0 =	vadd.f32 v0, v3  }
0x29b: {  	[tilespmem:s0+$0xFFFFFFC0] =	vst v4;
	v2 =	vmin.f32 v2, $1.000000000e+00;
	v1 =	vmax.f32 v1, $-1.000000000e+00  }
0x29c: {  	[tilespmem:s0+$0xFFFFFFD0] =	vst v2;
	v1 =	vmin.f32 v1, $1.000000000e+00;
	v0 =	vmax.f32 v0, $-1.000000000e+00  }
0x29d: {  	[tilespmem:s0+$0xFFFFFFE0] =	vst v1;
	v0 =	vmin.f32 v0, $1.000000000e+00  }
0x29e: {  	[tilespmem:s0+$0xFFFFFFF0] =	vst v0  }
0x29f: {  	_ =	swait.ge [sflag:s5], $0x800  }
0x2a0: {  	[sflag:s5] =	ssyncset.done $0x0  }
0x2a1: {  	s30 =	sadd.s32 $0x10, s12;
	[sflag:s5] =	ssyncadd.s32 $0xFFFFF800  }
0x2a2: {  	[tilespmem:s16], [sflag:$0x2] =	stream.linear.gather [hbm4b:s12+s4], $0x80, $0x38;
	[tilespmem:$0x1F700] =	vst v63  }
0x2a3: {  	s1 =	sadd.s32 $0x20, s12;
	[smem:$0x7B6] =	sst s30  }
0x2a4: {  	[tilespmem:s18], [sflag:$0x2] =	stream.linear.gather [hbm4b:s30+s4], $0x80, $0x38;
	[tilespmem:$0x1F700] =	vst v63  }
0x2a5: {  	s31 =	simm.s32 $0x1E980;
	s0 =	sadd.s32 $0x30, s12;
	[smem:$0x7B7] =	sst s1  }
0x2a6: {  	[tilespmem:s31], [sflag:$0x2] =	stream.linear.gather [hbm4b:s1+s4], $0x80, $0x38;
	[tilespmem:$0x1F700] =	vst v63  }
0x2a7: {  	s2 =	simm.s32 $0x1EA80;
	s3 =	sadd.s32 $0x40, s12;
	[smem:$0x7B8] =	sst s0  }
0x2a8: {  	[tilespmem:s2], [sflag:$0x2] =	stream.linear.gather [hbm4b:s0+s4], $0x80, $0x38;
	[tilespmem:$0x1F700] =	vst v63  }
0x2a9: {  	s6 =	simm.s32 $0x1EB80;
	s7 =	sadd.s32 $0x50, s12;
	[smem:$0x7B9] =	sst s3  }
0x2aa: {  	[tilespmem:s6], [sflag:$0x2] =	stream.linear.gather [hbm4b:s3+s4], $0x80, $0x38;
	[tilespmem:$0x1F700] =	vst v63  }
0x2ab: {  	s15 =	simm.s32 $0x1EC80;
	s22 =	sadd.s32 $0x60, s12;
	[smem:$0x7BA] =	sst s7  }
0x2ac: {  	[tilespmem:s15], [sflag:$0x2] =	stream.linear.gather [hbm4b:s7+s4], $0x80, $0x38;
	[tilespmem:$0x1F700] =	vst v63  }
0x2ad: {  	s23 =	simm.s32 $0x1ED80;
	s24 =	sadd.s32 $0x70, s12;
	[smem:$0x7BB] =	sst s22  }
0x2ae: {  	[tilespmem:s23], [sflag:$0x2] =	stream.linear.gather [hbm4b:s22+s4], $0x80, $0x38;
	[tilespmem:$0x1F700] =	vst v63  }
0x2af: {  	s25 =	simm.s32 $0x1EE80;
	s26 =	sadd.s32 $0x80, s12;
	[smem:$0x7BC] =	sst s24  }
0x2b0: {  	[tilespmem:s25], [sflag:$0x2] =	stream.linear.gather [hbm4b:s24+s4], $0x80, $0x38;
	[tilespmem:$0x1F700] =	vst v63  }
0x2b1: {  	s28 =	simm.s32 $0x1EF80;
	[smem:$0x7BD] =	sst s26;
	s30 =	sadd.s32 $0x90, s12  }
0x2b2: {  	[tilespmem:s28], [sflag:$0x2] =	stream.linear.gather [hbm4b:s26+s4], $0x80, $0x38;
	[tilespmem:$0x1F700] =	vst v63  }
0x2b3: {  	[smem:$0x7BE] =	sst s30;
	s31 =	simm.s32 $0x1F080;
	s0 =	sadd.s32 $0xA0, s12  }
0x2b4: {  	[tilespmem:s31], [sflag:$0x2] =	stream.linear.gather [hbm4b:s30+s4], $0x80, $0x38;
	[tilespmem:$0x1F700] =	vst v63  }
0x2b5: {  	s2 =	simm.s32 $0x1F180;
	[smem:$0x7BF] =	sst s0;
	s3 =	sadd.s32 $0xB0, s12  }
0x2b6: {  	[tilespmem:s2], [sflag:$0x2] =	stream.linear.gather [hbm4b:s0+s4], $0x80, $0x38;
	[tilespmem:$0x1F700] =	vst v63  }
0x2b7: {  	s6 =	simm.s32 $0x1F280;
	[smem:$0x7C0] =	sst s3;
	s7 =	sadd.s32 $0xC0, s12  }
0x2b8: {  	[tilespmem:s6], [sflag:$0x2] =	stream.linear.gather [hbm4b:s3+s4], $0x80, $0x38;
	[tilespmem:$0x1F700] =	vst v63  }
0x2b9: {  	s15 =	simm.s32 $0x1F380;
	[smem:$0x7C1] =	sst s7;
	s22 =	sadd.s32 $0xD0, s12  }
0x2ba: {  	[tilespmem:s15], [sflag:$0x2] =	stream.linear.gather [hbm4b:s7+s4], $0x80, $0x38;
	[tilespmem:$0x1F700] =	vst v63  }
0x2bb: {  	s23 =	simm.s32 $0x1F480;
	[smem:$0x7C2] =	sst s22;
	s24 =	sadd.s32 $0xE0, s12  }
0x2bc: {  	[tilespmem:s23], [sflag:$0x2] =	stream.linear.gather [hbm4b:s22+s4], $0x80, $0x38;
	[tilespmem:$0x1F700] =	vst v63  }
0x2bd: {  	s25 =	simm.s32 $0x1F580;
	[smem:$0x7C3] =	sst s24;
	s26 =	sadd.s32 $0xF0, s12  }
0x2be: {  	[tilespmem:s25], [sflag:$0x2] =	stream.linear.gather [hbm4b:s24+s4], $0x80, $0x38;
	[tilespmem:$0x1F700] =	vst v63  }
0x2bf: {  	s28 =	simm.s32 $0x1F680;
	[smem:$0x7C4] =	sst s26  }
0x2c0: {  	[tilespmem:s28], [sflag:$0x2] =	stream.linear.gather [hbm4b:s26+s4], $0x80, $0x38;
	[tilespmem:$0x1F700] =	vst v63  }
0x2c1: {  	s30 =	rddreg [dreg:$0x7]  }
0x2c2: {  	[tilespmem:s20], [sflag:$0x3] =	stream.linear.gather [hbm4b:s30+s4], $0x2000, $0x38;
	[tilespmem:$0x1F700] =	vst v63  }
0x2c3: {  	_ =	swait.ge [sflag:s17], $0x2000  }
0x2c4: {  	[sflag:s17] =	ssyncset.done $0x0  }
0x2c5: {  	s31 =	simm.s32 $0x1C740;
	[sflag:s17] =	ssyncadd.s32 $0xFFFFE000  }
0x2c6: {  	v0 =	vld [tilespmem:s31+$0x30]  }
0x2c7: {  	v1 =	vld [tilespmem:s31+$0xFFFFFFD0]  }
0x2c8: {  	v2 =	vld [tilespmem:s31+$0xFFFFFFE0]  }
0x2c9: {  	v3 =	vld [tilespmem:s31+$0xFFFFFFF0]  }
0x2ca: {  	v4 =	vld [tilespmem:s31+$0x0]  }
0x2cb: {  	v5 =	vld [tilespmem:s31+$0x10]  }
0x2cc: {  	v6 =	vld [tilespmem:s31+$0x20]  }
0x2cd: {  	s1 =	simm.s32 $0x1E740;
	v7 =	vld [tilespmem:s31+$0xFFFFFFC0]  }
0x2ce: {  	s0 =	simm.s32 $0x1A770;
	v8 =	vld [tilespmem:s1+$0x30]  }
0x2cf: {  	v9 =	vld [tilespmem:s0+$0x0]  }
0x2d0: {  	v12 =	vld [tilespmem:s1+$0xFFFFFFE0]  }
0x2d1: {  	v13 =	vld [tilespmem:s1+$0xFFFFFFF0]  }
0x2d2: {  	v14 =	vld [tilespmem:s1+$0x0]  }
0x2d3: {  	v15 =	vld [tilespmem:s1+$0x10]  }
0x2d4: {  	v16 =	vld [tilespmem:s1+$0x20]  }
0x2d5: {  	v17 =	vld [tilespmem:s0+$0xFFFFFF90]  }
0x2d6: {  	v18 =	vld [tilespmem:s0+$0xFFFFFFA0]  }
0x2d7: {  	v0 =	vld.idx.msk [tilespmem:v0+s4+$0x0], $0xffff  }
0x2d8: {  	v1 =	vld.idx.msk [tilespmem:v1+s4+$0x0], $0xffff  }
0x2d9: {  	v2 =	vld.idx.msk [tilespmem:v2+s4+$0x0], $0xffff  }
0x2da: {  	v7 =	vld.idx.msk [tilespmem:v7+s4+$0x0], $0xffff  }
0x2db: {  	v10 =	vld.idx.msk [tilespmem:v5+s4+$0x0], $0xffff  }
0x2dc: {  	v11 =	vld.idx.msk [tilespmem:v6+s4+$0x0], $0xffff  }
0x2dd: {  	v5 =	vld [tilespmem:s1+$0xFFFFFFC0]  }
0x2de: {  	v6 =	vld [tilespmem:s1+$0xFFFFFFD0];
	v0 =	vmul.f32 v8, v0  }
0x2df: {  	v4 =	vld.idx.msk [tilespmem:v4+s4+$0x0], $0xffff  }
0x2e0: {  	v3 =	vld.idx.msk [tilespmem:v3+s4+$0x0], $0xffff;
	v0 =	vadd.f32 v0, v9  }
0x2e1: {  	v9 =	vld [tilespmem:s0+$0xFFFFFFB0]  }
0x2e2: {  	v19 =	vmul.f32 v5, v7;
	v7 =	vld [tilespmem:s0+$0xFFFFFFC0];
	v0 =	vmax.f32 v0, $-1.000000000e+00  }
0x2e3: {  	v20 =	vmul.f32 v6, v1;
	v8 =	vmul.f32 v12, v2;
	v5 =	vld [tilespmem:s0+$0xFFFFFFD0];
	v0 =	vmin.f32 v0, $1.000000000e+00  }
0x2e4: {  	v2 =	vmul.f32 v14, v4;
	v4 =	vld [tilespmem:s0+$0xFFFFFFE0];
	[tilespmem:s0+$0x0] =	vst v0;
	v0 =	vmul.f32 v16, v11;
	v11 =	vadd.f32 v19, v17  }
0x2e5: {  	s2 =	simm.s32 $0x0;
	s3 =	simm.s32 $0x1C7C0;
	v6 =	vmul.f32 v13, v3;
	v1 =	vmul.f32 v15, v10;
	v3 =	vld [tilespmem:s0+$0xFFFFFFF0];
	v10 =	vadd.f32 v20, v18  }
.LBB2_18:
0x2e6: {  	v12 =	vld [tilespmem:s3+$0x30];
	s2 =	sadd.s32 $0x8, s2;
	v11 =	vmax.f32 v11, $-1.000000000e+00;
	v8 =	vadd.f32 v8, v9  }
0x2e7: {  	v9 =	vld [tilespmem:s3+$0xFFFFFFD0];
	p0 =	slt.u32 s2, $0x78;
	v11 =	vmin.f32 v11, $1.000000000e+00;
	v10 =	vmax.f32 v10, $-1.000000000e+00;
	v6 =	vadd.f32 v6, v7  }
0x2e8: {  	v7 =	vld [tilespmem:s3+$0xFFFFFFE0];
	[tilespmem:s0+$0xFFFFFF90] =	vst v11;
	v10 =	vmin.f32 v10, $1.000000000e+00;
	v8 =	vmax.f32 v8, $-1.000000000e+00;
	v2 =	vadd.f32 v2, v5  }
0x2e9: {  	v5 =	vld [tilespmem:s3+$0xFFFFFFF0];
	[tilespmem:s0+$0xFFFFFFA0] =	vst v10;
	v8 =	vmin.f32 v8, $1.000000000e+00;
	v6 =	vmax.f32 v6, $-1.000000000e+00;
	v1 =	vadd.f32 v1, v4  }
0x2ea: {  	v4 =	vld [tilespmem:s3+$0x0];
	[tilespmem:s0+$0xFFFFFFB0] =	vst v8;
	v6 =	vmin.f32 v6, $1.000000000e+00;
	v2 =	vmax.f32 v2, $-1.000000000e+00;
	v0 =	vadd.f32 v0, v3  }
0x2eb: {  	v3 =	vld [tilespmem:s3+$0x10];
	[tilespmem:s0+$0xFFFFFFC0] =	vst v6;
	v2 =	vmin.f32 v2, $1.000000000e+00;
	v1 =	vmax.f32 v1, $-1.000000000e+00  }
0x2ec: {  	v6 =	vld [tilespmem:s3+$0x20];
	[tilespmem:s0+$0xFFFFFFD0] =	vst v2;
	v1 =	vmin.f32 v1, $1.000000000e+00;
	v0 =	vmax.f32 v0, $-1.000000000e+00  }
0x2ed: {  	v2 =	vld [tilespmem:s3+$0xFFFFFFC0];
	[tilespmem:s0+$0xFFFFFFE0] =	vst v1;
	v0 =	vmin.f32 v0, $1.000000000e+00  }
0x2ee: {  	s1 =	sadd.s32 $0x100, s1;
	v1 =	vld.idx.msk [tilespmem:v12+s4+$0x0], $0xffff;
	[tilespmem:s0+$0xFFFFFFF0] =	vst v0  }
0x2ef: {  	v0 =	vld [tilespmem:s1+$0x30]  }
0x2f0: {  	s0 =	sadd.s32 $0x80, s0;
	v8 =	vld.idx.msk [tilespmem:v9+s4+$0x0], $0xffff  }
0x2f1: {  	v9 =	vld [tilespmem:s0+$0x0]  }
0x2f2: {  	v7 =	vld.idx.msk [tilespmem:v7+s4+$0x0], $0xffff  }
0x2f3: {  	v5 =	vld.idx.msk [tilespmem:v5+s4+$0x0], $0xffff  }
0x2f4: {  	v4 =	vld.idx.msk [tilespmem:v4+s4+$0x0], $0xffff;
	v0 =	vmul.f32 v0, v1  }
0x2f5: {  	v1 =	vld.idx.msk [tilespmem:v2+s4+$0x0], $0xffff  }
0x2f6: {  	v3 =	vld.idx.msk [tilespmem:v3+s4+$0x0], $0xffff;
	v0 =	vadd.f32 v0, v9  }
0x2f7: {  	v10 =	vld.idx.msk [tilespmem:v6+s4+$0x0], $0xffff  }
0x2f8: {  	v2 =	vld [tilespmem:s1+$0xFFFFFFC0];
	v0 =	vmax.f32 v0, $-1.000000000e+00  }
0x2f9: {  	v6 =	vld [tilespmem:s1+$0xFFFFFFD0];
	v0 =	vmin.f32 v0, $1.000000000e+00  }
0x2fa: {  	v9 =	vld [tilespmem:s1+$0xFFFFFFE0];
	[tilespmem:s0+$0x0] =	vst v0  }
0x2fb: {  	v0 =	vld [tilespmem:s1+$0xFFFFFFF0]  }
0x2fc: {  	v11 =	vld [tilespmem:s1+$0x0]  }
0x2fd: {  	v12 =	vmul.f32 v2, v1;
	v1 =	vld [tilespmem:s1+$0x10]  }
0x2fe: {  	v13 =	vmul.f32 v6, v8;
	v14 =	vld [tilespmem:s1+$0x20]  }
0x2ff: {  	v15 =	vld [tilespmem:s0+$0xFFFFFF90];
	v8 =	vmul.f32 v9, v7  }
0x300: {  	v16 =	vld [tilespmem:s0+$0xFFFFFFA0];
	v6 =	vmul.f32 v0, v5  }
.Ltmp8:
0x301: {  	v9 =	vld [tilespmem:s0+$0xFFFFFFB0];
	v2 =	vmul.f32 v11, v4;
	(pc) =	sbr.rel @p0 .LBB2_18-.Ltmp8, $4  }
0x302: {  	v7 =	vld [tilespmem:s0+$0xFFFFFFC0];
	v1 =	vmul.f32 v1, v3  }
0x303: {  	v5 =	vld [tilespmem:s0+$0xFFFFFFD0];
	v0 =	vmul.f32 v14, v10  }
0x304: {  	v11 =	vadd.f32 v12, v15;
	v4 =	vld [tilespmem:s0+$0xFFFFFFE0]  }
0x305: {  	s3 =	sadd.s32 $0x80, s3;
	v10 =	vadd.f32 v13, v16;
	v3 =	vld [tilespmem:s0+$0xFFFFFFF0]  }
0x306: {  	v11 =	vmax.f32 v11, $-1.000000000e+00;
	v8 =	vadd.f32 v8, v9  }
0x307: {  	v9 =	vmin.f32 v11, $1.000000000e+00;
	v10 =	vmax.f32 v10, $-1.000000000e+00;
	v6 =	vadd.f32 v6, v7  }
0x308: {  	[tilespmem:s0+$0xFFFFFF90] =	vst v9;
	v7 =	vmin.f32 v10, $1.000000000e+00;
	v8 =	vmax.f32 v8, $-1.000000000e+00;
	v2 =	vadd.f32 v2, v5  }
0x309: {  	[tilespmem:s0+$0xFFFFFFA0] =	vst v7;
	v5 =	vmin.f32 v8, $1.000000000e+00;
	v6 =	vmax.f32 v6, $-1.000000000e+00;
	v1 =	vadd.f32 v1, v4  }
0x30a: {  	[tilespmem:s0+$0xFFFFFFB0] =	vst v5;
	v4 =	vmin.f32 v6, $1.000000000e+00;
	v2 =	vmax.f32 v2, $-1.000000000e+00;
	v0 =	vadd.f32 v0, v3  }
0x30b: {  	[tilespmem:s0+$0xFFFFFFC0] =	vst v4;
	v2 =	vmin.f32 v2, $1.000000000e+00;
	v1 =	vmax.f32 v1, $-1.000000000e+00  }
0x30c: {  	[tilespmem:s0+$0xFFFFFFD0] =	vst v2;
	v1 =	vmin.f32 v1, $1.000000000e+00;
	v0 =	vmax.f32 v0, $-1.000000000e+00  }
0x30d: {  	[tilespmem:s0+$0xFFFFFFE0] =	vst v1;
	v0 =	vmin.f32 v0, $1.000000000e+00  }
0x30e: {  	[tilespmem:s0+$0xFFFFFFF0] =	vst v0  }
0x30f: {  	_ =	swait.ge [sflag:s5], $0x800  }
0x310: {  	[sflag:s5] =	ssyncset.done $0x0  }
0x311: {  	s1 =	sadd.s32 $0x10, s13;
	[sflag:s5] =	ssyncadd.s32 $0xFFFFF800  }
0x312: {  	[tilespmem:s21], [sflag:$0x2] =	stream.linear.gather [hbm4b:s13+s4], $0x80, $0x38;
	[tilespmem:$0x1F700] =	vst v63  }
0x313: {  	s2 =	simm.s32 $0x1E800;
	s3 =	sadd.s32 $0x20, s13;
	[smem:$0x7A7] =	sst s1  }
0x314: {  	[tilespmem:s2], [sflag:$0x2] =	stream.linear.gather [hbm4b:s1+s4], $0x80, $0x38;
	[tilespmem:$0x1F700] =	vst v63  }
0x315: {  	s6 =	simm.s32 $0x1E900;
	s7 =	sadd.s32 $0x30, s13;
	[smem:$0x7A8] =	sst s3  }
0x316: {  	[tilespmem:s6], [sflag:$0x2] =	stream.linear.gather [hbm4b:s3+s4], $0x80, $0x38;
	[tilespmem:$0x1F700] =	vst v63  }
0x317: {  	s15 =	simm.s32 $0x1EA00;
	s20 =	sadd.s32 $0x40, s13;
	[smem:$0x7A9] =	sst s7  }
0x318: {  	[tilespmem:s15], [sflag:$0x2] =	stream.linear.gather [hbm4b:s7+s4], $0x80, $0x38;
	[tilespmem:$0x1F700] =	vst v63  }
0x319: {  	s22 =	sadd.s32 $0x50, s13;
	[smem:$0x7AA] =	sst s20;
	s21 =	simm.s32 $0x1EB00  }
0x31a: {  	[tilespmem:s21], [sflag:$0x2] =	stream.linear.gather [hbm4b:s20+s4], $0x80, $0x38;
	[tilespmem:$0x1F700] =	vst v63  }
0x31b: {  	s23 =	simm.s32 $0x1EC00;
	s24 =	sadd.s32 $0x60, s13;
	[smem:$0x7AB] =	sst s22  }
0x31c: {  	[tilespmem:s23], [sflag:$0x2] =	stream.linear.gather [hbm4b:s22+s4], $0x80, $0x38;
	[tilespmem:$0x1F700] =	vst v63  }
0x31d: {  	s25 =	simm.s32 $0x1ED00;
	s26 =	sadd.s32 $0x70, s13;
	[smem:$0x7AC] =	sst s24  }
0x31e: {  	[tilespmem:s25], [sflag:$0x2] =	stream.linear.gather [hbm4b:s24+s4], $0x80, $0x38;
	[tilespmem:$0x1F700] =	vst v63  }
0x31f: {  	s28 =	simm.s32 $0x1EE00;
	s30 =	sadd.s32 $0x80, s13;
	[smem:$0x7AD] =	sst s26  }
0x320: {  	[tilespmem:s28], [sflag:$0x2] =	stream.linear.gather [hbm4b:s26+s4], $0x80, $0x38;
	[tilespmem:$0x1F700] =	vst v63  }
0x321: {  	s31 =	simm.s32 $0x1EF00;
	[smem:$0x7AE] =	sst s30;
	s2 =	sadd.s32 $0x90, s13  }
0x322: {  	[tilespmem:s31], [sflag:$0x2] =	stream.linear.gather [hbm4b:s30+s4], $0x80, $0x38;
	[tilespmem:$0x1F700] =	vst v63  }
0x323: {  	[smem:$0x7AF] =	sst s2;
	s3 =	simm.s32 $0x1F000;
	s6 =	sadd.s32 $0xA0, s13  }
0x324: {  	[tilespmem:s3], [sflag:$0x2] =	stream.linear.gather [hbm4b:s2+s4], $0x80, $0x38;
	[tilespmem:$0x1F700] =	vst v63  }
0x325: {  	[smem:$0x7B0] =	sst s6;
	s7 =	simm.s32 $0x1F100;
	s15 =	sadd.s32 $0xB0, s13  }
0x326: {  	[tilespmem:s7], [sflag:$0x2] =	stream.linear.gather [hbm4b:s6+s4], $0x80, $0x38;
	[tilespmem:$0x1F700] =	vst v63  }
0x327: {  	[smem:$0x7B1] =	sst s15;
	s20 =	simm.s32 $0x1F200;
	s21 =	sadd.s32 $0xC0, s13  }
0x328: {  	[tilespmem:s20], [sflag:$0x2] =	stream.linear.gather [hbm4b:s15+s4], $0x80, $0x38;
	[tilespmem:$0x1F700] =	vst v63  }
0x329: {  	[smem:$0x7B2] =	sst s21;
	s22 =	simm.s32 $0x1F300;
	s23 =	sadd.s32 $0xD0, s13  }
0x32a: {  	[tilespmem:s22], [sflag:$0x2] =	stream.linear.gather [hbm4b:s21+s4], $0x80, $0x38;
	[tilespmem:$0x1F700] =	vst v63  }
0x32b: {  	[smem:$0x7B3] =	sst s23;
	s24 =	simm.s32 $0x1F400;
	s25 =	sadd.s32 $0xE0, s13  }
0x32c: {  	[tilespmem:s24], [sflag:$0x2] =	stream.linear.gather [hbm4b:s23+s4], $0x80, $0x38;
	[tilespmem:$0x1F700] =	vst v63  }
0x32d: {  	[smem:$0x7B4] =	sst s25;
	s26 =	simm.s32 $0x1F500;
	s28 =	sadd.s32 $0xF0, s13  }
0x32e: {  	[tilespmem:s26], [sflag:$0x2] =	stream.linear.gather [hbm4b:s25+s4], $0x80, $0x38;
	[tilespmem:$0x1F700] =	vst v63  }
0x32f: {  	[smem:$0x7B5] =	sst s28;
	s30 =	simm.s32 $0x1F600;
	s31 =	simm.s32 $0x1CF70  }
0x330: {  	[tilespmem:s30], [sflag:$0x2] =	stream.linear.gather [hbm4b:s28+s4], $0x80, $0x38;
	[tilespmem:$0x1F700] =	vst v63  }
0x331: {  	v0 =	vld [tilespmem:s31+$0x0]  }
0x332: {  	v1 =	vld [tilespmem:s31+$0xFFFFFFA0]  }
0x333: {  	v2 =	vld [tilespmem:s31+$0xFFFFFFB0]  }
0x334: {  	v3 =	vld [tilespmem:s31+$0xFFFFFFC0]  }
0x335: {  	v4 =	vld [tilespmem:s31+$0xFFFFFFD0]  }
0x336: {  	v5 =	vld [tilespmem:s31+$0xFFFFFFE0]  }
0x337: {  	v6 =	vld [tilespmem:s31+$0xFFFFFFF0]  }
0x338: {  	s1 =	simm.s32 $0x1E7F0;
	v7 =	vld [tilespmem:s31+$0xFFFFFF90]  }
0x339: {  	s0 =	simm.s32 $0x1AF70;
	v8 =	vld [tilespmem:s1+$0x0]  }
0x33a: {  	v9 =	vld [tilespmem:s0+$0x0]  }
0x33b: {  	v12 =	vld [tilespmem:s1+$0xFFFFFFB0]  }
0x33c: {  	v13 =	vld [tilespmem:s1+$0xFFFFFFC0]  }
0x33d: {  	v14 =	vld [tilespmem:s1+$0xFFFFFFD0]  }
0x33e: {  	v15 =	vld [tilespmem:s1+$0xFFFFFFE0]  }
0x33f: {  	v16 =	vld [tilespmem:s1+$0xFFFFFFF0]  }
0x340: {  	v17 =	vld [tilespmem:s0+$0xFFFFFF90]  }
0x341: {  	v18 =	vld [tilespmem:s0+$0xFFFFFFA0]  }
0x342: {  	v0 =	vld.idx.msk [tilespmem:v0+s4+$0x0], $0xffff  }
0x343: {  	v1 =	vld.idx.msk [tilespmem:v1+s4+$0x0], $0xffff  }
0x344: {  	v2 =	vld.idx.msk [tilespmem:v2+s4+$0x0], $0xffff  }
0x345: {  	v7 =	vld.idx.msk [tilespmem:v7+s4+$0x0], $0xffff  }
0x346: {  	v10 =	vld.idx.msk [tilespmem:v5+s4+$0x0], $0xffff  }
0x347: {  	v11 =	vld.idx.msk [tilespmem:v6+s4+$0x0], $0xffff  }
0x348: {  	v5 =	vld [tilespmem:s1+$0xFFFFFF90]  }
0x349: {  	v6 =	vld [tilespmem:s1+$0xFFFFFFA0];
	v0 =	vmul.f32 v8, v0  }
0x34a: {  	v4 =	vld.idx.msk [tilespmem:v4+s4+$0x0], $0xffff  }
0x34b: {  	v3 =	vld.idx.msk [tilespmem:v3+s4+$0x0], $0xffff;
	v0 =	vadd.f32 v0, v9  }
0x34c: {  	v9 =	vld [tilespmem:s0+$0xFFFFFFB0]  }
0x34d: {  	v19 =	vmul.f32 v5, v7;
	v7 =	vld [tilespmem:s0+$0xFFFFFFC0];
	v0 =	vmax.f32 v0, $-1.000000000e+00  }
0x34e: {  	v20 =	vmul.f32 v6, v1;
	v8 =	vmul.f32 v12, v2;
	v5 =	vld [tilespmem:s0+$0xFFFFFFD0];
	v0 =	vmin.f32 v0, $1.000000000e+00  }
0x34f: {  	v2 =	vmul.f32 v14, v4;
	v4 =	vld [tilespmem:s0+$0xFFFFFFE0];
	[tilespmem:s0+$0x0] =	vst v0;
	v0 =	vmul.f32 v16, v11;
	v11 =	vadd.f32 v19, v17  }
0x350: {  	s2 =	simm.s32 $0x0;
	s3 =	simm.s32 $0x1CFF0;
	v6 =	vmul.f32 v13, v3;
	v1 =	vmul.f32 v15, v10;
	v3 =	vld [tilespmem:s0+$0xFFFFFFF0];
	v10 =	vadd.f32 v20, v18  }
.LBB2_20:
0x351: {  	v12 =	vld [tilespmem:s3+$0x0];
	s2 =	sadd.s32 $0x8, s2;
	v11 =	vmax.f32 v11, $-1.000000000e+00;
	v8 =	vadd.f32 v8, v9  }
0x352: {  	v9 =	vld [tilespmem:s3+$0xFFFFFFA0];
	p0 =	slt.u32 s2, $0x78;
	v11 =	vmin.f32 v11, $1.000000000e+00;
	v10 =	vmax.f32 v10, $-1.000000000e+00;
	v6 =	vadd.f32 v6, v7  }
0x353: {  	v7 =	vld [tilespmem:s3+$0xFFFFFFB0];
	[tilespmem:s0+$0xFFFFFF90] =	vst v11;
	v10 =	vmin.f32 v10, $1.000000000e+00;
	v8 =	vmax.f32 v8, $-1.000000000e+00;
	v2 =	vadd.f32 v2, v5  }
0x354: {  	v5 =	vld [tilespmem:s3+$0xFFFFFFC0];
	[tilespmem:s0+$0xFFFFFFA0] =	vst v10;
	v8 =	vmin.f32 v8, $1.000000000e+00;
	v6 =	vmax.f32 v6, $-1.000000000e+00;
	v1 =	vadd.f32 v1, v4  }
0x355: {  	v4 =	vld [tilespmem:s3+$0xFFFFFFD0];
	[tilespmem:s0+$0xFFFFFFB0] =	vst v8;
	v6 =	vmin.f32 v6, $1.000000000e+00;
	v2 =	vmax.f32 v2, $-1.000000000e+00;
	v0 =	vadd.f32 v0, v3  }
0x356: {  	v3 =	vld [tilespmem:s3+$0xFFFFFFE0];
	[tilespmem:s0+$0xFFFFFFC0] =	vst v6;
	v2 =	vmin.f32 v2, $1.000000000e+00;
	v1 =	vmax.f32 v1, $-1.000000000e+00  }
0x357: {  	v6 =	vld [tilespmem:s3+$0xFFFFFFF0];
	[tilespmem:s0+$0xFFFFFFD0] =	vst v2;
	v1 =	vmin.f32 v1, $1.000000000e+00;
	v0 =	vmax.f32 v0, $-1.000000000e+00  }
0x358: {  	v2 =	vld [tilespmem:s3+$0xFFFFFF90];
	[tilespmem:s0+$0xFFFFFFE0] =	vst v1;
	v0 =	vmin.f32 v0, $1.000000000e+00  }
0x359: {  	s1 =	sadd.s32 $0x100, s1;
	v1 =	vld.idx.msk [tilespmem:v12+s4+$0x0], $0xffff;
	[tilespmem:s0+$0xFFFFFFF0] =	vst v0  }
0x35a: {  	v0 =	vld [tilespmem:s1+$0x0]  }
0x35b: {  	s0 =	sadd.s32 $0x80, s0;
	v8 =	vld.idx.msk [tilespmem:v9+s4+$0x0], $0xffff  }
0x35c: {  	v9 =	vld [tilespmem:s0+$0x0]  }
0x35d: {  	v7 =	vld.idx.msk [tilespmem:v7+s4+$0x0], $0xffff  }
0x35e: {  	v5 =	vld.idx.msk [tilespmem:v5+s4+$0x0], $0xffff  }
0x35f: {  	v4 =	vld.idx.msk [tilespmem:v4+s4+$0x0], $0xffff;
	v0 =	vmul.f32 v0, v1  }
0x360: {  	v1 =	vld.idx.msk [tilespmem:v2+s4+$0x0], $0xffff  }
0x361: {  	v3 =	vld.idx.msk [tilespmem:v3+s4+$0x0], $0xffff;
	v0 =	vadd.f32 v0, v9  }
0x362: {  	v10 =	vld.idx.msk [tilespmem:v6+s4+$0x0], $0xffff  }
0x363: {  	v2 =	vld [tilespmem:s1+$0xFFFFFF90];
	v0 =	vmax.f32 v0, $-1.000000000e+00  }
0x364: {  	v6 =	vld [tilespmem:s1+$0xFFFFFFA0];
	v0 =	vmin.f32 v0, $1.000000000e+00  }
0x365: {  	v9 =	vld [tilespmem:s1+$0xFFFFFFB0];
	[tilespmem:s0+$0x0] =	vst v0  }
0x366: {  	v0 =	vld [tilespmem:s1+$0xFFFFFFC0]  }
0x367: {  	v11 =	vld [tilespmem:s1+$0xFFFFFFD0]  }
0x368: {  	v12 =	vmul.f32 v2, v1;
	v1 =	vld [tilespmem:s1+$0xFFFFFFE0]  }
0x369: {  	v13 =	vmul.f32 v6, v8;
	v14 =	vld [tilespmem:s1+$0xFFFFFFF0]  }
0x36a: {  	v15 =	vld [tilespmem:s0+$0xFFFFFF90];
	v8 =	vmul.f32 v9, v7  }
0x36b: {  	v16 =	vld [tilespmem:s0+$0xFFFFFFA0];
	v6 =	vmul.f32 v0, v5  }
.Ltmp9:
0x36c: {  	v9 =	vld [tilespmem:s0+$0xFFFFFFB0];
	v2 =	vmul.f32 v11, v4;
	(pc) =	sbr.rel @p0 .LBB2_20-.Ltmp9, $4  }
0x36d: {  	v7 =	vld [tilespmem:s0+$0xFFFFFFC0];
	v1 =	vmul.f32 v1, v3  }
0x36e: {  	v5 =	vld [tilespmem:s0+$0xFFFFFFD0];
	v0 =	vmul.f32 v14, v10  }
0x36f: {  	v11 =	vadd.f32 v12, v15;
	v4 =	vld [tilespmem:s0+$0xFFFFFFE0]  }
0x370: {  	s3 =	sadd.s32 $0x80, s3;
	v10 =	vadd.f32 v13, v16;
	v3 =	vld [tilespmem:s0+$0xFFFFFFF0]  }
0x371: {  	v11 =	vmax.f32 v11, $-1.000000000e+00;
	v8 =	vadd.f32 v8, v9  }
0x372: {  	v9 =	vmin.f32 v11, $1.000000000e+00;
	v10 =	vmax.f32 v10, $-1.000000000e+00;
	v6 =	vadd.f32 v6, v7  }
0x373: {  	[tilespmem:s0+$0xFFFFFF90] =	vst v9;
	v7 =	vmin.f32 v10, $1.000000000e+00;
	v8 =	vmax.f32 v8, $-1.000000000e+00;
	v2 =	vadd.f32 v2, v5  }
0x374: {  	[tilespmem:s0+$0xFFFFFFA0] =	vst v7;
	v5 =	vmin.f32 v8, $1.000000000e+00;
	v6 =	vmax.f32 v6, $-1.000000000e+00;
	v1 =	vadd.f32 v1, v4  }
0x375: {  	[tilespmem:s0+$0xFFFFFFB0] =	vst v5;
	v4 =	vmin.f32 v6, $1.000000000e+00;
	v2 =	vmax.f32 v2, $-1.000000000e+00;
	v0 =	vadd.f32 v0, v3  }
0x376: {  	[tilespmem:s0+$0xFFFFFFC0] =	vst v4;
	v2 =	vmin.f32 v2, $1.000000000e+00;
	v1 =	vmax.f32 v1, $-1.000000000e+00  }
0x377: {  	[tilespmem:s0+$0xFFFFFFD0] =	vst v2;
	v1 =	vmin.f32 v1, $1.000000000e+00;
	v0 =	vmax.f32 v0, $-1.000000000e+00  }
0x378: {  	[tilespmem:s0+$0xFFFFFFE0] =	vst v1;
	v0 =	vmin.f32 v0, $1.000000000e+00  }
0x379: {  	[tilespmem:s0+$0xFFFFFFF0] =	vst v0  }
0x37a: {  	_ =	swait.ge [sflag:s5], $0x800  }
0x37b: {  	[sflag:s5] =	ssyncset.done $0x0  }
0x37c: {  	[sflag:s5] =	ssyncadd.s32 $0xFFFFF800  }
0x37d: {  	[tilespmem:s16], [sflag:$0x2] =	stream.linear.gather [hbm4b:s14+s4], $0x80, $0x38;
	[tilespmem:$0x1F700] =	vst v63  }
0x37e: {  	s20 =	sadd.s32 $0x10, s14  }
0x37f: {  	[tilespmem:s18], [sflag:$0x2] =	stream.linear.gather [hbm4b:s20+s4], $0x80, $0x38;
	[tilespmem:$0x1F700] =	vst v63  }
0x380: {  	s1 =	sadd.s32 $0x20, s14;
	s21 =	simm.s32 $0x1E980  }
0x381: {  	[tilespmem:s21], [sflag:$0x2] =	stream.linear.gather [hbm4b:s1+s4], $0x80, $0x38;
	[tilespmem:$0x1F700] =	vst v63  }
0x382: {  	s22 =	sadd.s32 $0x30, s14;
	s23 =	simm.s32 $0x1EA80  }
0x383: {  	[tilespmem:s23], [sflag:$0x2] =	stream.linear.gather [hbm4b:s22+s4], $0x80, $0x38;
	[tilespmem:$0x1F700] =	vst v63  }
0x384: {  	s24 =	sadd.s32 $0x40, s14;
	s25 =	simm.s32 $0x1EB80  }
0x385: {  	[tilespmem:s25], [sflag:$0x2] =	stream.linear.gather [hbm4b:s24+s4], $0x80, $0x38;
	[tilespmem:$0x1F700] =	vst v63  }
0x386: {  	s26 =	simm.s32 $0x1EC80;
	[smem:$0x7A5] =	sst s22;
	s22 =	sadd.s32 $0x50, s14  }
0x387: {  	[tilespmem:s26], [sflag:$0x2] =	stream.linear.gather [hbm4b:s22+s4], $0x80, $0x38;
	[tilespmem:$0x1F700] =	vst v63  }
0x388: {  	[smem:$0x7A4] =	sst s1;
	s1 =	simm.s32 $0x1ED80;
	s23 =	sadd.s32 $0x60, s14  }
0x389: {  	[tilespmem:s1], [sflag:$0x2] =	stream.linear.gather [hbm4b:s23+s4], $0x80, $0x38;
	[tilespmem:$0x1F700] =	vst v63  }
0x38a: {  	s2 =	simm.s32 $0x1EE80;
	[smem:$0x7A6] =	sst s24;
	s24 =	sadd.s32 $0x70, s14  }
0x38b: {  	[tilespmem:s2], [sflag:$0x2] =	stream.linear.gather [hbm4b:s24+s4], $0x80, $0x38;
	[tilespmem:$0x1F700] =	vst v63  }
0x38c: {  	s3 =	simm.s32 $0x1EF80;
	s25 =	sadd.s32 $0x80, s14  }
0x38d: {  	[tilespmem:s3], [sflag:$0x2] =	stream.linear.gather [hbm4b:s25+s4], $0x80, $0x38;
	[tilespmem:$0x1F700] =	vst v63  }
0x38e: {  	s6 =	simm.s32 $0x1F080;
	s26 =	sadd.s32 $0x90, s14  }
0x38f: {  	[tilespmem:s6], [sflag:$0x2] =	stream.linear.gather [hbm4b:s26+s4], $0x80, $0x38;
	[tilespmem:$0x1F700] =	vst v63  }
0x390: {  	s28 =	sadd.s32 $0xA0, s14;
	s7 =	simm.s32 $0x1F180  }
0x391: {  	[tilespmem:s7], [sflag:$0x2] =	stream.linear.gather [hbm4b:s28+s4], $0x80, $0x38;
	[tilespmem:$0x1F700] =	vst v63  }
0x392: {  	s30 =	sadd.s32 $0xB0, s14;
	s15 =	simm.s32 $0x1F280  }
0x393: {  	[tilespmem:s15], [sflag:$0x2] =	stream.linear.gather [hbm4b:s30+s4], $0x80, $0x38;
	[tilespmem:$0x1F700] =	vst v63  }
0x394: {  	s31 =	sadd.s32 $0xC0, s14;
	s16 =	simm.s32 $0x1F380  }
0x395: {  	[tilespmem:s16], [sflag:$0x2] =	stream.linear.gather [hbm4b:s31+s4], $0x80, $0x38;
	[tilespmem:$0x1F700] =	vst v63  }
0x396: {  	s0 =	sadd.s32 $0xD0, s14;
	s18 =	simm.s32 $0x1F480  }
0x397: {  	[tilespmem:s18], [sflag:$0x2] =	stream.linear.gather [hbm4b:s0+s4], $0x80, $0x38;
	[tilespmem:$0x1F700] =	vst v63  }
0x398: {  	[smem:$0x7A3] =	sst s20;
	s20 =	simm.s32 $0x1F580;
	s2 =	sadd.s32 $0xE0, s14  }
0x399: {  	[tilespmem:s20], [sflag:$0x2] =	stream.linear.gather [hbm4b:s2+s4], $0x80, $0x38;
	[tilespmem:$0x1F700] =	vst v63  }
0x39a: {  	s21 =	simm.s32 $0x1F680;
	s6 =	simm.s32 $0x1D770;
	s7 =	sadd.s32 $0xF0, s14  }
0x39b: {  	[tilespmem:s21], [sflag:$0x2] =	stream.linear.gather [hbm4b:s7+s4], $0x80, $0x38;
	[tilespmem:$0x1F700] =	vst v63  }
0x39c: {  	v0 =	vld [tilespmem:s6+$0x0]  }
0x39d: {  	v1 =	vld [tilespmem:s6+$0xFFFFFFA0]  }
0x39e: {  	v2 =	vld [tilespmem:s6+$0xFFFFFFB0]  }
0x39f: {  	v3 =	vld [tilespmem:s6+$0xFFFFFFC0]  }
0x3a0: {  	v4 =	vld [tilespmem:s6+$0xFFFFFFD0]  }
0x3a1: {  	v5 =	vld [tilespmem:s6+$0xFFFFFFE0]  }
0x3a2: {  	v6 =	vld [tilespmem:s6+$0xFFFFFFF0]  }
0x3a3: {  	s16 =	simm.s32 $0x1E740;
	v7 =	vld [tilespmem:s6+$0xFFFFFF90]  }
0x3a4: {  	s15 =	simm.s32 $0x1B770;
	v8 =	vld [tilespmem:s16+$0x30]  }
0x3a5: {  	v9 =	vld [tilespmem:s15+$0x0]  }
0x3a6: {  	v12 =	vld [tilespmem:s16+$0xFFFFFFE0]  }
0x3a7: {  	v13 =	vld [tilespmem:s16+$0xFFFFFFF0]  }
0x3a8: {  	v14 =	vld [tilespmem:s16+$0x0]  }
0x3a9: {  	v15 =	vld [tilespmem:s16+$0x10]  }
0x3aa: {  	v16 =	vld [tilespmem:s16+$0x20]  }
0x3ab: {  	v17 =	vld [tilespmem:s15+$0xFFFFFF90]  }
0x3ac: {  	v18 =	vld [tilespmem:s15+$0xFFFFFFA0]  }
0x3ad: {  	v0 =	vld.idx.msk [tilespmem:v0+s4+$0x0], $0xffff  }
0x3ae: {  	v1 =	vld.idx.msk [tilespmem:v1+s4+$0x0], $0xffff  }
0x3af: {  	v2 =	vld.idx.msk [tilespmem:v2+s4+$0x0], $0xffff  }
0x3b0: {  	v7 =	vld.idx.msk [tilespmem:v7+s4+$0x0], $0xffff  }
0x3b1: {  	v10 =	vld.idx.msk [tilespmem:v5+s4+$0x0], $0xffff  }
0x3b2: {  	v11 =	vld.idx.msk [tilespmem:v6+s4+$0x0], $0xffff  }
0x3b3: {  	v5 =	vld [tilespmem:s16+$0xFFFFFFC0]  }
0x3b4: {  	v6 =	vld [tilespmem:s16+$0xFFFFFFD0];
	v0 =	vmul.f32 v8, v0  }
0x3b5: {  	v4 =	vld.idx.msk [tilespmem:v4+s4+$0x0], $0xffff  }
0x3b6: {  	v3 =	vld.idx.msk [tilespmem:v3+s4+$0x0], $0xffff;
	v0 =	vadd.f32 v0, v9  }
0x3b7: {  	v9 =	vld [tilespmem:s15+$0xFFFFFFB0]  }
0x3b8: {  	v19 =	vmul.f32 v5, v7;
	v7 =	vld [tilespmem:s15+$0xFFFFFFC0];
	v0 =	vmax.f32 v0, $-1.000000000e+00  }
0x3b9: {  	v20 =	vmul.f32 v6, v1;
	v8 =	vmul.f32 v12, v2;
	v5 =	vld [tilespmem:s15+$0xFFFFFFD0];
	v0 =	vmin.f32 v0, $1.000000000e+00  }
0x3ba: {  	v2 =	vmul.f32 v14, v4;
	v4 =	vld [tilespmem:s15+$0xFFFFFFE0];
	[tilespmem:s15+$0x0] =	vst v0;
	v0 =	vmul.f32 v16, v11;
	v11 =	vadd.f32 v19, v17  }
0x3bb: {  	s18 =	simm.s32 $0x1D7F0;
	s6 =	simm.s32 $0x0;
	v6 =	vmul.f32 v13, v3;
	v1 =	vmul.f32 v15, v10;
	v3 =	vld [tilespmem:s15+$0xFFFFFFF0];
	v10 =	vadd.f32 v20, v18  }
.LBB2_22:
0x3bc: {  	v12 =	vld [tilespmem:s18+$0x0];
	s6 =	sadd.s32 $0x8, s6;
	v11 =	vmax.f32 v11, $-1.000000000e+00;
	v8 =	vadd.f32 v8, v9  }
0x3bd: {  	v9 =	vld [tilespmem:s18+$0xFFFFFFA0];
	p0 =	slt.u32 s6, $0x78;
	v11 =	vmin.f32 v11, $1.000000000e+00;
	v10 =	vmax.f32 v10, $-1.000000000e+00;
	v6 =	vadd.f32 v6, v7  }
0x3be: {  	v7 =	vld [tilespmem:s18+$0xFFFFFFB0];
	[tilespmem:s15+$0xFFFFFF90] =	vst v11;
	v10 =	vmin.f32 v10, $1.000000000e+00;
	v8 =	vmax.f32 v8, $-1.000000000e+00;
	v2 =	vadd.f32 v2, v5  }
0x3bf: {  	v5 =	vld [tilespmem:s18+$0xFFFFFFC0];
	[tilespmem:s15+$0xFFFFFFA0] =	vst v10;
	v8 =	vmin.f32 v8, $1.000000000e+00;
	v6 =	vmax.f32 v6, $-1.000000000e+00;
	v1 =	vadd.f32 v1, v4  }
0x3c0: {  	v4 =	vld [tilespmem:s18+$0xFFFFFFD0];
	[tilespmem:s15+$0xFFFFFFB0] =	vst v8;
	v6 =	vmin.f32 v6, $1.000000000e+00;
	v2 =	vmax.f32 v2, $-1.000000000e+00;
	v0 =	vadd.f32 v0, v3  }
0x3c1: {  	v3 =	vld [tilespmem:s18+$0xFFFFFFE0];
	[tilespmem:s15+$0xFFFFFFC0] =	vst v6;
	v2 =	vmin.f32 v2, $1.000000000e+00;
	v1 =	vmax.f32 v1, $-1.000000000e+00  }
0x3c2: {  	v6 =	vld [tilespmem:s18+$0xFFFFFFF0];
	[tilespmem:s15+$0xFFFFFFD0] =	vst v2;
	v1 =	vmin.f32 v1, $1.000000000e+00;
	v0 =	vmax.f32 v0, $-1.000000000e+00  }
0x3c3: {  	v2 =	vld [tilespmem:s18+$0xFFFFFF90];
	[tilespmem:s15+$0xFFFFFFE0] =	vst v1;
	v0 =	vmin.f32 v0, $1.000000000e+00  }
0x3c4: {  	s16 =	sadd.s32 $0x100, s16;
	v1 =	vld.idx.msk [tilespmem:v12+s4+$0x0], $0xffff;
	[tilespmem:s15+$0xFFFFFFF0] =	vst v0  }
0x3c5: {  	v0 =	vld [tilespmem:s16+$0x30]  }
0x3c6: {  	s15 =	sadd.s32 $0x80, s15;
	v8 =	vld.idx.msk [tilespmem:v9+s4+$0x0], $0xffff  }
0x3c7: {  	v9 =	vld [tilespmem:s15+$0x0]  }
0x3c8: {  	v7 =	vld.idx.msk [tilespmem:v7+s4+$0x0], $0xffff  }
0x3c9: {  	v5 =	vld.idx.msk [tilespmem:v5+s4+$0x0], $0xffff  }
0x3ca: {  	v4 =	vld.idx.msk [tilespmem:v4+s4+$0x0], $0xffff;
	v0 =	vmul.f32 v0, v1  }
0x3cb: {  	v1 =	vld.idx.msk [tilespmem:v2+s4+$0x0], $0xffff  }
0x3cc: {  	v3 =	vld.idx.msk [tilespmem:v3+s4+$0x0], $0xffff;
	v0 =	vadd.f32 v0, v9  }
0x3cd: {  	v10 =	vld.idx.msk [tilespmem:v6+s4+$0x0], $0xffff  }
0x3ce: {  	v2 =	vld [tilespmem:s16+$0xFFFFFFC0];
	v0 =	vmax.f32 v0, $-1.000000000e+00  }
0x3cf: {  	v6 =	vld [tilespmem:s16+$0xFFFFFFD0];
	v0 =	vmin.f32 v0, $1.000000000e+00  }
0x3d0: {  	v9 =	vld [tilespmem:s16+$0xFFFFFFE0];
	[tilespmem:s15+$0x0] =	vst v0  }
0x3d1: {  	v0 =	vld [tilespmem:s16+$0xFFFFFFF0]  }
0x3d2: {  	v11 =	vld [tilespmem:s16+$0x0]  }
0x3d3: {  	v12 =	vmul.f32 v2, v1;
	v1 =	vld [tilespmem:s16+$0x10]  }
0x3d4: {  	v13 =	vmul.f32 v6, v8;
	v14 =	vld [tilespmem:s16+$0x20]  }
0x3d5: {  	v15 =	vld [tilespmem:s15+$0xFFFFFF90];
	v8 =	vmul.f32 v9, v7  }
0x3d6: {  	v16 =	vld [tilespmem:s15+$0xFFFFFFA0];
	v6 =	vmul.f32 v0, v5  }
.Ltmp10:
0x3d7: {  	v9 =	vld [tilespmem:s15+$0xFFFFFFB0];
	v2 =	vmul.f32 v11, v4;
	(pc) =	sbr.rel @p0 .LBB2_22-.Ltmp10, $4  }
0x3d8: {  	v7 =	vld [tilespmem:s15+$0xFFFFFFC0];
	v1 =	vmul.f32 v1, v3  }
0x3d9: {  	v5 =	vld [tilespmem:s15+$0xFFFFFFD0];
	v0 =	vmul.f32 v14, v10  }
0x3da: {  	v11 =	vadd.f32 v12, v15;
	v4 =	vld [tilespmem:s15+$0xFFFFFFE0]  }
0x3db: {  	s18 =	sadd.s32 $0x80, s18;
	v10 =	vadd.f32 v13, v16;
	v3 =	vld [tilespmem:s15+$0xFFFFFFF0]  }
0x3dc: {  	v11 =	vmax.f32 v11, $-1.000000000e+00;
	v8 =	vadd.f32 v8, v9  }
0x3dd: {  	v9 =	vmin.f32 v11, $1.000000000e+00;
	v10 =	vmax.f32 v10, $-1.000000000e+00;
	v6 =	vadd.f32 v6, v7  }
0x3de: {  	[tilespmem:s15+$0xFFFFFF90] =	vst v9;
	v7 =	vmin.f32 v10, $1.000000000e+00;
	v8 =	vmax.f32 v8, $-1.000000000e+00;
	v2 =	vadd.f32 v2, v5  }
0x3df: {  	[tilespmem:s15+$0xFFFFFFA0] =	vst v7;
	v5 =	vmin.f32 v8, $1.000000000e+00;
	v6 =	vmax.f32 v6, $-1.000000000e+00;
	v1 =	vadd.f32 v1, v4  }
0x3e0: {  	[tilespmem:s15+$0xFFFFFFB0] =	vst v5;
	v4 =	vmin.f32 v6, $1.000000000e+00;
	v2 =	vmax.f32 v2, $-1.000000000e+00;
	v0 =	vadd.f32 v0, v3  }
0x3e1: {  	[tilespmem:s15+$0xFFFFFFC0] =	vst v4;
	v2 =	vmin.f32 v2, $1.000000000e+00;
	v1 =	vmax.f32 v1, $-1.000000000e+00  }
0x3e2: {  	[tilespmem:s15+$0xFFFFFFD0] =	vst v2;
	v1 =	vmin.f32 v1, $1.000000000e+00;
	v0 =	vmax.f32 v0, $-1.000000000e+00  }
0x3e3: {  	[tilespmem:s15+$0xFFFFFFE0] =	vst v1;
	v0 =	vmin.f32 v0, $1.000000000e+00  }
0x3e4: {  	[tilespmem:s15+$0xFFFFFFF0] =	vst v0  }
0x3e5: {  	_ =	swait.ge [sflag:s5], $0x800  }
0x3e6: {  	[sflag:s5] =	ssyncset.done $0x0  }
0x3e7: {  	s6 =	simm.s32 $0x1DF70;
	[sflag:s5] =	ssyncadd.s32 $0xFFFFF800  }
0x3e8: {  	v0 =	vld [tilespmem:s6+$0x0]  }
0x3e9: {  	v1 =	vld [tilespmem:s6+$0xFFFFFFA0]  }
0x3ea: {  	v2 =	vld [tilespmem:s6+$0xFFFFFFB0]  }
0x3eb: {  	v3 =	vld [tilespmem:s6+$0xFFFFFFC0]  }
0x3ec: {  	v4 =	vld [tilespmem:s6+$0xFFFFFFD0]  }
0x3ed: {  	v5 =	vld [tilespmem:s6+$0xFFFFFFE0]  }
0x3ee: {  	v6 =	vld [tilespmem:s6+$0xFFFFFFF0]  }
0x3ef: {  	s16 =	simm.s32 $0x1E7F0;
	v7 =	vld [tilespmem:s6+$0xFFFFFF90]  }
0x3f0: {  	s15 =	simm.s32 $0x1BF70;
	v8 =	vld [tilespmem:s16+$0x0]  }
0x3f1: {  	v9 =	vld [tilespmem:s15+$0x0]  }
0x3f2: {  	v12 =	vld [tilespmem:s16+$0xFFFFFFB0]  }
0x3f3: {  	v13 =	vld [tilespmem:s16+$0xFFFFFFC0]  }
0x3f4: {  	v14 =	vld [tilespmem:s16+$0xFFFFFFD0]  }
0x3f5: {  	v15 =	vld [tilespmem:s16+$0xFFFFFFE0]  }
0x3f6: {  	v16 =	vld [tilespmem:s16+$0xFFFFFFF0]  }
0x3f7: {  	v17 =	vld [tilespmem:s15+$0xFFFFFF90]  }
0x3f8: {  	v18 =	vld [tilespmem:s15+$0xFFFFFFA0]  }
0x3f9: {  	v0 =	vld.idx.msk [tilespmem:v0+s4+$0x0], $0xffff  }
0x3fa: {  	v1 =	vld.idx.msk [tilespmem:v1+s4+$0x0], $0xffff  }
0x3fb: {  	v2 =	vld.idx.msk [tilespmem:v2+s4+$0x0], $0xffff  }
0x3fc: {  	v7 =	vld.idx.msk [tilespmem:v7+s4+$0x0], $0xffff  }
0x3fd: {  	v10 =	vld.idx.msk [tilespmem:v5+s4+$0x0], $0xffff  }
0x3fe: {  	v11 =	vld.idx.msk [tilespmem:v6+s4+$0x0], $0xffff  }
0x3ff: {  	v5 =	vld [tilespmem:s16+$0xFFFFFF90]  }
0x400: {  	v6 =	vld [tilespmem:s16+$0xFFFFFFA0];
	v0 =	vmul.f32 v8, v0  }
0x401: {  	v4 =	vld.idx.msk [tilespmem:v4+s4+$0x0], $0xffff  }
0x402: {  	v3 =	vld.idx.msk [tilespmem:v3+s4+$0x0], $0xffff;
	v0 =	vadd.f32 v0, v9  }
0x403: {  	v9 =	vld [tilespmem:s15+$0xFFFFFFB0]  }
0x404: {  	v19 =	vmul.f32 v5, v7;
	v7 =	vld [tilespmem:s15+$0xFFFFFFC0];
	v0 =	vmax.f32 v0, $-1.000000000e+00  }
0x405: {  	v20 =	vmul.f32 v6, v1;
	v8 =	vmul.f32 v12, v2;
	v5 =	vld [tilespmem:s15+$0xFFFFFFD0];
	v0 =	vmin.f32 v0, $1.000000000e+00  }
0x406: {  	v2 =	vmul.f32 v14, v4;
	v4 =	vld [tilespmem:s15+$0xFFFFFFE0];
	[tilespmem:s15+$0x0] =	vst v0;
	v0 =	vmul.f32 v16, v11;
	v11 =	vadd.f32 v19, v17  }
0x407: {  	s21 =	simm.s32 $0x1C700;
	s18 =	simm.s32 $0x1DFF0;
	s6 =	simm.s32 $0x0;
	v6 =	vmul.f32 v13, v3;
	v1 =	vmul.f32 v15, v10;
	v3 =	vld [tilespmem:s15+$0xFFFFFFF0];
	v10 =	vadd.f32 v20, v18  }
.LBB2_24:
0x408: {  	v12 =	vld [tilespmem:s18+$0x0];
	s6 =	sadd.s32 $0x8, s6;
	v11 =	vmax.f32 v11, $-1.000000000e+00;
	v8 =	vadd.f32 v8, v9  }
0x409: {  	v9 =	vld [tilespmem:s18+$0xFFFFFFA0];
	p0 =	slt.u32 s6, $0x78;
	v11 =	vmin.f32 v11, $1.000000000e+00;
	v10 =	vmax.f32 v10, $-1.000000000e+00;
	v6 =	vadd.f32 v6, v7  }
0x40a: {  	v7 =	vld [tilespmem:s18+$0xFFFFFFB0];
	[tilespmem:s15+$0xFFFFFF90] =	vst v11;
	v10 =	vmin.f32 v10, $1.000000000e+00;
	v8 =	vmax.f32 v8, $-1.000000000e+00;
	v2 =	vadd.f32 v2, v5  }
0x40b: {  	v5 =	vld [tilespmem:s18+$0xFFFFFFC0];
	[tilespmem:s15+$0xFFFFFFA0] =	vst v10;
	v8 =	vmin.f32 v8, $1.000000000e+00;
	v6 =	vmax.f32 v6, $-1.000000000e+00;
	v1 =	vadd.f32 v1, v4  }
0x40c: {  	v4 =	vld [tilespmem:s18+$0xFFFFFFD0];
	[tilespmem:s15+$0xFFFFFFB0] =	vst v8;
	v6 =	vmin.f32 v6, $1.000000000e+00;
	v2 =	vmax.f32 v2, $-1.000000000e+00;
	v0 =	vadd.f32 v0, v3  }
0x40d: {  	v3 =	vld [tilespmem:s18+$0xFFFFFFE0];
	[tilespmem:s15+$0xFFFFFFC0] =	vst v6;
	v2 =	vmin.f32 v2, $1.000000000e+00;
	v1 =	vmax.f32 v1, $-1.000000000e+00  }
0x40e: {  	v6 =	vld [tilespmem:s18+$0xFFFFFFF0];
	[tilespmem:s15+$0xFFFFFFD0] =	vst v2;
	v1 =	vmin.f32 v1, $1.000000000e+00;
	v0 =	vmax.f32 v0, $-1.000000000e+00  }
0x40f: {  	v2 =	vld [tilespmem:s18+$0xFFFFFF90];
	[tilespmem:s15+$0xFFFFFFE0] =	vst v1;
	v0 =	vmin.f32 v0, $1.000000000e+00  }
0x410: {  	s16 =	sadd.s32 $0x100, s16;
	v1 =	vld.idx.msk [tilespmem:v12+s4+$0x0], $0xffff;
	[tilespmem:s15+$0xFFFFFFF0] =	vst v0  }
0x411: {  	v0 =	vld [tilespmem:s16+$0x0]  }
0x412: {  	s15 =	sadd.s32 $0x80, s15;
	v8 =	vld.idx.msk [tilespmem:v9+s4+$0x0], $0xffff  }
0x413: {  	v9 =	vld [tilespmem:s15+$0x0]  }
0x414: {  	v7 =	vld.idx.msk [tilespmem:v7+s4+$0x0], $0xffff  }
0x415: {  	v5 =	vld.idx.msk [tilespmem:v5+s4+$0x0], $0xffff  }
0x416: {  	v4 =	vld.idx.msk [tilespmem:v4+s4+$0x0], $0xffff;
	v0 =	vmul.f32 v0, v1  }
0x417: {  	v1 =	vld.idx.msk [tilespmem:v2+s4+$0x0], $0xffff  }
0x418: {  	v3 =	vld.idx.msk [tilespmem:v3+s4+$0x0], $0xffff;
	v0 =	vadd.f32 v0, v9  }
0x419: {  	v10 =	vld.idx.msk [tilespmem:v6+s4+$0x0], $0xffff  }
0x41a: {  	v2 =	vld [tilespmem:s16+$0xFFFFFF90];
	v0 =	vmax.f32 v0, $-1.000000000e+00  }
0x41b: {  	v6 =	vld [tilespmem:s16+$0xFFFFFFA0];
	v0 =	vmin.f32 v0, $1.000000000e+00  }
0x41c: {  	v9 =	vld [tilespmem:s16+$0xFFFFFFB0];
	[tilespmem:s15+$0x0] =	vst v0  }
0x41d: {  	v0 =	vld [tilespmem:s16+$0xFFFFFFC0]  }
0x41e: {  	v11 =	vld [tilespmem:s16+$0xFFFFFFD0]  }
0x41f: {  	v12 =	vmul.f32 v2, v1;
	v1 =	vld [tilespmem:s16+$0xFFFFFFE0]  }
0x420: {  	v13 =	vmul.f32 v6, v8;
	v14 =	vld [tilespmem:s16+$0xFFFFFFF0]  }
0x421: {  	v15 =	vld [tilespmem:s15+$0xFFFFFF90];
	v8 =	vmul.f32 v9, v7  }
0x422: {  	v16 =	vld [tilespmem:s15+$0xFFFFFFA0];
	v6 =	vmul.f32 v0, v5  }
.Ltmp11:
0x423: {  	v9 =	vld [tilespmem:s15+$0xFFFFFFB0];
	v2 =	vmul.f32 v11, v4;
	(pc) =	sbr.rel @p0 .LBB2_24-.Ltmp11, $4  }
0x424: {  	v7 =	vld [tilespmem:s15+$0xFFFFFFC0];
	v1 =	vmul.f32 v1, v3  }
0x425: {  	v5 =	vld [tilespmem:s15+$0xFFFFFFD0];
	v0 =	vmul.f32 v14, v10  }
0x426: {  	v11 =	vadd.f32 v12, v15;
	v4 =	vld [tilespmem:s15+$0xFFFFFFE0]  }
0x427: {  	s18 =	sadd.s32 $0x80, s18;
	v10 =	vadd.f32 v13, v16;
	v3 =	vld [tilespmem:s15+$0xFFFFFFF0]  }
0x428: {  	v11 =	vmax.f32 v11, $-1.000000000e+00;
	v8 =	vadd.f32 v8, v9  }
0x429: {  	v60 =	vmin.f32 v11, $1.000000000e+00;
	v10 =	vmax.f32 v10, $-1.000000000e+00;
	v6 =	vadd.f32 v6, v7  }
0x42a: {  	[tilespmem:s15+$0xFFFFFF90] =	vst v60;
	v7 =	vmin.f32 v10, $1.000000000e+00;
	v8 =	vmax.f32 v8, $-1.000000000e+00;
	v2 =	vadd.f32 v2, v5  }
0x42b: {  	[tilespmem:s15+$0xFFFFFFA0] =	vst v7;
	v5 =	vmin.f32 v8, $1.000000000e+00;
	v6 =	vmax.f32 v6, $-1.000000000e+00;
	v1 =	vadd.f32 v1, v4  }
0x42c: {  	[tilespmem:s15+$0xFFFFFFB0] =	vst v5;
	v4 =	vmin.f32 v6, $1.000000000e+00;
	v2 =	vmax.f32 v2, $-1.000000000e+00;
	v0 =	vadd.f32 v0, v3  }
0x42d: {  	[tilespmem:s15+$0xFFFFFFC0] =	vst v4;
	v2 =	vmin.f32 v2, $1.000000000e+00;
	v1 =	vmax.f32 v1, $-1.000000000e+00  }
0x42e: {  	[tilespmem:s15+$0xFFFFFFD0] =	vst v2;
	v1 =	vmin.f32 v1, $1.000000000e+00;
	v0 =	vmax.f32 v0, $-1.000000000e+00  }
0x42f: {  	[tilespmem:s15+$0xFFFFFFE0] =	vst v1;
	v0 =	vmin.f32 v0, $1.000000000e+00  }
0x430: {  	s6 =	simm.s32 $0x80;
	[tilespmem:s15+$0xFFFFFFF0] =	vst v0  }
0x431: {  	s18 =	simm.s32 $0x400;
	s1 =	simm.s32 $0x18700;
	s3 =	rddreg [dreg:$0x9]  }
0x432: {  	[hbm4b:s3+s6] =	stream.strided.scatter [tilespmem:s1], [sflag:$0x1], $0x4000, s18, s6, $0x38;
	[tilespmem:$0x1F700] =	vst v63  }
0x433: {  	s16 =	rddreg [dreg:$0xa]  }
0x434: {  	[tilespmem:s4], [sflag:$0x3] =	stream.strided.gather [hbm4b:s16+s6], $0x18700, s18, s6, $0x38;
	[tilespmem:$0x1F700] =	vst v63  }
0x435: {  	_ =	swait.ge [sflag:s17], $0x18700  }
0x436: {  	[sflag:s17] =	ssyncset.done $0x0  }
0x437: {  	s18 =	simm.s32 $0x1;
	[sflag:s17] =	ssyncadd.s32 $0xFFFE7900  }
0x438: {  	_ =	swait.ge [sflag:s18], $0x4000  }
0x439: {  	[sflag:s18] =	ssyncset.done $0x0  }
0x43a: {  	[sflag:s18] =	ssyncadd.s32 $0xFFFFC000  }
0x43b: {  	[tilespmem:s21], [sflag:$0x3] =	stream.linear.gather [hbm4b:s19+s4], $0x2000, $0x38;
	[tilespmem:$0x1F700] =	vst v63  }
0x43c: {  	_ =	swait.ge [sflag:s17], $0x2000  }
0x43d: {  	[sflag:s17] =	ssyncset.done $0x0  }
0x43e: {  	s3 =	smov.u32 s19;
	s19 =	simm.s32 $0x1C740;
	[sflag:s17] =	ssyncadd.s32 $0xFFFFE000  }
0x43f: {  	v0 =	vld [tilespmem:s19+$0x30]  }
0x440: {  	v1 =	vld [tilespmem:s19+$0xFFFFFFD0]  }
0x441: {  	v2 =	vld [tilespmem:s19+$0xFFFFFFE0]  }
0x442: {  	v3 =	vld [tilespmem:s19+$0xFFFFFFF0]  }
0x443: {  	v5 =	vld [tilespmem:s19+$0x0]  }
0x444: {  	v6 =	vld [tilespmem:s19+$0x10]  }
0x445: {  	v7 =	vld [tilespmem:s19+$0x20]  }
0x446: {  	v61 =	vld [tilespmem:s19+$0xFFFFFFC0]  }
0x447: {  	v62 =	vld.idx.msk [tilespmem:v0+s4+$0x0], $0xffff  }
0x448: {  	v63 =	vld.idx.msk [tilespmem:v1+s4+$0x0], $0xffff  }
0x449: {  	v4 =	vld.idx.msk [tilespmem:v2+s4+$0x0], $0xffff  }
0x44a: {  	v3 =	vld.idx.msk [tilespmem:v3+s4+$0x0], $0xffff  }
0x44b: {  	v0 =	vld.idx.msk [tilespmem:v5+s4+$0x0], $0xffff  }
0x44c: {  	s15 =	simm.s32 $0x18740;
	v1 =	vld.idx.msk [tilespmem:v6+s4+$0x0], $0xffff  }
0x44d: {  	s20 =	simm.s32 $0x400;
	v2 =	vld.idx.msk [tilespmem:v7+s4+$0x0], $0xffff;
	[tilespmem:s15+$0x30] =	vst v62  }
0x44e: {  	s1 =	simm.s32 $0x80;
	s16 =	simm.s32 $0x0;
	s18 =	simm.s32 $0x1C7C0;
	v5 =	vld.idx.msk [tilespmem:v61+s4+$0x0], $0xffff;
	[tilespmem:s15+$0xFFFFFFD0] =	vst v63  }
.LBB2_26:
0x44f: {  	v6 =	vld [tilespmem:s18+$0x30];
	s16 =	sadd.s32 $0x8, s16;
	[tilespmem:s15+$0xFFFFFFE0] =	vst v4  }
0x450: {  	v4 =	vld [tilespmem:s18+$0xFFFFFFD0];
	p0 =	slt.u32 s16, $0xF8;
	[tilespmem:s15+$0xFFFFFFF0] =	vst v3  }
0x451: {  	v3 =	vld [tilespmem:s18+$0xFFFFFFE0];
	[tilespmem:s15+$0x0] =	vst v0  }
0x452: {  	v0 =	vld [tilespmem:s18+$0xFFFFFFF0];
	[tilespmem:s15+$0x10] =	vst v1  }
0x453: {  	v1 =	vld [tilespmem:s18+$0x0];
	[tilespmem:s15+$0x20] =	vst v2  }
0x454: {  	v2 =	vld [tilespmem:s18+$0x10];
	[tilespmem:s15+$0xFFFFFFC0] =	vst v5  }
0x455: {  	v5 =	vld [tilespmem:s18+$0x20]  }
0x456: {  	v7 =	vld [tilespmem:s18+$0xFFFFFFC0]  }
0x457: {  	v6 =	vld.idx.msk [tilespmem:v6+s4+$0x0], $0xffff  }
0x458: {  	v8 =	vld.idx.msk [tilespmem:v4+s4+$0x0], $0xffff  }
0x459: {  	v4 =	vld.idx.msk [tilespmem:v3+s4+$0x0], $0xffff  }
.Ltmp12:
0x45a: {  	v3 =	vld.idx.msk [tilespmem:v0+s4+$0x0], $0xffff;
	(pc) =	sbr.rel @p0 .LBB2_26-.Ltmp12, $4  }
0x45b: {  	v0 =	vld.idx.msk [tilespmem:v1+s4+$0x0], $0xffff  }
0x45c: {  	s15 =	sadd.s32 $0x80, s15;
	v1 =	vld.idx.msk [tilespmem:v2+s4+$0x0], $0xffff  }
0x45d: {  	s19 =	simm.s32 $0x1D770;
	s6 =	simm.s32 $0x19770;
	v2 =	vld.idx.msk [tilespmem:v5+s4+$0x0], $0xffff;
	[tilespmem:s15+$0x30] =	vst v6  }
0x45e: {  	s18 =	sadd.s32 $0x80, s18;
	v5 =	vld.idx.msk [tilespmem:v7+s4+$0x0], $0xffff;
	[tilespmem:s15+$0xFFFFFFD0] =	vst v8  }
0x45f: {  	[tilespmem:s15+$0xFFFFFFE0] =	vst v4  }
0x460: {  	[tilespmem:s15+$0xFFFFFFF0] =	vst v3  }
0x461: {  	[tilespmem:s15+$0x0] =	vst v0  }
0x462: {  	[tilespmem:s15+$0x10] =	vst v1  }
0x463: {  	[tilespmem:s15+$0x20] =	vst v2  }
0x464: {  	[tilespmem:s15+$0xFFFFFFC0] =	vst v5  }
0x465: {  	v0 =	vld [tilespmem:s19+$0x0]  }
0x466: {  	v1 =	vld [tilespmem:s19+$0xFFFFFFA0]  }
0x467: {  	v2 =	vld [tilespmem:s19+$0xFFFFFFB0]  }
0x468: {  	v3 =	vld [tilespmem:s19+$0xFFFFFFC0]  }
0x469: {  	v4 =	vld [tilespmem:s19+$0xFFFFFFD0]  }
0x46a: {  	v6 =	vld [tilespmem:s19+$0xFFFFFFE0]  }
0x46b: {  	v7 =	vld [tilespmem:s19+$0xFFFFFFF0]  }
0x46c: {  	v8 =	vld [tilespmem:s19+$0xFFFFFF90]  }
0x46d: {  	v9 =	vld.idx.msk [tilespmem:v0+s4+$0x0], $0xffff  }
0x46e: {  	v10 =	vld.idx.msk [tilespmem:v1+s4+$0x0], $0xffff  }
0x46f: {  	v5 =	vld.idx.msk [tilespmem:v2+s4+$0x0], $0xffff  }
0x470: {  	v3 =	vld.idx.msk [tilespmem:v3+s4+$0x0], $0xffff  }
0x471: {  	v2 =	vld.idx.msk [tilespmem:v4+s4+$0x0], $0xffff  }
0x472: {  	v0 =	vld.idx.msk [tilespmem:v6+s4+$0x0], $0xffff  }
0x473: {  	v1 =	vld.idx.msk [tilespmem:v7+s4+$0x0], $0xffff;
	[tilespmem:s6+$0x0] =	vst v9  }
0x474: {  	s16 =	simm.s32 $0x1D7F0;
	s15 =	simm.s32 $0x0;
	v4 =	vld.idx.msk [tilespmem:v8+s4+$0x0], $0xffff;
	[tilespmem:s6+$0xFFFFFFA0] =	vst v10  }
.LBB2_28:
0x475: {  	v6 =	vld [tilespmem:s16+$0x0];
	s15 =	sadd.s32 $0x8, s15;
	[tilespmem:s6+$0xFFFFFFB0] =	vst v5  }
0x476: {  	v5 =	vld [tilespmem:s16+$0xFFFFFFA0];
	p0 =	slt.u32 s15, $0xF8;
	[tilespmem:s6+$0xFFFFFFC0] =	vst v3  }
0x477: {  	v3 =	vld [tilespmem:s16+$0xFFFFFFB0];
	[tilespmem:s6+$0xFFFFFFD0] =	vst v2  }
0x478: {  	v2 =	vld [tilespmem:s16+$0xFFFFFFC0];
	[tilespmem:s6+$0xFFFFFFE0] =	vst v0  }
0x479: {  	v0 =	vld [tilespmem:s16+$0xFFFFFFD0];
	[tilespmem:s6+$0xFFFFFFF0] =	vst v1  }
0x47a: {  	v1 =	vld [tilespmem:s16+$0xFFFFFFE0];
	[tilespmem:s6+$0xFFFFFF90] =	vst v4  }
0x47b: {  	v4 =	vld [tilespmem:s16+$0xFFFFFFF0]  }
0x47c: {  	v7 =	vld [tilespmem:s16+$0xFFFFFF90]  }
0x47d: {  	v6 =	vld.idx.msk [tilespmem:v6+s4+$0x0], $0xffff  }
0x47e: {  	v8 =	vld.idx.msk [tilespmem:v5+s4+$0x0], $0xffff  }
0x47f: {  	v5 =	vld.idx.msk [tilespmem:v3+s4+$0x0], $0xffff  }
.Ltmp13:
0x480: {  	v3 =	vld.idx.msk [tilespmem:v2+s4+$0x0], $0xffff;
	(pc) =	sbr.rel @p0 .LBB2_28-.Ltmp13, $4  }
0x481: {  	v2 =	vld.idx.msk [tilespmem:v0+s4+$0x0], $0xffff  }
0x482: {  	s6 =	sadd.s32 $0x80, s6;
	v0 =	vld.idx.msk [tilespmem:v1+s4+$0x0], $0xffff  }
0x483: {  	v1 =	vld.idx.msk [tilespmem:v4+s4+$0x0], $0xffff;
	[tilespmem:s6+$0x0] =	vst v6  }
0x484: {  	s16 =	sadd.s32 $0x80, s16;
	v4 =	vld.idx.msk [tilespmem:v7+s4+$0x0], $0xffff;
	[tilespmem:s6+$0xFFFFFFA0] =	vst v8  }
0x485: {  	[tilespmem:s6+$0xFFFFFFB0] =	vst v5  }
0x486: {  	[tilespmem:s6+$0xFFFFFFC0] =	vst v3  }
0x487: {  	[tilespmem:s6+$0xFFFFFFD0] =	vst v2  }
0x488: {  	[tilespmem:s6+$0xFFFFFFE0] =	vst v0  }
0x489: {  	[tilespmem:s6+$0xFFFFFFF0] =	vst v1  }
0x48a: {  	[tilespmem:s6+$0xFFFFFF90] =	vst v4  }
0x48b: {  	s6 =	rddreg [dreg:$0x7]  }
0x48c: {  	[tilespmem:s21], [sflag:$0x3] =	stream.linear.gather [hbm4b:s6+s4], $0x2000, $0x38;
	[tilespmem:$0x1F700] =	vst v63  }
0x48d: {  	_ =	swait.ge [sflag:s17], $0x2000  }
0x48e: {  	[sflag:s17] =	ssyncset.done $0x0  }
0x48f: {  	s21 =	simm.s32 $0x1C740;
	[sflag:s17] =	ssyncadd.s32 $0xFFFFE000  }
0x490: {  	v0 =	vld [tilespmem:s21+$0x30]  }
0x491: {  	v1 =	vld [tilespmem:s21+$0xFFFFFFD0]  }
0x492: {  	v2 =	vld [tilespmem:s21+$0xFFFFFFE0]  }
0x493: {  	v3 =	vld [tilespmem:s21+$0xFFFFFFF0]  }
0x494: {  	v5 =	vld [tilespmem:s21+$0x0]  }
0x495: {  	v6 =	vld [tilespmem:s21+$0x10]  }
0x496: {  	v7 =	vld [tilespmem:s21+$0x20]  }
0x497: {  	v8 =	vld [tilespmem:s21+$0xFFFFFFC0]  }
0x498: {  	v9 =	vld.idx.msk [tilespmem:v0+s4+$0x0], $0xffff  }
0x499: {  	v10 =	vld.idx.msk [tilespmem:v1+s4+$0x0], $0xffff  }
0x49a: {  	v4 =	vld.idx.msk [tilespmem:v2+s4+$0x0], $0xffff  }
0x49b: {  	v3 =	vld.idx.msk [tilespmem:v3+s4+$0x0], $0xffff  }
0x49c: {  	v0 =	vld.idx.msk [tilespmem:v5+s4+$0x0], $0xffff  }
0x49d: {  	s15 =	simm.s32 $0x1A770;
	v1 =	vld.idx.msk [tilespmem:v6+s4+$0x0], $0xffff  }
0x49e: {  	v2 =	vld.idx.msk [tilespmem:v7+s4+$0x0], $0xffff;
	[tilespmem:s15+$0x0] =	vst v9  }
0x49f: {  	s16 =	simm.s32 $0x0;
	s18 =	simm.s32 $0x1C7C0;
	v5 =	vld.idx.msk [tilespmem:v8+s4+$0x0], $0xffff;
	[tilespmem:s15+$0xFFFFFFA0] =	vst v10  }
.LBB2_30:
0x4a0: {  	v6 =	vld [tilespmem:s18+$0x30];
	s16 =	sadd.s32 $0x8, s16;
	[tilespmem:s15+$0xFFFFFFB0] =	vst v4  }
0x4a1: {  	v4 =	vld [tilespmem:s18+$0xFFFFFFD0];
	p0 =	slt.u32 s16, $0xF8;
	[tilespmem:s15+$0xFFFFFFC0] =	vst v3  }
0x4a2: {  	v3 =	vld [tilespmem:s18+$0xFFFFFFE0];
	[tilespmem:s15+$0xFFFFFFD0] =	vst v0  }
0x4a3: {  	v0 =	vld [tilespmem:s18+$0xFFFFFFF0];
	[tilespmem:s15+$0xFFFFFFE0] =	vst v1  }
0x4a4: {  	v1 =	vld [tilespmem:s18+$0x0];
	[tilespmem:s15+$0xFFFFFFF0] =	vst v2  }
0x4a5: {  	v2 =	vld [tilespmem:s18+$0x10];
	[tilespmem:s15+$0xFFFFFF90] =	vst v5  }
0x4a6: {  	v5 =	vld [tilespmem:s18+$0x20]  }
0x4a7: {  	v7 =	vld [tilespmem:s18+$0xFFFFFFC0]  }
0x4a8: {  	v6 =	vld.idx.msk [tilespmem:v6+s4+$0x0], $0xffff  }
0x4a9: {  	v8 =	vld.idx.msk [tilespmem:v4+s4+$0x0], $0xffff  }
0x4aa: {  	v4 =	vld.idx.msk [tilespmem:v3+s4+$0x0], $0xffff  }
.Ltmp14:
0x4ab: {  	v3 =	vld.idx.msk [tilespmem:v0+s4+$0x0], $0xffff;
	(pc) =	sbr.rel @p0 .LBB2_30-.Ltmp14, $4  }
0x4ac: {  	v0 =	vld.idx.msk [tilespmem:v1+s4+$0x0], $0xffff  }
0x4ad: {  	s15 =	sadd.s32 $0x80, s15;
	v1 =	vld.idx.msk [tilespmem:v2+s4+$0x0], $0xffff  }
0x4ae: {  	s19 =	simm.s32 $0x1D770;
	s6 =	simm.s32 $0x1B770;
	v2 =	vld.idx.msk [tilespmem:v5+s4+$0x0], $0xffff;
	[tilespmem:s15+$0x0] =	vst v6  }
0x4af: {  	s18 =	sadd.s32 $0x80, s18;
	v5 =	vld.idx.msk [tilespmem:v7+s4+$0x0], $0xffff;
	[tilespmem:s15+$0xFFFFFFA0] =	vst v8  }
0x4b0: {  	[tilespmem:s15+$0xFFFFFFB0] =	vst v4  }
0x4b1: {  	[tilespmem:s15+$0xFFFFFFC0] =	vst v3  }
0x4b2: {  	[tilespmem:s15+$0xFFFFFFD0] =	vst v0  }
0x4b3: {  	[tilespmem:s15+$0xFFFFFFE0] =	vst v1  }
0x4b4: {  	[tilespmem:s15+$0xFFFFFFF0] =	vst v2  }
0x4b5: {  	[tilespmem:s15+$0xFFFFFF90] =	vst v5  }
0x4b6: {  	v0 =	vld [tilespmem:s19+$0x0]  }
0x4b7: {  	v1 =	vld [tilespmem:s19+$0xFFFFFFA0]  }
0x4b8: {  	v2 =	vld [tilespmem:s19+$0xFFFFFFB0]  }
0x4b9: {  	v3 =	vld [tilespmem:s19+$0xFFFFFFC0]  }
0x4ba: {  	v4 =	vld [tilespmem:s19+$0xFFFFFFD0]  }
0x4bb: {  	v6 =	vld [tilespmem:s19+$0xFFFFFFE0]  }
0x4bc: {  	v7 =	vld [tilespmem:s19+$0xFFFFFFF0]  }
0x4bd: {  	v8 =	vld [tilespmem:s19+$0xFFFFFF90]  }
0x4be: {  	v9 =	vld.idx.msk [tilespmem:v0+s4+$0x0], $0xffff  }
0x4bf: {  	v10 =	vld.idx.msk [tilespmem:v1+s4+$0x0], $0xffff  }
0x4c0: {  	v5 =	vld.idx.msk [tilespmem:v2+s4+$0x0], $0xffff  }
0x4c1: {  	v3 =	vld.idx.msk [tilespmem:v3+s4+$0x0], $0xffff  }
0x4c2: {  	v2 =	vld.idx.msk [tilespmem:v4+s4+$0x0], $0xffff  }
0x4c3: {  	v0 =	vld.idx.msk [tilespmem:v6+s4+$0x0], $0xffff  }
0x4c4: {  	v1 =	vld.idx.msk [tilespmem:v7+s4+$0x0], $0xffff;
	[tilespmem:s6+$0x0] =	vst v9  }
0x4c5: {  	s16 =	simm.s32 $0x1D7F0;
	s21 =	simm.s32 $0x1E700;
	s15 =	simm.s32 $0x0;
	v4 =	vld.idx.msk [tilespmem:v8+s4+$0x0], $0xffff;
	[tilespmem:s6+$0xFFFFFFA0] =	vst v10  }
.LBB2_32:
0x4c6: {  	v6 =	vld [tilespmem:s16+$0x0];
	s15 =	sadd.s32 $0x8, s15;
	[tilespmem:s6+$0xFFFFFFB0] =	vst v5  }
0x4c7: {  	v5 =	vld [tilespmem:s16+$0xFFFFFFA0];
	p0 =	slt.u32 s15, $0xF8;
	[tilespmem:s6+$0xFFFFFFC0] =	vst v3  }
0x4c8: {  	v3 =	vld [tilespmem:s16+$0xFFFFFFB0];
	[tilespmem:s6+$0xFFFFFFD0] =	vst v2  }
0x4c9: {  	v2 =	vld [tilespmem:s16+$0xFFFFFFC0];
	[tilespmem:s6+$0xFFFFFFE0] =	vst v0  }
0x4ca: {  	v0 =	vld [tilespmem:s16+$0xFFFFFFD0];
	[tilespmem:s6+$0xFFFFFFF0] =	vst v1  }
0x4cb: {  	v1 =	vld [tilespmem:s16+$0xFFFFFFE0];
	[tilespmem:s6+$0xFFFFFF90] =	vst v4  }
0x4cc: {  	v4 =	vld [tilespmem:s16+$0xFFFFFFF0]  }
0x4cd: {  	v7 =	vld [tilespmem:s16+$0xFFFFFF90]  }
0x4ce: {  	v6 =	vld.idx.msk [tilespmem:v6+s4+$0x0], $0xffff  }
0x4cf: {  	v8 =	vld.idx.msk [tilespmem:v5+s4+$0x0], $0xffff  }
0x4d0: {  	v5 =	vld.idx.msk [tilespmem:v3+s4+$0x0], $0xffff  }
.Ltmp15:
0x4d1: {  	v3 =	vld.idx.msk [tilespmem:v2+s4+$0x0], $0xffff;
	(pc) =	sbr.rel @p0 .LBB2_32-.Ltmp15, $4  }
0x4d2: {  	v2 =	vld.idx.msk [tilespmem:v0+s4+$0x0], $0xffff  }
0x4d3: {  	s6 =	sadd.s32 $0x80, s6;
	v0 =	vld.idx.msk [tilespmem:v1+s4+$0x0], $0xffff  }
0x4d4: {  	v1 =	vld.idx.msk [tilespmem:v4+s4+$0x0], $0xffff;
	[tilespmem:s6+$0x0] =	vst v6  }
0x4d5: {  	s16 =	sadd.s32 $0x80, s16;
	v4 =	vld.idx.msk [tilespmem:v7+s4+$0x0], $0xffff;
	[tilespmem:s6+$0xFFFFFFA0] =	vst v8  }
0x4d6: {  	[tilespmem:s6+$0xFFFFFFB0] =	vst v5  }
0x4d7: {  	[tilespmem:s6+$0xFFFFFFC0] =	vst v3  }
0x4d8: {  	[tilespmem:s6+$0xFFFFFFD0] =	vst v2  }
0x4d9: {  	[tilespmem:s6+$0xFFFFFFE0] =	vst v0  }
0x4da: {  	[tilespmem:s6+$0xFFFFFFF0] =	vst v1  }
0x4db: {  	[tilespmem:s6+$0xFFFFFF90] =	vst v4  }
0x4dc: {  	s6 =	rddreg [dreg:$0xb]  }
0x4dd: {  	[tilespmem:s4], [sflag:$0x3] =	stream.strided.gather [hbm4b:s6+s1], $0x18700, s20, s1, $0x38;
	[tilespmem:$0x1F700] =	vst v63  }
0x4de: {  	_ =	swait.ge [sflag:s17], $0x18700  }
0x4df: {  	[sflag:s17] =	ssyncset.done $0x0  }
0x4e0: {  	[sflag:s17] =	ssyncadd.s32 $0xFFFE7900  }
0x4e1: {  	s20 =	rddreg [dreg:$0x3]  }
0x4e2: {  	[tilespmem:s21], [sflag:$0x2] =	stream.linear.gather [hbm4b:s20+s4], $0x80, $0x38;
	[tilespmem:$0x1F700] =	vst v63  }
0x4e3: {  	s15 =	simm.s32 $0x1E800;
	s1 =	rddreg [dreg:$0xe]  }
0x4e4: {  	[tilespmem:s15], [sflag:$0x2] =	stream.linear.gather [hbm4b:s1+s4], $0x80, $0x38;
	[tilespmem:$0x1F700] =	vst v63  }
0x4e5: {  	s18 =	simm.s32 $0x1E900;
	s16 =	rddreg [dreg:$0xf]  }
0x4e6: {  	[tilespmem:s18], [sflag:$0x2] =	stream.linear.gather [hbm4b:s16+s4], $0x80, $0x38;
	[tilespmem:$0x1F700] =	vst v63  }
0x4e7: {  	s19 =	rddreg [dreg:$0x10];
	s20 =	simm.s32 $0x1EA00  }
0x4e8: {  	[tilespmem:s20], [sflag:$0x2] =	stream.linear.gather [hbm4b:s19+s4], $0x80, $0x38;
	[tilespmem:$0x1F700] =	vst v63  }
0x4e9: {  	s1 =	rddreg [dreg:$0x11];
	s15 =	simm.s32 $0x1EB00  }
0x4ea: {  	[tilespmem:s15], [sflag:$0x2] =	stream.linear.gather [hbm4b:s1+s4], $0x80, $0x38;
	[tilespmem:$0x1F700] =	vst v63  }
0x4eb: {  	s16 =	rddreg [dreg:$0x12];
	s18 =	simm.s32 $0x1EC00  }
0x4ec: {  	[tilespmem:s18], [sflag:$0x2] =	stream.linear.gather [hbm4b:s16+s4], $0x80, $0x38;
	[tilespmem:$0x1F700] =	vst v63  }
0x4ed: {  	s19 =	rddreg [dreg:$0x13];
	s20 =	simm.s32 $0x1ED00  }
0x4ee: {  	[tilespmem:s20], [sflag:$0x2] =	stream.linear.gather [hbm4b:s19+s4], $0x80, $0x38;
	[tilespmem:$0x1F700] =	vst v63  }
0x4ef: {  	s1 =	rddreg [dreg:$0x14];
	s15 =	simm.s32 $0x1EE00  }
0x4f0: {  	[tilespmem:s15], [sflag:$0x2] =	stream.linear.gather [hbm4b:s1+s4], $0x80, $0x38;
	[tilespmem:$0x1F700] =	vst v63  }
0x4f1: {  	s16 =	rddreg [dreg:$0x15];
	s18 =	simm.s32 $0x1EF00  }
0x4f2: {  	[tilespmem:s18], [sflag:$0x2] =	stream.linear.gather [hbm4b:s16+s4], $0x80, $0x38;
	[tilespmem:$0x1F700] =	vst v63  }
0x4f3: {  	s19 =	rddreg [dreg:$0x16];
	s20 =	simm.s32 $0x1F000  }
0x4f4: {  	[tilespmem:s20], [sflag:$0x2] =	stream.linear.gather [hbm4b:s19+s4], $0x80, $0x38;
	[tilespmem:$0x1F700] =	vst v63  }
0x4f5: {  	s1 =	rddreg [dreg:$0x17];
	s15 =	simm.s32 $0x1F100  }
0x4f6: {  	[tilespmem:s15], [sflag:$0x2] =	stream.linear.gather [hbm4b:s1+s4], $0x80, $0x38;
	[tilespmem:$0x1F700] =	vst v63  }
0x4f7: {  	s16 =	rddreg [dreg:$0x18];
	s18 =	simm.s32 $0x1F200  }
0x4f8: {  	[tilespmem:s18], [sflag:$0x2] =	stream.linear.gather [hbm4b:s16+s4], $0x80, $0x38;
	[tilespmem:$0x1F700] =	vst v63  }
0x4f9: {  	s19 =	rddreg [dreg:$0x19];
	s20 =	simm.s32 $0x1F300  }
0x4fa: {  	[tilespmem:s20], [sflag:$0x2] =	stream.linear.gather [hbm4b:s19+s4], $0x80, $0x38;
	[tilespmem:$0x1F700] =	vst v63  }
0x4fb: {  	s1 =	rddreg [dreg:$0x1a];
	s15 =	simm.s32 $0x1F400  }
0x4fc: {  	[tilespmem:s15], [sflag:$0x2] =	stream.linear.gather [hbm4b:s1+s4], $0x80, $0x38;
	[tilespmem:$0x1F700] =	vst v63  }
0x4fd: {  	s16 =	rddreg [dreg:$0x1b];
	s18 =	simm.s32 $0x1F500  }
0x4fe: {  	[tilespmem:s18], [sflag:$0x2] =	stream.linear.gather [hbm4b:s16+s4], $0x80, $0x38;
	[tilespmem:$0x1F700] =	vst v63  }
0x4ff: {  	s19 =	rddreg [dreg:$0x1c];
	s20 =	simm.s32 $0x1F600  }
0x500: {  	[tilespmem:s20], [sflag:$0x2] =	stream.linear.gather [hbm4b:s19+s4], $0x80, $0x38;
	[tilespmem:$0x1F700] =	vst v63  }
0x501: {  	_ =	swait.ge [sflag:s5], $0x800  }
0x502: {  	[sflag:s5] =	ssyncset.done $0x0  }
0x503: {  	s15 =	simm.s32 $0x1E780;
	s18 =	rddreg [dreg:$0x1d];
	[sflag:s5] =	ssyncadd.s32 $0xFFFFF800  }
0x504: {  	[tilespmem:s15], [sflag:$0x2] =	stream.linear.gather [hbm4b:s8+s4], $0x80, $0x38;
	[tilespmem:$0x1F700] =	vst v63  }
0x505: {  	s16 =	simm.s32 $0x1E880;
	s20 =	rddreg [dreg:$0x1e]  }
0x506: {  	[tilespmem:s16], [sflag:$0x2] =	stream.linear.gather [hbm4b:s18+s4], $0x80, $0x38;
	[tilespmem:$0x1F700] =	vst v63  }
0x507: {  	s19 =	simm.s32 $0x1E980;
	s15 =	rddreg [dreg:$0x1f]  }
0x508: {  	[tilespmem:s19], [sflag:$0x2] =	stream.linear.gather [hbm4b:s20+s4], $0x80, $0x38;
	[tilespmem:$0x1F700] =	vst v63  }
0x509: {  	s6 =	simm.s32 $0x1EA80;
	s18 =	sld [smem:$0x7F2]  }
0x50a: {  	[tilespmem:s6], [sflag:$0x2] =	stream.linear.gather [hbm4b:s15+s4], $0x80, $0x38;
	[tilespmem:$0x1F700] =	vst v63  }
0x50b: {  	s16 =	simm.s32 $0x1EB80;
	s20 =	sld [smem:$0x7F3]  }
0x50c: {  	[tilespmem:s16], [sflag:$0x2] =	stream.linear.gather [hbm4b:s18+s4], $0x80, $0x38;
	[tilespmem:$0x1F700] =	vst v63  }
0x50d: {  	s19 =	simm.s32 $0x1EC80;
	s15 =	sld [smem:$0x7F4]  }
0x50e: {  	[tilespmem:s19], [sflag:$0x2] =	stream.linear.gather [hbm4b:s20+s4], $0x80, $0x38;
	[tilespmem:$0x1F700] =	vst v63  }
0x50f: {  	s6 =	simm.s32 $0x1ED80;
	s18 =	sld [smem:$0x7F5]  }
0x510: {  	[tilespmem:s6], [sflag:$0x2] =	stream.linear.gather [hbm4b:s15+s4], $0x80, $0x38;
	[tilespmem:$0x1F700] =	vst v63  }
0x511: {  	s16 =	simm.s32 $0x1EE80;
	s20 =	sld [smem:$0x7F6]  }
0x512: {  	[tilespmem:s16], [sflag:$0x2] =	stream.linear.gather [hbm4b:s18+s4], $0x80, $0x38;
	[tilespmem:$0x1F700] =	vst v63  }
0x513: {  	s19 =	simm.s32 $0x1EF80;
	s15 =	sld [smem:$0x7F7]  }
0x514: {  	[tilespmem:s19], [sflag:$0x2] =	stream.linear.gather [hbm4b:s20+s4], $0x80, $0x38;
	[tilespmem:$0x1F700] =	vst v63  }
0x515: {  	s6 =	simm.s32 $0x1F080;
	s18 =	sld [smem:$0x7F8]  }
0x516: {  	[tilespmem:s6], [sflag:$0x2] =	stream.linear.gather [hbm4b:s15+s4], $0x80, $0x38;
	[tilespmem:$0x1F700] =	vst v63  }
0x517: {  	s16 =	simm.s32 $0x1F180;
	s20 =	sld [smem:$0x7F9]  }
0x518: {  	[tilespmem:s16], [sflag:$0x2] =	stream.linear.gather [hbm4b:s18+s4], $0x80, $0x38;
	[tilespmem:$0x1F700] =	vst v63  }
0x519: {  	s19 =	simm.s32 $0x1F280;
	s15 =	sld [smem:$0x7FA]  }
0x51a: {  	[tilespmem:s19], [sflag:$0x2] =	stream.linear.gather [hbm4b:s20+s4], $0x80, $0x38;
	[tilespmem:$0x1F700] =	vst v63  }
0x51b: {  	s6 =	simm.s32 $0x1F380;
	s18 =	sld [smem:$0x7FB]  }
0x51c: {  	[tilespmem:s6], [sflag:$0x2] =	stream.linear.gather [hbm4b:s15+s4], $0x80, $0x38;
	[tilespmem:$0x1F700] =	vst v63  }
0x51d: {  	s16 =	simm.s32 $0x1F480;
	s20 =	sld [smem:$0x7FC]  }
0x51e: {  	[tilespmem:s16], [sflag:$0x2] =	stream.linear.gather [hbm4b:s18+s4], $0x80, $0x38;
	[tilespmem:$0x1F700] =	vst v63  }
0x51f: {  	s19 =	simm.s32 $0x1F580;
	s16 =	sld [smem:$0x7FD]  }
0x520: {  	[tilespmem:s19], [sflag:$0x2] =	stream.linear.gather [hbm4b:s20+s4], $0x80, $0x38;
	[tilespmem:$0x1F700] =	vst v63  }
0x521: {  	s15 =	simm.s32 $0x1F680  }
0x522: {  	[tilespmem:s15], [sflag:$0x2] =	stream.linear.gather [hbm4b:s16+s4], $0x80, $0x38;
	[tilespmem:$0x1F700] =	vst v63  }
0x523: {  	s20 =	simm.s32 $0x1C700  }
0x524: {  	[tilespmem:s20], [sflag:$0x3] =	stream.linear.gather [hbm4b:s3+s4], $0x2000, $0x38;
	[tilespmem:$0x1F700] =	vst v63  }
0x525: {  	_ =	swait.ge [sflag:s17], $0x2000  }
0x526: {  	[sflag:s17] =	ssyncset.done $0x0  }
0x527: {  	s18 =	simm.s32 $0x1C740;
	[sflag:s17] =	ssyncadd.s32 $0xFFFFE000  }
0x528: {  	v0 =	vld [tilespmem:s18+$0x30]  }
0x529: {  	v1 =	vld [tilespmem:s18+$0xFFFFFFD0]  }
0x52a: {  	v2 =	vld [tilespmem:s18+$0xFFFFFFE0]  }
0x52b: {  	v3 =	vld [tilespmem:s18+$0xFFFFFFF0]  }
0x52c: {  	v4 =	vld [tilespmem:s18+$0x0]  }
0x52d: {  	v5 =	vld [tilespmem:s18+$0x10]  }
0x52e: {  	v6 =	vld [tilespmem:s18+$0x20]  }
0x52f: {  	s16 =	simm.s32 $0x1E740;
	v7 =	vld [tilespmem:s18+$0xFFFFFFC0]  }
0x530: {  	s15 =	simm.s32 $0x18740;
	v8 =	vld [tilespmem:s16+$0x30]  }
0x531: {  	v9 =	vld [tilespmem:s15+$0x30]  }
0x532: {  	v12 =	vld [tilespmem:s16+$0xFFFFFFE0]  }
0x533: {  	v13 =	vld [tilespmem:s16+$0xFFFFFFF0]  }
0x534: {  	v14 =	vld [tilespmem:s16+$0x0]  }
0x535: {  	v15 =	vld [tilespmem:s16+$0x10]  }
0x536: {  	v16 =	vld [tilespmem:s16+$0x20]  }
0x537: {  	v17 =	vld [tilespmem:s15+$0xFFFFFFC0]  }
0x538: {  	v18 =	vld [tilespmem:s15+$0xFFFFFFD0]  }
0x539: {  	v0 =	vld.idx.msk [tilespmem:v0+s4+$0x0], $0xffff  }
0x53a: {  	v1 =	vld.idx.msk [tilespmem:v1+s4+$0x0], $0xffff  }
0x53b: {  	v2 =	vld.idx.msk [tilespmem:v2+s4+$0x0], $0xffff  }
0x53c: {  	v7 =	vld.idx.msk [tilespmem:v7+s4+$0x0], $0xffff  }
0x53d: {  	v10 =	vld.idx.msk [tilespmem:v5+s4+$0x0], $0xffff  }
0x53e: {  	v11 =	vld.idx.msk [tilespmem:v6+s4+$0x0], $0xffff  }
0x53f: {  	v5 =	vld [tilespmem:s16+$0xFFFFFFC0]  }
0x540: {  	v6 =	vld [tilespmem:s16+$0xFFFFFFD0];
	v0 =	vmul.f32 v8, v0  }
0x541: {  	v4 =	vld.idx.msk [tilespmem:v4+s4+$0x0], $0xffff  }
0x542: {  	v3 =	vld.idx.msk [tilespmem:v3+s4+$0x0], $0xffff;
	v0 =	vadd.f32 v0, v9  }
0x543: {  	v9 =	vld [tilespmem:s15+$0xFFFFFFE0]  }
0x544: {  	v19 =	vmul.f32 v5, v7;
	v7 =	vld [tilespmem:s15+$0xFFFFFFF0];
	v0 =	vmax.f32 v0, $-1.000000000e+00  }
0x545: {  	v20 =	vmul.f32 v6, v1;
	v8 =	vmul.f32 v12, v2;
	v5 =	vld [tilespmem:s15+$0x0];
	v0 =	vmin.f32 v0, $1.000000000e+00  }
0x546: {  	v2 =	vmul.f32 v14, v4;
	v4 =	vld [tilespmem:s15+$0x10];
	[tilespmem:s15+$0x30] =	vst v0;
	v0 =	vmul.f32 v16, v11;
	v11 =	vadd.f32 v19, v17  }
0x547: {  	s6 =	simm.s32 $0x0;
	s19 =	smov.u32 s3;
	s18 =	simm.s32 $0x1C7C0;
	v6 =	vmul.f32 v13, v3;
	v1 =	vmul.f32 v15, v10;
	v3 =	vld [tilespmem:s15+$0x20];
	v10 =	vadd.f32 v20, v18  }
.LBB2_34:
0x548: {  	v12 =	vld [tilespmem:s18+$0x30];
	s6 =	sadd.s32 $0x8, s6;
	v11 =	vmax.f32 v11, $-1.000000000e+00;
	v8 =	vadd.f32 v8, v9  }
0x549: {  	v9 =	vld [tilespmem:s18+$0xFFFFFFD0];
	p0 =	slt.u32 s6, $0x78;
	v11 =	vmin.f32 v11, $1.000000000e+00;
	v10 =	vmax.f32 v10, $-1.000000000e+00;
	v6 =	vadd.f32 v6, v7  }
0x54a: {  	v7 =	vld [tilespmem:s18+$0xFFFFFFE0];
	[tilespmem:s15+$0xFFFFFFC0] =	vst v11;
	v10 =	vmin.f32 v10, $1.000000000e+00;
	v8 =	vmax.f32 v8, $-1.000000000e+00;
	v2 =	vadd.f32 v2, v5  }
0x54b: {  	v5 =	vld [tilespmem:s18+$0xFFFFFFF0];
	[tilespmem:s15+$0xFFFFFFD0] =	vst v10;
	v8 =	vmin.f32 v8, $1.000000000e+00;
	v6 =	vmax.f32 v6, $-1.000000000e+00;
	v1 =	vadd.f32 v1, v4  }
0x54c: {  	v4 =	vld [tilespmem:s18+$0x0];
	[tilespmem:s15+$0xFFFFFFE0] =	vst v8;
	v6 =	vmin.f32 v6, $1.000000000e+00;
	v2 =	vmax.f32 v2, $-1.000000000e+00;
	v0 =	vadd.f32 v0, v3  }
0x54d: {  	v3 =	vld [tilespmem:s18+$0x10];
	[tilespmem:s15+$0xFFFFFFF0] =	vst v6;
	v2 =	vmin.f32 v2, $1.000000000e+00;
	v1 =	vmax.f32 v1, $-1.000000000e+00  }
0x54e: {  	v6 =	vld [tilespmem:s18+$0x20];
	[tilespmem:s15+$0x0] =	vst v2;
	v1 =	vmin.f32 v1, $1.000000000e+00;
	v0 =	vmax.f32 v0, $-1.000000000e+00  }
0x54f: {  	v2 =	vld [tilespmem:s18+$0xFFFFFFC0];
	[tilespmem:s15+$0x10] =	vst v1;
	v0 =	vmin.f32 v0, $1.000000000e+00  }
0x550: {  	s16 =	sadd.s32 $0x100, s16;
	v1 =	vld.idx.msk [tilespmem:v12+s4+$0x0], $0xffff;
	[tilespmem:s15+$0x20] =	vst v0  }
0x551: {  	v0 =	vld [tilespmem:s16+$0x30]  }
0x552: {  	s15 =	sadd.s32 $0x80, s15;
	v8 =	vld.idx.msk [tilespmem:v9+s4+$0x0], $0xffff  }
0x553: {  	v9 =	vld [tilespmem:s15+$0x30]  }
0x554: {  	v7 =	vld.idx.msk [tilespmem:v7+s4+$0x0], $0xffff  }
0x555: {  	v5 =	vld.idx.msk [tilespmem:v5+s4+$0x0], $0xffff  }
0x556: {  	v4 =	vld.idx.msk [tilespmem:v4+s4+$0x0], $0xffff;
	v0 =	vmul.f32 v0, v1  }
0x557: {  	v1 =	vld.idx.msk [tilespmem:v2+s4+$0x0], $0xffff  }
0x558: {  	v3 =	vld.idx.msk [tilespmem:v3+s4+$0x0], $0xffff;
	v0 =	vadd.f32 v0, v9  }
0x559: {  	v10 =	vld.idx.msk [tilespmem:v6+s4+$0x0], $0xffff  }
0x55a: {  	v2 =	vld [tilespmem:s16+$0xFFFFFFC0];
	v0 =	vmax.f32 v0, $-1.000000000e+00  }
0x55b: {  	v6 =	vld [tilespmem:s16+$0xFFFFFFD0];
	v0 =	vmin.f32 v0, $1.000000000e+00  }
0x55c: {  	v9 =	vld [tilespmem:s16+$0xFFFFFFE0];
	[tilespmem:s15+$0x30] =	vst v0  }
0x55d: {  	v0 =	vld [tilespmem:s16+$0xFFFFFFF0]  }
0x55e: {  	v11 =	vld [tilespmem:s16+$0x0]  }
0x55f: {  	v12 =	vmul.f32 v2, v1;
	v1 =	vld [tilespmem:s16+$0x10]  }
0x560: {  	v13 =	vmul.f32 v6, v8;
	v14 =	vld [tilespmem:s16+$0x20]  }
0x561: {  	v15 =	vld [tilespmem:s15+$0xFFFFFFC0];
	v8 =	vmul.f32 v9, v7  }
0x562: {  	v16 =	vld [tilespmem:s15+$0xFFFFFFD0];
	v6 =	vmul.f32 v0, v5  }
.Ltmp16:
0x563: {  	v9 =	vld [tilespmem:s15+$0xFFFFFFE0];
	v2 =	vmul.f32 v11, v4;
	(pc) =	sbr.rel @p0 .LBB2_34-.Ltmp16, $4  }
0x564: {  	v7 =	vld [tilespmem:s15+$0xFFFFFFF0];
	v1 =	vmul.f32 v1, v3  }
0x565: {  	v5 =	vld [tilespmem:s15+$0x0];
	v0 =	vmul.f32 v14, v10  }
0x566: {  	v11 =	vadd.f32 v12, v15;
	v4 =	vld [tilespmem:s15+$0x10]  }
0x567: {  	s18 =	sadd.s32 $0x80, s18;
	v10 =	vadd.f32 v13, v16;
	v3 =	vld [tilespmem:s15+$0x20]  }
0x568: {  	v11 =	vmax.f32 v11, $-1.000000000e+00;
	v8 =	vadd.f32 v8, v9  }
0x569: {  	v9 =	vmin.f32 v11, $1.000000000e+00;
	v10 =	vmax.f32 v10, $-1.000000000e+00;
	v6 =	vadd.f32 v6, v7  }
0x56a: {  	[tilespmem:s15+$0xFFFFFFC0] =	vst v9;
	v7 =	vmin.f32 v10, $1.000000000e+00;
	v8 =	vmax.f32 v8, $-1.000000000e+00;
	v2 =	vadd.f32 v2, v5  }
0x56b: {  	[tilespmem:s15+$0xFFFFFFD0] =	vst v7;
	v5 =	vmin.f32 v8, $1.000000000e+00;
	v6 =	vmax.f32 v6, $-1.000000000e+00;
	v1 =	vadd.f32 v1, v4  }
0x56c: {  	[tilespmem:s15+$0xFFFFFFE0] =	vst v5;
	v4 =	vmin.f32 v6, $1.000000000e+00;
	v2 =	vmax.f32 v2, $-1.000000000e+00;
	v0 =	vadd.f32 v0, v3  }
0x56d: {  	[tilespmem:s15+$0xFFFFFFF0] =	vst v4;
	v2 =	vmin.f32 v2, $1.000000000e+00;
	v1 =	vmax.f32 v1, $-1.000000000e+00  }
0x56e: {  	[tilespmem:s15+$0x0] =	vst v2;
	v1 =	vmin.f32 v1, $1.000000000e+00;
	v0 =	vmax.f32 v0, $-1.000000000e+00  }
0x56f: {  	[tilespmem:s15+$0x10] =	vst v1;
	v0 =	vmin.f32 v0, $1.000000000e+00  }
0x570: {  	[tilespmem:s15+$0x20] =	vst v0  }
0x571: {  	_ =	swait.ge [sflag:s5], $0x800  }
0x572: {  	[sflag:s5] =	ssyncset.done $0x0  }
0x573: {  	s3 =	sld [smem:$0x7E3];
	[sflag:s5] =	ssyncadd.s32 $0xFFFFF800  }
0x574: {  	[tilespmem:s21], [sflag:$0x2] =	stream.linear.gather [hbm4b:s9+s4], $0x80, $0x38;
	[tilespmem:$0x1F700] =	vst v63  }
0x575: {  	s1 =	simm.s32 $0x1E800;
	s15 =	sld [smem:$0x7E4]  }
0x576: {  	[tilespmem:s1], [sflag:$0x2] =	stream.linear.gather [hbm4b:s3+s4], $0x80, $0x38;
	[tilespmem:$0x1F700] =	vst v63  }
0x577: {  	s6 =	simm.s32 $0x1E900;
	s18 =	sld [smem:$0x7E5]  }
0x578: {  	[tilespmem:s6], [sflag:$0x2] =	stream.linear.gather [hbm4b:s15+s4], $0x80, $0x38;
	[tilespmem:$0x1F700] =	vst v63  }
0x579: {  	s16 =	simm.s32 $0x1EA00;
	s15 =	sld [smem:$0x7E6]  }
0x57a: {  	[tilespmem:s16], [sflag:$0x2] =	stream.linear.gather [hbm4b:s18+s4], $0x80, $0x38;
	[tilespmem:$0x1F700] =	vst v63  }
0x57b: {  	s6 =	simm.s32 $0x1EB00;
	s18 =	sld [smem:$0x7E7]  }
0x57c: {  	[tilespmem:s6], [sflag:$0x2] =	stream.linear.gather [hbm4b:s15+s4], $0x80, $0x38;
	[tilespmem:$0x1F700] =	vst v63  }
0x57d: {  	s16 =	simm.s32 $0x1EC00;
	s15 =	sld [smem:$0x7E8]  }
0x57e: {  	[tilespmem:s16], [sflag:$0x2] =	stream.linear.gather [hbm4b:s18+s4], $0x80, $0x38;
	[tilespmem:$0x1F700] =	vst v63  }
0x57f: {  	s6 =	simm.s32 $0x1ED00;
	s18 =	sld [smem:$0x7E9]  }
0x580: {  	[tilespmem:s6], [sflag:$0x2] =	stream.linear.gather [hbm4b:s15+s4], $0x80, $0x38;
	[tilespmem:$0x1F700] =	vst v63  }
0x581: {  	s16 =	simm.s32 $0x1EE00;
	s15 =	sld [smem:$0x7EA]  }
0x582: {  	[tilespmem:s16], [sflag:$0x2] =	stream.linear.gather [hbm4b:s18+s4], $0x80, $0x38;
	[tilespmem:$0x1F700] =	vst v63  }
0x583: {  	s6 =	simm.s32 $0x1EF00;
	s18 =	sld [smem:$0x7EB]  }
0x584: {  	[tilespmem:s6], [sflag:$0x2] =	stream.linear.gather [hbm4b:s15+s4], $0x80, $0x38;
	[tilespmem:$0x1F700] =	vst v63  }
0x585: {  	s16 =	simm.s32 $0x1F000;
	s15 =	sld [smem:$0x7EC]  }
0x586: {  	[tilespmem:s16], [sflag:$0x2] =	stream.linear.gather [hbm4b:s18+s4], $0x80, $0x38;
	[tilespmem:$0x1F700] =	vst v63  }
0x587: {  	s6 =	simm.s32 $0x1F100;
	s18 =	sld [smem:$0x7ED]  }
0x588: {  	[tilespmem:s6], [sflag:$0x2] =	stream.linear.gather [hbm4b:s15+s4], $0x80, $0x38;
	[tilespmem:$0x1F700] =	vst v63  }
0x589: {  	s16 =	simm.s32 $0x1F200;
	s15 =	sld [smem:$0x7EE]  }
0x58a: {  	[tilespmem:s16], [sflag:$0x2] =	stream.linear.gather [hbm4b:s18+s4], $0x80, $0x38;
	[tilespmem:$0x1F700] =	vst v63  }
0x58b: {  	s6 =	simm.s32 $0x1F300;
	s18 =	sld [smem:$0x7EF]  }
0x58c: {  	[tilespmem:s6], [sflag:$0x2] =	stream.linear.gather [hbm4b:s15+s4], $0x80, $0x38;
	[tilespmem:$0x1F700] =	vst v63  }
0x58d: {  	s16 =	simm.s32 $0x1F400;
	s15 =	sld [smem:$0x7F0]  }
0x58e: {  	[tilespmem:s16], [sflag:$0x2] =	stream.linear.gather [hbm4b:s18+s4], $0x80, $0x38;
	[tilespmem:$0x1F700] =	vst v63  }
0x58f: {  	s6 =	simm.s32 $0x1F500;
	s18 =	sld [smem:$0x7F1]  }
0x590: {  	[tilespmem:s6], [sflag:$0x2] =	stream.linear.gather [hbm4b:s15+s4], $0x80, $0x38;
	[tilespmem:$0x1F700] =	vst v63  }
0x591: {  	s16 =	simm.s32 $0x1F600;
	s6 =	simm.s32 $0x1CF70  }
0x592: {  	[tilespmem:s16], [sflag:$0x2] =	stream.linear.gather [hbm4b:s18+s4], $0x80, $0x38;
	[tilespmem:$0x1F700] =	vst v63  }
0x593: {  	v0 =	vld [tilespmem:s6+$0x0]  }
0x594: {  	v1 =	vld [tilespmem:s6+$0xFFFFFFA0]  }
0x595: {  	v2 =	vld [tilespmem:s6+$0xFFFFFFB0]  }
0x596: {  	v3 =	vld [tilespmem:s6+$0xFFFFFFC0]  }
0x597: {  	v4 =	vld [tilespmem:s6+$0xFFFFFFD0]  }
0x598: {  	v5 =	vld [tilespmem:s6+$0xFFFFFFE0]  }
0x599: {  	v6 =	vld [tilespmem:s6+$0xFFFFFFF0]  }
0x59a: {  	s16 =	simm.s32 $0x1E7F0;
	v7 =	vld [tilespmem:s6+$0xFFFFFF90]  }
0x59b: {  	s15 =	simm.s32 $0x18F70;
	v8 =	vld [tilespmem:s16+$0x0]  }
0x59c: {  	v9 =	vld [tilespmem:s15+$0x0]  }
0x59d: {  	v12 =	vld [tilespmem:s16+$0xFFFFFFB0]  }
0x59e: {  	v13 =	vld [tilespmem:s16+$0xFFFFFFC0]  }
0x59f: {  	v14 =	vld [tilespmem:s16+$0xFFFFFFD0]  }
0x5a0: {  	v15 =	vld [tilespmem:s16+$0xFFFFFFE0]  }
0x5a1: {  	v16 =	vld [tilespmem:s16+$0xFFFFFFF0]  }
0x5a2: {  	v17 =	vld [tilespmem:s15+$0xFFFFFF90]  }
0x5a3: {  	v18 =	vld [tilespmem:s15+$0xFFFFFFA0]  }
0x5a4: {  	v0 =	vld.idx.msk [tilespmem:v0+s4+$0x0], $0xffff  }
0x5a5: {  	v1 =	vld.idx.msk [tilespmem:v1+s4+$0x0], $0xffff  }
0x5a6: {  	v2 =	vld.idx.msk [tilespmem:v2+s4+$0x0], $0xffff  }
0x5a7: {  	v7 =	vld.idx.msk [tilespmem:v7+s4+$0x0], $0xffff  }
0x5a8: {  	v10 =	vld.idx.msk [tilespmem:v5+s4+$0x0], $0xffff  }
0x5a9: {  	v11 =	vld.idx.msk [tilespmem:v6+s4+$0x0], $0xffff  }
0x5aa: {  	v5 =	vld [tilespmem:s16+$0xFFFFFF90]  }
0x5ab: {  	v6 =	vld [tilespmem:s16+$0xFFFFFFA0];
	v0 =	vmul.f32 v8, v0  }
0x5ac: {  	v4 =	vld.idx.msk [tilespmem:v4+s4+$0x0], $0xffff  }
0x5ad: {  	v3 =	vld.idx.msk [tilespmem:v3+s4+$0x0], $0xffff;
	v0 =	vadd.f32 v0, v9  }
0x5ae: {  	v9 =	vld [tilespmem:s15+$0xFFFFFFB0]  }
0x5af: {  	v19 =	vmul.f32 v5, v7;
	v7 =	vld [tilespmem:s15+$0xFFFFFFC0];
	v0 =	vmax.f32 v0, $-1.000000000e+00  }
0x5b0: {  	v20 =	vmul.f32 v6, v1;
	v8 =	vmul.f32 v12, v2;
	v5 =	vld [tilespmem:s15+$0xFFFFFFD0];
	v0 =	vmin.f32 v0, $1.000000000e+00  }
0x5b1: {  	v2 =	vmul.f32 v14, v4;
	v4 =	vld [tilespmem:s15+$0xFFFFFFE0];
	[tilespmem:s15+$0x0] =	vst v0;
	v0 =	vmul.f32 v16, v11;
	v11 =	vadd.f32 v19, v17  }
0x5b2: {  	s18 =	simm.s32 $0x1CFF0;
	s6 =	simm.s32 $0x0;
	v6 =	vmul.f32 v13, v3;
	v1 =	vmul.f32 v15, v10;
	v3 =	vld [tilespmem:s15+$0xFFFFFFF0];
	v10 =	vadd.f32 v20, v18  }
.LBB2_36:
0x5b3: {  	v12 =	vld [tilespmem:s18+$0x0];
	s6 =	sadd.s32 $0x8, s6;
	v11 =	vmax.f32 v11, $-1.000000000e+00;
	v8 =	vadd.f32 v8, v9  }
0x5b4: {  	v9 =	vld [tilespmem:s18+$0xFFFFFFA0];
	p0 =	slt.u32 s6, $0x78;
	v11 =	vmin.f32 v11, $1.000000000e+00;
	v10 =	vmax.f32 v10, $-1.000000000e+00;
	v6 =	vadd.f32 v6, v7  }
0x5b5: {  	v7 =	vld [tilespmem:s18+$0xFFFFFFB0];
	[tilespmem:s15+$0xFFFFFF90] =	vst v11;
	v10 =	vmin.f32 v10, $1.000000000e+00;
	v8 =	vmax.f32 v8, $-1.000000000e+00;
	v2 =	vadd.f32 v2, v5  }
0x5b6: {  	v5 =	vld [tilespmem:s18+$0xFFFFFFC0];
	[tilespmem:s15+$0xFFFFFFA0] =	vst v10;
	v8 =	vmin.f32 v8, $1.000000000e+00;
	v6 =	vmax.f32 v6, $-1.000000000e+00;
	v1 =	vadd.f32 v1, v4  }
0x5b7: {  	v4 =	vld [tilespmem:s18+$0xFFFFFFD0];
	[tilespmem:s15+$0xFFFFFFB0] =	vst v8;
	v6 =	vmin.f32 v6, $1.000000000e+00;
	v2 =	vmax.f32 v2, $-1.000000000e+00;
	v0 =	vadd.f32 v0, v3  }
0x5b8: {  	v3 =	vld [tilespmem:s18+$0xFFFFFFE0];
	[tilespmem:s15+$0xFFFFFFC0] =	vst v6;
	v2 =	vmin.f32 v2, $1.000000000e+00;
	v1 =	vmax.f32 v1, $-1.000000000e+00  }
0x5b9: {  	v6 =	vld [tilespmem:s18+$0xFFFFFFF0];
	[tilespmem:s15+$0xFFFFFFD0] =	vst v2;
	v1 =	vmin.f32 v1, $1.000000000e+00;
	v0 =	vmax.f32 v0, $-1.000000000e+00  }
0x5ba: {  	v2 =	vld [tilespmem:s18+$0xFFFFFF90];
	[tilespmem:s15+$0xFFFFFFE0] =	vst v1;
	v0 =	vmin.f32 v0, $1.000000000e+00  }
0x5bb: {  	s16 =	sadd.s32 $0x100, s16;
	v1 =	vld.idx.msk [tilespmem:v12+s4+$0x0], $0xffff;
	[tilespmem:s15+$0xFFFFFFF0] =	vst v0  }
0x5bc: {  	v0 =	vld [tilespmem:s16+$0x0]  }
0x5bd: {  	s15 =	sadd.s32 $0x80, s15;
	v8 =	vld.idx.msk [tilespmem:v9+s4+$0x0], $0xffff  }
0x5be: {  	v9 =	vld [tilespmem:s15+$0x0]  }
0x5bf: {  	v7 =	vld.idx.msk [tilespmem:v7+s4+$0x0], $0xffff  }
0x5c0: {  	v5 =	vld.idx.msk [tilespmem:v5+s4+$0x0], $0xffff  }
0x5c1: {  	v4 =	vld.idx.msk [tilespmem:v4+s4+$0x0], $0xffff;
	v0 =	vmul.f32 v0, v1  }
0x5c2: {  	v1 =	vld.idx.msk [tilespmem:v2+s4+$0x0], $0xffff  }
0x5c3: {  	v3 =	vld.idx.msk [tilespmem:v3+s4+$0x0], $0xffff;
	v0 =	vadd.f32 v0, v9  }
0x5c4: {  	v10 =	vld.idx.msk [tilespmem:v6+s4+$0x0], $0xffff  }
0x5c5: {  	v2 =	vld [tilespmem:s16+$0xFFFFFF90];
	v0 =	vmax.f32 v0, $-1.000000000e+00  }
0x5c6: {  	v6 =	vld [tilespmem:s16+$0xFFFFFFA0];
	v0 =	vmin.f32 v0, $1.000000000e+00  }
0x5c7: {  	v9 =	vld [tilespmem:s16+$0xFFFFFFB0];
	[tilespmem:s15+$0x0] =	vst v0  }
0x5c8: {  	v0 =	vld [tilespmem:s16+$0xFFFFFFC0]  }
0x5c9: {  	v11 =	vld [tilespmem:s16+$0xFFFFFFD0]  }
0x5ca: {  	v12 =	vmul.f32 v2, v1;
	v1 =	vld [tilespmem:s16+$0xFFFFFFE0]  }
0x5cb: {  	v13 =	vmul.f32 v6, v8;
	v14 =	vld [tilespmem:s16+$0xFFFFFFF0]  }
0x5cc: {  	v15 =	vld [tilespmem:s15+$0xFFFFFF90];
	v8 =	vmul.f32 v9, v7  }
0x5cd: {  	v16 =	vld [tilespmem:s15+$0xFFFFFFA0];
	v6 =	vmul.f32 v0, v5  }
.Ltmp17:
0x5ce: {  	v9 =	vld [tilespmem:s15+$0xFFFFFFB0];
	v2 =	vmul.f32 v11, v4;
	(pc) =	sbr.rel @p0 .LBB2_36-.Ltmp17, $4  }
0x5cf: {  	v7 =	vld [tilespmem:s15+$0xFFFFFFC0];
	v1 =	vmul.f32 v1, v3  }
0x5d0: {  	v5 =	vld [tilespmem:s15+$0xFFFFFFD0];
	v0 =	vmul.f32 v14, v10  }
0x5d1: {  	v11 =	vadd.f32 v12, v15;
	v4 =	vld [tilespmem:s15+$0xFFFFFFE0]  }
0x5d2: {  	s18 =	sadd.s32 $0x80, s18;
	v10 =	vadd.f32 v13, v16;
	v3 =	vld [tilespmem:s15+$0xFFFFFFF0]  }
0x5d3: {  	v11 =	vmax.f32 v11, $-1.000000000e+00;
	v8 =	vadd.f32 v8, v9  }
0x5d4: {  	v9 =	vmin.f32 v11, $1.000000000e+00;
	v10 =	vmax.f32 v10, $-1.000000000e+00;
	v6 =	vadd.f32 v6, v7  }
0x5d5: {  	[tilespmem:s15+$0xFFFFFF90] =	vst v9;
	v7 =	vmin.f32 v10, $1.000000000e+00;
	v8 =	vmax.f32 v8, $-1.000000000e+00;
	v2 =	vadd.f32 v2, v5  }
0x5d6: {  	[tilespmem:s15+$0xFFFFFFA0] =	vst v7;
	v5 =	vmin.f32 v8, $1.000000000e+00;
	v6 =	vmax.f32 v6, $-1.000000000e+00;
	v1 =	vadd.f32 v1, v4  }
0x5d7: {  	[tilespmem:s15+$0xFFFFFFB0] =	vst v5;
	v4 =	vmin.f32 v6, $1.000000000e+00;
	v2 =	vmax.f32 v2, $-1.000000000e+00;
	v0 =	vadd.f32 v0, v3  }
0x5d8: {  	[tilespmem:s15+$0xFFFFFFC0] =	vst v4;
	v2 =	vmin.f32 v2, $1.000000000e+00;
	v1 =	vmax.f32 v1, $-1.000000000e+00  }
0x5d9: {  	[tilespmem:s15+$0xFFFFFFD0] =	vst v2;
	v1 =	vmin.f32 v1, $1.000000000e+00;
	v0 =	vmax.f32 v0, $-1.000000000e+00  }
0x5da: {  	[tilespmem:s15+$0xFFFFFFE0] =	vst v1;
	v0 =	vmin.f32 v0, $1.000000000e+00  }
0x5db: {  	[tilespmem:s15+$0xFFFFFFF0] =	vst v0  }
0x5dc: {  	_ =	swait.ge [sflag:s5], $0x800  }
0x5dd: {  	[sflag:s5] =	ssyncset.done $0x0  }
0x5de: {  	s1 =	simm.s32 $0x1E780;
	s3 =	sld [smem:$0x7D4];
	[sflag:s5] =	ssyncadd.s32 $0xFFFFF800  }
0x5df: {  	[tilespmem:s1], [sflag:$0x2] =	stream.linear.gather [hbm4b:s10+s4], $0x80, $0x38;
	[tilespmem:$0x1F700] =	vst v63  }
0x5e0: {  	s18 =	simm.s32 $0x1E880;
	s15 =	sld [smem:$0x7D5]  }
0x5e1: {  	[tilespmem:s18], [sflag:$0x2] =	stream.linear.gather [hbm4b:s3+s4], $0x80, $0x38;
	[tilespmem:$0x1F700] =	vst v63  }
0x5e2: {  	s6 =	simm.s32 $0x1E980;
	s18 =	sld [smem:$0x7D6]  }
0x5e3: {  	[tilespmem:s6], [sflag:$0x2] =	stream.linear.gather [hbm4b:s15+s4], $0x80, $0x38;
	[tilespmem:$0x1F700] =	vst v63  }
0x5e4: {  	s16 =	simm.s32 $0x1EA80;
	s15 =	sld [smem:$0x7D7]  }
0x5e5: {  	[tilespmem:s16], [sflag:$0x2] =	stream.linear.gather [hbm4b:s18+s4], $0x80, $0x38;
	[tilespmem:$0x1F700] =	vst v63  }
0x5e6: {  	s6 =	simm.s32 $0x1EB80;
	s18 =	sld [smem:$0x7D8]  }
0x5e7: {  	[tilespmem:s6], [sflag:$0x2] =	stream.linear.gather [hbm4b:s15+s4], $0x80, $0x38;
	[tilespmem:$0x1F700] =	vst v63  }
0x5e8: {  	s16 =	simm.s32 $0x1EC80;
	s15 =	sld [smem:$0x7D9]  }
0x5e9: {  	[tilespmem:s16], [sflag:$0x2] =	stream.linear.gather [hbm4b:s18+s4], $0x80, $0x38;
	[tilespmem:$0x1F700] =	vst v63  }
0x5ea: {  	s6 =	simm.s32 $0x1ED80;
	s18 =	sld [smem:$0x7DA]  }
0x5eb: {  	[tilespmem:s6], [sflag:$0x2] =	stream.linear.gather [hbm4b:s15+s4], $0x80, $0x38;
	[tilespmem:$0x1F700] =	vst v63  }
0x5ec: {  	s16 =	simm.s32 $0x1EE80;
	s15 =	sld [smem:$0x7DB]  }
0x5ed: {  	[tilespmem:s16], [sflag:$0x2] =	stream.linear.gather [hbm4b:s18+s4], $0x80, $0x38;
	[tilespmem:$0x1F700] =	vst v63  }
0x5ee: {  	s6 =	simm.s32 $0x1EF80;
	s18 =	sld [smem:$0x7DC]  }
0x5ef: {  	[tilespmem:s6], [sflag:$0x2] =	stream.linear.gather [hbm4b:s15+s4], $0x80, $0x38;
	[tilespmem:$0x1F700] =	vst v63  }
0x5f0: {  	s16 =	simm.s32 $0x1F080;
	s15 =	sld [smem:$0x7DD]  }
0x5f1: {  	[tilespmem:s16], [sflag:$0x2] =	stream.linear.gather [hbm4b:s18+s4], $0x80, $0x38;
	[tilespmem:$0x1F700] =	vst v63  }
0x5f2: {  	s6 =	simm.s32 $0x1F180;
	s18 =	sld [smem:$0x7DE]  }
0x5f3: {  	[tilespmem:s6], [sflag:$0x2] =	stream.linear.gather [hbm4b:s15+s4], $0x80, $0x38;
	[tilespmem:$0x1F700] =	vst v63  }
0x5f4: {  	s16 =	simm.s32 $0x1F280;
	s15 =	sld [smem:$0x7DF]  }
0x5f5: {  	[tilespmem:s16], [sflag:$0x2] =	stream.linear.gather [hbm4b:s18+s4], $0x80, $0x38;
	[tilespmem:$0x1F700] =	vst v63  }
0x5f6: {  	s6 =	simm.s32 $0x1F380;
	s18 =	sld [smem:$0x7E0]  }
0x5f7: {  	[tilespmem:s6], [sflag:$0x2] =	stream.linear.gather [hbm4b:s15+s4], $0x80, $0x38;
	[tilespmem:$0x1F700] =	vst v63  }
0x5f8: {  	s16 =	simm.s32 $0x1F480;
	s15 =	sld [smem:$0x7E1]  }
0x5f9: {  	[tilespmem:s16], [sflag:$0x2] =	stream.linear.gather [hbm4b:s18+s4], $0x80, $0x38;
	[tilespmem:$0x1F700] =	vst v63  }
0x5fa: {  	s6 =	simm.s32 $0x1F580;
	s18 =	sld [smem:$0x7E2]  }
0x5fb: {  	[tilespmem:s6], [sflag:$0x2] =	stream.linear.gather [hbm4b:s15+s4], $0x80, $0x38;
	[tilespmem:$0x1F700] =	vst v63  }
0x5fc: {  	s16 =	simm.s32 $0x1F680;
	s6 =	simm.s32 $0x1D770  }
0x5fd: {  	[tilespmem:s16], [sflag:$0x2] =	stream.linear.gather [hbm4b:s18+s4], $0x80, $0x38;
	[tilespmem:$0x1F700] =	vst v63  }
0x5fe: {  	v0 =	vld [tilespmem:s6+$0x0]  }
0x5ff: {  	v1 =	vld [tilespmem:s6+$0xFFFFFFA0]  }
0x600: {  	v2 =	vld [tilespmem:s6+$0xFFFFFFB0]  }
0x601: {  	v3 =	vld [tilespmem:s6+$0xFFFFFFC0]  }
0x602: {  	v4 =	vld [tilespmem:s6+$0xFFFFFFD0]  }
0x603: {  	v5 =	vld [tilespmem:s6+$0xFFFFFFE0]  }
0x604: {  	v6 =	vld [tilespmem:s6+$0xFFFFFFF0]  }
0x605: {  	s16 =	simm.s32 $0x1E740;
	v7 =	vld [tilespmem:s6+$0xFFFFFF90]  }
0x606: {  	s15 =	simm.s32 $0x19770;
	v8 =	vld [tilespmem:s16+$0x30]  }
0x607: {  	v9 =	vld [tilespmem:s15+$0x0]  }
0x608: {  	v12 =	vld [tilespmem:s16+$0xFFFFFFE0]  }
0x609: {  	v13 =	vld [tilespmem:s16+$0xFFFFFFF0]  }
0x60a: {  	v14 =	vld [tilespmem:s16+$0x0]  }
0x60b: {  	v15 =	vld [tilespmem:s16+$0x10]  }
0x60c: {  	v16 =	vld [tilespmem:s16+$0x20]  }
0x60d: {  	v17 =	vld [tilespmem:s15+$0xFFFFFF90]  }
0x60e: {  	v18 =	vld [tilespmem:s15+$0xFFFFFFA0]  }
0x60f: {  	v0 =	vld.idx.msk [tilespmem:v0+s4+$0x0], $0xffff  }
0x610: {  	v1 =	vld.idx.msk [tilespmem:v1+s4+$0x0], $0xffff  }
0x611: {  	v2 =	vld.idx.msk [tilespmem:v2+s4+$0x0], $0xffff  }
0x612: {  	v7 =	vld.idx.msk [tilespmem:v7+s4+$0x0], $0xffff  }
0x613: {  	v10 =	vld.idx.msk [tilespmem:v5+s4+$0x0], $0xffff  }
0x614: {  	v11 =	vld.idx.msk [tilespmem:v6+s4+$0x0], $0xffff  }
0x615: {  	v5 =	vld [tilespmem:s16+$0xFFFFFFC0]  }
0x616: {  	v6 =	vld [tilespmem:s16+$0xFFFFFFD0];
	v0 =	vmul.f32 v8, v0  }
0x617: {  	v4 =	vld.idx.msk [tilespmem:v4+s4+$0x0], $0xffff  }
0x618: {  	v3 =	vld.idx.msk [tilespmem:v3+s4+$0x0], $0xffff;
	v0 =	vadd.f32 v0, v9  }
0x619: {  	v9 =	vld [tilespmem:s15+$0xFFFFFFB0]  }
0x61a: {  	v19 =	vmul.f32 v5, v7;
	v7 =	vld [tilespmem:s15+$0xFFFFFFC0];
	v0 =	vmax.f32 v0, $-1.000000000e+00  }
0x61b: {  	v20 =	vmul.f32 v6, v1;
	v8 =	vmul.f32 v12, v2;
	v5 =	vld [tilespmem:s15+$0xFFFFFFD0];
	v0 =	vmin.f32 v0, $1.000000000e+00  }
0x61c: {  	v2 =	vmul.f32 v14, v4;
	v4 =	vld [tilespmem:s15+$0xFFFFFFE0];
	[tilespmem:s15+$0x0] =	vst v0;
	v0 =	vmul.f32 v16, v11;
	v11 =	vadd.f32 v19, v17  }
0x61d: {  	s18 =	simm.s32 $0x1D7F0;
	s6 =	simm.s32 $0x0;
	v6 =	vmul.f32 v13, v3;
	v1 =	vmul.f32 v15, v10;
	v3 =	vld [tilespmem:s15+$0xFFFFFFF0];
	v10 =	vadd.f32 v20, v18  }
.LBB2_38:
0x61e: {  	v12 =	vld [tilespmem:s18+$0x0];
	s6 =	sadd.s32 $0x8, s6;
	v11 =	vmax.f32 v11, $-1.000000000e+00;
	v8 =	vadd.f32 v8, v9  }
0x61f: {  	v9 =	vld [tilespmem:s18+$0xFFFFFFA0];
	p0 =	slt.u32 s6, $0x78;
	v11 =	vmin.f32 v11, $1.000000000e+00;
	v10 =	vmax.f32 v10, $-1.000000000e+00;
	v6 =	vadd.f32 v6, v7  }
0x620: {  	v7 =	vld [tilespmem:s18+$0xFFFFFFB0];
	[tilespmem:s15+$0xFFFFFF90] =	vst v11;
	v10 =	vmin.f32 v10, $1.000000000e+00;
	v8 =	vmax.f32 v8, $-1.000000000e+00;
	v2 =	vadd.f32 v2, v5  }
0x621: {  	v5 =	vld [tilespmem:s18+$0xFFFFFFC0];
	[tilespmem:s15+$0xFFFFFFA0] =	vst v10;
	v8 =	vmin.f32 v8, $1.000000000e+00;
	v6 =	vmax.f32 v6, $-1.000000000e+00;
	v1 =	vadd.f32 v1, v4  }
0x622: {  	v4 =	vld [tilespmem:s18+$0xFFFFFFD0];
	[tilespmem:s15+$0xFFFFFFB0] =	vst v8;
	v6 =	vmin.f32 v6, $1.000000000e+00;
	v2 =	vmax.f32 v2, $-1.000000000e+00;
	v0 =	vadd.f32 v0, v3  }
0x623: {  	v3 =	vld [tilespmem:s18+$0xFFFFFFE0];
	[tilespmem:s15+$0xFFFFFFC0] =	vst v6;
	v2 =	vmin.f32 v2, $1.000000000e+00;
	v1 =	vmax.f32 v1, $-1.000000000e+00  }
0x624: {  	v6 =	vld [tilespmem:s18+$0xFFFFFFF0];
	[tilespmem:s15+$0xFFFFFFD0] =	vst v2;
	v1 =	vmin.f32 v1, $1.000000000e+00;
	v0 =	vmax.f32 v0, $-1.000000000e+00  }
0x625: {  	v2 =	vld [tilespmem:s18+$0xFFFFFF90];
	[tilespmem:s15+$0xFFFFFFE0] =	vst v1;
	v0 =	vmin.f32 v0, $1.000000000e+00  }
0x626: {  	s16 =	sadd.s32 $0x100, s16;
	v1 =	vld.idx.msk [tilespmem:v12+s4+$0x0], $0xffff;
	[tilespmem:s15+$0xFFFFFFF0] =	vst v0  }
0x627: {  	v0 =	vld [tilespmem:s16+$0x30]  }
0x628: {  	s15 =	sadd.s32 $0x80, s15;
	v8 =	vld.idx.msk [tilespmem:v9+s4+$0x0], $0xffff  }
0x629: {  	v9 =	vld [tilespmem:s15+$0x0]  }
0x62a: {  	v7 =	vld.idx.msk [tilespmem:v7+s4+$0x0], $0xffff  }
0x62b: {  	v5 =	vld.idx.msk [tilespmem:v5+s4+$0x0], $0xffff  }
0x62c: {  	v4 =	vld.idx.msk [tilespmem:v4+s4+$0x0], $0xffff;
	v0 =	vmul.f32 v0, v1  }
0x62d: {  	v1 =	vld.idx.msk [tilespmem:v2+s4+$0x0], $0xffff  }
0x62e: {  	v3 =	vld.idx.msk [tilespmem:v3+s4+$0x0], $0xffff;
	v0 =	vadd.f32 v0, v9  }
0x62f: {  	v10 =	vld.idx.msk [tilespmem:v6+s4+$0x0], $0xffff  }
0x630: {  	v2 =	vld [tilespmem:s16+$0xFFFFFFC0];
	v0 =	vmax.f32 v0, $-1.000000000e+00  }
0x631: {  	v6 =	vld [tilespmem:s16+$0xFFFFFFD0];
	v0 =	vmin.f32 v0, $1.000000000e+00  }
0x632: {  	v9 =	vld [tilespmem:s16+$0xFFFFFFE0];
	[tilespmem:s15+$0x0] =	vst v0  }
0x633: {  	v0 =	vld [tilespmem:s16+$0xFFFFFFF0]  }
0x634: {  	v11 =	vld [tilespmem:s16+$0x0]  }
0x635: {  	v12 =	vmul.f32 v2, v1;
	v1 =	vld [tilespmem:s16+$0x10]  }
0x636: {  	v13 =	vmul.f32 v6, v8;
	v14 =	vld [tilespmem:s16+$0x20]  }
0x637: {  	v15 =	vld [tilespmem:s15+$0xFFFFFF90];
	v8 =	vmul.f32 v9, v7  }
0x638: {  	v16 =	vld [tilespmem:s15+$0xFFFFFFA0];
	v6 =	vmul.f32 v0, v5  }
.Ltmp18:
0x639: {  	v9 =	vld [tilespmem:s15+$0xFFFFFFB0];
	v2 =	vmul.f32 v11, v4;
	(pc) =	sbr.rel @p0 .LBB2_38-.Ltmp18, $4  }
0x63a: {  	v7 =	vld [tilespmem:s15+$0xFFFFFFC0];
	v1 =	vmul.f32 v1, v3  }
0x63b: {  	v5 =	vld [tilespmem:s15+$0xFFFFFFD0];
	v0 =	vmul.f32 v14, v10  }
0x63c: {  	v11 =	vadd.f32 v12, v15;
	v4 =	vld [tilespmem:s15+$0xFFFFFFE0]  }
0x63d: {  	s18 =	sadd.s32 $0x80, s18;
	v10 =	vadd.f32 v13, v16;
	v3 =	vld [tilespmem:s15+$0xFFFFFFF0]  }
0x63e: {  	v11 =	vmax.f32 v11, $-1.000000000e+00;
	v8 =	vadd.f32 v8, v9  }
0x63f: {  	v9 =	vmin.f32 v11, $1.000000000e+00;
	v10 =	vmax.f32 v10, $-1.000000000e+00;
	v6 =	vadd.f32 v6, v7  }
0x640: {  	[tilespmem:s15+$0xFFFFFF90] =	vst v9;
	v7 =	vmin.f32 v10, $1.000000000e+00;
	v8 =	vmax.f32 v8, $-1.000000000e+00;
	v2 =	vadd.f32 v2, v5  }
0x641: {  	[tilespmem:s15+$0xFFFFFFA0] =	vst v7;
	v5 =	vmin.f32 v8, $1.000000000e+00;
	v6 =	vmax.f32 v6, $-1.000000000e+00;
	v1 =	vadd.f32 v1, v4  }
0x642: {  	[tilespmem:s15+$0xFFFFFFB0] =	vst v5;
	v4 =	vmin.f32 v6, $1.000000000e+00;
	v2 =	vmax.f32 v2, $-1.000000000e+00;
	v0 =	vadd.f32 v0, v3  }
0x643: {  	[tilespmem:s15+$0xFFFFFFC0] =	vst v4;
	v2 =	vmin.f32 v2, $1.000000000e+00;
	v1 =	vmax.f32 v1, $-1.000000000e+00  }
0x644: {  	[tilespmem:s15+$0xFFFFFFD0] =	vst v2;
	v1 =	vmin.f32 v1, $1.000000000e+00;
	v0 =	vmax.f32 v0, $-1.000000000e+00  }
0x645: {  	[tilespmem:s15+$0xFFFFFFE0] =	vst v1;
	v0 =	vmin.f32 v0, $1.000000000e+00  }
0x646: {  	[tilespmem:s15+$0xFFFFFFF0] =	vst v0  }
0x647: {  	_ =	swait.ge [sflag:s5], $0x800  }
0x648: {  	[sflag:s5] =	ssyncset.done $0x0  }
0x649: {  	s3 =	sld [smem:$0x7C5];
	[sflag:s5] =	ssyncadd.s32 $0xFFFFF800  }
0x64a: {  	[tilespmem:s21], [sflag:$0x2] =	stream.linear.gather [hbm4b:s11+s4], $0x80, $0x38;
	[tilespmem:$0x1F700] =	vst v63  }
0x64b: {  	s1 =	simm.s32 $0x1E800;
	s15 =	sld [smem:$0x7C6]  }
0x64c: {  	[tilespmem:s1], [sflag:$0x2] =	stream.linear.gather [hbm4b:s3+s4], $0x80, $0x38;
	[tilespmem:$0x1F700] =	vst v63  }
0x64d: {  	s6 =	simm.s32 $0x1E900;
	s18 =	sld [smem:$0x7C7]  }
0x64e: {  	[tilespmem:s6], [sflag:$0x2] =	stream.linear.gather [hbm4b:s15+s4], $0x80, $0x38;
	[tilespmem:$0x1F700] =	vst v63  }
0x64f: {  	s16 =	simm.s32 $0x1EA00;
	s15 =	sld [smem:$0x7C8]  }
0x650: {  	[tilespmem:s16], [sflag:$0x2] =	stream.linear.gather [hbm4b:s18+s4], $0x80, $0x38;
	[tilespmem:$0x1F700] =	vst v63  }
0x651: {  	s6 =	simm.s32 $0x1EB00;
	s18 =	sld [smem:$0x7C9]  }
0x652: {  	[tilespmem:s6], [sflag:$0x2] =	stream.linear.gather [hbm4b:s15+s4], $0x80, $0x38;
	[tilespmem:$0x1F700] =	vst v63  }
0x653: {  	s16 =	simm.s32 $0x1EC00;
	s15 =	sld [smem:$0x7CA]  }
0x654: {  	[tilespmem:s16], [sflag:$0x2] =	stream.linear.gather [hbm4b:s18+s4], $0x80, $0x38;
	[tilespmem:$0x1F700] =	vst v63  }
0x655: {  	s6 =	simm.s32 $0x1ED00;
	s18 =	sld [smem:$0x7CB]  }
0x656: {  	[tilespmem:s6], [sflag:$0x2] =	stream.linear.gather [hbm4b:s15+s4], $0x80, $0x38;
	[tilespmem:$0x1F700] =	vst v63  }
0x657: {  	s16 =	simm.s32 $0x1EE00;
	s15 =	sld [smem:$0x7CC]  }
0x658: {  	[tilespmem:s16], [sflag:$0x2] =	stream.linear.gather [hbm4b:s18+s4], $0x80, $0x38;
	[tilespmem:$0x1F700] =	vst v63  }
0x659: {  	s6 =	simm.s32 $0x1EF00;
	s18 =	sld [smem:$0x7CD]  }
0x65a: {  	[tilespmem:s6], [sflag:$0x2] =	stream.linear.gather [hbm4b:s15+s4], $0x80, $0x38;
	[tilespmem:$0x1F700] =	vst v63  }
0x65b: {  	s16 =	simm.s32 $0x1F000;
	s15 =	sld [smem:$0x7CE]  }
0x65c: {  	[tilespmem:s16], [sflag:$0x2] =	stream.linear.gather [hbm4b:s18+s4], $0x80, $0x38;
	[tilespmem:$0x1F700] =	vst v63  }
0x65d: {  	s6 =	simm.s32 $0x1F100;
	s18 =	sld [smem:$0x7CF]  }
0x65e: {  	[tilespmem:s6], [sflag:$0x2] =	stream.linear.gather [hbm4b:s15+s4], $0x80, $0x38;
	[tilespmem:$0x1F700] =	vst v63  }
0x65f: {  	s16 =	simm.s32 $0x1F200;
	s15 =	sld [smem:$0x7D0]  }
0x660: {  	[tilespmem:s16], [sflag:$0x2] =	stream.linear.gather [hbm4b:s18+s4], $0x80, $0x38;
	[tilespmem:$0x1F700] =	vst v63  }
0x661: {  	s6 =	simm.s32 $0x1F300;
	s18 =	sld [smem:$0x7D1]  }
0x662: {  	[tilespmem:s6], [sflag:$0x2] =	stream.linear.gather [hbm4b:s15+s4], $0x80, $0x38;
	[tilespmem:$0x1F700] =	vst v63  }
0x663: {  	s16 =	simm.s32 $0x1F400;
	s15 =	sld [smem:$0x7D2]  }
0x664: {  	[tilespmem:s16], [sflag:$0x2] =	stream.linear.gather [hbm4b:s18+s4], $0x80, $0x38;
	[tilespmem:$0x1F700] =	vst v63  }
0x665: {  	s6 =	simm.s32 $0x1F500;
	s18 =	sld [smem:$0x7D3]  }
0x666: {  	[tilespmem:s6], [sflag:$0x2] =	stream.linear.gather [hbm4b:s15+s4], $0x80, $0x38;
	[tilespmem:$0x1F700] =	vst v63  }
0x667: {  	s16 =	simm.s32 $0x1F600;
	s6 =	simm.s32 $0x1DF70  }
0x668: {  	[tilespmem:s16], [sflag:$0x2] =	stream.linear.gather [hbm4b:s18+s4], $0x80, $0x38;
	[tilespmem:$0x1F700] =	vst v63  }
0x669: {  	v0 =	vld [tilespmem:s6+$0x0]  }
0x66a: {  	v1 =	vld [tilespmem:s6+$0xFFFFFFA0]  }
0x66b: {  	v2 =	vld [tilespmem:s6+$0xFFFFFFB0]  }
0x66c: {  	v3 =	vld [tilespmem:s6+$0xFFFFFFC0]  }
0x66d: {  	v4 =	vld [tilespmem:s6+$0xFFFFFFD0]  }
0x66e: {  	v5 =	vld [tilespmem:s6+$0xFFFFFFE0]  }
0x66f: {  	v6 =	vld [tilespmem:s6+$0xFFFFFFF0]  }
0x670: {  	s16 =	simm.s32 $0x1E7F0;
	v7 =	vld [tilespmem:s6+$0xFFFFFF90]  }
0x671: {  	s15 =	simm.s32 $0x19F70;
	v8 =	vld [tilespmem:s16+$0x0]  }
0x672: {  	v9 =	vld [tilespmem:s15+$0x0]  }
0x673: {  	v12 =	vld [tilespmem:s16+$0xFFFFFFB0]  }
0x674: {  	v13 =	vld [tilespmem:s16+$0xFFFFFFC0]  }
0x675: {  	v14 =	vld [tilespmem:s16+$0xFFFFFFD0]  }
0x676: {  	v15 =	vld [tilespmem:s16+$0xFFFFFFE0]  }
0x677: {  	v16 =	vld [tilespmem:s16+$0xFFFFFFF0]  }
0x678: {  	v17 =	vld [tilespmem:s15+$0xFFFFFF90]  }
0x679: {  	v18 =	vld [tilespmem:s15+$0xFFFFFFA0]  }
0x67a: {  	v0 =	vld.idx.msk [tilespmem:v0+s4+$0x0], $0xffff  }
0x67b: {  	v1 =	vld.idx.msk [tilespmem:v1+s4+$0x0], $0xffff  }
0x67c: {  	v2 =	vld.idx.msk [tilespmem:v2+s4+$0x0], $0xffff  }
0x67d: {  	v7 =	vld.idx.msk [tilespmem:v7+s4+$0x0], $0xffff  }
0x67e: {  	v10 =	vld.idx.msk [tilespmem:v5+s4+$0x0], $0xffff  }
0x67f: {  	v11 =	vld.idx.msk [tilespmem:v6+s4+$0x0], $0xffff  }
0x680: {  	v5 =	vld [tilespmem:s16+$0xFFFFFF90]  }
0x681: {  	v6 =	vld [tilespmem:s16+$0xFFFFFFA0];
	v0 =	vmul.f32 v8, v0  }
0x682: {  	v4 =	vld.idx.msk [tilespmem:v4+s4+$0x0], $0xffff  }
0x683: {  	v3 =	vld.idx.msk [tilespmem:v3+s4+$0x0], $0xffff;
	v0 =	vadd.f32 v0, v9  }
0x684: {  	v9 =	vld [tilespmem:s15+$0xFFFFFFB0]  }
0x685: {  	v19 =	vmul.f32 v5, v7;
	v7 =	vld [tilespmem:s15+$0xFFFFFFC0];
	v0 =	vmax.f32 v0, $-1.000000000e+00  }
0x686: {  	v20 =	vmul.f32 v6, v1;
	v8 =	vmul.f32 v12, v2;
	v5 =	vld [tilespmem:s15+$0xFFFFFFD0];
	v0 =	vmin.f32 v0, $1.000000000e+00  }
0x687: {  	v2 =	vmul.f32 v14, v4;
	v4 =	vld [tilespmem:s15+$0xFFFFFFE0];
	[tilespmem:s15+$0x0] =	vst v0;
	v0 =	vmul.f32 v16, v11;
	v11 =	vadd.f32 v19, v17  }
0x688: {  	s18 =	simm.s32 $0x1DFF0;
	s6 =	simm.s32 $0x0;
	v6 =	vmul.f32 v13, v3;
	v1 =	vmul.f32 v15, v10;
	v3 =	vld [tilespmem:s15+$0xFFFFFFF0];
	v10 =	vadd.f32 v20, v18  }
.LBB2_40:
0x689: {  	v12 =	vld [tilespmem:s18+$0x0];
	s6 =	sadd.s32 $0x8, s6;
	v11 =	vmax.f32 v11, $-1.000000000e+00;
	v8 =	vadd.f32 v8, v9  }
0x68a: {  	v9 =	vld [tilespmem:s18+$0xFFFFFFA0];
	p0 =	slt.u32 s6, $0x78;
	v11 =	vmin.f32 v11, $1.000000000e+00;
	v10 =	vmax.f32 v10, $-1.000000000e+00;
	v6 =	vadd.f32 v6, v7  }
0x68b: {  	v7 =	vld [tilespmem:s18+$0xFFFFFFB0];
	[tilespmem:s15+$0xFFFFFF90] =	vst v11;
	v10 =	vmin.f32 v10, $1.000000000e+00;
	v8 =	vmax.f32 v8, $-1.000000000e+00;
	v2 =	vadd.f32 v2, v5  }
0x68c: {  	v5 =	vld [tilespmem:s18+$0xFFFFFFC0];
	[tilespmem:s15+$0xFFFFFFA0] =	vst v10;
	v8 =	vmin.f32 v8, $1.000000000e+00;
	v6 =	vmax.f32 v6, $-1.000000000e+00;
	v1 =	vadd.f32 v1, v4  }
0x68d: {  	v4 =	vld [tilespmem:s18+$0xFFFFFFD0];
	[tilespmem:s15+$0xFFFFFFB0] =	vst v8;
	v6 =	vmin.f32 v6, $1.000000000e+00;
	v2 =	vmax.f32 v2, $-1.000000000e+00;
	v0 =	vadd.f32 v0, v3  }
0x68e: {  	v3 =	vld [tilespmem:s18+$0xFFFFFFE0];
	[tilespmem:s15+$0xFFFFFFC0] =	vst v6;
	v2 =	vmin.f32 v2, $1.000000000e+00;
	v1 =	vmax.f32 v1, $-1.000000000e+00  }
0x68f: {  	v6 =	vld [tilespmem:s18+$0xFFFFFFF0];
	[tilespmem:s15+$0xFFFFFFD0] =	vst v2;
	v1 =	vmin.f32 v1, $1.000000000e+00;
	v0 =	vmax.f32 v0, $-1.000000000e+00  }
0x690: {  	v2 =	vld [tilespmem:s18+$0xFFFFFF90];
	[tilespmem:s15+$0xFFFFFFE0] =	vst v1;
	v0 =	vmin.f32 v0, $1.000000000e+00  }
0x691: {  	s16 =	sadd.s32 $0x100, s16;
	v1 =	vld.idx.msk [tilespmem:v12+s4+$0x0], $0xffff;
	[tilespmem:s15+$0xFFFFFFF0] =	vst v0  }
0x692: {  	v0 =	vld [tilespmem:s16+$0x0]  }
0x693: {  	s15 =	sadd.s32 $0x80, s15;
	v8 =	vld.idx.msk [tilespmem:v9+s4+$0x0], $0xffff  }
0x694: {  	v9 =	vld [tilespmem:s15+$0x0]  }
0x695: {  	v7 =	vld.idx.msk [tilespmem:v7+s4+$0x0], $0xffff  }
0x696: {  	v5 =	vld.idx.msk [tilespmem:v5+s4+$0x0], $0xffff  }
0x697: {  	v4 =	vld.idx.msk [tilespmem:v4+s4+$0x0], $0xffff;
	v0 =	vmul.f32 v0, v1  }
0x698: {  	v1 =	vld.idx.msk [tilespmem:v2+s4+$0x0], $0xffff  }
0x699: {  	v3 =	vld.idx.msk [tilespmem:v3+s4+$0x0], $0xffff;
	v0 =	vadd.f32 v0, v9  }
0x69a: {  	v10 =	vld.idx.msk [tilespmem:v6+s4+$0x0], $0xffff  }
0x69b: {  	v2 =	vld [tilespmem:s16+$0xFFFFFF90];
	v0 =	vmax.f32 v0, $-1.000000000e+00  }
0x69c: {  	v6 =	vld [tilespmem:s16+$0xFFFFFFA0];
	v0 =	vmin.f32 v0, $1.000000000e+00  }
0x69d: {  	v9 =	vld [tilespmem:s16+$0xFFFFFFB0];
	[tilespmem:s15+$0x0] =	vst v0  }
0x69e: {  	v0 =	vld [tilespmem:s16+$0xFFFFFFC0]  }
0x69f: {  	v11 =	vld [tilespmem:s16+$0xFFFFFFD0]  }
0x6a0: {  	v12 =	vmul.f32 v2, v1;
	v1 =	vld [tilespmem:s16+$0xFFFFFFE0]  }
0x6a1: {  	v13 =	vmul.f32 v6, v8;
	v14 =	vld [tilespmem:s16+$0xFFFFFFF0]  }
0x6a2: {  	v15 =	vld [tilespmem:s15+$0xFFFFFF90];
	v8 =	vmul.f32 v9, v7  }
0x6a3: {  	v16 =	vld [tilespmem:s15+$0xFFFFFFA0];
	v6 =	vmul.f32 v0, v5  }
.Ltmp19:
0x6a4: {  	v9 =	vld [tilespmem:s15+$0xFFFFFFB0];
	v2 =	vmul.f32 v11, v4;
	(pc) =	sbr.rel @p0 .LBB2_40-.Ltmp19, $4  }
0x6a5: {  	v7 =	vld [tilespmem:s15+$0xFFFFFFC0];
	v1 =	vmul.f32 v1, v3  }
0x6a6: {  	v5 =	vld [tilespmem:s15+$0xFFFFFFD0];
	v0 =	vmul.f32 v14, v10  }
0x6a7: {  	v11 =	vadd.f32 v12, v15;
	v4 =	vld [tilespmem:s15+$0xFFFFFFE0]  }
0x6a8: {  	s18 =	sadd.s32 $0x80, s18;
	v10 =	vadd.f32 v13, v16;
	v3 =	vld [tilespmem:s15+$0xFFFFFFF0]  }
0x6a9: {  	v11 =	vmax.f32 v11, $-1.000000000e+00;
	v8 =	vadd.f32 v8, v9  }
0x6aa: {  	v9 =	vmin.f32 v11, $1.000000000e+00;
	v10 =	vmax.f32 v10, $-1.000000000e+00;
	v6 =	vadd.f32 v6, v7  }
0x6ab: {  	[tilespmem:s15+$0xFFFFFF90] =	vst v9;
	v7 =	vmin.f32 v10, $1.000000000e+00;
	v8 =	vmax.f32 v8, $-1.000000000e+00;
	v2 =	vadd.f32 v2, v5  }
0x6ac: {  	[tilespmem:s15+$0xFFFFFFA0] =	vst v7;
	v5 =	vmin.f32 v8, $1.000000000e+00;
	v6 =	vmax.f32 v6, $-1.000000000e+00;
	v1 =	vadd.f32 v1, v4  }
0x6ad: {  	[tilespmem:s15+$0xFFFFFFB0] =	vst v5;
	v4 =	vmin.f32 v6, $1.000000000e+00;
	v2 =	vmax.f32 v2, $-1.000000000e+00;
	v0 =	vadd.f32 v0, v3  }
0x6ae: {  	[tilespmem:s15+$0xFFFFFFC0] =	vst v4;
	v2 =	vmin.f32 v2, $1.000000000e+00;
	v1 =	vmax.f32 v1, $-1.000000000e+00  }
0x6af: {  	[tilespmem:s15+$0xFFFFFFD0] =	vst v2;
	v1 =	vmin.f32 v1, $1.000000000e+00;
	v0 =	vmax.f32 v0, $-1.000000000e+00  }
0x6b0: {  	[tilespmem:s15+$0xFFFFFFE0] =	vst v1;
	v0 =	vmin.f32 v0, $1.000000000e+00  }
0x6b1: {  	[tilespmem:s15+$0xFFFFFFF0] =	vst v0  }
0x6b2: {  	_ =	swait.ge [sflag:s5], $0x800  }
0x6b3: {  	[sflag:s5] =	ssyncset.done $0x0  }
0x6b4: {  	s1 =	simm.s32 $0x1E780;
	s3 =	sld [smem:$0x7B6];
	[sflag:s5] =	ssyncadd.s32 $0xFFFFF800  }
0x6b5: {  	[tilespmem:s1], [sflag:$0x2] =	stream.linear.gather [hbm4b:s12+s4], $0x80, $0x38;
	[tilespmem:$0x1F700] =	vst v63  }
0x6b6: {  	s18 =	simm.s32 $0x1E880;
	s15 =	sld [smem:$0x7B7]  }
0x6b7: {  	[tilespmem:s18], [sflag:$0x2] =	stream.linear.gather [hbm4b:s3+s4], $0x80, $0x38;
	[tilespmem:$0x1F700] =	vst v63  }
0x6b8: {  	s6 =	simm.s32 $0x1E980;
	s18 =	sld [smem:$0x7B8]  }
0x6b9: {  	[tilespmem:s6], [sflag:$0x2] =	stream.linear.gather [hbm4b:s15+s4], $0x80, $0x38;
	[tilespmem:$0x1F700] =	vst v63  }
0x6ba: {  	s16 =	simm.s32 $0x1EA80;
	s15 =	sld [smem:$0x7B9]  }
0x6bb: {  	[tilespmem:s16], [sflag:$0x2] =	stream.linear.gather [hbm4b:s18+s4], $0x80, $0x38;
	[tilespmem:$0x1F700] =	vst v63  }
0x6bc: {  	s6 =	simm.s32 $0x1EB80;
	s18 =	sld [smem:$0x7BA]  }
0x6bd: {  	[tilespmem:s6], [sflag:$0x2] =	stream.linear.gather [hbm4b:s15+s4], $0x80, $0x38;
	[tilespmem:$0x1F700] =	vst v63  }
0x6be: {  	s16 =	simm.s32 $0x1EC80;
	s15 =	sld [smem:$0x7BB]  }
0x6bf: {  	[tilespmem:s16], [sflag:$0x2] =	stream.linear.gather [hbm4b:s18+s4], $0x80, $0x38;
	[tilespmem:$0x1F700] =	vst v63  }
0x6c0: {  	s6 =	simm.s32 $0x1ED80;
	s18 =	sld [smem:$0x7BC]  }
0x6c1: {  	[tilespmem:s6], [sflag:$0x2] =	stream.linear.gather [hbm4b:s15+s4], $0x80, $0x38;
	[tilespmem:$0x1F700] =	vst v63  }
0x6c2: {  	s16 =	simm.s32 $0x1EE80;
	s15 =	sld [smem:$0x7BD]  }
0x6c3: {  	[tilespmem:s16], [sflag:$0x2] =	stream.linear.gather [hbm4b:s18+s4], $0x80, $0x38;
	[tilespmem:$0x1F700] =	vst v63  }
0x6c4: {  	s6 =	simm.s32 $0x1EF80;
	s18 =	sld [smem:$0x7BE]  }
0x6c5: {  	[tilespmem:s6], [sflag:$0x2] =	stream.linear.gather [hbm4b:s15+s4], $0x80, $0x38;
	[tilespmem:$0x1F700] =	vst v63  }
0x6c6: {  	s16 =	simm.s32 $0x1F080;
	s15 =	sld [smem:$0x7BF]  }
0x6c7: {  	[tilespmem:s16], [sflag:$0x2] =	stream.linear.gather [hbm4b:s18+s4], $0x80, $0x38;
	[tilespmem:$0x1F700] =	vst v63  }
0x6c8: {  	s6 =	simm.s32 $0x1F180;
	s18 =	sld [smem:$0x7C0]  }
0x6c9: {  	[tilespmem:s6], [sflag:$0x2] =	stream.linear.gather [hbm4b:s15+s4], $0x80, $0x38;
	[tilespmem:$0x1F700] =	vst v63  }
0x6ca: {  	s16 =	simm.s32 $0x1F280;
	s15 =	sld [smem:$0x7C1]  }
0x6cb: {  	[tilespmem:s16], [sflag:$0x2] =	stream.linear.gather [hbm4b:s18+s4], $0x80, $0x38;
	[tilespmem:$0x1F700] =	vst v63  }
0x6cc: {  	s6 =	simm.s32 $0x1F380;
	s18 =	sld [smem:$0x7C2]  }
0x6cd: {  	[tilespmem:s6], [sflag:$0x2] =	stream.linear.gather [hbm4b:s15+s4], $0x80, $0x38;
	[tilespmem:$0x1F700] =	vst v63  }
0x6ce: {  	s16 =	simm.s32 $0x1F480;
	s6 =	sld [smem:$0x7C3]  }
0x6cf: {  	[tilespmem:s16], [sflag:$0x2] =	stream.linear.gather [hbm4b:s18+s4], $0x80, $0x38;
	[tilespmem:$0x1F700] =	vst v63  }
0x6d0: {  	s3 =	simm.s32 $0x1F580;
	s16 =	sld [smem:$0x7C4]  }
0x6d1: {  	[tilespmem:s3], [sflag:$0x2] =	stream.linear.gather [hbm4b:s6+s4], $0x80, $0x38;
	[tilespmem:$0x1F700] =	vst v63  }
0x6d2: {  	s15 =	simm.s32 $0x1F680  }
0x6d3: {  	[tilespmem:s15], [sflag:$0x2] =	stream.linear.gather [hbm4b:s16+s4], $0x80, $0x38;
	[tilespmem:$0x1F700] =	vst v63  }
0x6d4: {  	s18 =	rddreg [dreg:$0x7]  }
0x6d5: {  	[tilespmem:s20], [sflag:$0x3] =	stream.linear.gather [hbm4b:s18+s4], $0x2000, $0x38;
	[tilespmem:$0x1F700] =	vst v63  }
0x6d6: {  	_ =	swait.ge [sflag:s17], $0x2000  }
0x6d7: {  	[sflag:s17] =	ssyncset.done $0x0  }
0x6d8: {  	s6 =	simm.s32 $0x1C740;
	[sflag:s17] =	ssyncadd.s32 $0xFFFFE000  }
0x6d9: {  	v0 =	vld [tilespmem:s6+$0x30]  }
0x6da: {  	v1 =	vld [tilespmem:s6+$0xFFFFFFD0]  }
0x6db: {  	v2 =	vld [tilespmem:s6+$0xFFFFFFE0]  }
0x6dc: {  	v3 =	vld [tilespmem:s6+$0xFFFFFFF0]  }
0x6dd: {  	v4 =	vld [tilespmem:s6+$0x0]  }
0x6de: {  	v5 =	vld [tilespmem:s6+$0x10]  }
0x6df: {  	v6 =	vld [tilespmem:s6+$0x20]  }
0x6e0: {  	s16 =	simm.s32 $0x1E740;
	v7 =	vld [tilespmem:s6+$0xFFFFFFC0]  }
0x6e1: {  	s15 =	simm.s32 $0x1A770;
	v8 =	vld [tilespmem:s16+$0x30]  }
0x6e2: {  	v9 =	vld [tilespmem:s15+$0x0]  }
0x6e3: {  	v12 =	vld [tilespmem:s16+$0xFFFFFFE0]  }
0x6e4: {  	v13 =	vld [tilespmem:s16+$0xFFFFFFF0]  }
0x6e5: {  	v14 =	vld [tilespmem:s16+$0x0]  }
0x6e6: {  	v15 =	vld [tilespmem:s16+$0x10]  }
0x6e7: {  	v16 =	vld [tilespmem:s16+$0x20]  }
0x6e8: {  	v17 =	vld [tilespmem:s15+$0xFFFFFF90]  }
0x6e9: {  	v18 =	vld [tilespmem:s15+$0xFFFFFFA0]  }
0x6ea: {  	v0 =	vld.idx.msk [tilespmem:v0+s4+$0x0], $0xffff  }
0x6eb: {  	v1 =	vld.idx.msk [tilespmem:v1+s4+$0x0], $0xffff  }
0x6ec: {  	v2 =	vld.idx.msk [tilespmem:v2+s4+$0x0], $0xffff  }
0x6ed: {  	v7 =	vld.idx.msk [tilespmem:v7+s4+$0x0], $0xffff  }
0x6ee: {  	v10 =	vld.idx.msk [tilespmem:v5+s4+$0x0], $0xffff  }
0x6ef: {  	v11 =	vld.idx.msk [tilespmem:v6+s4+$0x0], $0xffff  }
0x6f0: {  	v5 =	vld [tilespmem:s16+$0xFFFFFFC0]  }
0x6f1: {  	v6 =	vld [tilespmem:s16+$0xFFFFFFD0];
	v0 =	vmul.f32 v8, v0  }
0x6f2: {  	v4 =	vld.idx.msk [tilespmem:v4+s4+$0x0], $0xffff  }
0x6f3: {  	v3 =	vld.idx.msk [tilespmem:v3+s4+$0x0], $0xffff;
	v0 =	vadd.f32 v0, v9  }
0x6f4: {  	v9 =	vld [tilespmem:s15+$0xFFFFFFB0]  }
0x6f5: {  	v19 =	vmul.f32 v5, v7;
	v7 =	vld [tilespmem:s15+$0xFFFFFFC0];
	v0 =	vmax.f32 v0, $-1.000000000e+00  }
0x6f6: {  	v20 =	vmul.f32 v6, v1;
	v8 =	vmul.f32 v12, v2;
	v5 =	vld [tilespmem:s15+$0xFFFFFFD0];
	v0 =	vmin.f32 v0, $1.000000000e+00  }
0x6f7: {  	v2 =	vmul.f32 v14, v4;
	v4 =	vld [tilespmem:s15+$0xFFFFFFE0];
	[tilespmem:s15+$0x0] =	vst v0;
	v0 =	vmul.f32 v16, v11;
	v11 =	vadd.f32 v19, v17  }
0x6f8: {  	s18 =	simm.s32 $0x1C7C0;
	s6 =	simm.s32 $0x0;
	v6 =	vmul.f32 v13, v3;
	v1 =	vmul.f32 v15, v10;
	v3 =	vld [tilespmem:s15+$0xFFFFFFF0];
	v10 =	vadd.f32 v20, v18  }
.LBB2_42:
0x6f9: {  	v12 =	vld [tilespmem:s18+$0x30];
	s6 =	sadd.s32 $0x8, s6;
	v11 =	vmax.f32 v11, $-1.000000000e+00;
	v8 =	vadd.f32 v8, v9  }
0x6fa: {  	v9 =	vld [tilespmem:s18+$0xFFFFFFD0];
	p0 =	slt.u32 s6, $0x78;
	v11 =	vmin.f32 v11, $1.000000000e+00;
	v10 =	vmax.f32 v10, $-1.000000000e+00;
	v6 =	vadd.f32 v6, v7  }
0x6fb: {  	v7 =	vld [tilespmem:s18+$0xFFFFFFE0];
	[tilespmem:s15+$0xFFFFFF90] =	vst v11;
	v10 =	vmin.f32 v10, $1.000000000e+00;
	v8 =	vmax.f32 v8, $-1.000000000e+00;
	v2 =	vadd.f32 v2, v5  }
0x6fc: {  	v5 =	vld [tilespmem:s18+$0xFFFFFFF0];
	[tilespmem:s15+$0xFFFFFFA0] =	vst v10;
	v8 =	vmin.f32 v8, $1.000000000e+00;
	v6 =	vmax.f32 v6, $-1.000000000e+00;
	v1 =	vadd.f32 v1, v4  }
0x6fd: {  	v4 =	vld [tilespmem:s18+$0x0];
	[tilespmem:s15+$0xFFFFFFB0] =	vst v8;
	v6 =	vmin.f32 v6, $1.000000000e+00;
	v2 =	vmax.f32 v2, $-1.000000000e+00;
	v0 =	vadd.f32 v0, v3  }
0x6fe: {  	v3 =	vld [tilespmem:s18+$0x10];
	[tilespmem:s15+$0xFFFFFFC0] =	vst v6;
	v2 =	vmin.f32 v2, $1.000000000e+00;
	v1 =	vmax.f32 v1, $-1.000000000e+00  }
0x6ff: {  	v6 =	vld [tilespmem:s18+$0x20];
	[tilespmem:s15+$0xFFFFFFD0] =	vst v2;
	v1 =	vmin.f32 v1, $1.000000000e+00;
	v0 =	vmax.f32 v0, $-1.000000000e+00  }
0x700: {  	v2 =	vld [tilespmem:s18+$0xFFFFFFC0];
	[tilespmem:s15+$0xFFFFFFE0] =	vst v1;
	v0 =	vmin.f32 v0, $1.000000000e+00  }
0x701: {  	s16 =	sadd.s32 $0x100, s16;
	v1 =	vld.idx.msk [tilespmem:v12+s4+$0x0], $0xffff;
	[tilespmem:s15+$0xFFFFFFF0] =	vst v0  }
0x702: {  	v0 =	vld [tilespmem:s16+$0x30]  }
0x703: {  	s15 =	sadd.s32 $0x80, s15;
	v8 =	vld.idx.msk [tilespmem:v9+s4+$0x0], $0xffff  }
0x704: {  	v9 =	vld [tilespmem:s15+$0x0]  }
0x705: {  	v7 =	vld.idx.msk [tilespmem:v7+s4+$0x0], $0xffff  }
0x706: {  	v5 =	vld.idx.msk [tilespmem:v5+s4+$0x0], $0xffff  }
0x707: {  	v4 =	vld.idx.msk [tilespmem:v4+s4+$0x0], $0xffff;
	v0 =	vmul.f32 v0, v1  }
0x708: {  	v1 =	vld.idx.msk [tilespmem:v2+s4+$0x0], $0xffff  }
0x709: {  	v3 =	vld.idx.msk [tilespmem:v3+s4+$0x0], $0xffff;
	v0 =	vadd.f32 v0, v9  }
0x70a: {  	v10 =	vld.idx.msk [tilespmem:v6+s4+$0x0], $0xffff  }
0x70b: {  	v2 =	vld [tilespmem:s16+$0xFFFFFFC0];
	v0 =	vmax.f32 v0, $-1.000000000e+00  }
0x70c: {  	v6 =	vld [tilespmem:s16+$0xFFFFFFD0];
	v0 =	vmin.f32 v0, $1.000000000e+00  }
0x70d: {  	v9 =	vld [tilespmem:s16+$0xFFFFFFE0];
	[tilespmem:s15+$0x0] =	vst v0  }
0x70e: {  	v0 =	vld [tilespmem:s16+$0xFFFFFFF0]  }
0x70f: {  	v11 =	vld [tilespmem:s16+$0x0]  }
0x710: {  	v12 =	vmul.f32 v2, v1;
	v1 =	vld [tilespmem:s16+$0x10]  }
0x711: {  	v13 =	vmul.f32 v6, v8;
	v14 =	vld [tilespmem:s16+$0x20]  }
0x712: {  	v15 =	vld [tilespmem:s15+$0xFFFFFF90];
	v8 =	vmul.f32 v9, v7  }
0x713: {  	v16 =	vld [tilespmem:s15+$0xFFFFFFA0];
	v6 =	vmul.f32 v0, v5  }
.Ltmp20:
0x714: {  	v9 =	vld [tilespmem:s15+$0xFFFFFFB0];
	v2 =	vmul.f32 v11, v4;
	(pc) =	sbr.rel @p0 .LBB2_42-.Ltmp20, $4  }
0x715: {  	v7 =	vld [tilespmem:s15+$0xFFFFFFC0];
	v1 =	vmul.f32 v1, v3  }
0x716: {  	v5 =	vld [tilespmem:s15+$0xFFFFFFD0];
	v0 =	vmul.f32 v14, v10  }
0x717: {  	v11 =	vadd.f32 v12, v15;
	v4 =	vld [tilespmem:s15+$0xFFFFFFE0]  }
0x718: {  	s18 =	sadd.s32 $0x80, s18;
	v10 =	vadd.f32 v13, v16;
	v3 =	vld [tilespmem:s15+$0xFFFFFFF0]  }
0x719: {  	v11 =	vmax.f32 v11, $-1.000000000e+00;
	v8 =	vadd.f32 v8, v9  }
0x71a: {  	v9 =	vmin.f32 v11, $1.000000000e+00;
	v10 =	vmax.f32 v10, $-1.000000000e+00;
	v6 =	vadd.f32 v6, v7  }
0x71b: {  	[tilespmem:s15+$0xFFFFFF90] =	vst v9;
	v7 =	vmin.f32 v10, $1.000000000e+00;
	v8 =	vmax.f32 v8, $-1.000000000e+00;
	v2 =	vadd.f32 v2, v5  }
0x71c: {  	[tilespmem:s15+$0xFFFFFFA0] =	vst v7;
	v5 =	vmin.f32 v8, $1.000000000e+00;
	v6 =	vmax.f32 v6, $-1.000000000e+00;
	v1 =	vadd.f32 v1, v4  }
0x71d: {  	[tilespmem:s15+$0xFFFFFFB0] =	vst v5;
	v4 =	vmin.f32 v6, $1.000000000e+00;
	v2 =	vmax.f32 v2, $-1.000000000e+00;
	v0 =	vadd.f32 v0, v3  }
0x71e: {  	[tilespmem:s15+$0xFFFFFFC0] =	vst v4;
	v2 =	vmin.f32 v2, $1.000000000e+00;
	v1 =	vmax.f32 v1, $-1.000000000e+00  }
0x71f: {  	[tilespmem:s15+$0xFFFFFFD0] =	vst v2;
	v1 =	vmin.f32 v1, $1.000000000e+00;
	v0 =	vmax.f32 v0, $-1.000000000e+00  }
0x720: {  	[tilespmem:s15+$0xFFFFFFE0] =	vst v1;
	v0 =	vmin.f32 v0, $1.000000000e+00  }
0x721: {  	[tilespmem:s15+$0xFFFFFFF0] =	vst v0  }
0x722: {  	_ =	swait.ge [sflag:s5], $0x800  }
0x723: {  	[sflag:s5] =	ssyncset.done $0x0  }
0x724: {  	s3 =	sld [smem:$0x7A7];
	[sflag:s5] =	ssyncadd.s32 $0xFFFFF800  }
0x725: {  	[tilespmem:s21], [sflag:$0x2] =	stream.linear.gather [hbm4b:s13+s4], $0x80, $0x38;
	[tilespmem:$0x1F700] =	vst v63  }
0x726: {  	s1 =	simm.s32 $0x1E800;
	s15 =	sld [smem:$0x7A8]  }
0x727: {  	[tilespmem:s1], [sflag:$0x2] =	stream.linear.gather [hbm4b:s3+s4], $0x80, $0x38;
	[tilespmem:$0x1F700] =	vst v63  }
0x728: {  	s6 =	simm.s32 $0x1E900;
	s18 =	sld [smem:$0x7A9]  }
0x729: {  	[tilespmem:s6], [sflag:$0x2] =	stream.linear.gather [hbm4b:s15+s4], $0x80, $0x38;
	[tilespmem:$0x1F700] =	vst v63  }
0x72a: {  	s16 =	simm.s32 $0x1EA00;
	s15 =	sld [smem:$0x7AA]  }
0x72b: {  	[tilespmem:s16], [sflag:$0x2] =	stream.linear.gather [hbm4b:s18+s4], $0x80, $0x38;
	[tilespmem:$0x1F700] =	vst v63  }
0x72c: {  	s6 =	simm.s32 $0x1EB00;
	s18 =	sld [smem:$0x7AB]  }
0x72d: {  	[tilespmem:s6], [sflag:$0x2] =	stream.linear.gather [hbm4b:s15+s4], $0x80, $0x38;
	[tilespmem:$0x1F700] =	vst v63  }
0x72e: {  	s16 =	simm.s32 $0x1EC00;
	s15 =	sld [smem:$0x7AC]  }
0x72f: {  	[tilespmem:s16], [sflag:$0x2] =	stream.linear.gather [hbm4b:s18+s4], $0x80, $0x38;
	[tilespmem:$0x1F700] =	vst v63  }
0x730: {  	s6 =	simm.s32 $0x1ED00;
	s18 =	sld [smem:$0x7AD]  }
0x731: {  	[tilespmem:s6], [sflag:$0x2] =	stream.linear.gather [hbm4b:s15+s4], $0x80, $0x38;
	[tilespmem:$0x1F700] =	vst v63  }
0x732: {  	s16 =	simm.s32 $0x1EE00;
	s15 =	sld [smem:$0x7AE]  }
0x733: {  	[tilespmem:s16], [sflag:$0x2] =	stream.linear.gather [hbm4b:s18+s4], $0x80, $0x38;
	[tilespmem:$0x1F700] =	vst v63  }
0x734: {  	s6 =	simm.s32 $0x1EF00;
	s18 =	sld [smem:$0x7AF]  }
0x735: {  	[tilespmem:s6], [sflag:$0x2] =	stream.linear.gather [hbm4b:s15+s4], $0x80, $0x38;
	[tilespmem:$0x1F700] =	vst v63  }
0x736: {  	s16 =	simm.s32 $0x1F000;
	s15 =	sld [smem:$0x7B0]  }
0x737: {  	[tilespmem:s16], [sflag:$0x2] =	stream.linear.gather [hbm4b:s18+s4], $0x80, $0x38;
	[tilespmem:$0x1F700] =	vst v63  }
0x738: {  	s6 =	simm.s32 $0x1F100;
	s18 =	sld [smem:$0x7B1]  }
0x739: {  	[tilespmem:s6], [sflag:$0x2] =	stream.linear.gather [hbm4b:s15+s4], $0x80, $0x38;
	[tilespmem:$0x1F700] =	vst v63  }
0x73a: {  	s16 =	simm.s32 $0x1F200;
	s15 =	sld [smem:$0x7B2]  }
0x73b: {  	[tilespmem:s16], [sflag:$0x2] =	stream.linear.gather [hbm4b:s18+s4], $0x80, $0x38;
	[tilespmem:$0x1F700] =	vst v63  }
0x73c: {  	s6 =	simm.s32 $0x1F300;
	s18 =	sld [smem:$0x7B3]  }
0x73d: {  	[tilespmem:s6], [sflag:$0x2] =	stream.linear.gather [hbm4b:s15+s4], $0x80, $0x38;
	[tilespmem:$0x1F700] =	vst v63  }
0x73e: {  	s16 =	simm.s32 $0x1F400;
	s15 =	sld [smem:$0x7B4]  }
0x73f: {  	[tilespmem:s16], [sflag:$0x2] =	stream.linear.gather [hbm4b:s18+s4], $0x80, $0x38;
	[tilespmem:$0x1F700] =	vst v63  }
0x740: {  	s6 =	simm.s32 $0x1F500;
	s18 =	sld [smem:$0x7B5]  }
0x741: {  	[tilespmem:s6], [sflag:$0x2] =	stream.linear.gather [hbm4b:s15+s4], $0x80, $0x38;
	[tilespmem:$0x1F700] =	vst v63  }
0x742: {  	s16 =	simm.s32 $0x1F600;
	s6 =	simm.s32 $0x1CF70  }
0x743: {  	[tilespmem:s16], [sflag:$0x2] =	stream.linear.gather [hbm4b:s18+s4], $0x80, $0x38;
	[tilespmem:$0x1F700] =	vst v63  }
0x744: {  	v0 =	vld [tilespmem:s6+$0x0]  }
0x745: {  	v1 =	vld [tilespmem:s6+$0xFFFFFFA0]  }
0x746: {  	v2 =	vld [tilespmem:s6+$0xFFFFFFB0]  }
0x747: {  	v3 =	vld [tilespmem:s6+$0xFFFFFFC0]  }
0x748: {  	v4 =	vld [tilespmem:s6+$0xFFFFFFD0]  }
0x749: {  	v5 =	vld [tilespmem:s6+$0xFFFFFFE0]  }
0x74a: {  	v6 =	vld [tilespmem:s6+$0xFFFFFFF0]  }
0x74b: {  	s15 =	simm.s32 $0x1E7F0;
	v7 =	vld [tilespmem:s6+$0xFFFFFF90]  }
0x74c: {  	v8 =	vld [tilespmem:s15+$0x0]  }
0x74d: {  	v12 =	vld [tilespmem:s15+$0xFFFFFFB0]  }
0x74e: {  	v13 =	vld [tilespmem:s15+$0xFFFFFFC0]  }
0x74f: {  	v14 =	vld [tilespmem:s15+$0xFFFFFFD0]  }
0x750: {  	v15 =	vld [tilespmem:s15+$0xFFFFFFE0]  }
0x751: {  	s6 =	simm.s32 $0x1AF70;
	v16 =	vld [tilespmem:s15+$0xFFFFFFF0]  }
0x752: {  	v9 =	vld [tilespmem:s6+$0x0]  }
0x753: {  	v17 =	vld [tilespmem:s6+$0xFFFFFF90]  }
0x754: {  	v18 =	vld [tilespmem:s6+$0xFFFFFFA0]  }
0x755: {  	v0 =	vld.idx.msk [tilespmem:v0+s4+$0x0], $0xffff  }
0x756: {  	v1 =	vld.idx.msk [tilespmem:v1+s4+$0x0], $0xffff  }
0x757: {  	v2 =	vld.idx.msk [tilespmem:v2+s4+$0x0], $0xffff  }
0x758: {  	v7 =	vld.idx.msk [tilespmem:v7+s4+$0x0], $0xffff  }
0x759: {  	v10 =	vld.idx.msk [tilespmem:v5+s4+$0x0], $0xffff  }
0x75a: {  	v11 =	vld.idx.msk [tilespmem:v6+s4+$0x0], $0xffff  }
0x75b: {  	v5 =	vld [tilespmem:s15+$0xFFFFFF90]  }
0x75c: {  	v6 =	vld [tilespmem:s15+$0xFFFFFFA0];
	v0 =	vmul.f32 v8, v0  }
0x75d: {  	v4 =	vld.idx.msk [tilespmem:v4+s4+$0x0], $0xffff  }
0x75e: {  	v3 =	vld.idx.msk [tilespmem:v3+s4+$0x0], $0xffff;
	v0 =	vadd.f32 v0, v9  }
0x75f: {  	v9 =	vld [tilespmem:s6+$0xFFFFFFB0]  }
0x760: {  	v19 =	vmul.f32 v5, v7;
	v7 =	vld [tilespmem:s6+$0xFFFFFFC0];
	v0 =	vmax.f32 v0, $-1.000000000e+00  }
0x761: {  	v20 =	vmul.f32 v6, v1;
	v8 =	vmul.f32 v12, v2;
	v5 =	vld [tilespmem:s6+$0xFFFFFFD0];
	v0 =	vmin.f32 v0, $1.000000000e+00  }
0x762: {  	v2 =	vmul.f32 v14, v4;
	v4 =	vld [tilespmem:s6+$0xFFFFFFE0];
	[tilespmem:s6+$0x0] =	vst v0;
	v0 =	vmul.f32 v16, v11;
	v11 =	vadd.f32 v19, v17  }
0x763: {  	s16 =	simm.s32 $0x0;
	s18 =	simm.s32 $0x1CFF0;
	v6 =	vmul.f32 v13, v3;
	v1 =	vmul.f32 v15, v10;
	v3 =	vld [tilespmem:s6+$0xFFFFFFF0];
	v10 =	vadd.f32 v20, v18  }
.LBB2_44:
0x764: {  	v12 =	vld [tilespmem:s18+$0x0];
	s16 =	sadd.s32 $0x8, s16;
	v11 =	vmax.f32 v11, $-1.000000000e+00;
	v8 =	vadd.f32 v8, v9  }
0x765: {  	v9 =	vld [tilespmem:s18+$0xFFFFFFA0];
	p0 =	slt.u32 s16, $0x78;
	v11 =	vmin.f32 v11, $1.000000000e+00;
	v10 =	vmax.f32 v10, $-1.000000000e+00;
	v6 =	vadd.f32 v6, v7  }
0x766: {  	v7 =	vld [tilespmem:s18+$0xFFFFFFB0];
	[tilespmem:s6+$0xFFFFFF90] =	vst v11;
	v10 =	vmin.f32 v10, $1.000000000e+00;
	v8 =	vmax.f32 v8, $-1.000000000e+00;
	v2 =	vadd.f32 v2, v5  }
0x767: {  	v5 =	vld [tilespmem:s18+$0xFFFFFFC0];
	[tilespmem:s6+$0xFFFFFFA0] =	vst v10;
	v8 =	vmin.f32 v8, $1.000000000e+00;
	v6 =	vmax.f32 v6, $-1.000000000e+00;
	v1 =	vadd.f32 v1, v4  }
0x768: {  	v4 =	vld [tilespmem:s18+$0xFFFFFFD0];
	[tilespmem:s6+$0xFFFFFFB0] =	vst v8;
	v6 =	vmin.f32 v6, $1.000000000e+00;
	v2 =	vmax.f32 v2, $-1.000000000e+00;
	v0 =	vadd.f32 v0, v3  }
0x769: {  	v3 =	vld [tilespmem:s18+$0xFFFFFFE0];
	[tilespmem:s6+$0xFFFFFFC0] =	vst v6;
	v2 =	vmin.f32 v2, $1.000000000e+00;
	v1 =	vmax.f32 v1, $-1.000000000e+00  }
0x76a: {  	v6 =	vld [tilespmem:s18+$0xFFFFFFF0];
	[tilespmem:s6+$0xFFFFFFD0] =	vst v2;
	v1 =	vmin.f32 v1, $1.000000000e+00;
	v0 =	vmax.f32 v0, $-1.000000000e+00  }
0x76b: {  	v2 =	vld [tilespmem:s18+$0xFFFFFF90];
	[tilespmem:s6+$0xFFFFFFE0] =	vst v1;
	v0 =	vmin.f32 v0, $1.000000000e+00  }
0x76c: {  	s15 =	sadd.s32 $0x100, s15;
	v1 =	vld.idx.msk [tilespmem:v12+s4+$0x0], $0xffff;
	[tilespmem:s6+$0xFFFFFFF0] =	vst v0  }
0x76d: {  	v0 =	vld [tilespmem:s15+$0x0]  }
0x76e: {  	s6 =	sadd.s32 $0x80, s6;
	v8 =	vld.idx.msk [tilespmem:v9+s4+$0x0], $0xffff  }
0x76f: {  	v9 =	vld [tilespmem:s6+$0x0]  }
0x770: {  	v7 =	vld.idx.msk [tilespmem:v7+s4+$0x0], $0xffff  }
0x771: {  	v5 =	vld.idx.msk [tilespmem:v5+s4+$0x0], $0xffff  }
0x772: {  	v4 =	vld.idx.msk [tilespmem:v4+s4+$0x0], $0xffff;
	v0 =	vmul.f32 v0, v1  }
0x773: {  	v1 =	vld.idx.msk [tilespmem:v2+s4+$0x0], $0xffff  }
0x774: {  	v3 =	vld.idx.msk [tilespmem:v3+s4+$0x0], $0xffff;
	v0 =	vadd.f32 v0, v9  }
0x775: {  	v10 =	vld.idx.msk [tilespmem:v6+s4+$0x0], $0xffff  }
0x776: {  	v2 =	vld [tilespmem:s15+$0xFFFFFF90];
	v0 =	vmax.f32 v0, $-1.000000000e+00  }
0x777: {  	v6 =	vld [tilespmem:s15+$0xFFFFFFA0];
	v0 =	vmin.f32 v0, $1.000000000e+00  }
0x778: {  	v9 =	vld [tilespmem:s15+$0xFFFFFFB0];
	[tilespmem:s6+$0x0] =	vst v0  }
0x779: {  	v0 =	vld [tilespmem:s15+$0xFFFFFFC0]  }
0x77a: {  	v11 =	vld [tilespmem:s15+$0xFFFFFFD0]  }
0x77b: {  	v12 =	vmul.f32 v2, v1;
	v1 =	vld [tilespmem:s15+$0xFFFFFFE0]  }
0x77c: {  	v13 =	vmul.f32 v6, v8;
	v14 =	vld [tilespmem:s15+$0xFFFFFFF0]  }
0x77d: {  	v15 =	vld [tilespmem:s6+$0xFFFFFF90];
	v8 =	vmul.f32 v9, v7  }
0x77e: {  	v16 =	vld [tilespmem:s6+$0xFFFFFFA0];
	v6 =	vmul.f32 v0, v5  }
.Ltmp21:
0x77f: {  	v9 =	vld [tilespmem:s6+$0xFFFFFFB0];
	v2 =	vmul.f32 v11, v4;
	(pc) =	sbr.rel @p0 .LBB2_44-.Ltmp21, $4  }
0x780: {  	v7 =	vld [tilespmem:s6+$0xFFFFFFC0];
	v1 =	vmul.f32 v1, v3  }
0x781: {  	v5 =	vld [tilespmem:s6+$0xFFFFFFD0];
	v0 =	vmul.f32 v14, v10  }
0x782: {  	v11 =	vadd.f32 v12, v15;
	v4 =	vld [tilespmem:s6+$0xFFFFFFE0]  }
0x783: {  	s18 =	sadd.s32 $0x80, s18;
	v10 =	vadd.f32 v13, v16;
	v3 =	vld [tilespmem:s6+$0xFFFFFFF0]  }
0x784: {  	v11 =	vmax.f32 v11, $-1.000000000e+00;
	v8 =	vadd.f32 v8, v9  }
0x785: {  	v9 =	vmin.f32 v11, $1.000000000e+00;
	v10 =	vmax.f32 v10, $-1.000000000e+00;
	v6 =	vadd.f32 v6, v7  }
0x786: {  	[tilespmem:s6+$0xFFFFFF90] =	vst v9;
	v7 =	vmin.f32 v10, $1.000000000e+00;
	v8 =	vmax.f32 v8, $-1.000000000e+00;
	v2 =	vadd.f32 v2, v5  }
0x787: {  	[tilespmem:s6+$0xFFFFFFA0] =	vst v7;
	v5 =	vmin.f32 v8, $1.000000000e+00;
	v6 =	vmax.f32 v6, $-1.000000000e+00;
	v1 =	vadd.f32 v1, v4  }
0x788: {  	[tilespmem:s6+$0xFFFFFFB0] =	vst v5;
	v4 =	vmin.f32 v6, $1.000000000e+00;
	v2 =	vmax.f32 v2, $-1.000000000e+00;
	v0 =	vadd.f32 v0, v3  }
0x789: {  	[tilespmem:s6+$0xFFFFFFC0] =	vst v4;
	v2 =	vmin.f32 v2, $1.000000000e+00;
	v1 =	vmax.f32 v1, $-1.000000000e+00  }
0x78a: {  	[tilespmem:s6+$0xFFFFFFD0] =	vst v2;
	v1 =	vmin.f32 v1, $1.000000000e+00;
	v0 =	vmax.f32 v0, $-1.000000000e+00  }
0x78b: {  	[tilespmem:s6+$0xFFFFFFE0] =	vst v1;
	v0 =	vmin.f32 v0, $1.000000000e+00  }
0x78c: {  	[tilespmem:s6+$0xFFFFFFF0] =	vst v0  }
0x78d: {  	_ =	swait.ge [sflag:s5], $0x800  }
0x78e: {  	[sflag:s5] =	ssyncset.done $0x0  }
0x78f: {  	s16 =	simm.s32 $0x1E780;
	s1 =	sld [smem:$0x7A3];
	[sflag:s5] =	ssyncadd.s32 $0xFFFFF800  }
0x790: {  	[tilespmem:s16], [sflag:$0x2] =	stream.linear.gather [hbm4b:s14+s4], $0x80, $0x38;
	[tilespmem:$0x1F700] =	vst v63  }
0x791: {  	s18 =	simm.s32 $0x1E880;
	s3 =	sld [smem:$0x7A4]  }
0x792: {  	[tilespmem:s18], [sflag:$0x2] =	stream.linear.gather [hbm4b:s1+s4], $0x80, $0x38;
	[tilespmem:$0x1F700] =	vst v63  }
0x793: {  	s15 =	simm.s32 $0x1E980  }
0x794: {  	[tilespmem:s15], [sflag:$0x2] =	stream.linear.gather [hbm4b:s3+s4], $0x80, $0x38;
	[tilespmem:$0x1F700] =	vst v63  }
0x795: {  	s15 =	sld [smem:$0x7A5];
	_ =	sdelay $0x1  }
0x796: {  	s6 =	simm.s32 $0x1EA80  }
0x797: {  	[tilespmem:s6], [sflag:$0x2] =	stream.linear.gather [hbm4b:s15+s4], $0x80, $0x38;
	[tilespmem:$0x1F700] =	vst v63  }
0x798: {  	s6 =	sld [smem:$0x7A6];
	_ =	sdelay $0x1  }
0x799: {  	s3 =	simm.s32 $0x1EB80  }
0x79a: {  	[tilespmem:s3], [sflag:$0x2] =	stream.linear.gather [hbm4b:s6+s4], $0x80, $0x38;
	[tilespmem:$0x1F700] =	vst v63  }
0x79b: {  	s15 =	simm.s32 $0x1EC80  }
0x79c: {  	[tilespmem:s15], [sflag:$0x2] =	stream.linear.gather [hbm4b:s22+s4], $0x80, $0x38;
	[tilespmem:$0x1F700] =	vst v63  }
0x79d: {  	s3 =	simm.s32 $0x1ED80  }
0x79e: {  	[tilespmem:s3], [sflag:$0x2] =	stream.linear.gather [hbm4b:s23+s4], $0x80, $0x38;
	[tilespmem:$0x1F700] =	vst v63  }
0x79f: {  	s6 =	simm.s32 $0x1EE80  }
0x7a0: {  	[tilespmem:s6], [sflag:$0x2] =	stream.linear.gather [hbm4b:s24+s4], $0x80, $0x38;
	[tilespmem:$0x1F700] =	vst v63  }
0x7a1: {  	s15 =	simm.s32 $0x1EF80  }
0x7a2: {  	[tilespmem:s15], [sflag:$0x2] =	stream.linear.gather [hbm4b:s25+s4], $0x80, $0x38;
	[tilespmem:$0x1F700] =	vst v63  }
0x7a3: {  	s22 =	simm.s32 $0x1F080  }
0x7a4: {  	[tilespmem:s22], [sflag:$0x2] =	stream.linear.gather [hbm4b:s26+s4], $0x80, $0x38;
	[tilespmem:$0x1F700] =	vst v63  }
0x7a5: {  	s23 =	simm.s32 $0x1F180  }
0x7a6: {  	[tilespmem:s23], [sflag:$0x2] =	stream.linear.gather [hbm4b:s28+s4], $0x80, $0x38;
	[tilespmem:$0x1F700] =	vst v63  }
0x7a7: {  	s24 =	simm.s32 $0x1F280  }
0x7a8: {  	[tilespmem:s24], [sflag:$0x2] =	stream.linear.gather [hbm4b:s30+s4], $0x80, $0x38;
	[tilespmem:$0x1F700] =	vst v63  }
0x7a9: {  	s25 =	simm.s32 $0x1F380  }
0x7aa: {  	[tilespmem:s25], [sflag:$0x2] =	stream.linear.gather [hbm4b:s31+s4], $0x80, $0x38;
	[tilespmem:$0x1F700] =	vst v63  }
0x7ab: {  	s26 =	simm.s32 $0x1F480  }
0x7ac: {  	[tilespmem:s26], [sflag:$0x2] =	stream.linear.gather [hbm4b:s0+s4], $0x80, $0x38;
	[tilespmem:$0x1F700] =	vst v63  }
0x7ad: {  	s28 =	simm.s32 $0x1F580  }
0x7ae: {  	[tilespmem:s28], [sflag:$0x2] =	stream.linear.gather [hbm4b:s2+s4], $0x80, $0x38;
	[tilespmem:$0x1F700] =	vst v63  }
0x7af: {  	s30 =	simm.s32 $0x1F680;
	s31 =	simm.s32 $0x1D770  }
0x7b0: {  	[tilespmem:s30], [sflag:$0x2] =	stream.linear.gather [hbm4b:s7+s4], $0x80, $0x38;
	[tilespmem:$0x1F700] =	vst v63  }
0x7b1: {  	v0 =	vld [tilespmem:s31+$0x0]  }
0x7b2: {  	v1 =	vld [tilespmem:s31+$0xFFFFFFA0]  }
0x7b3: {  	v2 =	vld [tilespmem:s31+$0xFFFFFFB0]  }
0x7b4: {  	v3 =	vld [tilespmem:s31+$0xFFFFFFC0]  }
0x7b5: {  	v4 =	vld [tilespmem:s31+$0xFFFFFFD0]  }
0x7b6: {  	v5 =	vld [tilespmem:s31+$0xFFFFFFE0]  }
0x7b7: {  	v6 =	vld [tilespmem:s31+$0xFFFFFFF0]  }
0x7b8: {  	s1 =	simm.s32 $0x1E740;
	v7 =	vld [tilespmem:s31+$0xFFFFFF90]  }
0x7b9: {  	s0 =	simm.s32 $0x1B770;
	v8 =	vld [tilespmem:s1+$0x30]  }
0x7ba: {  	v9 =	vld [tilespmem:s0+$0x0]  }
0x7bb: {  	v12 =	vld [tilespmem:s1+$0xFFFFFFE0]  }
0x7bc: {  	v13 =	vld [tilespmem:s1+$0xFFFFFFF0]  }
0x7bd: {  	v14 =	vld [tilespmem:s1+$0x0]  }
0x7be: {  	v15 =	vld [tilespmem:s1+$0x10]  }
0x7bf: {  	v16 =	vld [tilespmem:s1+$0x20]  }
0x7c0: {  	v17 =	vld [tilespmem:s0+$0xFFFFFF90]  }
0x7c1: {  	v18 =	vld [tilespmem:s0+$0xFFFFFFA0]  }
0x7c2: {  	v0 =	vld.idx.msk [tilespmem:v0+s4+$0x0], $0xffff  }
0x7c3: {  	v1 =	vld.idx.msk [tilespmem:v1+s4+$0x0], $0xffff  }
0x7c4: {  	v2 =	vld.idx.msk [tilespmem:v2+s4+$0x0], $0xffff  }
0x7c5: {  	v7 =	vld.idx.msk [tilespmem:v7+s4+$0x0], $0xffff  }
0x7c6: {  	v10 =	vld.idx.msk [tilespmem:v5+s4+$0x0], $0xffff  }
0x7c7: {  	v11 =	vld.idx.msk [tilespmem:v6+s4+$0x0], $0xffff  }
0x7c8: {  	v5 =	vld [tilespmem:s1+$0xFFFFFFC0]  }
0x7c9: {  	v6 =	vld [tilespmem:s1+$0xFFFFFFD0];
	v0 =	vmul.f32 v8, v0  }
0x7ca: {  	v4 =	vld.idx.msk [tilespmem:v4+s4+$0x0], $0xffff  }
0x7cb: {  	v3 =	vld.idx.msk [tilespmem:v3+s4+$0x0], $0xffff;
	v0 =	vadd.f32 v0, v9  }
0x7cc: {  	v9 =	vld [tilespmem:s0+$0xFFFFFFB0]  }
0x7cd: {  	v19 =	vmul.f32 v5, v7;
	v7 =	vld [tilespmem:s0+$0xFFFFFFC0];
	v0 =	vmax.f32 v0, $-1.000000000e+00  }
0x7ce: {  	v20 =	vmul.f32 v6, v1;
	v8 =	vmul.f32 v12, v2;
	v5 =	vld [tilespmem:s0+$0xFFFFFFD0];
	v0 =	vmin.f32 v0, $1.000000000e+00  }
0x7cf: {  	v2 =	vmul.f32 v14, v4;
	v4 =	vld [tilespmem:s0+$0xFFFFFFE0];
	[tilespmem:s0+$0x0] =	vst v0;
	v0 =	vmul.f32 v16, v11;
	v11 =	vadd.f32 v19, v17  }
0x7d0: {  	s3 =	simm.s32 $0x1D7F0;
	s2 =	simm.s32 $0x0;
	v6 =	vmul.f32 v13, v3;
	v1 =	vmul.f32 v15, v10;
	v3 =	vld [tilespmem:s0+$0xFFFFFFF0];
	v10 =	vadd.f32 v20, v18  }
.LBB2_46:
0x7d1: {  	v12 =	vld [tilespmem:s3+$0x0];
	s2 =	sadd.s32 $0x8, s2;
	v11 =	vmax.f32 v11, $-1.000000000e+00;
	v8 =	vadd.f32 v8, v9  }
0x7d2: {  	v9 =	vld [tilespmem:s3+$0xFFFFFFA0];
	p0 =	slt.u32 s2, $0x78;
	v11 =	vmin.f32 v11, $1.000000000e+00;
	v10 =	vmax.f32 v10, $-1.000000000e+00;
	v6 =	vadd.f32 v6, v7  }
0x7d3: {  	v7 =	vld [tilespmem:s3+$0xFFFFFFB0];
	[tilespmem:s0+$0xFFFFFF90] =	vst v11;
	v10 =	vmin.f32 v10, $1.000000000e+00;
	v8 =	vmax.f32 v8, $-1.000000000e+00;
	v2 =	vadd.f32 v2, v5  }
0x7d4: {  	v5 =	vld [tilespmem:s3+$0xFFFFFFC0];
	[tilespmem:s0+$0xFFFFFFA0] =	vst v10;
	v8 =	vmin.f32 v8, $1.000000000e+00;
	v6 =	vmax.f32 v6, $-1.000000000e+00;
	v1 =	vadd.f32 v1, v4  }
0x7d5: {  	v4 =	vld [tilespmem:s3+$0xFFFFFFD0];
	[tilespmem:s0+$0xFFFFFFB0] =	vst v8;
	v6 =	vmin.f32 v6, $1.000000000e+00;
	v2 =	vmax.f32 v2, $-1.000000000e+00;
	v0 =	vadd.f32 v0, v3  }
0x7d6: {  	v3 =	vld [tilespmem:s3+$0xFFFFFFE0];
	[tilespmem:s0+$0xFFFFFFC0] =	vst v6;
	v2 =	vmin.f32 v2, $1.000000000e+00;
	v1 =	vmax.f32 v1, $-1.000000000e+00  }
0x7d7: {  	v6 =	vld [tilespmem:s3+$0xFFFFFFF0];
	[tilespmem:s0+$0xFFFFFFD0] =	vst v2;
	v1 =	vmin.f32 v1, $1.000000000e+00;
	v0 =	vmax.f32 v0, $-1.000000000e+00  }
0x7d8: {  	v2 =	vld [tilespmem:s3+$0xFFFFFF90];
	[tilespmem:s0+$0xFFFFFFE0] =	vst v1;
	v0 =	vmin.f32 v0, $1.000000000e+00  }
0x7d9: {  	s1 =	sadd.s32 $0x100, s1;
	v1 =	vld.idx.msk [tilespmem:v12+s4+$0x0], $0xffff;
	[tilespmem:s0+$0xFFFFFFF0] =	vst v0  }
0x7da: {  	v0 =	vld [tilespmem:s1+$0x30]  }
0x7db: {  	s0 =	sadd.s32 $0x80, s0;
	v8 =	vld.idx.msk [tilespmem:v9+s4+$0x0], $0xffff  }
0x7dc: {  	v9 =	vld [tilespmem:s0+$0x0]  }
0x7dd: {  	v7 =	vld.idx.msk [tilespmem:v7+s4+$0x0], $0xffff  }
0x7de: {  	v5 =	vld.idx.msk [tilespmem:v5+s4+$0x0], $0xffff  }
0x7df: {  	v4 =	vld.idx.msk [tilespmem:v4+s4+$0x0], $0xffff;
	v0 =	vmul.f32 v0, v1  }
0x7e0: {  	v1 =	vld.idx.msk [tilespmem:v2+s4+$0x0], $0xffff  }
0x7e1: {  	v3 =	vld.idx.msk [tilespmem:v3+s4+$0x0], $0xffff;
	v0 =	vadd.f32 v0, v9  }
0x7e2: {  	v10 =	vld.idx.msk [tilespmem:v6+s4+$0x0], $0xffff  }
0x7e3: {  	v2 =	vld [tilespmem:s1+$0xFFFFFFC0];
	v0 =	vmax.f32 v0, $-1.000000000e+00  }
0x7e4: {  	v6 =	vld [tilespmem:s1+$0xFFFFFFD0];
	v0 =	vmin.f32 v0, $1.000000000e+00  }
0x7e5: {  	v9 =	vld [tilespmem:s1+$0xFFFFFFE0];
	[tilespmem:s0+$0x0] =	vst v0  }
0x7e6: {  	v0 =	vld [tilespmem:s1+$0xFFFFFFF0]  }
0x7e7: {  	v11 =	vld [tilespmem:s1+$0x0]  }
0x7e8: {  	v12 =	vmul.f32 v2, v1;
	v1 =	vld [tilespmem:s1+$0x10]  }
0x7e9: {  	v13 =	vmul.f32 v6, v8;
	v14 =	vld [tilespmem:s1+$0x20]  }
0x7ea: {  	v15 =	vld [tilespmem:s0+$0xFFFFFF90];
	v8 =	vmul.f32 v9, v7  }
0x7eb: {  	v16 =	vld [tilespmem:s0+$0xFFFFFFA0];
	v6 =	vmul.f32 v0, v5  }
.Ltmp22:
0x7ec: {  	v9 =	vld [tilespmem:s0+$0xFFFFFFB0];
	v2 =	vmul.f32 v11, v4;
	(pc) =	sbr.rel @p0 .LBB2_46-.Ltmp22, $4  }
0x7ed: {  	v7 =	vld [tilespmem:s0+$0xFFFFFFC0];
	v1 =	vmul.f32 v1, v3  }
0x7ee: {  	v5 =	vld [tilespmem:s0+$0xFFFFFFD0];
	v0 =	vmul.f32 v14, v10  }
0x7ef: {  	v11 =	vadd.f32 v12, v15;
	v4 =	vld [tilespmem:s0+$0xFFFFFFE0]  }
0x7f0: {  	s3 =	sadd.s32 $0x80, s3;
	v10 =	vadd.f32 v13, v16;
	v3 =	vld [tilespmem:s0+$0xFFFFFFF0]  }
0x7f1: {  	v11 =	vmax.f32 v11, $-1.000000000e+00;
	v8 =	vadd.f32 v8, v9  }
0x7f2: {  	v9 =	vmin.f32 v11, $1.000000000e+00;
	v10 =	vmax.f32 v10, $-1.000000000e+00;
	v6 =	vadd.f32 v6, v7  }
0x7f3: {  	[tilespmem:s0+$0xFFFFFF90] =	vst v9;
	v7 =	vmin.f32 v10, $1.000000000e+00;
	v8 =	vmax.f32 v8, $-1.000000000e+00;
	v2 =	vadd.f32 v2, v5  }
0x7f4: {  	[tilespmem:s0+$0xFFFFFFA0] =	vst v7;
	v5 =	vmin.f32 v8, $1.000000000e+00;
	v6 =	vmax.f32 v6, $-1.000000000e+00;
	v1 =	vadd.f32 v1, v4  }
0x7f5: {  	[tilespmem:s0+$0xFFFFFFB0] =	vst v5;
	v4 =	vmin.f32 v6, $1.000000000e+00;
	v2 =	vmax.f32 v2, $-1.000000000e+00;
	v0 =	vadd.f32 v0, v3  }
0x7f6: {  	[tilespmem:s0+$0xFFFFFFC0] =	vst v4;
	v2 =	vmin.f32 v2, $1.000000000e+00;
	v1 =	vmax.f32 v1, $-1.000000000e+00  }
0x7f7: {  	[tilespmem:s0+$0xFFFFFFD0] =	vst v2;
	v1 =	vmin.f32 v1, $1.000000000e+00;
	v0 =	vmax.f32 v0, $-1.000000000e+00  }
0x7f8: {  	[tilespmem:s0+$0xFFFFFFE0] =	vst v1;
	v0 =	vmin.f32 v0, $1.000000000e+00  }
0x7f9: {  	[tilespmem:s0+$0xFFFFFFF0] =	vst v0  }
0x7fa: {  	_ =	swait.ge [sflag:s5], $0x800  }
0x7fb: {  	[sflag:s5] =	ssyncset.done $0x0  }
0x7fc: {  	s31 =	simm.s32 $0x1DF70;
	[sflag:s5] =	ssyncadd.s32 $0xFFFFF800  }
0x7fd: {  	v0 =	vld [tilespmem:s31+$0x0]  }
0x7fe: {  	v1 =	vld [tilespmem:s31+$0xFFFFFFA0]  }
0x7ff: {  	v2 =	vld [tilespmem:s31+$0xFFFFFFB0]  }
0x800: {  	v3 =	vld [tilespmem:s31+$0xFFFFFFC0]  }
0x801: {  	v4 =	vld [tilespmem:s31+$0xFFFFFFD0]  }
0x802: {  	v5 =	vld [tilespmem:s31+$0xFFFFFFE0]  }
0x803: {  	v6 =	vld [tilespmem:s31+$0xFFFFFFF0]  }
0x804: {  	s1 =	simm.s32 $0x1E7F0;
	v7 =	vld [tilespmem:s31+$0xFFFFFF90]  }
0x805: {  	s0 =	simm.s32 $0x1BF70;
	v8 =	vld [tilespmem:s1+$0x0]  }
0x806: {  	v9 =	vld [tilespmem:s0+$0x0]  }
0x807: {  	v12 =	vld [tilespmem:s1+$0xFFFFFFB0]  }
0x808: {  	v13 =	vld [tilespmem:s1+$0xFFFFFFC0]  }
0x809: {  	v14 =	vld [tilespmem:s1+$0xFFFFFFD0]  }
0x80a: {  	v15 =	vld [tilespmem:s1+$0xFFFFFFE0]  }
0x80b: {  	v16 =	vld [tilespmem:s1+$0xFFFFFFF0]  }
0x80c: {  	v17 =	vld [tilespmem:s0+$0xFFFFFF90]  }
0x80d: {  	v18 =	vld [tilespmem:s0+$0xFFFFFFA0]  }
0x80e: {  	v0 =	vld.idx.msk [tilespmem:v0+s4+$0x0], $0xffff  }
0x80f: {  	v1 =	vld.idx.msk [tilespmem:v1+s4+$0x0], $0xffff  }
0x810: {  	v2 =	vld.idx.msk [tilespmem:v2+s4+$0x0], $0xffff  }
0x811: {  	v7 =	vld.idx.msk [tilespmem:v7+s4+$0x0], $0xffff  }
0x812: {  	v10 =	vld.idx.msk [tilespmem:v5+s4+$0x0], $0xffff  }
0x813: {  	v11 =	vld.idx.msk [tilespmem:v6+s4+$0x0], $0xffff  }
0x814: {  	v5 =	vld [tilespmem:s1+$0xFFFFFF90]  }
0x815: {  	v6 =	vld [tilespmem:s1+$0xFFFFFFA0];
	v0 =	vmul.f32 v8, v0  }
0x816: {  	v4 =	vld.idx.msk [tilespmem:v4+s4+$0x0], $0xffff  }
0x817: {  	v3 =	vld.idx.msk [tilespmem:v3+s4+$0x0], $0xffff;
	v0 =	vadd.f32 v0, v9  }
0x818: {  	v9 =	vld [tilespmem:s0+$0xFFFFFFB0]  }
0x819: {  	v19 =	vmul.f32 v5, v7;
	v7 =	vld [tilespmem:s0+$0xFFFFFFC0];
	v0 =	vmax.f32 v0, $-1.000000000e+00  }
0x81a: {  	v20 =	vmul.f32 v6, v1;
	v8 =	vmul.f32 v12, v2;
	v5 =	vld [tilespmem:s0+$0xFFFFFFD0];
	v0 =	vmin.f32 v0, $1.000000000e+00  }
0x81b: {  	s2 =	simm.s32 $0x0;
	v2 =	vmul.f32 v14, v4;
	v4 =	vld [tilespmem:s0+$0xFFFFFFE0];
	[tilespmem:s0+$0x0] =	vst v0;
	v0 =	vmul.f32 v16, v11;
	v11 =	vadd.f32 v19, v17  }
0x81c: {  	s3 =	simm.s32 $0x1DFF0;
	s7 =	simm.s32 $0x80;
	s15 =	simm.s32 $0x400;
	v6 =	vmul.f32 v13, v3;
	v1 =	vmul.f32 v15, v10;
	v3 =	vld [tilespmem:s0+$0xFFFFFFF0];
	v10 =	vadd.f32 v20, v18  }
.LBB2_48:
0x81d: {  	v12 =	vld [tilespmem:s3+$0x0];
	s2 =	sadd.s32 $0x8, s2;
	v11 =	vmax.f32 v11, $-1.000000000e+00;
	v8 =	vadd.f32 v8, v9  }
0x81e: {  	v9 =	vld [tilespmem:s3+$0xFFFFFFA0];
	p0 =	slt.u32 s2, $0x78;
	v11 =	vmin.f32 v11, $1.000000000e+00;
	v10 =	vmax.f32 v10, $-1.000000000e+00;
	v6 =	vadd.f32 v6, v7  }
0x81f: {  	v7 =	vld [tilespmem:s3+$0xFFFFFFB0];
	[tilespmem:s0+$0xFFFFFF90] =	vst v11;
	v10 =	vmin.f32 v10, $1.000000000e+00;
	v8 =	vmax.f32 v8, $-1.000000000e+00;
	v2 =	vadd.f32 v2, v5  }
0x820: {  	v5 =	vld [tilespmem:s3+$0xFFFFFFC0];
	[tilespmem:s0+$0xFFFFFFA0] =	vst v10;
	v8 =	vmin.f32 v8, $1.000000000e+00;
	v6 =	vmax.f32 v6, $-1.000000000e+00;
	v1 =	vadd.f32 v1, v4  }
0x821: {  	v4 =	vld [tilespmem:s3+$0xFFFFFFD0];
	[tilespmem:s0+$0xFFFFFFB0] =	vst v8;
	v6 =	vmin.f32 v6, $1.000000000e+00;
	v2 =	vmax.f32 v2, $-1.000000000e+00;
	v0 =	vadd.f32 v0, v3  }
0x822: {  	v3 =	vld [tilespmem:s3+$0xFFFFFFE0];
	[tilespmem:s0+$0xFFFFFFC0] =	vst v6;
	v2 =	vmin.f32 v2, $1.000000000e+00;
	v1 =	vmax.f32 v1, $-1.000000000e+00  }
0x823: {  	v6 =	vld [tilespmem:s3+$0xFFFFFFF0];
	[tilespmem:s0+$0xFFFFFFD0] =	vst v2;
	v1 =	vmin.f32 v1, $1.000000000e+00;
	v0 =	vmax.f32 v0, $-1.000000000e+00  }
0x824: {  	v2 =	vld [tilespmem:s3+$0xFFFFFF90];
	[tilespmem:s0+$0xFFFFFFE0] =	vst v1;
	v0 =	vmin.f32 v0, $1.000000000e+00  }
0x825: {  	s1 =	sadd.s32 $0x100, s1;
	v1 =	vld.idx.msk [tilespmem:v12+s4+$0x0], $0xffff;
	[tilespmem:s0+$0xFFFFFFF0] =	vst v0  }
0x826: {  	v0 =	vld [tilespmem:s1+$0x0]  }
0x827: {  	s0 =	sadd.s32 $0x80, s0;
	v8 =	vld.idx.msk [tilespmem:v9+s4+$0x0], $0xffff  }
0x828: {  	v9 =	vld [tilespmem:s0+$0x0]  }
0x829: {  	v7 =	vld.idx.msk [tilespmem:v7+s4+$0x0], $0xffff  }
0x82a: {  	v5 =	vld.idx.msk [tilespmem:v5+s4+$0x0], $0xffff  }
0x82b: {  	v4 =	vld.idx.msk [tilespmem:v4+s4+$0x0], $0xffff;
	v0 =	vmul.f32 v0, v1  }
0x82c: {  	v1 =	vld.idx.msk [tilespmem:v2+s4+$0x0], $0xffff  }
0x82d: {  	v3 =	vld.idx.msk [tilespmem:v3+s4+$0x0], $0xffff;
	v0 =	vadd.f32 v0, v9  }
0x82e: {  	v10 =	vld.idx.msk [tilespmem:v6+s4+$0x0], $0xffff  }
0x82f: {  	v2 =	vld [tilespmem:s1+$0xFFFFFF90];
	v0 =	vmax.f32 v0, $-1.000000000e+00  }
0x830: {  	v6 =	vld [tilespmem:s1+$0xFFFFFFA0];
	v0 =	vmin.f32 v0, $1.000000000e+00  }
0x831: {  	v9 =	vld [tilespmem:s1+$0xFFFFFFB0];
	[tilespmem:s0+$0x0] =	vst v0  }
0x832: {  	v0 =	vld [tilespmem:s1+$0xFFFFFFC0]  }
0x833: {  	v11 =	vld [tilespmem:s1+$0xFFFFFFD0]  }
0x834: {  	v12 =	vmul.f32 v2, v1;
	v1 =	vld [tilespmem:s1+$0xFFFFFFE0]  }
0x835: {  	v13 =	vmul.f32 v6, v8;
	v14 =	vld [tilespmem:s1+$0xFFFFFFF0]  }
0x836: {  	v15 =	vld [tilespmem:s0+$0xFFFFFF90];
	v8 =	vmul.f32 v9, v7  }
0x837: {  	v16 =	vld [tilespmem:s0+$0xFFFFFFA0];
	v6 =	vmul.f32 v0, v5  }
.Ltmp23:
0x838: {  	v9 =	vld [tilespmem:s0+$0xFFFFFFB0];
	v2 =	vmul.f32 v11, v4;
	(pc) =	sbr.rel @p0 .LBB2_48-.Ltmp23, $4  }
0x839: {  	v7 =	vld [tilespmem:s0+$0xFFFFFFC0];
	v1 =	vmul.f32 v1, v3  }
0x83a: {  	v5 =	vld [tilespmem:s0+$0xFFFFFFD0];
	v0 =	vmul.f32 v14, v10  }
0x83b: {  	v11 =	vadd.f32 v12, v15;
	v4 =	vld [tilespmem:s0+$0xFFFFFFE0]  }
0x83c: {  	s3 =	sadd.s32 $0x80, s3;
	v10 =	vadd.f32 v13, v16;
	v3 =	vld [tilespmem:s0+$0xFFFFFFF0]  }
0x83d: {  	v11 =	vmax.f32 v11, $-1.000000000e+00;
	v8 =	vadd.f32 v8, v9  }
0x83e: {  	v60 =	vmin.f32 v11, $1.000000000e+00;
	v10 =	vmax.f32 v10, $-1.000000000e+00;
	v6 =	vadd.f32 v6, v7  }
0x83f: {  	[tilespmem:s0+$0xFFFFFF90] =	vst v60;
	v61 =	vmin.f32 v10, $1.000000000e+00;
	v8 =	vmax.f32 v8, $-1.000000000e+00;
	v2 =	vadd.f32 v2, v5  }
0x840: {  	[tilespmem:s0+$0xFFFFFFA0] =	vst v61;
	v62 =	vmin.f32 v8, $1.000000000e+00;
	v6 =	vmax.f32 v6, $-1.000000000e+00;
	v1 =	vadd.f32 v1, v4  }
0x841: {  	[tilespmem:s0+$0xFFFFFFB0] =	vst v62;
	v63 =	vmin.f32 v6, $1.000000000e+00;
	v2 =	vmax.f32 v2, $-1.000000000e+00;
	v0 =	vadd.f32 v0, v3  }
0x842: {  	[tilespmem:s0+$0xFFFFFFC0] =	vst v63;
	v2 =	vmin.f32 v2, $1.000000000e+00;
	v1 =	vmax.f32 v1, $-1.000000000e+00  }
0x843: {  	[tilespmem:s0+$0xFFFFFFD0] =	vst v2;
	v1 =	vmin.f32 v1, $1.000000000e+00;
	v0 =	vmax.f32 v0, $-1.000000000e+00  }
0x844: {  	[tilespmem:s0+$0xFFFFFFE0] =	vst v1;
	v0 =	vmin.f32 v0, $1.000000000e+00  }
0x845: {  	[tilespmem:s0+$0xFFFFFFF0] =	vst v0  }
0x846: {  	s1 =	simm.s32 $0x18700;
	s30 =	simm.s32 $0x1;
	s0 =	rddreg [dreg:$0xc]  }
0x847: {  	[hbm4b:s0+s7] =	stream.strided.scatter [tilespmem:s1], [sflag:$0x1], $0x4000, s15, s7, $0x38;
	[tilespmem:$0x1F700] =	vst v63  }
0x848: {  	_ =	swait.ge [sflag:s30], $0x4000  }
0x849: {  	s29 =	sadd.s32 $0x1, s29;
	s31 =	rddreg [dreg:$0xd]  }
0x84a: {  	p0 =	sne.s32 s29, s31  }
.Ltmp24:
0x84b: {  	_ = 	snop;
	(pc) =	sbr.rel @p0 .LBB2_1-.Ltmp24, $3  }
0x84c: {  	_ =	sdelay $0x1  }
0x84d: {  	[sflag:s30] =	ssyncset.done $0x0  }
0x84e: {  	[sflag:s30] =	ssyncadd.s32 $0xFFFFC000  }
0x84f: {  	_ =	sfence.sel $0x180000  }
0x850: {  	[bflag:$0x0] =	sbarrier.arrive $0xFFFF  }
0x851: {  	_ =	strace $0x90000047  }
0x852: {  	s0 =	stileid.u32;
	[bflag:$0x2] =	sbarrier.arrive $0xFFFF  }
0x853: {  	p0 =	sne.s32 s0, $0x0;
	s0 =	rddreg [dreg:$0x5]  }
0x854: {  	s0 =	sadd.s32 @!p0 $0x100000, s0  }
0x855: {  	[sflag:s0] =	ssyncadd.tile.s32 @!p0 $0x1;
	_ =	shalt  }
.Lfunc_end2:
_tile_overlayer_lowered:
.L_overlay_start_2:
0x856: {  	(tag) =	ssettag $0x2  }
0x857: {  	s0 =	rddreg [dreg:$0x0];
	s2 =	stileid.u32  }
0x858: {  	s1 =	rddreg [dreg:$0x1];
	p0 =	sne.s32 s2, $0x0  }
0x859: {  	s3 =	rddreg [dreg:$0x2];
	[bflag:$0x3] =	sbarrier.arrive $0xFFFF;
	s2 =	simm.s32 @!p0 $0x1C03  }
0x85a: {  	[timem:s3], [sflag:s2] =	dma.local @!p0 [hbm:s0], s1  }
0x85b: {  	s0 =	simm.s32 @!p0 $0x3  }
0x85c: {  	_ =	swait.ge @!p0 [sflag:s0], s1  }
0x85d: {  	s1 =	ssub.s32 @!p0 $0x0, s1;
	[sflag:s0] =	ssyncset.done @!p0 $0x0  }
0x85e: {  	[sflag:s0] =	ssyncadd.s32 @!p0 s1  }
0x85f: {  	[bflag:$0x3] =	sbarrier.arrive $0xFFFF  }
0x860: {  	_ =	shalt  }

</sc_bundles>
